<compile_context>
chip_gen: v7x
topology: tpu7x:2x2x1
jax: 0.10.2.dev20260603
libtpu: 0.0.44.dev20260713+nightly
codegen_flags: <defaults>
</compile_context>

<pallas_src>
import functools

import jax
import jax.numpy as jnp
from jax import lax
from jax.experimental import pallas as pl
from jax.experimental.pallas import tpu as pltpu
from jax.experimental.pallas import tpu_sc as plsc

N = 8192
D = 128
E = 131072
G = 16
NPG = 512
K = 8192

ER = E // 128
ADJ = G * NPG * NPG
NSC = 2
NTILE = 16
EPT_ADJ = E // NTILE
EPT_DEG = E // (NSC * NTILE)
HALF_ADJ = ADJ // NSC


def _zero_fill(ref, rows, cols16):
    zero = jnp.zeros((16,), ref.dtype)

    @pl.loop(0, rows)
    def _(r):
        for k in range(cols16):
            ref[r, pl.ds(k * 16, 16)] = zero


def _fill_col(ref, n, value):
    vec = jnp.full((16,), value, jnp.float32)

    @pl.loop(0, n // 16)
    def _(r):
        ref[pl.ds(r * 16, 16)] = vec



def _sc_edges(edge_r):
    mesh = plsc.VectorSubcoreMesh(core_axis_name="c", subcore_axis_name="s")

    @functools.partial(
        pl.kernel,
        mesh=mesh,
        out_type=(
            jax.ShapeDtypeStruct((NSC, N), jnp.float32),
            jax.ShapeDtypeStruct((NSC, N), jnp.float32),
            jax.ShapeDtypeStruct((ADJ,), jnp.float32),
        ),
        scratch_types=[
            pltpu.VMEM((EPT_ADJ // 128, 128), jnp.int32),
            pltpu.VMEM((EPT_ADJ // 128, 128), jnp.int32),
            pltpu.VMEM((EPT_ADJ // 128, 128), jnp.int32),
            pltpu.VMEM((EPT_DEG // 128, 128), jnp.int32),
            pltpu.VMEM((EPT_DEG // 128, 128), jnp.int32),
            pltpu.VMEM((128,), jnp.float32),
            pltpu.VMEM((16384,), jnp.float32),
            pltpu.VMEM_SHARED((N,), jnp.float32),
            pltpu.VMEM_SHARED((N,), jnp.float32),
        ],
    )
    def k(edge_hbm, dego_hbm, degi_hbm, adj_hbm,
          src_v, dst_v, idx_v, dsrc_v, ddst_v, ones_v, zcol_v, ho_sh, hi_sh):
        c = lax.axis_index("c")
        s = lax.axis_index("s")

        _fill_col(ones_v, 128, 1.0)
        _fill_col(zcol_v, 16384, 0.0)

        pltpu.sync_copy(edge_hbm.at[0, pl.ds(s * (EPT_ADJ // 128), EPT_ADJ // 128), :], src_v)
        pltpu.sync_copy(edge_hbm.at[1, pl.ds(s * (EPT_ADJ // 128), EPT_ADJ // 128), :], dst_v)
        dbase = s * (EPT_ADJ // 128) + c * (EPT_DEG // 128)
        pltpu.sync_copy(edge_hbm.at[0, pl.ds(dbase, EPT_DEG // 128), :], dsrc_v)
        pltpu.sync_copy(edge_hbm.at[1, pl.ds(dbase, EPT_DEG // 128), :], ddst_v)

        @pl.when(s == 0)
        def _():
            pltpu.sync_copy(zcol_v.at[pl.ds(0, N)], ho_sh)

        @pl.when(s == 1)
        def _():
            pltpu.sync_copy(zcol_v.at[pl.ds(0, N)], hi_sh)

        zbase = c * HALF_ADJ + s * (HALF_ADJ // NTILE)
        for q in range(HALF_ADJ // NTILE // 16384):
            pltpu.sync_copy(zcol_v, adj_hbm.at[pl.ds(zbase + q * 16384, 16384)])

        lane = lax.iota(jnp.int32, 16)
        dummy0 = c * HALF_ADJ + (s & 7) * (NPG * NPG)

        @pl.loop(0, EPT_ADJ // 128)
        def _(r):
            for kk in range(8):
                sl = pl.ds(kk * 16, 16)
                sv = src_v[r, sl]
                dv = dst_v[r, sl]
                gs = lax.shift_right_logical(sv, 9)
                gd = lax.shift_right_logical(dv, 9)
                valid = (gs == gd) & (lax.shift_right_logical(gs, 3) == c)
                flat = (lax.shift_left(gs, 18)
                        | lax.shift_left(sv & 511, 9)
                        | (dv & 511))
                u = (lax.shift_left(r * 8 + kk, 4) + lane) & 511
                dummy = dummy0 + u * (NPG + 1)
                idx_v[r, sl] = jnp.where(valid, flat, dummy)

        plsc.subcore_barrier()

        @pl.loop(0, EPT_ADJ // 128)
        def _(r):
            pltpu.sync_copy(ones_v, adj_hbm.at[idx_v.at[r]])

        @pl.loop(0, EPT_DEG // 128)
        def _(r):
            pltpu.sync_copy(ones_v, ho_sh.at[dsrc_v.at[r]], add=True)
            pltpu.sync_copy(ones_v, hi_sh.at[ddst_v.at[r]], add=True)

        plsc.subcore_barrier()

        @pl.when(s == 0)
        def _():
            pltpu.sync_copy(ho_sh, zcol_v.at[pl.ds(0, N)])
            pltpu.sync_copy(zcol_v.at[pl.ds(0, N)], dego_hbm.at[c])

        @pl.when(s == 1)
        def _():
            pltpu.sync_copy(hi_sh, zcol_v.at[pl.ds(0, N)])
            pltpu.sync_copy(zcol_v.at[pl.ds(0, N)], degi_hbm.at[c])

    return k(edge_r)



EPT_AGG = E // (NSC * NTILE)
AGG_CH = 128
AGG_NCH = EPT_AGG // AGG_CH


def _sc_agg(xw, edge_r):
    mesh = plsc.VectorSubcoreMesh(core_axis_name="c", subcore_axis_name="s")

    @functools.partial(
        pl.kernel,
        mesh=mesh,
        out_type=jax.ShapeDtypeStruct((NSC, N, D), jnp.float32),
        scratch_types=[
            pltpu.VMEM((EPT_AGG // 128, 128), jnp.int32),
            pltpu.VMEM((EPT_AGG // 128, 128), jnp.int32),
            pltpu.VMEM((AGG_CH, D), jnp.float32),
            pltpu.VMEM_SHARED((N, D), jnp.float32),
            pltpu.SemaphoreType.DMA,
        ],
    )
    def k(xw_hbm, edge_hbm, out_hbm, src_v, dst_v, rows_v, acc_sh, sem):
        c = lax.axis_index("c")
        s = lax.axis_index("s")
        t = c * NTILE + s

        _zero_fill(rows_v, AGG_CH, D // 16)
        for q in range(N // NTILE // AGG_CH):
            pltpu.sync_copy(
                rows_v,
                acc_sh.at[pl.ds(s * (N // NTILE) + q * AGG_CH, AGG_CH), :])

        ebase = t * (EPT_AGG // 128)
        pltpu.sync_copy(edge_hbm.at[0, pl.ds(ebase, EPT_AGG // 128), :], src_v)
        pltpu.sync_copy(edge_hbm.at[1, pl.ds(ebase, EPT_AGG // 128), :], dst_v)

        plsc.subcore_barrier()

        @pl.loop(0, AGG_NCH)
        def _(j):
            pltpu.async_copy(xw_hbm.at[src_v.at[j]], rows_v, sem).wait()
            pltpu.sync_copy(rows_v, acc_sh.at[dst_v.at[j]], add=True)

        plsc.subcore_barrier()

        rsl = pl.ds(s * (N // NTILE), N // NTILE)
        pltpu.sync_copy(acc_sh.at[rsl, :], out_hbm.at[c, rsl, :])

    return k(xw, edge_r)



def _sc_qgather(cb_n, ind_r):
    mesh = plsc.VectorSubcoreMesh(core_axis_name="c", subcore_axis_name="s")
    rpw = N // (NSC * NTILE)

    @functools.partial(
        pl.kernel,
        mesh=mesh,
        out_type=jax.ShapeDtypeStruct((N, D), jnp.float32),
        scratch_types=[
            pltpu.VMEM((rpw // 128, 128), jnp.int32),
            pltpu.VMEM((rpw, D), jnp.float32),
            pltpu.SemaphoreType.DMA,
        ],
    )
    def k(cb_hbm, ind_hbm, out_hbm, idx_v, rows_v, sem):
        c = lax.axis_index("c")
        s = lax.axis_index("s")
        w = c * NTILE + s
        pltpu.sync_copy(ind_hbm.at[pl.ds(w * (rpw // 128), rpw // 128), :], idx_v)
        cps = [pltpu.async_copy(cb_hbm.at[idx_v.at[q]],
                                rows_v.at[pl.ds(q * 128, 128), :], sem)
               for q in range(rpw // 128)]
        for cp in cps:
            cp.wait()
        pltpu.sync_copy(rows_v, out_hbm.at[pl.ds(w * rpw, rpw), :])

    return k(cb_n, ind_r)



RB = 1024


def _prep1_body(x_ref, w_ref, ns_ref, xw_ref):
    xw_ref[...] = jnp.dot(x_ref[...], w_ref[...],
                          preferred_element_type=jnp.float32) * ns_ref[...]


def _tc_prep1(feats, W1, ns):
    return pl.pallas_call(
        _prep1_body,
        grid=(N // RB,),
        in_specs=[
            pl.BlockSpec((RB, D), lambda i: (i, 0)),
            pl.BlockSpec((D, D), lambda i: (0, 0)),
            pl.BlockSpec((RB, 1), lambda i: (i, 0)),
        ],
        out_specs=pl.BlockSpec((RB, D), lambda i: (i, 0)),
        out_shape=jax.ShapeDtypeStruct((N, D), jnp.float32),
    )(feats, W1, ns)


def _mid_body(agg_ref, ni_ref, b1_ref, g_ref, be_ref, w2_ref, ns_ref,
              h1_ref, xw2_ref):
    h = jnp.maximum(agg_ref[...] * ni_ref[...] + b1_ref[...], 0.0)
    mu = jnp.mean(h, axis=-1, keepdims=True)
    xc = h - mu
    var = jnp.mean(xc * xc, axis=-1, keepdims=True)
    h1 = xc / jnp.sqrt(var + 1e-5) * g_ref[...] + be_ref[...]
    h1_ref[...] = h1
    xw2_ref[...] = jnp.dot(h1, w2_ref[...],
                           preferred_element_type=jnp.float32) * ns_ref[...]


def _tc_mid(agg1, ni, b1, ln_g, ln_b, W2, ns):
    return pl.pallas_call(
        _mid_body,
        grid=(N // RB,),
        in_specs=[
            pl.BlockSpec((RB, D), lambda i: (i, 0)),
            pl.BlockSpec((RB, 1), lambda i: (i, 0)),
            pl.BlockSpec((1, D), lambda i: (0, 0)),
            pl.BlockSpec((1, D), lambda i: (0, 0)),
            pl.BlockSpec((1, D), lambda i: (0, 0)),
            pl.BlockSpec((D, D), lambda i: (0, 0)),
            pl.BlockSpec((RB, 1), lambda i: (i, 0)),
        ],
        out_specs=[
            pl.BlockSpec((RB, D), lambda i: (i, 0)),
            pl.BlockSpec((RB, D), lambda i: (i, 0)),
        ],
        out_shape=[
            jax.ShapeDtypeStruct((N, D), jnp.float32),
            jax.ShapeDtypeStruct((N, D), jnp.float32),
        ],
    )(agg1, ni, b1, ln_g, ln_b, W2, ns)


def _norm_body(agg_ref, ni_ref, b2_ref, cb_ref, h2_ref, xn_ref, cbn_ref):
    h2 = jnp.maximum(agg_ref[...] * ni_ref[...] + b2_ref[...], 0.0)
    h2_ref[...] = h2
    nrm = jnp.sqrt(jnp.sum(h2 * h2, axis=-1, keepdims=True))
    xn_ref[...] = h2 / (nrm + 1e-12)
    cb = cb_ref[...]
    cnrm = jnp.sqrt(jnp.sum(cb * cb, axis=-1, keepdims=True))
    cbn_ref[...] = cb / (cnrm + 1e-12)


def _tc_norm(agg2, ni, b2, codebook):
    return pl.pallas_call(
        _norm_body,
        grid=(N // RB,),
        in_specs=[
            pl.BlockSpec((RB, D), lambda i: (i, 0)),
            pl.BlockSpec((RB, 1), lambda i: (i, 0)),
            pl.BlockSpec((1, D), lambda i: (0, 0)),
            pl.BlockSpec((RB, D), lambda i: (i, 0)),
        ],
        out_specs=[
            pl.BlockSpec((RB, D), lambda i: (i, 0)),
            pl.BlockSpec((RB, D), lambda i: (i, 0)),
            pl.BlockSpec((RB, D), lambda i: (i, 0)),
        ],
        out_shape=[
            jax.ShapeDtypeStruct((N, D), jnp.float32),
            jax.ShapeDtypeStruct((N, D), jnp.float32),
            jax.ShapeDtypeStruct((K, D), jnp.float32),
        ],
    )(agg2, ni, b2, codebook)


NB = 1024
KB = 1024


def _dist_body(xn_ref, cbn_ref, dist_ref, ind_ref, rmax_scr, rarg_scr):
    j = pl.program_id(1)
    d = lax.dot_general(xn_ref[...], cbn_ref[...],
                        (((1,), (1,)), ((), ())),
                        preferred_element_type=jnp.float32)
    dist_ref[...] = d
    bmax = jnp.max(d, axis=1, keepdims=True)
    cols = lax.broadcasted_iota(jnp.int32, (NB, KB), 1)
    cand = jnp.where(d >= bmax, cols, jnp.int32(2**30))
    barg = jnp.min(cand, axis=1, keepdims=True) + j * KB
    pm = jnp.where(j == 0, jnp.full((NB, 1), -jnp.inf, jnp.float32),
                   rmax_scr[...])
    pa = jnp.where(j == 0, jnp.zeros((NB, 1), jnp.int32), rarg_scr[...])
    upd = bmax > pm
    nm = jnp.where(upd, bmax, pm)
    na = jnp.where(upd, barg, pa)
    rmax_scr[...] = nm
    rarg_scr[...] = na
    ind_ref[...] = na


def _tc_dist(x_n, cb_n):
    return pl.pallas_call(
        _dist_body,
        grid=(N // NB, K // KB),
        in_specs=[
            pl.BlockSpec((NB, D), lambda i, j: (i, 0)),
            pl.BlockSpec((KB, D), lambda i, j: (j, 0)),
        ],
        out_specs=[
            pl.BlockSpec((NB, KB), lambda i, j: (i, j)),
            pl.BlockSpec((NB, 1), lambda i, j: (i, 0)),
        ],
        out_shape=[
            jax.ShapeDtypeStruct((N, K), jnp.float32),
            jax.ShapeDtypeStruct((N, 1), jnp.int32),
        ],
        scratch_shapes=[
            pltpu.VMEM((NB, 1), jnp.float32),
            pltpu.VMEM((NB, 1), jnp.int32),
        ],
    )(x_n, cb_n)


def _loss_body(xn_ref, q_ref, wt_ref, b_ref, adj_ref,
               quant_ref, qe_ref, loss_ref, acc_scr):
    g = pl.program_id(0)
    x = xn_ref[...]
    q = q_ref[...]
    quant = x + (q - x)
    quant_ref[...] = quant
    vq_part = jnp.sum((q - x) * (q - x))
    qe = jnp.dot(quant, wt_ref[...], preferred_element_type=jnp.float32) \
        + b_ref[...]
    qe_ref[...] = qe
    logits = lax.dot_general(qe, qe, (((1,), (1,)), ((), ())),
                             preferred_element_type=jnp.float32)
    y = jnp.minimum(adj_ref[0], 1.0)
    ri = lax.broadcasted_iota(jnp.int32, (NPG, NPG), 0)
    ci = lax.broadcasted_iota(jnp.int32, (NPG, NPG), 1)
    um = (ri < ci).astype(jnp.float32)
    spl = jnp.maximum(logits, 0.0) + jnp.log1p(jnp.exp(-jnp.abs(logits)))
    spn = spl - logits
    a_sum = jnp.sum(um * y * spn)
    b_sum = jnp.sum(um * (1.0 - y) * spl)
    ne = jnp.sum(um * y)
    pw = (NPG * NPG / 2.0 - ne) / (ne + 1e-6)
    perg = (pw * a_sum + b_sum) / (NPG * (NPG - 1) / 2.0)

    @pl.when(g == 0)
    def _():
        acc_scr[0] = vq_part
        acc_scr[1] = perg

    @pl.when(g > 0)
    def _():
        acc_scr[0] += vq_part
        acc_scr[1] += perg

    @pl.when(g == G - 1)
    def _():
        val = acc_scr[1] / G * 100.0 + 1000.0 * acc_scr[0] / (N * D)
        loss_ref[...] = jnp.full((1, 1), 0.0, jnp.float32) + val


def _tc_loss(x_n, q_raw, dec1_Wt, dec1_b, adj):
    return pl.pallas_call(
        _loss_body,
        grid=(G,),
        in_specs=[
            pl.BlockSpec((NPG, D), lambda g: (g, 0)),
            pl.BlockSpec((NPG, D), lambda g: (g, 0)),
            pl.BlockSpec((D, D), lambda g: (0, 0)),
            pl.BlockSpec((1, D), lambda g: (0, 0)),
            pl.BlockSpec((1, NPG, NPG), lambda g: (g, 0, 0)),
        ],
        out_specs=[
            pl.BlockSpec((NPG, D), lambda g: (g, 0)),
            pl.BlockSpec((NPG, D), lambda g: (g, 0)),
            pl.BlockSpec((1, 1), lambda g: (0, 0)),
        ],
        out_shape=[
            jax.ShapeDtypeStruct((N, D), jnp.float32),
            jax.ShapeDtypeStruct((N, D), jnp.float32),
            jax.ShapeDtypeStruct((1, 1), jnp.float32),
        ],
        scratch_shapes=[
            pltpu.SMEM((2,), jnp.float32),
        ],
    )(x_n, q_raw, dec1_Wt, dec1_b, adj)



def kernel(feats, edge_index, W1, b1, W2, b2, ln_g, ln_b,
           dec1_W, dec1_b, dec2_W, dec2_b, codebook):
    edge_r = edge_index.astype(jnp.int32).reshape(2, ER, 128)

    _, _, adj = _sc_edges(edge_r)

    src = edge_r[0].reshape(E)
    dst = edge_r[1].reshape(E)

    ones = jnp.ones((E,), jnp.float32)
    deg_out = jnp.zeros((N,), jnp.float32).at[src].add(ones)
    deg_in = jnp.zeros((N,), jnp.float32).at[dst].add(ones)
    ns = jnp.where(deg_out > 0, deg_out ** -0.5, 0.0).reshape(N, 1)
    ni = jnp.where(deg_in > 0, deg_in ** -0.5, 0.0).reshape(N, 1)

    xw1s = _tc_prep1(feats, W1, ns)
    agg1 = jnp.zeros((N, D), jnp.float32).at[dst].add(xw1s[src])
    h = jax.nn.relu(agg1 * ni + b1)
    mu = h.mean(axis=-1, keepdims=True)
    var = h.var(axis=-1, keepdims=True)
    h1 = (h - mu) / jnp.sqrt(var + 1e-5) * ln_g + ln_b

    xw2s = _tc_prep1(h1, W2, ns)
    agg2 = jnp.zeros((N, D), jnp.float32).at[dst].add(xw2s[src])
    h2 = jax.nn.relu(agg2 * ni + b2)

    x_n = h2 / (jnp.linalg.norm(h2, axis=-1, keepdims=True) + 1e-12)
    cb_n = codebook / (jnp.linalg.norm(codebook, axis=-1, keepdims=True)
                       + 1e-12)

    dist, ind = _tc_dist(x_n, cb_n)

    q_raw = _sc_qgather(cb_n, ind.reshape(N // 128, 128))

    quantize, quantized_edge, loss = _tc_loss(
        x_n, q_raw, dec1_W.T, dec1_b.reshape(1, D),
        adj.reshape(G, NPG, NPG))

    return (h1, h2, quantized_edge, quantize, loss.reshape(()), cb_n, dist)

# --- scband reference (transcript-rebuilt; emitter-appended) ---
"""Pipeline reference for scband-gcn-31662498906818 (READ-ONLY COPY).

The authoritative reference and input builder live on the scoring server;
editing this copy changes nothing except your own understanding.
"""

import jax, jax.numpy as jnp
import numpy as np

N = 8192      # total nodes (16 graphs x 512 nodes)
D = 128       # feat_dim
E = 131072    # total edges
G = 16        # number of graphs in the batch
NPG = 512     # nodes per graph
K = 8192      # codebook size
LAMB_EDGE = 1.0
LAMB_NODE = 0.0
CODEBOOK_WEIGHT = 1000.0
COMMIT_WEIGHT = 0.0


def setup_inputs(seed: int = 0) -> dict:
    key = jax.random.key(seed)
    ks = [jax.random.fold_in(key, i) for i in range(16)]
    feats = jax.random.normal(ks[0], (N, D), dtype=jnp.float32)
    edge_index = jax.random.randint(ks[1], (2, E), 0, N, dtype=jnp.int64)
    xav = float(np.sqrt(6.0 / (D + D)))
    W1 = jax.random.uniform(ks[2], (D, D), jnp.float32, -xav, xav)
    b1 = jnp.zeros((D,), jnp.float32)
    W2 = jax.random.uniform(ks[3], (D, D), jnp.float32, -xav, xav)
    b2 = jnp.zeros((D,), jnp.float32)
    ln_g = jnp.ones((D,), jnp.float32)
    ln_b = jnp.zeros((D,), jnp.float32)
    dec1_W = jax.random.uniform(ks[4], (D, D), jnp.float32, -xav, xav)
    dec1_b = jnp.zeros((D,), jnp.float32)
    dec2_W = jax.random.uniform(ks[5], (D, D), jnp.float32, -xav, xav)
    dec2_b = jnp.zeros((D,), jnp.float32)
    codebook = jax.random.normal(ks[6], (K, D), dtype=jnp.float32)
    return {"feats": feats, "edge_index": edge_index, "W1": W1, "b1": b1,
            "W2": W2, "b2": b2, "ln_g": ln_g, "ln_b": ln_b,
            "dec1_W": dec1_W, "dec1_b": dec1_b, "dec2_W": dec2_W,
            "dec2_b": dec2_b, "codebook": codebook}


def _graph_conv(x, src, dst, W, b):
    # DGL GraphConv with norm='both': D_out^{-1/2} A D_in^{-1/2} X W + b
    ones = jnp.ones((src.shape[0],), jnp.float32)
    deg_out = jnp.zeros((N,), jnp.float32).at[src].add(ones)
    deg_in = jnp.zeros((N,), jnp.float32).at[dst].add(ones)
    ns = jnp.where(deg_out > 0, deg_out ** -0.5, 0.0)
    ni = jnp.where(deg_in > 0, deg_in ** -0.5, 0.0)
    xw = x @ W
    msg = (xw * ns[:, None])[src]
    agg = jnp.zeros((N, D), jnp.float32).at[dst].add(msg)
    h = agg * ni[:, None] + b
    return jax.nn.relu(h)


def _layernorm(x, g, b):
    mu = x.mean(axis=-1, keepdims=True)
    var = x.var(axis=-1, keepdims=True)
    return (x - mu) / jnp.sqrt(var + 1e-5) * g + b


def reference(feats, edge_index, W1, b1, W2, b2, ln_g, ln_b,
              dec1_W, dec1_b, dec2_W, dec2_b, codebook):
    src = edge_index[0]
    dst = edge_index[1]
    h = _graph_conv(feats, src, dst, W1, b1)
    h = _layernorm(h, ln_g, ln_b)          # norms[0]; dropout is identity (eval)
    h1 = h
    h2 = _graph_conv(h1, src, dst, W2, b2)
    # --- VectorQuantize (cosine sim) ---
    x_n = h2 / (jnp.linalg.norm(h2, axis=-1, keepdims=True) + 1e-12)
    cb_n = codebook / (jnp.linalg.norm(codebook, axis=-1, keepdims=True) + 1e-12)
    dist = x_n @ cb_n.T                    # cosine similarity [N, K]
    ind = jnp.argmax(dist, axis=-1)
    q_raw = jnp.take(cb_n, ind, axis=0)
    quantize = x_n + jax.lax.stop_gradient(q_raw - x_n)   # straight-through
    vq_loss = (CODEBOOK_WEIGHT * jnp.mean((q_raw - jax.lax.stop_gradient(x_n)) ** 2)
               + COMMIT_WEIGHT * jnp.mean((jax.lax.stop_gradient(q_raw) - x_n) ** 2))
    quantized_edge = quantize @ dec1_W.T + dec1_b
    quantized_node = quantize @ dec2_W.T + dec2_b
    # --- per-graph edge reconstruction loss (16 equal graphs of 512 nodes) ---
    qe = quantized_edge.reshape(G, NPG, D)
    adj_pred = jnp.einsum('gnd,gmd->gnm', qe, qe)
    gs = src // NPG
    gd = dst // NPG
    valid = (gs == gd).astype(jnp.float32)
    ls = src % NPG
    ld = dst % NPG
    adj = jnp.zeros((G, NPG, NPG), jnp.float32).at[gs, ls, ld].add(valid)
    adj = jnp.minimum(adj, 1.0)
    iu, ju = jnp.triu_indices(NPG, k=1)
    logits = adj_pred[:, iu, ju]           # [G, M]
    y = adj[:, iu, ju]                     # [G, M]
    num_possible = NPG * NPG / 2.0
    num_edges = y.sum(axis=1)
    pw = (num_possible - num_edges) / (num_edges + 1e-6)
    sp = jax.nn.softplus
    per_g = jnp.mean(pw[:, None] * y * sp(-logits) + (1.0 - y) * sp(logits), axis=1)
    edge_rec_loss = LAMB_EDGE * per_g.mean()
    feature_rec_loss = LAMB_NODE * jnp.mean((h2 - quantized_node) ** 2)
    loss = feature_rec_loss + edge_rec_loss * 100.0 + vq_loss
    return (h1, h2, quantized_edge, quantize, loss, cb_n, dist)

if __name__ == "__main__":
    import jax
    _d = setup_inputs()
    print(jax.jit(kernel)(*tuple(_d.values())))

</pallas_src>

<mosaic_0001>
#map = affine_map<(d0, d1) -> (0, 0, 0)>
#map1 = affine_map<(d0, d1) -> (0, 0)>
#map2 = affine_map<(d0, d1) -> (0)>
module attributes {stable_mosaic.version = 14 : i64} {
  func.func @k(%arg0: i32, %arg1: i32, %arg2: memref<2x1024x128xi32, #tpu.memory_space<hbm>>, %arg3: memref<2x8192xf32, #tpu.memory_space<hbm>>, %arg4: memref<2x8192xf32, #tpu.memory_space<hbm>>, %arg5: memref<4194304xf32, #tpu.memory_space<hbm>>, %arg6: memref<64x128xi32, #tpu.memory_space<vmem>>, %arg7: memref<64x128xi32, #tpu.memory_space<vmem>>, %arg8: memref<64x128xi32, #tpu.memory_space<vmem>>, %arg9: memref<32x128xi32, #tpu.memory_space<vmem>>, %arg10: memref<32x128xi32, #tpu.memory_space<vmem>>, %arg11: memref<128xf32, #tpu.memory_space<vmem>>, %arg12: memref<16384xf32, #tpu.memory_space<vmem>>, %arg13: memref<8192xf32, #tpu.memory_space<vmem_shared>>, %arg14: memref<8192xf32, #tpu.memory_space<vmem_shared>>) attributes {dimension_semantics = [#tpu.dimension_semantics<core_parallel>, #tpu.dimension_semantics<subcore_parallel>], iteration_bounds = array<i64: 2, 16>, scalar_prefetch = 0 : i64, scratch_operands = 9 : i64, tpu.core_type = #tpu.core_type<sc_vector_subcore>, window_params = [{transform_indices = #map}, {transform_indices = #map1}, {transform_indices = #map1}, {transform_indices = #map2}]} {
    %broadcast_in_dim3A = arith.constant 1.000000e+00 : f32
    %broadcast_in_dim3A_0 = vector.broadcast %broadcast_in_dim3A : f32 to vector<16xf32>
    %scan3A = arith.constant 0 : i32
    %scan3A_1 = arith.constant 8 : i32
    %scan3A_2 = arith.addi %scan3A, %scan3A_1 : i32
    %scan3A_3 = arith.constant 1 : i32
    scf.for %scan3A_82 = %scan3A to %scan3A_2 step %scan3A_3  : i32 {
      %mul3A_83 = arith.constant 1 : i32
      %mul3A_84 = arith.muli %scan3A_82, %mul3A_83 : i32
      %add3A_85 = arith.constant 0 : i32
      %add3A_86 = arith.addi %add3A_85, %mul3A_84 : i32
      %mul3A_87 = arith.constant 16 : i32
      %mul3A_88 = arith.muli %add3A_86, %mul3A_87 : i32
      %swap3A = arith.index_cast %mul3A_88 : i32 to index
      %swap3A_89 = tpu.vector_load %arg11[%swap3A] {strides = array<i32>} : memref<128xf32, #tpu.memory_space<vmem>>, vector<16xf32>,
      %swap3A_90 = vector.shape_cast %swap3A_89 : vector<16xf32> to vector<16xf32>
      %swap3A_91 = vector.shape_cast %broadcast_in_dim3A_0 : vector<16xf32> to vector<16xf32>
      tpu.vector_store %arg11[%swap3A], %swap3A_91 {strides = array<i32>} : memref<128xf32, #tpu.memory_space<vmem>>, vector<16xf32>,
    }
    %scan3A_4 = arith.constant 8 : i32
    %broadcast_in_dim3A_5 = arith.constant 0.000000e+00 : f32
    %broadcast_in_dim3A_6 = vector.broadcast %broadcast_in_dim3A_5 : f32 to vector<16xf32>
    %scan3A_7 = arith.constant 0 : i32
    %scan3A_8 = arith.constant 1024 : i32
    %scan3A_9 = arith.addi %scan3A_7, %scan3A_8 : i32
    %scan3A_10 = arith.constant 1 : i32
    scf.for %scan3A_82 = %scan3A_7 to %scan3A_9 step %scan3A_10  : i32 {
      %mul3A_83 = arith.constant 1 : i32
      %mul3A_84 = arith.muli %scan3A_82, %mul3A_83 : i32
      %add3A_85 = arith.constant 0 : i32
      %add3A_86 = arith.addi %add3A_85, %mul3A_84 : i32
      %mul3A_87 = arith.constant 16 : i32
      %mul3A_88 = arith.muli %add3A_86, %mul3A_87 : i32
      %swap3A = arith.index_cast %mul3A_88 : i32 to index
      %swap3A_89 = tpu.vector_load %arg12[%swap3A] {strides = array<i32>} : memref<16384xf32, #tpu.memory_space<vmem>>, vector<16xf32>,
      %swap3A_90 = vector.shape_cast %swap3A_89 : vector<16xf32> to vector<16xf32>
      %swap3A_91 = vector.shape_cast %broadcast_in_dim3A_6 : vector<16xf32> to vector<16xf32>
      tpu.vector_store %arg12[%swap3A], %swap3A_91 {strides = array<i32>} : memref<16384xf32, #tpu.memory_space<vmem>>, vector<16xf32>,
    }
    %scan3A_11 = arith.constant 1024 : i32
    %mul3A = arith.constant 64 : i32
    %mul3A_12 = arith.muli %arg1, %mul3A : i32
    %run_scoped3A = arith.constant 0 : i32
    "tpu.region"() ({
      %run_scoped3A_82 = tpu.sem_alloc : memref<!tpu.dma_semaphore, #tpu.memory_space<semaphore_mem>>
      %dma_start3A = arith.constant 0 : i32
      %dma_start3A_83 = tpu.memref_slice %arg2[%run_scoped3A, %mul3A_12, %dma_start3A] : memref<2x1024x128xi32, #tpu.memory_space<hbm>> -> memref<1x64x128xi32, #tpu.memory_space<hbm>>
      %dma_start3A_84 = tpu.memref_squeeze %dma_start3A_83 : memref<1x64x128xi32, #tpu.memory_space<hbm>> -> memref<64x128xi32, #tpu.memory_space<hbm>>
      %dma_start3A_85 = arith.constant 0 : i32
      %dma_start3A_86 = tpu.memref_slice %arg2[%run_scoped3A, %mul3A_12, %dma_start3A_85] : memref<2x1024x128xi32, #tpu.memory_space<hbm>> -> memref<1x64x128xi32, #tpu.memory_space<hbm>>
      %dma_start3A_87 = tpu.memref_squeeze %dma_start3A_86 : memref<1x64x128xi32, #tpu.memory_space<hbm>> -> memref<64x128xi32, #tpu.memory_space<hbm>>
      tpu.enqueue_dma source(%dma_start3A_87 : memref<64x128xi32, #tpu.memory_space<hbm>>) target(%arg6 : memref<64x128xi32, #tpu.memory_space<vmem>>) target_semaphore(%run_scoped3A_82 : memref<!tpu.dma_semaphore, #tpu.memory_space<semaphore_mem>>)
      %dma_wait3A = arith.constant 0 : i32
      %dma_wait3A_88 = tpu.memref_slice %arg2[%run_scoped3A, %mul3A_12, %dma_wait3A] : memref<2x1024x128xi32, #tpu.memory_space<hbm>> -> memref<1x64x128xi32, #tpu.memory_space<hbm>>
      %dma_wait3A_89 = tpu.memref_squeeze %dma_wait3A_88 : memref<1x64x128xi32, #tpu.memory_space<hbm>> -> memref<64x128xi32, #tpu.memory_space<hbm>>
      %dma_wait3A_90 = arith.constant 0 : i32
      %dma_wait3A_91 = tpu.memref_slice %arg2[%run_scoped3A, %mul3A_12, %dma_wait3A_90] : memref<2x1024x128xi32, #tpu.memory_space<hbm>> -> memref<1x64x128xi32, #tpu.memory_space<hbm>>
      %dma_wait3A_92 = tpu.memref_squeeze %dma_wait3A_91 : memref<1x64x128xi32, #tpu.memory_space<hbm>> -> memref<64x128xi32, #tpu.memory_space<hbm>>
      tpu.wait_dma2 semaphore(%run_scoped3A_82 : memref<!tpu.dma_semaphore, #tpu.memory_space<semaphore_mem>>) src(%dma_wait3A_92 : memref<64x128xi32, #tpu.memory_space<hbm>>) dst(%arg6 : memref<64x128xi32, #tpu.memory_space<vmem>>)
      tpu.yield
    }) : () -> ()
    %mul3A_13 = arith.constant 64 : i32
    %mul3A_14 = arith.muli %arg1, %mul3A_13 : i32
    %run_scoped3A_15 = arith.constant 1 : i32
    "tpu.region"() ({
      %run_scoped3A_82 = tpu.sem_alloc : memref<!tpu.dma_semaphore, #tpu.memory_space<semaphore_mem>>
      %dma_start3A = arith.constant 0 : i32
      %dma_start3A_83 = tpu.memref_slice %arg2[%run_scoped3A_15, %mul3A_14, %dma_start3A] : memref<2x1024x128xi32, #tpu.memory_space<hbm>> -> memref<1x64x128xi32, #tpu.memory_space<hbm>>
      %dma_start3A_84 = tpu.memref_squeeze %dma_start3A_83 : memref<1x64x128xi32, #tpu.memory_space<hbm>> -> memref<64x128xi32, #tpu.memory_space<hbm>>
      %dma_start3A_85 = arith.constant 0 : i32
      %dma_start3A_86 = tpu.memref_slice %arg2[%run_scoped3A_15, %mul3A_14, %dma_start3A_85] : memref<2x1024x128xi32, #tpu.memory_space<hbm>> -> memref<1x64x128xi32, #tpu.memory_space<hbm>>
      %dma_start3A_87 = tpu.memref_squeeze %dma_start3A_86 : memref<1x64x128xi32, #tpu.memory_space<hbm>> -> memref<64x128xi32, #tpu.memory_space<hbm>>
      tpu.enqueue_dma source(%dma_start3A_87 : memref<64x128xi32, #tpu.memory_space<hbm>>) target(%arg7 : memref<64x128xi32, #tpu.memory_space<vmem>>) target_semaphore(%run_scoped3A_82 : memref<!tpu.dma_semaphore, #tpu.memory_space<semaphore_mem>>)
      %dma_wait3A = arith.constant 0 : i32
      %dma_wait3A_88 = tpu.memref_slice %arg2[%run_scoped3A_15, %mul3A_14, %dma_wait3A] : memref<2x1024x128xi32, #tpu.memory_space<hbm>> -> memref<1x64x128xi32, #tpu.memory_space<hbm>>
      %dma_wait3A_89 = tpu.memref_squeeze %dma_wait3A_88 : memref<1x64x128xi32, #tpu.memory_space<hbm>> -> memref<64x128xi32, #tpu.memory_space<hbm>>
      %dma_wait3A_90 = arith.constant 0 : i32
      %dma_wait3A_91 = tpu.memref_slice %arg2[%run_scoped3A_15, %mul3A_14, %dma_wait3A_90] : memref<2x1024x128xi32, #tpu.memory_space<hbm>> -> memref<1x64x128xi32, #tpu.memory_space<hbm>>
      %dma_wait3A_92 = tpu.memref_squeeze %dma_wait3A_91 : memref<1x64x128xi32, #tpu.memory_space<hbm>> -> memref<64x128xi32, #tpu.memory_space<hbm>>
      tpu.wait_dma2 semaphore(%run_scoped3A_82 : memref<!tpu.dma_semaphore, #tpu.memory_space<semaphore_mem>>) src(%dma_wait3A_92 : memref<64x128xi32, #tpu.memory_space<hbm>>) dst(%arg7 : memref<64x128xi32, #tpu.memory_space<vmem>>)
      tpu.yield
    }) : () -> ()
    %mul3A_16 = arith.constant 64 : i32
    %mul3A_17 = arith.muli %arg1, %mul3A_16 : i32
    %mul3A_18 = arith.constant 32 : i32
    %mul3A_19 = arith.muli %arg0, %mul3A_18 : i32
    %add3A = arith.addi %mul3A_17, %mul3A_19 : i32
    %run_scoped3A_20 = arith.constant 0 : i32
    "tpu.region"() ({
      %run_scoped3A_82 = tpu.sem_alloc : memref<!tpu.dma_semaphore, #tpu.memory_space<semaphore_mem>>
      %dma_start3A = arith.constant 0 : i32
      %dma_start3A_83 = tpu.memref_slice %arg2[%run_scoped3A_20, %add3A, %dma_start3A] : memref<2x1024x128xi32, #tpu.memory_space<hbm>> -> memref<1x32x128xi32, #tpu.memory_space<hbm>>
      %dma_start3A_84 = tpu.memref_squeeze %dma_start3A_83 : memref<1x32x128xi32, #tpu.memory_space<hbm>> -> memref<32x128xi32, #tpu.memory_space<hbm>>
      %dma_start3A_85 = arith.constant 0 : i32
      %dma_start3A_86 = tpu.memref_slice %arg2[%run_scoped3A_20, %add3A, %dma_start3A_85] : memref<2x1024x128xi32, #tpu.memory_space<hbm>> -> memref<1x32x128xi32, #tpu.memory_space<hbm>>
      %dma_start3A_87 = tpu.memref_squeeze %dma_start3A_86 : memref<1x32x128xi32, #tpu.memory_space<hbm>> -> memref<32x128xi32, #tpu.memory_space<hbm>>
      tpu.enqueue_dma source(%dma_start3A_87 : memref<32x128xi32, #tpu.memory_space<hbm>>) target(%arg9 : memref<32x128xi32, #tpu.memory_space<vmem>>) target_semaphore(%run_scoped3A_82 : memref<!tpu.dma_semaphore, #tpu.memory_space<semaphore_mem>>)
      %dma_wait3A = arith.constant 0 : i32
      %dma_wait3A_88 = tpu.memref_slice %arg2[%run_scoped3A_20, %add3A, %dma_wait3A] : memref<2x1024x128xi32, #tpu.memory_space<hbm>> -> memref<1x32x128xi32, #tpu.memory_space<hbm>>
      %dma_wait3A_89 = tpu.memref_squeeze %dma_wait3A_88 : memref<1x32x128xi32, #tpu.memory_space<hbm>> -> memref<32x128xi32, #tpu.memory_space<hbm>>
      %dma_wait3A_90 = arith.constant 0 : i32
      %dma_wait3A_91 = tpu.memref_slice %arg2[%run_scoped3A_20, %add3A, %dma_wait3A_90] : memref<2x1024x128xi32, #tpu.memory_space<hbm>> -> memref<1x32x128xi32, #tpu.memory_space<hbm>>
      %dma_wait3A_92 = tpu.memref_squeeze %dma_wait3A_91 : memref<1x32x128xi32, #tpu.memory_space<hbm>> -> memref<32x128xi32, #tpu.memory_space<hbm>>
      tpu.wait_dma2 semaphore(%run_scoped3A_82 : memref<!tpu.dma_semaphore, #tpu.memory_space<semaphore_mem>>) src(%dma_wait3A_92 : memref<32x128xi32, #tpu.memory_space<hbm>>) dst(%arg9 : memref<32x128xi32, #tpu.memory_space<vmem>>)
      tpu.yield
    }) : () -> ()
    %run_scoped3A_21 = arith.constant 1 : i32
    "tpu.region"() ({
      %run_scoped3A_82 = tpu.sem_alloc : memref<!tpu.dma_semaphore, #tpu.memory_space<semaphore_mem>>
      %dma_start3A = arith.constant 0 : i32
      %dma_start3A_83 = tpu.memref_slice %arg2[%run_scoped3A_21, %add3A, %dma_start3A] : memref<2x1024x128xi32, #tpu.memory_space<hbm>> -> memref<1x32x128xi32, #tpu.memory_space<hbm>>
      %dma_start3A_84 = tpu.memref_squeeze %dma_start3A_83 : memref<1x32x128xi32, #tpu.memory_space<hbm>> -> memref<32x128xi32, #tpu.memory_space<hbm>>
      %dma_start3A_85 = arith.constant 0 : i32
      %dma_start3A_86 = tpu.memref_slice %arg2[%run_scoped3A_21, %add3A, %dma_start3A_85] : memref<2x1024x128xi32, #tpu.memory_space<hbm>> -> memref<1x32x128xi32, #tpu.memory_space<hbm>>
      %dma_start3A_87 = tpu.memref_squeeze %dma_start3A_86 : memref<1x32x128xi32, #tpu.memory_space<hbm>> -> memref<32x128xi32, #tpu.memory_space<hbm>>
      tpu.enqueue_dma source(%dma_start3A_87 : memref<32x128xi32, #tpu.memory_space<hbm>>) target(%arg10 : memref<32x128xi32, #tpu.memory_space<vmem>>) target_semaphore(%run_scoped3A_82 : memref<!tpu.dma_semaphore, #tpu.memory_space<semaphore_mem>>)
      %dma_wait3A = arith.constant 0 : i32
      %dma_wait3A_88 = tpu.memref_slice %arg2[%run_scoped3A_21, %add3A, %dma_wait3A] : memref<2x1024x128xi32, #tpu.memory_space<hbm>> -> memref<1x32x128xi32, #tpu.memory_space<hbm>>
      %dma_wait3A_89 = tpu.memref_squeeze %dma_wait3A_88 : memref<1x32x128xi32, #tpu.memory_space<hbm>> -> memref<32x128xi32, #tpu.memory_space<hbm>>
      %dma_wait3A_90 = arith.constant 0 : i32
      %dma_wait3A_91 = tpu.memref_slice %arg2[%run_scoped3A_21, %add3A, %dma_wait3A_90] : memref<2x1024x128xi32, #tpu.memory_space<hbm>> -> memref<1x32x128xi32, #tpu.memory_space<hbm>>
      %dma_wait3A_92 = tpu.memref_squeeze %dma_wait3A_91 : memref<1x32x128xi32, #tpu.memory_space<hbm>> -> memref<32x128xi32, #tpu.memory_space<hbm>>
      tpu.wait_dma2 semaphore(%run_scoped3A_82 : memref<!tpu.dma_semaphore, #tpu.memory_space<semaphore_mem>>) src(%dma_wait3A_92 : memref<32x128xi32, #tpu.memory_space<hbm>>) dst(%arg10 : memref<32x128xi32, #tpu.memory_space<vmem>>)
      tpu.yield
    }) : () -> ()
    %eq3A = arith.constant 0 : i32
    %eq3A_22 = arith.cmpi eq, %arg1, %eq3A : i32
    %convert_element_type3A = arith.extui %eq3A_22 : i1 to i32
    %cond3A = arith.constant 0 : i32
    %cond3A_23 = arith.cmpi ne, %convert_element_type3A, %cond3A : i32
    scf.if %cond3A_23 {
      "tpu.region"() ({
        %run_scoped3A_82 = tpu.sem_alloc : memref<!tpu.dma_semaphore, #tpu.memory_space<semaphore_mem>>
        %dma_start3A = arith.constant 0 : i32
        %dma_start3A_83 = tpu.memref_slice %arg12[%dma_start3A] : memref<16384xf32, #tpu.memory_space<vmem>> -> memref<8192xf32, #tpu.memory_space<vmem>>
        %dma_start3A_84 = arith.constant 0 : i32
        %dma_start3A_85 = tpu.memref_slice %arg12[%dma_start3A_84] : memref<16384xf32, #tpu.memory_space<vmem>> -> memref<8192xf32, #tpu.memory_space<vmem>>
        tpu.enqueue_dma source(%dma_start3A_85 : memref<8192xf32, #tpu.memory_space<vmem>>) target(%arg13 : memref<8192xf32, #tpu.memory_space<vmem_shared>>) target_semaphore(%run_scoped3A_82 : memref<!tpu.dma_semaphore, #tpu.memory_space<semaphore_mem>>)
        %dma_wait3A = arith.constant 0 : i32
        %dma_wait3A_86 = tpu.memref_slice %arg12[%dma_wait3A] : memref<16384xf32, #tpu.memory_space<vmem>> -> memref<8192xf32, #tpu.memory_space<vmem>>
        %dma_wait3A_87 = arith.constant 0 : i32
        %dma_wait3A_88 = tpu.memref_slice %arg12[%dma_wait3A_87] : memref<16384xf32, #tpu.memory_space<vmem>> -> memref<8192xf32, #tpu.memory_space<vmem>>
        tpu.wait_dma2 semaphore(%run_scoped3A_82 : memref<!tpu.dma_semaphore, #tpu.memory_space<semaphore_mem>>) src(%dma_wait3A_88 : memref<8192xf32, #tpu.memory_space<vmem>>) dst(%arg13 : memref<8192xf32, #tpu.memory_space<vmem_shared>>)
        tpu.yield
      }) : () -> ()
    } else {
    }
    %eq3A_24 = arith.constant 1 : i32
    %eq3A_25 = arith.cmpi eq, %arg1, %eq3A_24 : i32
    %convert_element_type3A_26 = arith.extui %eq3A_25 : i1 to i32
    %cond3A_27 = arith.constant 0 : i32
    %cond3A_28 = arith.cmpi ne, %convert_element_type3A_26, %cond3A_27 : i32
    scf.if %cond3A_28 {
      "tpu.region"() ({
        %run_scoped3A_82 = tpu.sem_alloc : memref<!tpu.dma_semaphore, #tpu.memory_space<semaphore_mem>>
        %dma_start3A = arith.constant 0 : i32
        %dma_start3A_83 = tpu.memref_slice %arg12[%dma_start3A] : memref<16384xf32, #tpu.memory_space<vmem>> -> memref<8192xf32, #tpu.memory_space<vmem>>
        %dma_start3A_84 = arith.constant 0 : i32
        %dma_start3A_85 = tpu.memref_slice %arg12[%dma_start3A_84] : memref<16384xf32, #tpu.memory_space<vmem>> -> memref<8192xf32, #tpu.memory_space<vmem>>
        tpu.enqueue_dma source(%dma_start3A_85 : memref<8192xf32, #tpu.memory_space<vmem>>) target(%arg14 : memref<8192xf32, #tpu.memory_space<vmem_shared>>) target_semaphore(%run_scoped3A_82 : memref<!tpu.dma_semaphore, #tpu.memory_space<semaphore_mem>>)
        %dma_wait3A = arith.constant 0 : i32
        %dma_wait3A_86 = tpu.memref_slice %arg12[%dma_wait3A] : memref<16384xf32, #tpu.memory_space<vmem>> -> memref<8192xf32, #tpu.memory_space<vmem>>
        %dma_wait3A_87 = arith.constant 0 : i32
        %dma_wait3A_88 = tpu.memref_slice %arg12[%dma_wait3A_87] : memref<16384xf32, #tpu.memory_space<vmem>> -> memref<8192xf32, #tpu.memory_space<vmem>>
        tpu.wait_dma2 semaphore(%run_scoped3A_82 : memref<!tpu.dma_semaphore, #tpu.memory_space<semaphore_mem>>) src(%dma_wait3A_88 : memref<8192xf32, #tpu.memory_space<vmem>>) dst(%arg14 : memref<8192xf32, #tpu.memory_space<vmem_shared>>)
        tpu.yield
      }) : () -> ()
    } else {
    }
    %mul3A_29 = arith.constant 2097152 : i32
    %mul3A_30 = arith.muli %arg0, %mul3A_29 : i32
    %mul3A_31 = arith.constant 131072 : i32
    %mul3A_32 = arith.muli %arg1, %mul3A_31 : i32
    %add3A_33 = arith.addi %mul3A_30, %mul3A_32 : i32
    %add3A_34 = arith.constant 0 : i32
    %add3A_35 = arith.addi %add3A_33, %add3A_34 : i32
    "tpu.region"() ({
      %run_scoped3A_82 = tpu.sem_alloc : memref<!tpu.dma_semaphore, #tpu.memory_space<semaphore_mem>>
      %dma_start3A = tpu.memref_slice %arg5[%add3A_35] : memref<4194304xf32, #tpu.memory_space<hbm>> -> memref<16384xf32, #tpu.memory_space<hbm>>
      %dma_start3A_83 = tpu.memref_slice %arg5[%add3A_35] : memref<4194304xf32, #tpu.memory_space<hbm>> -> memref<16384xf32, #tpu.memory_space<hbm>>
      tpu.enqueue_dma source(%arg12 : memref<16384xf32, #tpu.memory_space<vmem>>) target(%dma_start3A_83 : memref<16384xf32, #tpu.memory_space<hbm>>) target_semaphore(%run_scoped3A_82 : memref<!tpu.dma_semaphore, #tpu.memory_space<semaphore_mem>>)
      %dma_wait3A = tpu.memref_slice %arg5[%add3A_35] : memref<4194304xf32, #tpu.memory_space<hbm>> -> memref<16384xf32, #tpu.memory_space<hbm>>
      %dma_wait3A_84 = tpu.memref_slice %arg5[%add3A_35] : memref<4194304xf32, #tpu.memory_space<hbm>> -> memref<16384xf32, #tpu.memory_space<hbm>>
      tpu.wait_dma2 semaphore(%run_scoped3A_82 : memref<!tpu.dma_semaphore, #tpu.memory_space<semaphore_mem>>) src(%arg12 : memref<16384xf32, #tpu.memory_space<vmem>>) dst(%dma_wait3A_84 : memref<16384xf32, #tpu.memory_space<hbm>>)
      tpu.yield
    }) : () -> ()
    %add3A_36 = arith.constant 16384 : i32
    %add3A_37 = arith.addi %add3A_33, %add3A_36 : i32
    "tpu.region"() ({
      %run_scoped3A_82 = tpu.sem_alloc : memref<!tpu.dma_semaphore, #tpu.memory_space<semaphore_mem>>
      %dma_start3A = tpu.memref_slice %arg5[%add3A_37] : memref<4194304xf32, #tpu.memory_space<hbm>> -> memref<16384xf32, #tpu.memory_space<hbm>>
      %dma_start3A_83 = tpu.memref_slice %arg5[%add3A_37] : memref<4194304xf32, #tpu.memory_space<hbm>> -> memref<16384xf32, #tpu.memory_space<hbm>>
      tpu.enqueue_dma source(%arg12 : memref<16384xf32, #tpu.memory_space<vmem>>) target(%dma_start3A_83 : memref<16384xf32, #tpu.memory_space<hbm>>) target_semaphore(%run_scoped3A_82 : memref<!tpu.dma_semaphore, #tpu.memory_space<semaphore_mem>>)
      %dma_wait3A = tpu.memref_slice %arg5[%add3A_37] : memref<4194304xf32, #tpu.memory_space<hbm>> -> memref<16384xf32, #tpu.memory_space<hbm>>
      %dma_wait3A_84 = tpu.memref_slice %arg5[%add3A_37] : memref<4194304xf32, #tpu.memory_space<hbm>> -> memref<16384xf32, #tpu.memory_space<hbm>>
      tpu.wait_dma2 semaphore(%run_scoped3A_82 : memref<!tpu.dma_semaphore, #tpu.memory_space<semaphore_mem>>) src(%arg12 : memref<16384xf32, #tpu.memory_space<vmem>>) dst(%dma_wait3A_84 : memref<16384xf32, #tpu.memory_space<hbm>>)
      tpu.yield
    }) : () -> ()
    %add3A_38 = arith.constant 32768 : i32
    %add3A_39 = arith.addi %add3A_33, %add3A_38 : i32
    "tpu.region"() ({
      %run_scoped3A_82 = tpu.sem_alloc : memref<!tpu.dma_semaphore, #tpu.memory_space<semaphore_mem>>
      %dma_start3A = tpu.memref_slice %arg5[%add3A_39] : memref<4194304xf32, #tpu.memory_space<hbm>> -> memref<16384xf32, #tpu.memory_space<hbm>>
      %dma_start3A_83 = tpu.memref_slice %arg5[%add3A_39] : memref<4194304xf32, #tpu.memory_space<hbm>> -> memref<16384xf32, #tpu.memory_space<hbm>>
      tpu.enqueue_dma source(%arg12 : memref<16384xf32, #tpu.memory_space<vmem>>) target(%dma_start3A_83 : memref<16384xf32, #tpu.memory_space<hbm>>) target_semaphore(%run_scoped3A_82 : memref<!tpu.dma_semaphore, #tpu.memory_space<semaphore_mem>>)
      %dma_wait3A = tpu.memref_slice %arg5[%add3A_39] : memref<4194304xf32, #tpu.memory_space<hbm>> -> memref<16384xf32, #tpu.memory_space<hbm>>
      %dma_wait3A_84 = tpu.memref_slice %arg5[%add3A_39] : memref<4194304xf32, #tpu.memory_space<hbm>> -> memref<16384xf32, #tpu.memory_space<hbm>>
      tpu.wait_dma2 semaphore(%run_scoped3A_82 : memref<!tpu.dma_semaphore, #tpu.memory_space<semaphore_mem>>) src(%arg12 : memref<16384xf32, #tpu.memory_space<vmem>>) dst(%dma_wait3A_84 : memref<16384xf32, #tpu.memory_space<hbm>>)
      tpu.yield
    }) : () -> ()
    %add3A_40 = arith.constant 49152 : i32
    %add3A_41 = arith.addi %add3A_33, %add3A_40 : i32
    "tpu.region"() ({
      %run_scoped3A_82 = tpu.sem_alloc : memref<!tpu.dma_semaphore, #tpu.memory_space<semaphore_mem>>
      %dma_start3A = tpu.memref_slice %arg5[%add3A_41] : memref<4194304xf32, #tpu.memory_space<hbm>> -> memref<16384xf32, #tpu.memory_space<hbm>>
      %dma_start3A_83 = tpu.memref_slice %arg5[%add3A_41] : memref<4194304xf32, #tpu.memory_space<hbm>> -> memref<16384xf32, #tpu.memory_space<hbm>>
      tpu.enqueue_dma source(%arg12 : memref<16384xf32, #tpu.memory_space<vmem>>) target(%dma_start3A_83 : memref<16384xf32, #tpu.memory_space<hbm>>) target_semaphore(%run_scoped3A_82 : memref<!tpu.dma_semaphore, #tpu.memory_space<semaphore_mem>>)
      %dma_wait3A = tpu.memref_slice %arg5[%add3A_41] : memref<4194304xf32, #tpu.memory_space<hbm>> -> memref<16384xf32, #tpu.memory_space<hbm>>
      %dma_wait3A_84 = tpu.memref_slice %arg5[%add3A_41] : memref<4194304xf32, #tpu.memory_space<hbm>> -> memref<16384xf32, #tpu.memory_space<hbm>>
      tpu.wait_dma2 semaphore(%run_scoped3A_82 : memref<!tpu.dma_semaphore, #tpu.memory_space<semaphore_mem>>) src(%arg12 : memref<16384xf32, #tpu.memory_space<vmem>>) dst(%dma_wait3A_84 : memref<16384xf32, #tpu.memory_space<hbm>>)
      tpu.yield
    }) : () -> ()
    %add3A_42 = arith.constant 65536 : i32
    %add3A_43 = arith.addi %add3A_33, %add3A_42 : i32
    "tpu.region"() ({
      %run_scoped3A_82 = tpu.sem_alloc : memref<!tpu.dma_semaphore, #tpu.memory_space<semaphore_mem>>
      %dma_start3A = tpu.memref_slice %arg5[%add3A_43] : memref<4194304xf32, #tpu.memory_space<hbm>> -> memref<16384xf32, #tpu.memory_space<hbm>>
      %dma_start3A_83 = tpu.memref_slice %arg5[%add3A_43] : memref<4194304xf32, #tpu.memory_space<hbm>> -> memref<16384xf32, #tpu.memory_space<hbm>>
      tpu.enqueue_dma source(%arg12 : memref<16384xf32, #tpu.memory_space<vmem>>) target(%dma_start3A_83 : memref<16384xf32, #tpu.memory_space<hbm>>) target_semaphore(%run_scoped3A_82 : memref<!tpu.dma_semaphore, #tpu.memory_space<semaphore_mem>>)
      %dma_wait3A = tpu.memref_slice %arg5[%add3A_43] : memref<4194304xf32, #tpu.memory_space<hbm>> -> memref<16384xf32, #tpu.memory_space<hbm>>
      %dma_wait3A_84 = tpu.memref_slice %arg5[%add3A_43] : memref<4194304xf32, #tpu.memory_space<hbm>> -> memref<16384xf32, #tpu.memory_space<hbm>>
      tpu.wait_dma2 semaphore(%run_scoped3A_82 : memref<!tpu.dma_semaphore, #tpu.memory_space<semaphore_mem>>) src(%arg12 : memref<16384xf32, #tpu.memory_space<vmem>>) dst(%dma_wait3A_84 : memref<16384xf32, #tpu.memory_space<hbm>>)
      tpu.yield
    }) : () -> ()
    %add3A_44 = arith.constant 81920 : i32
    %add3A_45 = arith.addi %add3A_33, %add3A_44 : i32
    "tpu.region"() ({
      %run_scoped3A_82 = tpu.sem_alloc : memref<!tpu.dma_semaphore, #tpu.memory_space<semaphore_mem>>
      %dma_start3A = tpu.memref_slice %arg5[%add3A_45] : memref<4194304xf32, #tpu.memory_space<hbm>> -> memref<16384xf32, #tpu.memory_space<hbm>>
      %dma_start3A_83 = tpu.memref_slice %arg5[%add3A_45] : memref<4194304xf32, #tpu.memory_space<hbm>> -> memref<16384xf32, #tpu.memory_space<hbm>>
      tpu.enqueue_dma source(%arg12 : memref<16384xf32, #tpu.memory_space<vmem>>) target(%dma_start3A_83 : memref<16384xf32, #tpu.memory_space<hbm>>) target_semaphore(%run_scoped3A_82 : memref<!tpu.dma_semaphore, #tpu.memory_space<semaphore_mem>>)
      %dma_wait3A = tpu.memref_slice %arg5[%add3A_45] : memref<4194304xf32, #tpu.memory_space<hbm>> -> memref<16384xf32, #tpu.memory_space<hbm>>
      %dma_wait3A_84 = tpu.memref_slice %arg5[%add3A_45] : memref<4194304xf32, #tpu.memory_space<hbm>> -> memref<16384xf32, #tpu.memory_space<hbm>>
      tpu.wait_dma2 semaphore(%run_scoped3A_82 : memref<!tpu.dma_semaphore, #tpu.memory_space<semaphore_mem>>) src(%arg12 : memref<16384xf32, #tpu.memory_space<vmem>>) dst(%dma_wait3A_84 : memref<16384xf32, #tpu.memory_space<hbm>>)
      tpu.yield
    }) : () -> ()
    %add3A_46 = arith.constant 98304 : i32
    %add3A_47 = arith.addi %add3A_33, %add3A_46 : i32
    "tpu.region"() ({
      %run_scoped3A_82 = tpu.sem_alloc : memref<!tpu.dma_semaphore, #tpu.memory_space<semaphore_mem>>
      %dma_start3A = tpu.memref_slice %arg5[%add3A_47] : memref<4194304xf32, #tpu.memory_space<hbm>> -> memref<16384xf32, #tpu.memory_space<hbm>>
      %dma_start3A_83 = tpu.memref_slice %arg5[%add3A_47] : memref<4194304xf32, #tpu.memory_space<hbm>> -> memref<16384xf32, #tpu.memory_space<hbm>>
      tpu.enqueue_dma source(%arg12 : memref<16384xf32, #tpu.memory_space<vmem>>) target(%dma_start3A_83 : memref<16384xf32, #tpu.memory_space<hbm>>) target_semaphore(%run_scoped3A_82 : memref<!tpu.dma_semaphore, #tpu.memory_space<semaphore_mem>>)
      %dma_wait3A = tpu.memref_slice %arg5[%add3A_47] : memref<4194304xf32, #tpu.memory_space<hbm>> -> memref<16384xf32, #tpu.memory_space<hbm>>
      %dma_wait3A_84 = tpu.memref_slice %arg5[%add3A_47] : memref<4194304xf32, #tpu.memory_space<hbm>> -> memref<16384xf32, #tpu.memory_space<hbm>>
      tpu.wait_dma2 semaphore(%run_scoped3A_82 : memref<!tpu.dma_semaphore, #tpu.memory_space<semaphore_mem>>) src(%arg12 : memref<16384xf32, #tpu.memory_space<vmem>>) dst(%dma_wait3A_84 : memref<16384xf32, #tpu.memory_space<hbm>>)
      tpu.yield
    }) : () -> ()
    %add3A_48 = arith.constant 114688 : i32
    %add3A_49 = arith.addi %add3A_33, %add3A_48 : i32
    "tpu.region"() ({
      %run_scoped3A_82 = tpu.sem_alloc : memref<!tpu.dma_semaphore, #tpu.memory_space<semaphore_mem>>
      %dma_start3A = tpu.memref_slice %arg5[%add3A_49] : memref<4194304xf32, #tpu.memory_space<hbm>> -> memref<16384xf32, #tpu.memory_space<hbm>>
      %dma_start3A_83 = tpu.memref_slice %arg5[%add3A_49] : memref<4194304xf32, #tpu.memory_space<hbm>> -> memref<16384xf32, #tpu.memory_space<hbm>>
      tpu.enqueue_dma source(%arg12 : memref<16384xf32, #tpu.memory_space<vmem>>) target(%dma_start3A_83 : memref<16384xf32, #tpu.memory_space<hbm>>) target_semaphore(%run_scoped3A_82 : memref<!tpu.dma_semaphore, #tpu.memory_space<semaphore_mem>>)
      %dma_wait3A = tpu.memref_slice %arg5[%add3A_49] : memref<4194304xf32, #tpu.memory_space<hbm>> -> memref<16384xf32, #tpu.memory_space<hbm>>
      %dma_wait3A_84 = tpu.memref_slice %arg5[%add3A_49] : memref<4194304xf32, #tpu.memory_space<hbm>> -> memref<16384xf32, #tpu.memory_space<hbm>>
      tpu.wait_dma2 semaphore(%run_scoped3A_82 : memref<!tpu.dma_semaphore, #tpu.memory_space<semaphore_mem>>) src(%arg12 : memref<16384xf32, #tpu.memory_space<vmem>>) dst(%dma_wait3A_84 : memref<16384xf32, #tpu.memory_space<hbm>>)
      tpu.yield
    }) : () -> ()
    %iota3A = tpu.iota {dimensions = array<i32: 0>} : vector<16xi32>
    %mul3A_50 = arith.constant 2097152 : i32
    %mul3A_51 = arith.muli %arg0, %mul3A_50 : i32
    %and3A = arith.constant 7 : i32
    %and3A_52 = arith.andi %arg1, %and3A : i32
    %mul3A_53 = arith.constant 262144 : i32
    %mul3A_54 = arith.muli %and3A_52, %mul3A_53 : i32
    %add3A_55 = arith.addi %mul3A_51, %mul3A_54 : i32
    %scan3A_56 = arith.constant 0 : i32
    %scan3A_57 = arith.constant 64 : i32
    %scan3A_58 = arith.addi %scan3A_56, %scan3A_57 : i32
    %scan3A_59 = arith.constant 1 : i32
    scf.for %scan3A_82 = %scan3A_56 to %scan3A_58 step %scan3A_59  : i32 {
      %mul3A_83 = arith.constant 1 : i32
      %mul3A_84 = arith.muli %scan3A_82, %mul3A_83 : i32
      %add3A_85 = arith.constant 0 : i32
      %add3A_86 = arith.addi %add3A_85, %mul3A_84 : i32
      %get3A = arith.index_cast %add3A_86 : i32 to index
      %get3A_87 = arith.constant 0 : index
      %get3A_88 = tpu.vector_load %arg6[%get3A, %get3A_87] {strides = array<i32>} : memref<64x128xi32, #tpu.memory_space<vmem>>, vector<1x16xi32>,
      %get3A_89 = vector.shape_cast %get3A_88 : vector<1x16xi32> to vector<16xi32>
      %get3A_90 = arith.index_cast %add3A_86 : i32 to index
      %get3A_91 = arith.constant 0 : index
      %get3A_92 = tpu.vector_load %arg7[%get3A_90, %get3A_91] {strides = array<i32>} : memref<64x128xi32, #tpu.memory_space<vmem>>, vector<1x16xi32>,
      %get3A_93 = vector.shape_cast %get3A_92 : vector<1x16xi32> to vector<16xi32>
      %shift_right_logical3A = arith.constant 9 : i32
      %shift_right_logical3A_94 = vector.broadcast %shift_right_logical3A : i32 to vector<16xi32>
      %shift_right_logical3A_95 = arith.shrui %get3A_89, %shift_right_logical3A_94 : vector<16xi32>
      %shift_right_logical3A_96 = arith.constant 9 : i32
      %shift_right_logical3A_97 = vector.broadcast %shift_right_logical3A_96 : i32 to vector<16xi32>
      %shift_right_logical3A_98 = arith.shrui %get3A_93, %shift_right_logical3A_97 : vector<16xi32>
      %eq3A_99 = arith.cmpi eq, %shift_right_logical3A_95, %shift_right_logical3A_98 : vector<16xi32>
      %shift_right_logical3A_100 = arith.constant 3 : i32
      %shift_right_logical3A_101 = vector.broadcast %shift_right_logical3A_100 : i32 to vector<16xi32>
      %shift_right_logical3A_102 = arith.shrui %shift_right_logical3A_95, %shift_right_logical3A_101 : vector<16xi32>
      %eq3A_103 = vector.broadcast %arg0 : i32 to vector<16xi32>
      %eq3A_104 = arith.cmpi eq, %shift_right_logical3A_102, %eq3A_103 : vector<16xi32>
      %and3A_105 = arith.andi %eq3A_99, %eq3A_104 : vector<16xi1>
      %shift_left3A = arith.constant 18 : i32
      %shift_left3A_106 = vector.broadcast %shift_left3A : i32 to vector<16xi32>
      %shift_left3A_107 = arith.shli %shift_right_logical3A_95, %shift_left3A_106 : vector<16xi32>
      %and3A_108 = arith.constant 511 : i32
      %and3A_109 = vector.broadcast %and3A_108 : i32 to vector<16xi32>
      %and3A_110 = arith.andi %get3A_89, %and3A_109 : vector<16xi32>
      %shift_left3A_111 = arith.constant 9 : i32
      %shift_left3A_112 = vector.broadcast %shift_left3A_111 : i32 to vector<16xi32>
      %shift_left3A_113 = arith.shli %and3A_110, %shift_left3A_112 : vector<16xi32>
      %or3A = arith.ori %shift_left3A_107, %shift_left3A_113 : vector<16xi32>
      %and3A_114 = arith.constant 511 : i32
      %and3A_115 = vector.broadcast %and3A_114 : i32 to vector<16xi32>
      %and3A_116 = arith.andi %get3A_93, %and3A_115 : vector<16xi32>
      %or3A_117 = arith.ori %or3A, %and3A_116 : vector<16xi32>
      %mul3A_118 = arith.constant 8 : i32
      %mul3A_119 = arith.muli %add3A_86, %mul3A_118 : i32
      %add3A_120 = arith.constant 0 : i32
      %add3A_121 = arith.addi %mul3A_119, %add3A_120 : i32
      %shift_left3A_122 = arith.constant 4 : i32
      %shift_left3A_123 = arith.shli %add3A_121, %shift_left3A_122 : i32
      %add3A_124 = vector.broadcast %shift_left3A_123 : i32 to vector<16xi32>
      %add3A_125 = arith.addi %add3A_124, %iota3A : vector<16xi32>
      %and3A_126 = arith.constant 511 : i32
      %and3A_127 = vector.broadcast %and3A_126 : i32 to vector<16xi32>
      %and3A_128 = arith.andi %add3A_125, %and3A_127 : vector<16xi32>
      %mul3A_129 = arith.constant 513 : i32
      %mul3A_130 = vector.broadcast %mul3A_129 : i32 to vector<16xi32>
      %mul3A_131 = arith.muli %and3A_128, %mul3A_130 : vector<16xi32>
      %add3A_132 = vector.broadcast %add3A_55 : i32 to vector<16xi32>
      %add3A_133 = arith.addi %add3A_132, %mul3A_131 : vector<16xi32>
      %select_n3A = arith.select %and3A_105, %or3A_117, %add3A_133 : vector<16xi1>, vector<16xi32>
      %swap3A = arith.index_cast %add3A_86 : i32 to index
      %swap3A_134 = arith.constant 0 : index
      %swap3A_135 = tpu.vector_load %arg8[%swap3A, %swap3A_134] {strides = array<i32>} : memref<64x128xi32, #tpu.memory_space<vmem>>, vector<1x16xi32>,
      %swap3A_136 = vector.shape_cast %swap3A_135 : vector<1x16xi32> to vector<16xi32>
      %swap3A_137 = vector.shape_cast %select_n3A : vector<16xi32> to vector<1x16xi32>
      tpu.vector_store %arg8[%swap3A, %swap3A_134], %swap3A_137 {strides = array<i32>} : memref<64x128xi32, #tpu.memory_space<vmem>>, vector<1x16xi32>,
      %get3A_138 = arith.index_cast %add3A_86 : i32 to index
      %get3A_139 = arith.constant 16 : index
      %get3A_140 = tpu.vector_load %arg6[%get3A_138, %get3A_139] {strides = array<i32>} : memref<64x128xi32, #tpu.memory_space<vmem>>, vector<1x16xi32>,
      %get3A_141 = vector.shape_cast %get3A_140 : vector<1x16xi32> to vector<16xi32>
      %get3A_142 = arith.index_cast %add3A_86 : i32 to index
      %get3A_143 = arith.constant 16 : index
      %get3A_144 = tpu.vector_load %arg7[%get3A_142, %get3A_143] {strides = array<i32>} : memref<64x128xi32, #tpu.memory_space<vmem>>, vector<1x16xi32>,
      %get3A_145 = vector.shape_cast %get3A_144 : vector<1x16xi32> to vector<16xi32>
      %shift_right_logical3A_146 = arith.constant 9 : i32
      %shift_right_logical3A_147 = vector.broadcast %shift_right_logical3A_146 : i32 to vector<16xi32>
      %shift_right_logical3A_148 = arith.shrui %get3A_141, %shift_right_logical3A_147 : vector<16xi32>
      %shift_right_logical3A_149 = arith.constant 9 : i32
      %shift_right_logical3A_150 = vector.broadcast %shift_right_logical3A_149 : i32 to vector<16xi32>
      %shift_right_logical3A_151 = arith.shrui %get3A_145, %shift_right_logical3A_150 : vector<16xi32>
      %eq3A_152 = arith.cmpi eq, %shift_right_logical3A_148, %shift_right_logical3A_151 : vector<16xi32>
      %shift_right_logical3A_153 = arith.constant 3 : i32
      %shift_right_logical3A_154 = vector.broadcast %shift_right_logical3A_153 : i32 to vector<16xi32>
      %shift_right_logical3A_155 = arith.shrui %shift_right_logical3A_148, %shift_right_logical3A_154 : vector<16xi32>
      %eq3A_156 = vector.broadcast %arg0 : i32 to vector<16xi32>
      %eq3A_157 = arith.cmpi eq, %shift_right_logical3A_155, %eq3A_156 : vector<16xi32>
      %and3A_158 = arith.andi %eq3A_152, %eq3A_157 : vector<16xi1>
      %shift_left3A_159 = arith.constant 18 : i32
      %shift_left3A_160 = vector.broadcast %shift_left3A_159 : i32 to vector<16xi32>
      %shift_left3A_161 = arith.shli %shift_right_logical3A_148, %shift_left3A_160 : vector<16xi32>
      %and3A_162 = arith.constant 511 : i32
      %and3A_163 = vector.broadcast %and3A_162 : i32 to vector<16xi32>
      %and3A_164 = arith.andi %get3A_141, %and3A_163 : vector<16xi32>
      %shift_left3A_165 = arith.constant 9 : i32
      %shift_left3A_166 = vector.broadcast %shift_left3A_165 : i32 to vector<16xi32>
      %shift_left3A_167 = arith.shli %and3A_164, %shift_left3A_166 : vector<16xi32>
      %or3A_168 = arith.ori %shift_left3A_161, %shift_left3A_167 : vector<16xi32>
      %and3A_169 = arith.constant 511 : i32
      %and3A_170 = vector.broadcast %and3A_169 : i32 to vector<16xi32>
      %and3A_171 = arith.andi %get3A_145, %and3A_170 : vector<16xi32>
      %or3A_172 = arith.ori %or3A_168, %and3A_171 : vector<16xi32>
      %mul3A_173 = arith.constant 8 : i32
      %mul3A_174 = arith.muli %add3A_86, %mul3A_173 : i32
      %add3A_175 = arith.constant 1 : i32
      %add3A_176 = arith.addi %mul3A_174, %add3A_175 : i32
      %shift_left3A_177 = arith.constant 4 : i32
      %shift_left3A_178 = arith.shli %add3A_176, %shift_left3A_177 : i32
      %add3A_179 = vector.broadcast %shift_left3A_178 : i32 to vector<16xi32>
      %add3A_180 = arith.addi %add3A_179, %iota3A : vector<16xi32>
      %and3A_181 = arith.constant 511 : i32
      %and3A_182 = vector.broadcast %and3A_181 : i32 to vector<16xi32>
      %and3A_183 = arith.andi %add3A_180, %and3A_182 : vector<16xi32>
      %mul3A_184 = arith.constant 513 : i32
      %mul3A_185 = vector.broadcast %mul3A_184 : i32 to vector<16xi32>
      %mul3A_186 = arith.muli %and3A_183, %mul3A_185 : vector<16xi32>
      %add3A_187 = vector.broadcast %add3A_55 : i32 to vector<16xi32>
      %add3A_188 = arith.addi %add3A_187, %mul3A_186 : vector<16xi32>
      %select_n3A_189 = arith.select %and3A_158, %or3A_172, %add3A_188 : vector<16xi1>, vector<16xi32>
      %swap3A_190 = arith.index_cast %add3A_86 : i32 to index
      %swap3A_191 = arith.constant 16 : index
      %swap3A_192 = tpu.vector_load %arg8[%swap3A_190, %swap3A_191] {strides = array<i32>} : memref<64x128xi32, #tpu.memory_space<vmem>>, vector<1x16xi32>,
      %swap3A_193 = vector.shape_cast %swap3A_192 : vector<1x16xi32> to vector<16xi32>
      %swap3A_194 = vector.shape_cast %select_n3A_189 : vector<16xi32> to vector<1x16xi32>
      tpu.vector_store %arg8[%swap3A_190, %swap3A_191], %swap3A_194 {strides = array<i32>} : memref<64x128xi32, #tpu.memory_space<vmem>>, vector<1x16xi32>,
      %get3A_195 = arith.index_cast %add3A_86 : i32 to index
      %get3A_196 = arith.constant 32 : index
      %get3A_197 = tpu.vector_load %arg6[%get3A_195, %get3A_196] {strides = array<i32>} : memref<64x128xi32, #tpu.memory_space<vmem>>, vector<1x16xi32>,
      %get3A_198 = vector.shape_cast %get3A_197 : vector<1x16xi32> to vector<16xi32>
      %get3A_199 = arith.index_cast %add3A_86 : i32 to index
      %get3A_200 = arith.constant 32 : index
      %get3A_201 = tpu.vector_load %arg7[%get3A_199, %get3A_200] {strides = array<i32>} : memref<64x128xi32, #tpu.memory_space<vmem>>, vector<1x16xi32>,
      %get3A_202 = vector.shape_cast %get3A_201 : vector<1x16xi32> to vector<16xi32>
      %shift_right_logical3A_203 = arith.constant 9 : i32
      %shift_right_logical3A_204 = vector.broadcast %shift_right_logical3A_203 : i32 to vector<16xi32>
      %shift_right_logical3A_205 = arith.shrui %get3A_198, %shift_right_logical3A_204 : vector<16xi32>
      %shift_right_logical3A_206 = arith.constant 9 : i32
      %shift_right_logical3A_207 = vector.broadcast %shift_right_logical3A_206 : i32 to vector<16xi32>
      %shift_right_logical3A_208 = arith.shrui %get3A_202, %shift_right_logical3A_207 : vector<16xi32>
      %eq3A_209 = arith.cmpi eq, %shift_right_logical3A_205, %shift_right_logical3A_208 : vector<16xi32>
      %shift_right_logical3A_210 = arith.constant 3 : i32
      %shift_right_logical3A_211 = vector.broadcast %shift_right_logical3A_210 : i32 to vector<16xi32>
      %shift_right_logical3A_212 = arith.shrui %shift_right_logical3A_205, %shift_right_logical3A_211 : vector<16xi32>
      %eq3A_213 = vector.broadcast %arg0 : i32 to vector<16xi32>
      %eq3A_214 = arith.cmpi eq, %shift_right_logical3A_212, %eq3A_213 : vector<16xi32>
      %and3A_215 = arith.andi %eq3A_209, %eq3A_214 : vector<16xi1>
      %shift_left3A_216 = arith.constant 18 : i32
      %shift_left3A_217 = vector.broadcast %shift_left3A_216 : i32 to vector<16xi32>
      %shift_left3A_218 = arith.shli %shift_right_logical3A_205, %shift_left3A_217 : vector<16xi32>
      %and3A_219 = arith.constant 511 : i32
      %and3A_220 = vector.broadcast %and3A_219 : i32 to vector<16xi32>
      %and3A_221 = arith.andi %get3A_198, %and3A_220 : vector<16xi32>
      %shift_left3A_222 = arith.constant 9 : i32
      %shift_left3A_223 = vector.broadcast %shift_left3A_222 : i32 to vector<16xi32>
      %shift_left3A_224 = arith.shli %and3A_221, %shift_left3A_223 : vector<16xi32>
      %or3A_225 = arith.ori %shift_left3A_218, %shift_left3A_224 : vector<16xi32>
      %and3A_226 = arith.constant 511 : i32
      %and3A_227 = vector.broadcast %and3A_226 : i32 to vector<16xi32>
      %and3A_228 = arith.andi %get3A_202, %and3A_227 : vector<16xi32>
      %or3A_229 = arith.ori %or3A_225, %and3A_228 : vector<16xi32>
      %mul3A_230 = arith.constant 8 : i32
      %mul3A_231 = arith.muli %add3A_86, %mul3A_230 : i32
      %add3A_232 = arith.constant 2 : i32
      %add3A_233 = arith.addi %mul3A_231, %add3A_232 : i32
      %shift_left3A_234 = arith.constant 4 : i32
      %shift_left3A_235 = arith.shli %add3A_233, %shift_left3A_234 : i32
      %add3A_236 = vector.broadcast %shift_left3A_235 : i32 to vector<16xi32>
      %add3A_237 = arith.addi %add3A_236, %iota3A : vector<16xi32>
      %and3A_238 = arith.constant 511 : i32
      %and3A_239 = vector.broadcast %and3A_238 : i32 to vector<16xi32>
      %and3A_240 = arith.andi %add3A_237, %and3A_239 : vector<16xi32>
      %mul3A_241 = arith.constant 513 : i32
      %mul3A_242 = vector.broadcast %mul3A_241 : i32 to vector<16xi32>
      %mul3A_243 = arith.muli %and3A_240, %mul3A_242 : vector<16xi32>
      %add3A_244 = vector.broadcast %add3A_55 : i32 to vector<16xi32>
      %add3A_245 = arith.addi %add3A_244, %mul3A_243 : vector<16xi32>
      %select_n3A_246 = arith.select %and3A_215, %or3A_229, %add3A_245 : vector<16xi1>, vector<16xi32>
      %swap3A_247 = arith.index_cast %add3A_86 : i32 to index
      %swap3A_248 = arith.constant 32 : index
      %swap3A_249 = tpu.vector_load %arg8[%swap3A_247, %swap3A_248] {strides = array<i32>} : memref<64x128xi32, #tpu.memory_space<vmem>>, vector<1x16xi32>,
      %swap3A_250 = vector.shape_cast %swap3A_249 : vector<1x16xi32> to vector<16xi32>
      %swap3A_251 = vector.shape_cast %select_n3A_246 : vector<16xi32> to vector<1x16xi32>
      tpu.vector_store %arg8[%swap3A_247, %swap3A_248], %swap3A_251 {strides = array<i32>} : memref<64x128xi32, #tpu.memory_space<vmem>>, vector<1x16xi32>,
      %get3A_252 = arith.index_cast %add3A_86 : i32 to index
      %get3A_253 = arith.constant 48 : index
      %get3A_254 = tpu.vector_load %arg6[%get3A_252, %get3A_253] {strides = array<i32>} : memref<64x128xi32, #tpu.memory_space<vmem>>, vector<1x16xi32>,
      %get3A_255 = vector.shape_cast %get3A_254 : vector<1x16xi32> to vector<16xi32>
      %get3A_256 = arith.index_cast %add3A_86 : i32 to index
      %get3A_257 = arith.constant 48 : index
      %get3A_258 = tpu.vector_load %arg7[%get3A_256, %get3A_257] {strides = array<i32>} : memref<64x128xi32, #tpu.memory_space<vmem>>, vector<1x16xi32>,
      %get3A_259 = vector.shape_cast %get3A_258 : vector<1x16xi32> to vector<16xi32>
      %shift_right_logical3A_260 = arith.constant 9 : i32
      %shift_right_logical3A_261 = vector.broadcast %shift_right_logical3A_260 : i32 to vector<16xi32>
      %shift_right_logical3A_262 = arith.shrui %get3A_255, %shift_right_logical3A_261 : vector<16xi32>
      %shift_right_logical3A_263 = arith.constant 9 : i32
      %shift_right_logical3A_264 = vector.broadcast %shift_right_logical3A_263 : i32 to vector<16xi32>
      %shift_right_logical3A_265 = arith.shrui %get3A_259, %shift_right_logical3A_264 : vector<16xi32>
      %eq3A_266 = arith.cmpi eq, %shift_right_logical3A_262, %shift_right_logical3A_265 : vector<16xi32>
      %shift_right_logical3A_267 = arith.constant 3 : i32
      %shift_right_logical3A_268 = vector.broadcast %shift_right_logical3A_267 : i32 to vector<16xi32>
      %shift_right_logical3A_269 = arith.shrui %shift_right_logical3A_262, %shift_right_logical3A_268 : vector<16xi32>
      %eq3A_270 = vector.broadcast %arg0 : i32 to vector<16xi32>
      %eq3A_271 = arith.cmpi eq, %shift_right_logical3A_269, %eq3A_270 : vector<16xi32>
      %and3A_272 = arith.andi %eq3A_266, %eq3A_271 : vector<16xi1>
      %shift_left3A_273 = arith.constant 18 : i32
      %shift_left3A_274 = vector.broadcast %shift_left3A_273 : i32 to vector<16xi32>
      %shift_left3A_275 = arith.shli %shift_right_logical3A_262, %shift_left3A_274 : vector<16xi32>
      %and3A_276 = arith.constant 511 : i32
      %and3A_277 = vector.broadcast %and3A_276 : i32 to vector<16xi32>
      %and3A_278 = arith.andi %get3A_255, %and3A_277 : vector<16xi32>
      %shift_left3A_279 = arith.constant 9 : i32
      %shift_left3A_280 = vector.broadcast %shift_left3A_279 : i32 to vector<16xi32>
      %shift_left3A_281 = arith.shli %and3A_278, %shift_left3A_280 : vector<16xi32>
      %or3A_282 = arith.ori %shift_left3A_275, %shift_left3A_281 : vector<16xi32>
      %and3A_283 = arith.constant 511 : i32
      %and3A_284 = vector.broadcast %and3A_283 : i32 to vector<16xi32>
      %and3A_285 = arith.andi %get3A_259, %and3A_284 : vector<16xi32>
      %or3A_286 = arith.ori %or3A_282, %and3A_285 : vector<16xi32>
      %mul3A_287 = arith.constant 8 : i32
      %mul3A_288 = arith.muli %add3A_86, %mul3A_287 : i32
      %add3A_289 = arith.constant 3 : i32
      %add3A_290 = arith.addi %mul3A_288, %add3A_289 : i32
      %shift_left3A_291 = arith.constant 4 : i32
      %shift_left3A_292 = arith.shli %add3A_290, %shift_left3A_291 : i32
      %add3A_293 = vector.broadcast %shift_left3A_292 : i32 to vector<16xi32>
      %add3A_294 = arith.addi %add3A_293, %iota3A : vector<16xi32>
      %and3A_295 = arith.constant 511 : i32
      %and3A_296 = vector.broadcast %and3A_295 : i32 to vector<16xi32>
      %and3A_297 = arith.andi %add3A_294, %and3A_296 : vector<16xi32>
      %mul3A_298 = arith.constant 513 : i32
      %mul3A_299 = vector.broadcast %mul3A_298 : i32 to vector<16xi32>
      %mul3A_300 = arith.muli %and3A_297, %mul3A_299 : vector<16xi32>
      %add3A_301 = vector.broadcast %add3A_55 : i32 to vector<16xi32>
      %add3A_302 = arith.addi %add3A_301, %mul3A_300 : vector<16xi32>
      %select_n3A_303 = arith.select %and3A_272, %or3A_286, %add3A_302 : vector<16xi1>, vector<16xi32>
      %swap3A_304 = arith.index_cast %add3A_86 : i32 to index
      %swap3A_305 = arith.constant 48 : index
      %swap3A_306 = tpu.vector_load %arg8[%swap3A_304, %swap3A_305] {strides = array<i32>} : memref<64x128xi32, #tpu.memory_space<vmem>>, vector<1x16xi32>,
      %swap3A_307 = vector.shape_cast %swap3A_306 : vector<1x16xi32> to vector<16xi32>
      %swap3A_308 = vector.shape_cast %select_n3A_303 : vector<16xi32> to vector<1x16xi32>
      tpu.vector_store %arg8[%swap3A_304, %swap3A_305], %swap3A_308 {strides = array<i32>} : memref<64x128xi32, #tpu.memory_space<vmem>>, vector<1x16xi32>,
      %get3A_309 = arith.index_cast %add3A_86 : i32 to index
      %get3A_310 = arith.constant 64 : index
      %get3A_311 = tpu.vector_load %arg6[%get3A_309, %get3A_310] {strides = array<i32>} : memref<64x128xi32, #tpu.memory_space<vmem>>, vector<1x16xi32>,
      %get3A_312 = vector.shape_cast %get3A_311 : vector<1x16xi32> to vector<16xi32>
      %get3A_313 = arith.index_cast %add3A_86 : i32 to index
      %get3A_314 = arith.constant 64 : index
      %get3A_315 = tpu.vector_load %arg7[%get3A_313, %get3A_314] {strides = array<i32>} : memref<64x128xi32, #tpu.memory_space<vmem>>, vector<1x16xi32>,
      %get3A_316 = vector.shape_cast %get3A_315 : vector<1x16xi32> to vector<16xi32>
      %shift_right_logical3A_317 = arith.constant 9 : i32
      %shift_right_logical3A_318 = vector.broadcast %shift_right_logical3A_317 : i32 to vector<16xi32>
      %shift_right_logical3A_319 = arith.shrui %get3A_312, %shift_right_logical3A_318 : vector<16xi32>
      %shift_right_logical3A_320 = arith.constant 9 : i32
      %shift_right_logical3A_321 = vector.broadcast %shift_right_logical3A_320 : i32 to vector<16xi32>
      %shift_right_logical3A_322 = arith.shrui %get3A_316, %shift_right_logical3A_321 : vector<16xi32>
      %eq3A_323 = arith.cmpi eq, %shift_right_logical3A_319, %shift_right_logical3A_322 : vector<16xi32>
      %shift_right_logical3A_324 = arith.constant 3 : i32
      %shift_right_logical3A_325 = vector.broadcast %shift_right_logical3A_324 : i32 to vector<16xi32>
      %shift_right_logical3A_326 = arith.shrui %shift_right_logical3A_319, %shift_right_logical3A_325 : vector<16xi32>
      %eq3A_327 = vector.broadcast %arg0 : i32 to vector<16xi32>
      %eq3A_328 = arith.cmpi eq, %shift_right_logical3A_326, %eq3A_327 : vector<16xi32>
      %and3A_329 = arith.andi %eq3A_323, %eq3A_328 : vector<16xi1>
      %shift_left3A_330 = arith.constant 18 : i32
      %shift_left3A_331 = vector.broadcast %shift_left3A_330 : i32 to vector<16xi32>
      %shift_left3A_332 = arith.shli %shift_right_logical3A_319, %shift_left3A_331 : vector<16xi32>
      %and3A_333 = arith.constant 511 : i32
      %and3A_334 = vector.broadcast %and3A_333 : i32 to vector<16xi32>
      %and3A_335 = arith.andi %get3A_312, %and3A_334 : vector<16xi32>
      %shift_left3A_336 = arith.constant 9 : i32
      %shift_left3A_337 = vector.broadcast %shift_left3A_336 : i32 to vector<16xi32>
      %shift_left3A_338 = arith.shli %and3A_335, %shift_left3A_337 : vector<16xi32>
      %or3A_339 = arith.ori %shift_left3A_332, %shift_left3A_338 : vector<16xi32>
      %and3A_340 = arith.constant 511 : i32
      %and3A_341 = vector.broadcast %and3A_340 : i32 to vector<16xi32>
      %and3A_342 = arith.andi %get3A_316, %and3A_341 : vector<16xi32>
      %or3A_343 = arith.ori %or3A_339, %and3A_342 : vector<16xi32>
      %mul3A_344 = arith.constant 8 : i32
      %mul3A_345 = arith.muli %add3A_86, %mul3A_344 : i32
      %add3A_346 = arith.constant 4 : i32
      %add3A_347 = arith.addi %mul3A_345, %add3A_346 : i32
      %shift_left3A_348 = arith.constant 4 : i32
      %shift_left3A_349 = arith.shli %add3A_347, %shift_left3A_348 : i32
      %add3A_350 = vector.broadcast %shift_left3A_349 : i32 to vector<16xi32>
      %add3A_351 = arith.addi %add3A_350, %iota3A : vector<16xi32>
      %and3A_352 = arith.constant 511 : i32
      %and3A_353 = vector.broadcast %and3A_352 : i32 to vector<16xi32>
      %and3A_354 = arith.andi %add3A_351, %and3A_353 : vector<16xi32>
      %mul3A_355 = arith.constant 513 : i32
      %mul3A_356 = vector.broadcast %mul3A_355 : i32 to vector<16xi32>
      %mul3A_357 = arith.muli %and3A_354, %mul3A_356 : vector<16xi32>
      %add3A_358 = vector.broadcast %add3A_55 : i32 to vector<16xi32>
      %add3A_359 = arith.addi %add3A_358, %mul3A_357 : vector<16xi32>
      %select_n3A_360 = arith.select %and3A_329, %or3A_343, %add3A_359 : vector<16xi1>, vector<16xi32>
      %swap3A_361 = arith.index_cast %add3A_86 : i32 to index
      %swap3A_362 = arith.constant 64 : index
      %swap3A_363 = tpu.vector_load %arg8[%swap3A_361, %swap3A_362] {strides = array<i32>} : memref<64x128xi32, #tpu.memory_space<vmem>>, vector<1x16xi32>,
      %swap3A_364 = vector.shape_cast %swap3A_363 : vector<1x16xi32> to vector<16xi32>
      %swap3A_365 = vector.shape_cast %select_n3A_360 : vector<16xi32> to vector<1x16xi32>
      tpu.vector_store %arg8[%swap3A_361, %swap3A_362], %swap3A_365 {strides = array<i32>} : memref<64x128xi32, #tpu.memory_space<vmem>>, vector<1x16xi32>,
      %get3A_366 = arith.index_cast %add3A_86 : i32 to index
      %get3A_367 = arith.constant 80 : index
      %get3A_368 = tpu.vector_load %arg6[%get3A_366, %get3A_367] {strides = array<i32>} : memref<64x128xi32, #tpu.memory_space<vmem>>, vector<1x16xi32>,
      %get3A_369 = vector.shape_cast %get3A_368 : vector<1x16xi32> to vector<16xi32>
      %get3A_370 = arith.index_cast %add3A_86 : i32 to index
      %get3A_371 = arith.constant 80 : index
      %get3A_372 = tpu.vector_load %arg7[%get3A_370, %get3A_371] {strides = array<i32>} : memref<64x128xi32, #tpu.memory_space<vmem>>, vector<1x16xi32>,
      %get3A_373 = vector.shape_cast %get3A_372 : vector<1x16xi32> to vector<16xi32>
      %shift_right_logical3A_374 = arith.constant 9 : i32
      %shift_right_logical3A_375 = vector.broadcast %shift_right_logical3A_374 : i32 to vector<16xi32>
      %shift_right_logical3A_376 = arith.shrui %get3A_369, %shift_right_logical3A_375 : vector<16xi32>
      %shift_right_logical3A_377 = arith.constant 9 : i32
      %shift_right_logical3A_378 = vector.broadcast %shift_right_logical3A_377 : i32 to vector<16xi32>
      %shift_right_logical3A_379 = arith.shrui %get3A_373, %shift_right_logical3A_378 : vector<16xi32>
      %eq3A_380 = arith.cmpi eq, %shift_right_logical3A_376, %shift_right_logical3A_379 : vector<16xi32>
      %shift_right_logical3A_381 = arith.constant 3 : i32
      %shift_right_logical3A_382 = vector.broadcast %shift_right_logical3A_381 : i32 to vector<16xi32>
      %shift_right_logical3A_383 = arith.shrui %shift_right_logical3A_376, %shift_right_logical3A_382 : vector<16xi32>
      %eq3A_384 = vector.broadcast %arg0 : i32 to vector<16xi32>
      %eq3A_385 = arith.cmpi eq, %shift_right_logical3A_383, %eq3A_384 : vector<16xi32>
      %and3A_386 = arith.andi %eq3A_380, %eq3A_385 : vector<16xi1>
      %shift_left3A_387 = arith.constant 18 : i32
      %shift_left3A_388 = vector.broadcast %shift_left3A_387 : i32 to vector<16xi32>
      %shift_left3A_389 = arith.shli %shift_right_logical3A_376, %shift_left3A_388 : vector<16xi32>
      %and3A_390 = arith.constant 511 : i32
      %and3A_391 = vector.broadcast %and3A_390 : i32 to vector<16xi32>
      %and3A_392 = arith.andi %get3A_369, %and3A_391 : vector<16xi32>
      %shift_left3A_393 = arith.constant 9 : i32
      %shift_left3A_394 = vector.broadcast %shift_left3A_393 : i32 to vector<16xi32>
      %shift_left3A_395 = arith.shli %and3A_392, %shift_left3A_394 : vector<16xi32>
      %or3A_396 = arith.ori %shift_left3A_389, %shift_left3A_395 : vector<16xi32>
      %and3A_397 = arith.constant 511 : i32
      %and3A_398 = vector.broadcast %and3A_397 : i32 to vector<16xi32>
      %and3A_399 = arith.andi %get3A_373, %and3A_398 : vector<16xi32>
      %or3A_400 = arith.ori %or3A_396, %and3A_399 : vector<16xi32>
      %mul3A_401 = arith.constant 8 : i32
      %mul3A_402 = arith.muli %add3A_86, %mul3A_401 : i32
      %add3A_403 = arith.constant 5 : i32
      %add3A_404 = arith.addi %mul3A_402, %add3A_403 : i32
      %shift_left3A_405 = arith.constant 4 : i32
      %shift_left3A_406 = arith.shli %add3A_404, %shift_left3A_405 : i32
      %add3A_407 = vector.broadcast %shift_left3A_406 : i32 to vector<16xi32>
      %add3A_408 = arith.addi %add3A_407, %iota3A : vector<16xi32>
      %and3A_409 = arith.constant 511 : i32
      %and3A_410 = vector.broadcast %and3A_409 : i32 to vector<16xi32>
      %and3A_411 = arith.andi %add3A_408, %and3A_410 : vector<16xi32>
      %mul3A_412 = arith.constant 513 : i32
      %mul3A_413 = vector.broadcast %mul3A_412 : i32 to vector<16xi32>
      %mul3A_414 = arith.muli %and3A_411, %mul3A_413 : vector<16xi32>
      %add3A_415 = vector.broadcast %add3A_55 : i32 to vector<16xi32>
      %add3A_416 = arith.addi %add3A_415, %mul3A_414 : vector<16xi32>
      %select_n3A_417 = arith.select %and3A_386, %or3A_400, %add3A_416 : vector<16xi1>, vector<16xi32>
      %swap3A_418 = arith.index_cast %add3A_86 : i32 to index
      %swap3A_419 = arith.constant 80 : index
      %swap3A_420 = tpu.vector_load %arg8[%swap3A_418, %swap3A_419] {strides = array<i32>} : memref<64x128xi32, #tpu.memory_space<vmem>>, vector<1x16xi32>,
      %swap3A_421 = vector.shape_cast %swap3A_420 : vector<1x16xi32> to vector<16xi32>
      %swap3A_422 = vector.shape_cast %select_n3A_417 : vector<16xi32> to vector<1x16xi32>
      tpu.vector_store %arg8[%swap3A_418, %swap3A_419], %swap3A_422 {strides = array<i32>} : memref<64x128xi32, #tpu.memory_space<vmem>>, vector<1x16xi32>,
      %get3A_423 = arith.index_cast %add3A_86 : i32 to index
      %get3A_424 = arith.constant 96 : index
      %get3A_425 = tpu.vector_load %arg6[%get3A_423, %get3A_424] {strides = array<i32>} : memref<64x128xi32, #tpu.memory_space<vmem>>, vector<1x16xi32>,
      %get3A_426 = vector.shape_cast %get3A_425 : vector<1x16xi32> to vector<16xi32>
      %get3A_427 = arith.index_cast %add3A_86 : i32 to index
      %get3A_428 = arith.constant 96 : index
      %get3A_429 = tpu.vector_load %arg7[%get3A_427, %get3A_428] {strides = array<i32>} : memref<64x128xi32, #tpu.memory_space<vmem>>, vector<1x16xi32>,
      %get3A_430 = vector.shape_cast %get3A_429 : vector<1x16xi32> to vector<16xi32>
      %shift_right_logical3A_431 = arith.constant 9 : i32
      %shift_right_logical3A_432 = vector.broadcast %shift_right_logical3A_431 : i32 to vector<16xi32>
      %shift_right_logical3A_433 = arith.shrui %get3A_426, %shift_right_logical3A_432 : vector<16xi32>
      %shift_right_logical3A_434 = arith.constant 9 : i32
      %shift_right_logical3A_435 = vector.broadcast %shift_right_logical3A_434 : i32 to vector<16xi32>
      %shift_right_logical3A_436 = arith.shrui %get3A_430, %shift_right_logical3A_435 : vector<16xi32>
      %eq3A_437 = arith.cmpi eq, %shift_right_logical3A_433, %shift_right_logical3A_436 : vector<16xi32>
      %shift_right_logical3A_438 = arith.constant 3 : i32
      %shift_right_logical3A_439 = vector.broadcast %shift_right_logical3A_438 : i32 to vector<16xi32>
      %shift_right_logical3A_440 = arith.shrui %shift_right_logical3A_433, %shift_right_logical3A_439 : vector<16xi32>
      %eq3A_441 = vector.broadcast %arg0 : i32 to vector<16xi32>
      %eq3A_442 = arith.cmpi eq, %shift_right_logical3A_440, %eq3A_441 : vector<16xi32>
      %and3A_443 = arith.andi %eq3A_437, %eq3A_442 : vector<16xi1>
      %shift_left3A_444 = arith.constant 18 : i32
      %shift_left3A_445 = vector.broadcast %shift_left3A_444 : i32 to vector<16xi32>
      %shift_left3A_446 = arith.shli %shift_right_logical3A_433, %shift_left3A_445 : vector<16xi32>
      %and3A_447 = arith.constant 511 : i32
      %and3A_448 = vector.broadcast %and3A_447 : i32 to vector<16xi32>
      %and3A_449 = arith.andi %get3A_426, %and3A_448 : vector<16xi32>
      %shift_left3A_450 = arith.constant 9 : i32
      %shift_left3A_451 = vector.broadcast %shift_left3A_450 : i32 to vector<16xi32>
      %shift_left3A_452 = arith.shli %and3A_449, %shift_left3A_451 : vector<16xi32>
      %or3A_453 = arith.ori %shift_left3A_446, %shift_left3A_452 : vector<16xi32>
      %and3A_454 = arith.constant 511 : i32
      %and3A_455 = vector.broadcast %and3A_454 : i32 to vector<16xi32>
      %and3A_456 = arith.andi %get3A_430, %and3A_455 : vector<16xi32>
      %or3A_457 = arith.ori %or3A_453, %and3A_456 : vector<16xi32>
      %mul3A_458 = arith.constant 8 : i32
      %mul3A_459 = arith.muli %add3A_86, %mul3A_458 : i32
      %add3A_460 = arith.constant 6 : i32
      %add3A_461 = arith.addi %mul3A_459, %add3A_460 : i32
      %shift_left3A_462 = arith.constant 4 : i32
      %shift_left3A_463 = arith.shli %add3A_461, %shift_left3A_462 : i32
      %add3A_464 = vector.broadcast %shift_left3A_463 : i32 to vector<16xi32>
      %add3A_465 = arith.addi %add3A_464, %iota3A : vector<16xi32>
      %and3A_466 = arith.constant 511 : i32
      %and3A_467 = vector.broadcast %and3A_466 : i32 to vector<16xi32>
      %and3A_468 = arith.andi %add3A_465, %and3A_467 : vector<16xi32>
      %mul3A_469 = arith.constant 513 : i32
      %mul3A_470 = vector.broadcast %mul3A_469 : i32 to vector<16xi32>
      %mul3A_471 = arith.muli %and3A_468, %mul3A_470 : vector<16xi32>
      %add3A_472 = vector.broadcast %add3A_55 : i32 to vector<16xi32>
      %add3A_473 = arith.addi %add3A_472, %mul3A_471 : vector<16xi32>
      %select_n3A_474 = arith.select %and3A_443, %or3A_457, %add3A_473 : vector<16xi1>, vector<16xi32>
      %swap3A_475 = arith.index_cast %add3A_86 : i32 to index
      %swap3A_476 = arith.constant 96 : index
      %swap3A_477 = tpu.vector_load %arg8[%swap3A_475, %swap3A_476] {strides = array<i32>} : memref<64x128xi32, #tpu.memory_space<vmem>>, vector<1x16xi32>,
      %swap3A_478 = vector.shape_cast %swap3A_477 : vector<1x16xi32> to vector<16xi32>
      %swap3A_479 = vector.shape_cast %select_n3A_474 : vector<16xi32> to vector<1x16xi32>
      tpu.vector_store %arg8[%swap3A_475, %swap3A_476], %swap3A_479 {strides = array<i32>} : memref<64x128xi32, #tpu.memory_space<vmem>>, vector<1x16xi32>,
      %get3A_480 = arith.index_cast %add3A_86 : i32 to index
      %get3A_481 = arith.constant 112 : index
      %get3A_482 = tpu.vector_load %arg6[%get3A_480, %get3A_481] {strides = array<i32>} : memref<64x128xi32, #tpu.memory_space<vmem>>, vector<1x16xi32>,
      %get3A_483 = vector.shape_cast %get3A_482 : vector<1x16xi32> to vector<16xi32>
      %get3A_484 = arith.index_cast %add3A_86 : i32 to index
      %get3A_485 = arith.constant 112 : index
      %get3A_486 = tpu.vector_load %arg7[%get3A_484, %get3A_485] {strides = array<i32>} : memref<64x128xi32, #tpu.memory_space<vmem>>, vector<1x16xi32>,
      %get3A_487 = vector.shape_cast %get3A_486 : vector<1x16xi32> to vector<16xi32>
      %shift_right_logical3A_488 = arith.constant 9 : i32
      %shift_right_logical3A_489 = vector.broadcast %shift_right_logical3A_488 : i32 to vector<16xi32>
      %shift_right_logical3A_490 = arith.shrui %get3A_483, %shift_right_logical3A_489 : vector<16xi32>
      %shift_right_logical3A_491 = arith.constant 9 : i32
      %shift_right_logical3A_492 = vector.broadcast %shift_right_logical3A_491 : i32 to vector<16xi32>
      %shift_right_logical3A_493 = arith.shrui %get3A_487, %shift_right_logical3A_492 : vector<16xi32>
      %eq3A_494 = arith.cmpi eq, %shift_right_logical3A_490, %shift_right_logical3A_493 : vector<16xi32>
      %shift_right_logical3A_495 = arith.constant 3 : i32
      %shift_right_logical3A_496 = vector.broadcast %shift_right_logical3A_495 : i32 to vector<16xi32>
      %shift_right_logical3A_497 = arith.shrui %shift_right_logical3A_490, %shift_right_logical3A_496 : vector<16xi32>
      %eq3A_498 = vector.broadcast %arg0 : i32 to vector<16xi32>
      %eq3A_499 = arith.cmpi eq, %shift_right_logical3A_497, %eq3A_498 : vector<16xi32>
      %and3A_500 = arith.andi %eq3A_494, %eq3A_499 : vector<16xi1>
      %shift_left3A_501 = arith.constant 18 : i32
      %shift_left3A_502 = vector.broadcast %shift_left3A_501 : i32 to vector<16xi32>
      %shift_left3A_503 = arith.shli %shift_right_logical3A_490, %shift_left3A_502 : vector<16xi32>
      %and3A_504 = arith.constant 511 : i32
      %and3A_505 = vector.broadcast %and3A_504 : i32 to vector<16xi32>
      %and3A_506 = arith.andi %get3A_483, %and3A_505 : vector<16xi32>
      %shift_left3A_507 = arith.constant 9 : i32
      %shift_left3A_508 = vector.broadcast %shift_left3A_507 : i32 to vector<16xi32>
      %shift_left3A_509 = arith.shli %and3A_506, %shift_left3A_508 : vector<16xi32>
      %or3A_510 = arith.ori %shift_left3A_503, %shift_left3A_509 : vector<16xi32>
      %and3A_511 = arith.constant 511 : i32
      %and3A_512 = vector.broadcast %and3A_511 : i32 to vector<16xi32>
      %and3A_513 = arith.andi %get3A_487, %and3A_512 : vector<16xi32>
      %or3A_514 = arith.ori %or3A_510, %and3A_513 : vector<16xi32>
      %mul3A_515 = arith.constant 8 : i32
      %mul3A_516 = arith.muli %add3A_86, %mul3A_515 : i32
      %add3A_517 = arith.constant 7 : i32
      %add3A_518 = arith.addi %mul3A_516, %add3A_517 : i32
      %shift_left3A_519 = arith.constant 4 : i32
      %shift_left3A_520 = arith.shli %add3A_518, %shift_left3A_519 : i32
      %add3A_521 = vector.broadcast %shift_left3A_520 : i32 to vector<16xi32>
      %add3A_522 = arith.addi %add3A_521, %iota3A : vector<16xi32>
      %and3A_523 = arith.constant 511 : i32
      %and3A_524 = vector.broadcast %and3A_523 : i32 to vector<16xi32>
      %and3A_525 = arith.andi %add3A_522, %and3A_524 : vector<16xi32>
      %mul3A_526 = arith.constant 513 : i32
      %mul3A_527 = vector.broadcast %mul3A_526 : i32 to vector<16xi32>
      %mul3A_528 = arith.muli %and3A_525, %mul3A_527 : vector<16xi32>
      %add3A_529 = vector.broadcast %add3A_55 : i32 to vector<16xi32>
      %add3A_530 = arith.addi %add3A_529, %mul3A_528 : vector<16xi32>
      %select_n3A_531 = arith.select %and3A_500, %or3A_514, %add3A_530 : vector<16xi1>, vector<16xi32>
      %swap3A_532 = arith.index_cast %add3A_86 : i32 to index
      %swap3A_533 = arith.constant 112 : index
      %swap3A_534 = tpu.vector_load %arg8[%swap3A_532, %swap3A_533] {strides = array<i32>} : memref<64x128xi32, #tpu.memory_space<vmem>>, vector<1x16xi32>,
      %swap3A_535 = vector.shape_cast %swap3A_534 : vector<1x16xi32> to vector<16xi32>
      %swap3A_536 = vector.shape_cast %select_n3A_531 : vector<16xi32> to vector<1x16xi32>
      tpu.vector_store %arg8[%swap3A_532, %swap3A_533], %swap3A_536 {strides = array<i32>} : memref<64x128xi32, #tpu.memory_space<vmem>>, vector<1x16xi32>,
    }
    %scan3A_60 = arith.constant 64 : i32
    %barrier3A = arith.constant 0 : index
    tpu.barrier barrier_id(%barrier3A)
    %scan3A_61 = arith.constant 0 : i32
    %scan3A_62 = arith.constant 64 : i32
    %scan3A_63 = arith.addi %scan3A_61, %scan3A_62 : i32
    %scan3A_64 = arith.constant 1 : i32
    scf.for %scan3A_82 = %scan3A_61 to %scan3A_63 step %scan3A_64  : i32 {
      %mul3A_83 = arith.constant 1 : i32
      %mul3A_84 = arith.muli %scan3A_82, %mul3A_83 : i32
      %add3A_85 = arith.constant 0 : i32
      %add3A_86 = arith.addi %add3A_85, %mul3A_84 : i32
      "tpu.region"() ({
        %run_scoped3A_87 = tpu.sem_alloc : memref<!tpu.dma_semaphore, #tpu.memory_space<semaphore_mem>>
        %dma_start3A = arith.constant 0 : i32
        %dma_start3A_88 = tpu.memref_slice %arg8[%add3A_86, %dma_start3A] : memref<64x128xi32, #tpu.memory_space<vmem>> -> memref<1x128xi32, #tpu.memory_space<vmem>>
        %dma_start3A_89 = tpu.memref_squeeze %dma_start3A_88 : memref<1x128xi32, #tpu.memory_space<vmem>> -> memref<128xi32, #tpu.memory_space<vmem>>
        %dma_start3A_90 = arith.constant 0 : i32
        %dma_start3A_91 = tpu.memref_slice %arg5[%dma_start3A_90] : memref<4194304xf32, #tpu.memory_space<hbm>> -> memref<4194304xf32, #tpu.memory_space<hbm>>
        tpu.enqueue_indirect_dma source(%arg11 : memref<128xf32, #tpu.memory_space<vmem>>) target(%dma_start3A_91 : memref<4194304xf32, #tpu.memory_space<hbm>>) offsets(%dma_start3A_89 : memref<128xi32, #tpu.memory_space<vmem>>) semaphore(%run_scoped3A_87 : memref<!tpu.dma_semaphore, #tpu.memory_space<semaphore_mem>>)
        %dma_wait3A = arith.constant 0 : i32
        %dma_wait3A_92 = tpu.memref_slice %arg8[%add3A_86, %dma_wait3A] : memref<64x128xi32, #tpu.memory_space<vmem>> -> memref<1x128xi32, #tpu.memory_space<vmem>>
        %dma_wait3A_93 = tpu.memref_squeeze %dma_wait3A_92 : memref<1x128xi32, #tpu.memory_space<vmem>> -> memref<128xi32, #tpu.memory_space<vmem>>
        %dma_wait3A_94 = arith.constant 0 : i32
        %dma_wait3A_95 = tpu.memref_slice %arg5[%dma_wait3A_94] : memref<4194304xf32, #tpu.memory_space<hbm>> -> memref<4194304xf32, #tpu.memory_space<hbm>>
        tpu.wait_indirect_dma semaphore(%run_scoped3A_87 : memref<!tpu.dma_semaphore, #tpu.memory_space<semaphore_mem>>) src(%arg11 : memref<128xf32, #tpu.memory_space<vmem>>) dst(%dma_wait3A_95 : memref<4194304xf32, #tpu.memory_space<hbm>>)
        tpu.yield
      }) : () -> ()
    }
    %scan3A_65 = arith.constant 64 : i32
    %scan3A_66 = arith.constant 0 : i32
    %scan3A_67 = arith.constant 32 : i32
    %scan3A_68 = arith.addi %scan3A_66, %scan3A_67 : i32
    %scan3A_69 = arith.constant 1 : i32
    scf.for %scan3A_82 = %scan3A_66 to %scan3A_68 step %scan3A_69  : i32 {
      %mul3A_83 = arith.constant 1 : i32
      %mul3A_84 = arith.muli %scan3A_82, %mul3A_83 : i32
      %add3A_85 = arith.constant 0 : i32
      %add3A_86 = arith.addi %add3A_85, %mul3A_84 : i32
      "tpu.region"() ({
        %run_scoped3A_87 = tpu.sem_alloc : memref<!tpu.dma_semaphore, #tpu.memory_space<semaphore_mem>>
        %dma_start3A = arith.constant 0 : i32
        %dma_start3A_88 = tpu.memref_slice %arg9[%add3A_86, %dma_start3A] : memref<32x128xi32, #tpu.memory_space<vmem>> -> memref<1x128xi32, #tpu.memory_space<vmem>>
        %dma_start3A_89 = tpu.memref_squeeze %dma_start3A_88 : memref<1x128xi32, #tpu.memory_space<vmem>> -> memref<128xi32, #tpu.memory_space<vmem>>
        %dma_start3A_90 = arith.constant 0 : i32
        %dma_start3A_91 = tpu.memref_slice %arg13[%dma_start3A_90] : memref<8192xf32, #tpu.memory_space<vmem_shared>> -> memref<8192xf32, #tpu.memory_space<vmem_shared>>
        tpu.enqueue_indirect_dma source(%arg11 : memref<128xf32, #tpu.memory_space<vmem>>) target(%dma_start3A_91 : memref<8192xf32, #tpu.memory_space<vmem_shared>>) offsets(%dma_start3A_89 : memref<128xi32, #tpu.memory_space<vmem>>) semaphore(%run_scoped3A_87 : memref<!tpu.dma_semaphore, #tpu.memory_space<semaphore_mem>>) {add = true}
        %dma_wait3A = arith.constant 0 : i32
        %dma_wait3A_92 = tpu.memref_slice %arg9[%add3A_86, %dma_wait3A] : memref<32x128xi32, #tpu.memory_space<vmem>> -> memref<1x128xi32, #tpu.memory_space<vmem>>
        %dma_wait3A_93 = tpu.memref_squeeze %dma_wait3A_92 : memref<1x128xi32, #tpu.memory_space<vmem>> -> memref<128xi32, #tpu.memory_space<vmem>>
        %dma_wait3A_94 = arith.constant 0 : i32
        %dma_wait3A_95 = tpu.memref_slice %arg13[%dma_wait3A_94] : memref<8192xf32, #tpu.memory_space<vmem_shared>> -> memref<8192xf32, #tpu.memory_space<vmem_shared>>
        tpu.wait_indirect_dma semaphore(%run_scoped3A_87 : memref<!tpu.dma_semaphore, #tpu.memory_space<semaphore_mem>>) src(%arg11 : memref<128xf32, #tpu.memory_space<vmem>>) dst(%dma_wait3A_95 : memref<8192xf32, #tpu.memory_space<vmem_shared>>)
        tpu.yield
      }) : () -> ()
      "tpu.region"() ({
        %run_scoped3A_87 = tpu.sem_alloc : memref<!tpu.dma_semaphore, #tpu.memory_space<semaphore_mem>>
        %dma_start3A = arith.constant 0 : i32
        %dma_start3A_88 = tpu.memref_slice %arg10[%add3A_86, %dma_start3A] : memref<32x128xi32, #tpu.memory_space<vmem>> -> memref<1x128xi32, #tpu.memory_space<vmem>>
        %dma_start3A_89 = tpu.memref_squeeze %dma_start3A_88 : memref<1x128xi32, #tpu.memory_space<vmem>> -> memref<128xi32, #tpu.memory_space<vmem>>
        %dma_start3A_90 = arith.constant 0 : i32
        %dma_start3A_91 = tpu.memref_slice %arg14[%dma_start3A_90] : memref<8192xf32, #tpu.memory_space<vmem_shared>> -> memref<8192xf32, #tpu.memory_space<vmem_shared>>
        tpu.enqueue_indirect_dma source(%arg11 : memref<128xf32, #tpu.memory_space<vmem>>) target(%dma_start3A_91 : memref<8192xf32, #tpu.memory_space<vmem_shared>>) offsets(%dma_start3A_89 : memref<128xi32, #tpu.memory_space<vmem>>) semaphore(%run_scoped3A_87 : memref<!tpu.dma_semaphore, #tpu.memory_space<semaphore_mem>>) {add = true}
        %dma_wait3A = arith.constant 0 : i32
        %dma_wait3A_92 = tpu.memref_slice %arg10[%add3A_86, %dma_wait3A] : memref<32x128xi32, #tpu.memory_space<vmem>> -> memref<1x128xi32, #tpu.memory_space<vmem>>
        %dma_wait3A_93 = tpu.memref_squeeze %dma_wait3A_92 : memref<1x128xi32, #tpu.memory_space<vmem>> -> memref<128xi32, #tpu.memory_space<vmem>>
        %dma_wait3A_94 = arith.constant 0 : i32
        %dma_wait3A_95 = tpu.memref_slice %arg14[%dma_wait3A_94] : memref<8192xf32, #tpu.memory_space<vmem_shared>> -> memref<8192xf32, #tpu.memory_space<vmem_shared>>
        tpu.wait_indirect_dma semaphore(%run_scoped3A_87 : memref<!tpu.dma_semaphore, #tpu.memory_space<semaphore_mem>>) src(%arg11 : memref<128xf32, #tpu.memory_space<vmem>>) dst(%dma_wait3A_95 : memref<8192xf32, #tpu.memory_space<vmem_shared>>)
        tpu.yield
      }) : () -> ()
    }
    %scan3A_70 = arith.constant 32 : i32
    %barrier3A_71 = arith.constant 0 : index
    tpu.barrier barrier_id(%barrier3A_71)
    %eq3A_72 = arith.constant 0 : i32
    %eq3A_73 = arith.cmpi eq, %arg1, %eq3A_72 : i32
    %convert_element_type3A_74 = arith.extui %eq3A_73 : i1 to i32
    %cond3A_75 = arith.constant 0 : i32
    %cond3A_76 = arith.cmpi ne, %convert_element_type3A_74, %cond3A_75 : i32
    scf.if %cond3A_76 {
      "tpu.region"() ({
        %run_scoped3A_82 = tpu.sem_alloc : memref<!tpu.dma_semaphore, #tpu.memory_space<semaphore_mem>>
        %dma_start3A = arith.constant 0 : i32
        %dma_start3A_83 = tpu.memref_slice %arg12[%dma_start3A] : memref<16384xf32, #tpu.memory_space<vmem>> -> memref<8192xf32, #tpu.memory_space<vmem>>
        %dma_start3A_84 = arith.constant 0 : i32
        %dma_start3A_85 = tpu.memref_slice %arg12[%dma_start3A_84] : memref<16384xf32, #tpu.memory_space<vmem>> -> memref<8192xf32, #tpu.memory_space<vmem>>
        tpu.enqueue_dma source(%arg13 : memref<8192xf32, #tpu.memory_space<vmem_shared>>) target(%dma_start3A_85 : memref<8192xf32, #tpu.memory_space<vmem>>) target_semaphore(%run_scoped3A_82 : memref<!tpu.dma_semaphore, #tpu.memory_space<semaphore_mem>>)
        %dma_wait3A = arith.constant 0 : i32
        %dma_wait3A_86 = tpu.memref_slice %arg12[%dma_wait3A] : memref<16384xf32, #tpu.memory_space<vmem>> -> memref<8192xf32, #tpu.memory_space<vmem>>
        %dma_wait3A_87 = arith.constant 0 : i32
        %dma_wait3A_88 = tpu.memref_slice %arg12[%dma_wait3A_87] : memref<16384xf32, #tpu.memory_space<vmem>> -> memref<8192xf32, #tpu.memory_space<vmem>>
        tpu.wait_dma2 semaphore(%run_scoped3A_82 : memref<!tpu.dma_semaphore, #tpu.memory_space<semaphore_mem>>) src(%arg13 : memref<8192xf32, #tpu.memory_space<vmem_shared>>) dst(%dma_wait3A_88 : memref<8192xf32, #tpu.memory_space<vmem>>)
        tpu.yield
      }) : () -> ()
      "tpu.region"() ({
        %run_scoped3A_82 = tpu.sem_alloc : memref<!tpu.dma_semaphore, #tpu.memory_space<semaphore_mem>>
        %dma_start3A = arith.constant 0 : i32
        %dma_start3A_83 = tpu.memref_slice %arg12[%dma_start3A] : memref<16384xf32, #tpu.memory_space<vmem>> -> memref<8192xf32, #tpu.memory_space<vmem>>
        %dma_start3A_84 = arith.constant 0 : i32
        %dma_start3A_85 = tpu.memref_slice %arg3[%arg0, %dma_start3A_84] : memref<2x8192xf32, #tpu.memory_space<hbm>> -> memref<1x8192xf32, #tpu.memory_space<hbm>>
        %dma_start3A_86 = tpu.memref_squeeze %dma_start3A_85 : memref<1x8192xf32, #tpu.memory_space<hbm>> -> memref<8192xf32, #tpu.memory_space<hbm>>
        %dma_start3A_87 = arith.constant 0 : i32
        %dma_start3A_88 = tpu.memref_slice %arg3[%arg0, %dma_start3A_87] : memref<2x8192xf32, #tpu.memory_space<hbm>> -> memref<1x8192xf32, #tpu.memory_space<hbm>>
        %dma_start3A_89 = tpu.memref_squeeze %dma_start3A_88 : memref<1x8192xf32, #tpu.memory_space<hbm>> -> memref<8192xf32, #tpu.memory_space<hbm>>
        %dma_start3A_90 = arith.constant 0 : i32
        %dma_start3A_91 = tpu.memref_slice %arg12[%dma_start3A_90] : memref<16384xf32, #tpu.memory_space<vmem>> -> memref<8192xf32, #tpu.memory_space<vmem>>
        tpu.enqueue_dma source(%dma_start3A_91 : memref<8192xf32, #tpu.memory_space<vmem>>) target(%dma_start3A_89 : memref<8192xf32, #tpu.memory_space<hbm>>) target_semaphore(%run_scoped3A_82 : memref<!tpu.dma_semaphore, #tpu.memory_space<semaphore_mem>>)
        %dma_wait3A = arith.constant 0 : i32
        %dma_wait3A_92 = tpu.memref_slice %arg12[%dma_wait3A] : memref<16384xf32, #tpu.memory_space<vmem>> -> memref<8192xf32, #tpu.memory_space<vmem>>
        %dma_wait3A_93 = arith.constant 0 : i32
        %dma_wait3A_94 = tpu.memref_slice %arg3[%arg0, %dma_wait3A_93] : memref<2x8192xf32, #tpu.memory_space<hbm>> -> memref<1x8192xf32, #tpu.memory_space<hbm>>
        %dma_wait3A_95 = tpu.memref_squeeze %dma_wait3A_94 : memref<1x8192xf32, #tpu.memory_space<hbm>> -> memref<8192xf32, #tpu.memory_space<hbm>>
        %dma_wait3A_96 = arith.constant 0 : i32
        %dma_wait3A_97 = tpu.memref_slice %arg3[%arg0, %dma_wait3A_96] : memref<2x8192xf32, #tpu.memory_space<hbm>> -> memref<1x8192xf32, #tpu.memory_space<hbm>>
        %dma_wait3A_98 = tpu.memref_squeeze %dma_wait3A_97 : memref<1x8192xf32, #tpu.memory_space<hbm>> -> memref<8192xf32, #tpu.memory_space<hbm>>
        %dma_wait3A_99 = arith.constant 0 : i32
        %dma_wait3A_100 = tpu.memref_slice %arg12[%dma_wait3A_99] : memref<16384xf32, #tpu.memory_space<vmem>> -> memref<8192xf32, #tpu.memory_space<vmem>>
        tpu.wait_dma2 semaphore(%run_scoped3A_82 : memref<!tpu.dma_semaphore, #tpu.memory_space<semaphore_mem>>) src(%dma_wait3A_100 : memref<8192xf32, #tpu.memory_space<vmem>>) dst(%dma_wait3A_98 : memref<8192xf32, #tpu.memory_space<hbm>>)
        tpu.yield
      }) : () -> ()
    } else {
    }
    %eq3A_77 = arith.constant 1 : i32
    %eq3A_78 = arith.cmpi eq, %arg1, %eq3A_77 : i32
    %convert_element_type3A_79 = arith.extui %eq3A_78 : i1 to i32
    %cond3A_80 = arith.constant 0 : i32
    %cond3A_81 = arith.cmpi ne, %convert_element_type3A_79, %cond3A_80 : i32
    scf.if %cond3A_81 {
      "tpu.region"() ({
        %run_scoped3A_82 = tpu.sem_alloc : memref<!tpu.dma_semaphore, #tpu.memory_space<semaphore_mem>>
        %dma_start3A = arith.constant 0 : i32
        %dma_start3A_83 = tpu.memref_slice %arg12[%dma_start3A] : memref<16384xf32, #tpu.memory_space<vmem>> -> memref<8192xf32, #tpu.memory_space<vmem>>
        %dma_start3A_84 = arith.constant 0 : i32
        %dma_start3A_85 = tpu.memref_slice %arg12[%dma_start3A_84] : memref<16384xf32, #tpu.memory_space<vmem>> -> memref<8192xf32, #tpu.memory_space<vmem>>
        tpu.enqueue_dma source(%arg14 : memref<8192xf32, #tpu.memory_space<vmem_shared>>) target(%dma_start3A_85 : memref<8192xf32, #tpu.memory_space<vmem>>) target_semaphore(%run_scoped3A_82 : memref<!tpu.dma_semaphore, #tpu.memory_space<semaphore_mem>>)
        %dma_wait3A = arith.constant 0 : i32
        %dma_wait3A_86 = tpu.memref_slice %arg12[%dma_wait3A] : memref<16384xf32, #tpu.memory_space<vmem>> -> memref<8192xf32, #tpu.memory_space<vmem>>
        %dma_wait3A_87 = arith.constant 0 : i32
        %dma_wait3A_88 = tpu.memref_slice %arg12[%dma_wait3A_87] : memref<16384xf32, #tpu.memory_space<vmem>> -> memref<8192xf32, #tpu.memory_space<vmem>>
        tpu.wait_dma2 semaphore(%run_scoped3A_82 : memref<!tpu.dma_semaphore, #tpu.memory_space<semaphore_mem>>) src(%arg14 : memref<8192xf32, #tpu.memory_space<vmem_shared>>) dst(%dma_wait3A_88 : memref<8192xf32, #tpu.memory_space<vmem>>)
        tpu.yield
      }) : () -> ()
      "tpu.region"() ({
        %run_scoped3A_82 = tpu.sem_alloc : memref<!tpu.dma_semaphore, #tpu.memory_space<semaphore_mem>>
        %dma_start3A = arith.constant 0 : i32
        %dma_start3A_83 = tpu.memref_slice %arg12[%dma_start3A] : memref<16384xf32, #tpu.memory_space<vmem>> -> memref<8192xf32, #tpu.memory_space<vmem>>
        %dma_start3A_84 = arith.constant 0 : i32
        %dma_start3A_85 = tpu.memref_slice %arg4[%arg0, %dma_start3A_84] : memref<2x8192xf32, #tpu.memory_space<hbm>> -> memref<1x8192xf32, #tpu.memory_space<hbm>>
        %dma_start3A_86 = tpu.memref_squeeze %dma_start3A_85 : memref<1x8192xf32, #tpu.memory_space<hbm>> -> memref<8192xf32, #tpu.memory_space<hbm>>
        %dma_start3A_87 = arith.constant 0 : i32
        %dma_start3A_88 = tpu.memref_slice %arg4[%arg0, %dma_start3A_87] : memref<2x8192xf32, #tpu.memory_space<hbm>> -> memref<1x8192xf32, #tpu.memory_space<hbm>>
        %dma_start3A_89 = tpu.memref_squeeze %dma_start3A_88 : memref<1x8192xf32, #tpu.memory_space<hbm>> -> memref<8192xf32, #tpu.memory_space<hbm>>
        %dma_start3A_90 = arith.constant 0 : i32
        %dma_start3A_91 = tpu.memref_slice %arg12[%dma_start3A_90] : memref<16384xf32, #tpu.memory_space<vmem>> -> memref<8192xf32, #tpu.memory_space<vmem>>
        tpu.enqueue_dma source(%dma_start3A_91 : memref<8192xf32, #tpu.memory_space<vmem>>) target(%dma_start3A_89 : memref<8192xf32, #tpu.memory_space<hbm>>) target_semaphore(%run_scoped3A_82 : memref<!tpu.dma_semaphore, #tpu.memory_space<semaphore_mem>>)
        %dma_wait3A = arith.constant 0 : i32
        %dma_wait3A_92 = tpu.memref_slice %arg12[%dma_wait3A] : memref<16384xf32, #tpu.memory_space<vmem>> -> memref<8192xf32, #tpu.memory_space<vmem>>
        %dma_wait3A_93 = arith.constant 0 : i32
        %dma_wait3A_94 = tpu.memref_slice %arg4[%arg0, %dma_wait3A_93] : memref<2x8192xf32, #tpu.memory_space<hbm>> -> memref<1x8192xf32, #tpu.memory_space<hbm>>
        %dma_wait3A_95 = tpu.memref_squeeze %dma_wait3A_94 : memref<1x8192xf32, #tpu.memory_space<hbm>> -> memref<8192xf32, #tpu.memory_space<hbm>>
        %dma_wait3A_96 = arith.constant 0 : i32
        %dma_wait3A_97 = tpu.memref_slice %arg4[%arg0, %dma_wait3A_96] : memref<2x8192xf32, #tpu.memory_space<hbm>> -> memref<1x8192xf32, #tpu.memory_space<hbm>>
        %dma_wait3A_98 = tpu.memref_squeeze %dma_wait3A_97 : memref<1x8192xf32, #tpu.memory_space<hbm>> -> memref<8192xf32, #tpu.memory_space<hbm>>
        %dma_wait3A_99 = arith.constant 0 : i32
        %dma_wait3A_100 = tpu.memref_slice %arg12[%dma_wait3A_99] : memref<16384xf32, #tpu.memory_space<vmem>> -> memref<8192xf32, #tpu.memory_space<vmem>>
        tpu.wait_dma2 semaphore(%run_scoped3A_82 : memref<!tpu.dma_semaphore, #tpu.memory_space<semaphore_mem>>) src(%dma_wait3A_100 : memref<8192xf32, #tpu.memory_space<vmem>>) dst(%dma_wait3A_98 : memref<8192xf32, #tpu.memory_space<hbm>>)
        tpu.yield
      }) : () -> ()
    } else {
    }
    return
  }
}

#map = affine_map<(d0, d1) -> (0, 0)>
module attributes {stable_mosaic.version = 14 : i64} {
  func.func @k(%arg0: i32, %arg1: i32, %arg2: memref<8192x128xf32, #tpu.memory_space<hbm>>, %arg3: memref<64x128xi32, #tpu.memory_space<hbm>>, %arg4: memref<8192x128xf32, #tpu.memory_space<hbm>>, %arg5: memref<2x128xi32, #tpu.memory_space<vmem>>, %arg6: memref<256x128xf32, #tpu.memory_space<vmem>>, %arg7: memref<!tpu.dma_semaphore, #tpu.memory_space<semaphore_mem>>) attributes {dimension_semantics = [#tpu.dimension_semantics<core_parallel>, #tpu.dimension_semantics<subcore_parallel>], iteration_bounds = array<i64: 2, 16>, scalar_prefetch = 0 : i64, scratch_operands = 3 : i64, tpu.core_type = #tpu.core_type<sc_vector_subcore>, window_params = [{transform_indices = #map}, {transform_indices = #map}, {transform_indices = #map}]} {
    %mul3A = arith.constant 16 : i32
    %mul3A_0 = arith.muli %arg0, %mul3A : i32
    %add3A = arith.addi %mul3A_0, %arg1 : i32
    %mul3A_1 = arith.constant 2 : i32
    %mul3A_2 = arith.muli %add3A, %mul3A_1 : i32
    "tpu.region"() ({
      %run_scoped3A = tpu.sem_alloc : memref<!tpu.dma_semaphore, #tpu.memory_space<semaphore_mem>>
      %dma_start3A_43 = arith.constant 0 : i32
      %dma_start3A_44 = tpu.memref_slice %arg3[%mul3A_2, %dma_start3A_43] : memref<64x128xi32, #tpu.memory_space<hbm>> -> memref<2x128xi32, #tpu.memory_space<hbm>>
      %dma_start3A_45 = arith.constant 0 : i32
      %dma_start3A_46 = tpu.memref_slice %arg3[%mul3A_2, %dma_start3A_45] : memref<64x128xi32, #tpu.memory_space<hbm>> -> memref<2x128xi32, #tpu.memory_space<hbm>>
      tpu.enqueue_dma source(%dma_start3A_46 : memref<2x128xi32, #tpu.memory_space<hbm>>) target(%arg5 : memref<2x128xi32, #tpu.memory_space<vmem>>) target_semaphore(%run_scoped3A : memref<!tpu.dma_semaphore, #tpu.memory_space<semaphore_mem>>)
      %dma_wait3A_47 = arith.constant 0 : i32
      %dma_wait3A_48 = tpu.memref_slice %arg3[%mul3A_2, %dma_wait3A_47] : memref<64x128xi32, #tpu.memory_space<hbm>> -> memref<2x128xi32, #tpu.memory_space<hbm>>
      %dma_wait3A_49 = arith.constant 0 : i32
      %dma_wait3A_50 = tpu.memref_slice %arg3[%mul3A_2, %dma_wait3A_49] : memref<64x128xi32, #tpu.memory_space<hbm>> -> memref<2x128xi32, #tpu.memory_space<hbm>>
      tpu.wait_dma2 semaphore(%run_scoped3A : memref<!tpu.dma_semaphore, #tpu.memory_space<semaphore_mem>>) src(%dma_wait3A_50 : memref<2x128xi32, #tpu.memory_space<hbm>>) dst(%arg5 : memref<2x128xi32, #tpu.memory_space<vmem>>)
      tpu.yield
    }) : () -> ()
    %dma_start3A = arith.constant 0 : i32
    %dma_start3A_3 = arith.constant 0 : i32
    %dma_start3A_4 = arith.constant 0 : i32
    %dma_start3A_5 = tpu.memref_slice %arg6[%dma_start3A_3, %dma_start3A_4] : memref<256x128xf32, #tpu.memory_space<vmem>> -> memref<128x128xf32, #tpu.memory_space<vmem>>
    %dma_start3A_6 = arith.constant 0 : i32
    %dma_start3A_7 = tpu.memref_slice %arg5[%dma_start3A, %dma_start3A_6] : memref<2x128xi32, #tpu.memory_space<vmem>> -> memref<1x128xi32, #tpu.memory_space<vmem>>
    %dma_start3A_8 = tpu.memref_squeeze %dma_start3A_7 : memref<1x128xi32, #tpu.memory_space<vmem>> -> memref<128xi32, #tpu.memory_space<vmem>>
    %dma_start3A_9 = arith.constant 0 : i32
    %dma_start3A_10 = arith.constant 0 : i32
    %dma_start3A_11 = tpu.memref_slice %arg2[%dma_start3A_9, %dma_start3A_10] : memref<8192x128xf32, #tpu.memory_space<hbm>> -> memref<8192x128xf32, #tpu.memory_space<hbm>>
    tpu.enqueue_indirect_dma source(%dma_start3A_11 : memref<8192x128xf32, #tpu.memory_space<hbm>>) target(%dma_start3A_5 : memref<128x128xf32, #tpu.memory_space<vmem>>) offsets(%dma_start3A_8 : memref<128xi32, #tpu.memory_space<vmem>>) semaphore(%arg7 : memref<!tpu.dma_semaphore, #tpu.memory_space<semaphore_mem>>)
    %dma_start3A_12 = arith.constant 1 : i32
    %dma_start3A_13 = arith.constant 128 : i32
    %dma_start3A_14 = arith.constant 0 : i32
    %dma_start3A_15 = tpu.memref_slice %arg6[%dma_start3A_13, %dma_start3A_14] : memref<256x128xf32, #tpu.memory_space<vmem>> -> memref<128x128xf32, #tpu.memory_space<vmem>>
    %dma_start3A_16 = arith.constant 0 : i32
    %dma_start3A_17 = tpu.memref_slice %arg5[%dma_start3A_12, %dma_start3A_16] : memref<2x128xi32, #tpu.memory_space<vmem>> -> memref<1x128xi32, #tpu.memory_space<vmem>>
    %dma_start3A_18 = tpu.memref_squeeze %dma_start3A_17 : memref<1x128xi32, #tpu.memory_space<vmem>> -> memref<128xi32, #tpu.memory_space<vmem>>
    %dma_start3A_19 = arith.constant 0 : i32
    %dma_start3A_20 = arith.constant 0 : i32
    %dma_start3A_21 = tpu.memref_slice %arg2[%dma_start3A_19, %dma_start3A_20] : memref<8192x128xf32, #tpu.memory_space<hbm>> -> memref<8192x128xf32, #tpu.memory_space<hbm>>
    tpu.enqueue_indirect_dma source(%dma_start3A_21 : memref<8192x128xf32, #tpu.memory_space<hbm>>) target(%dma_start3A_15 : memref<128x128xf32, #tpu.memory_space<vmem>>) offsets(%dma_start3A_18 : memref<128xi32, #tpu.memory_space<vmem>>) semaphore(%arg7 : memref<!tpu.dma_semaphore, #tpu.memory_space<semaphore_mem>>)
    %dma_wait3A = arith.constant 0 : i32
    %dma_wait3A_22 = arith.constant 0 : i32
    %dma_wait3A_23 = arith.constant 0 : i32
    %dma_wait3A_24 = tpu.memref_slice %arg6[%dma_wait3A_22, %dma_wait3A_23] : memref<256x128xf32, #tpu.memory_space<vmem>> -> memref<128x128xf32, #tpu.memory_space<vmem>>
    %dma_wait3A_25 = arith.constant 0 : i32
    %dma_wait3A_26 = tpu.memref_slice %arg5[%dma_wait3A, %dma_wait3A_25] : memref<2x128xi32, #tpu.memory_space<vmem>> -> memref<1x128xi32, #tpu.memory_space<vmem>>
    %dma_wait3A_27 = tpu.memref_squeeze %dma_wait3A_26 : memref<1x128xi32, #tpu.memory_space<vmem>> -> memref<128xi32, #tpu.memory_space<vmem>>
    %dma_wait3A_28 = arith.constant 0 : i32
    %dma_wait3A_29 = arith.constant 0 : i32
    %dma_wait3A_30 = tpu.memref_slice %arg2[%dma_wait3A_28, %dma_wait3A_29] : memref<8192x128xf32, #tpu.memory_space<hbm>> -> memref<8192x128xf32, #tpu.memory_space<hbm>>
    tpu.wait_indirect_dma semaphore(%arg7 : memref<!tpu.dma_semaphore, #tpu.memory_space<semaphore_mem>>) src(%dma_wait3A_30 : memref<8192x128xf32, #tpu.memory_space<hbm>>) dst(%dma_wait3A_24 : memref<128x128xf32, #tpu.memory_space<vmem>>)
    %dma_wait3A_31 = arith.constant 1 : i32
    %dma_wait3A_32 = arith.constant 128 : i32
    %dma_wait3A_33 = arith.constant 0 : i32
    %dma_wait3A_34 = tpu.memref_slice %arg6[%dma_wait3A_32, %dma_wait3A_33] : memref<256x128xf32, #tpu.memory_space<vmem>> -> memref<128x128xf32, #tpu.memory_space<vmem>>
    %dma_wait3A_35 = arith.constant 0 : i32
    %dma_wait3A_36 = tpu.memref_slice %arg5[%dma_wait3A_31, %dma_wait3A_35] : memref<2x128xi32, #tpu.memory_space<vmem>> -> memref<1x128xi32, #tpu.memory_space<vmem>>
    %dma_wait3A_37 = tpu.memref_squeeze %dma_wait3A_36 : memref<1x128xi32, #tpu.memory_space<vmem>> -> memref<128xi32, #tpu.memory_space<vmem>>
    %dma_wait3A_38 = arith.constant 0 : i32
    %dma_wait3A_39 = arith.constant 0 : i32
    %dma_wait3A_40 = tpu.memref_slice %arg2[%dma_wait3A_38, %dma_wait3A_39] : memref<8192x128xf32, #tpu.memory_space<hbm>> -> memref<8192x128xf32, #tpu.memory_space<hbm>>
    tpu.wait_indirect_dma semaphore(%arg7 : memref<!tpu.dma_semaphore, #tpu.memory_space<semaphore_mem>>) src(%dma_wait3A_40 : memref<8192x128xf32, #tpu.memory_space<hbm>>) dst(%dma_wait3A_34 : memref<128x128xf32, #tpu.memory_space<vmem>>)
    %mul3A_41 = arith.constant 256 : i32
    %mul3A_42 = arith.muli %add3A, %mul3A_41 : i32
    "tpu.region"() ({
      %run_scoped3A = tpu.sem_alloc : memref<!tpu.dma_semaphore, #tpu.memory_space<semaphore_mem>>
      %dma_start3A_43 = arith.constant 0 : i32
      %dma_start3A_44 = tpu.memref_slice %arg4[%mul3A_42, %dma_start3A_43] : memref<8192x128xf32, #tpu.memory_space<hbm>> -> memref<256x128xf32, #tpu.memory_space<hbm>>
      %dma_start3A_45 = arith.constant 0 : i32
      %dma_start3A_46 = tpu.memref_slice %arg4[%mul3A_42, %dma_start3A_45] : memref<8192x128xf32, #tpu.memory_space<hbm>> -> memref<256x128xf32, #tpu.memory_space<hbm>>
      tpu.enqueue_dma source(%arg6 : memref<256x128xf32, #tpu.memory_space<vmem>>) target(%dma_start3A_46 : memref<256x128xf32, #tpu.memory_space<hbm>>) target_semaphore(%run_scoped3A : memref<!tpu.dma_semaphore, #tpu.memory_space<semaphore_mem>>)
      %dma_wait3A_47 = arith.constant 0 : i32
      %dma_wait3A_48 = tpu.memref_slice %arg4[%mul3A_42, %dma_wait3A_47] : memref<8192x128xf32, #tpu.memory_space<hbm>> -> memref<256x128xf32, #tpu.memory_space<hbm>>
      %dma_wait3A_49 = arith.constant 0 : i32
      %dma_wait3A_50 = tpu.memref_slice %arg4[%mul3A_42, %dma_wait3A_49] : memref<8192x128xf32, #tpu.memory_space<hbm>> -> memref<256x128xf32, #tpu.memory_space<hbm>>
      tpu.wait_dma2 semaphore(%run_scoped3A : memref<!tpu.dma_semaphore, #tpu.memory_space<semaphore_mem>>) src(%arg6 : memref<256x128xf32, #tpu.memory_space<vmem>>) dst(%dma_wait3A_50 : memref<256x128xf32, #tpu.memory_space<hbm>>)
      tpu.yield
    }) : () -> ()
    return
  }
}

module attributes {stable_mosaic.version = 14 : i64} {
  func.func @_prep1_body(%arg0: i32, %arg1: memref<1024x128xf32, #tpu.memory_space<vmem>>, %arg2: memref<128x128xf32, #tpu.memory_space<vmem>>, %arg3: memref<1024x1xf32, #tpu.memory_space<vmem>>, %arg4: memref<1024x128xf32, #tpu.memory_space<vmem>>) attributes {dimension_semantics = [#tpu.dimension_semantics<arbitrary>], iteration_bounds = array<i64: 8>, scalar_prefetch = 0 : i64, scratch_operands = 0 : i64, tpu.core_type = #tpu.core_type<tc>, window_params = [{transform_indices = @transform_0, window_bounds = array<i64: 1024, 128>}, {pipeline_mode = #tpu.pipeline_mode<synchronous>, transform_indices = @transform_1, window_bounds = array<i64: 128, 128>}, {transform_indices = @transform_2, window_bounds = array<i64: 1024, 1>}, {transform_indices = @transform_3, window_bounds = array<i64: 1024, 128>}]} {
    %get3A = arith.constant 0 : index
    %get3A_0 = arith.constant 0 : index
    %get3A_1 = vector.load %arg1[%get3A, %get3A_0] : memref<1024x128xf32, #tpu.memory_space<vmem>>, vector<1024x128xf32>
    %get3A_2 = arith.constant 0 : index
    %get3A_3 = arith.constant 0 : index
    %get3A_4 = vector.load %arg2[%get3A_2, %get3A_3] : memref<128x128xf32, #tpu.memory_space<vmem>>, vector<128x128xf32>
    %dot_general3A = arith.constant dense<0.000000e+00> : vector<1024x128xf32>
    %dot_general3A_5 = tpu.matmul %get3A_1, %get3A_4, %dot_general3A {dimension_numbers = #tpu.dot_dimension_numbers<[1], [0], [0], [1], [0, 0, 1, 1], [], []>, transpose_lhs_hint = false} : vector<1024x128xf32>, vector<128x128xf32>, vector<1024x128xf32> -> vector<1024x128xf32>
    %get3A_6 = arith.constant 0 : index
    %get3A_7 = arith.constant 0 : index
    %get3A_8 = vector.load %arg3[%get3A_6, %get3A_7] : memref<1024x1xf32, #tpu.memory_space<vmem>>, vector<1024x1xf32>
    %mul3A = vector.broadcast %get3A_8 : vector<1024x1xf32> to vector<1024x128xf32>
    %mul3A_9 = arith.mulf %dot_general3A_5, %mul3A : vector<1024x128xf32>
    %swap3A = arith.constant 0 : index
    %swap3A_10 = arith.constant 0 : index
    %swap3A_11 = vector.load %arg4[%swap3A, %swap3A_10] : memref<1024x128xf32, #tpu.memory_space<vmem>>, vector<1024x128xf32>
    tpu.vector_store %arg4[%swap3A, %swap3A_10], %mul3A_9 {strides = array<i32>} : memref<1024x128xf32, #tpu.memory_space<vmem>>, vector<1024x128xf32>,
    return
  }
  func.func @transform_0(%arg0: i32) -> (i32, i32) {
    %c0_i32 = arith.constant 0 : i32
    %c0_i32_0 = arith.constant 0 : i32
    return %arg0, %c0_i32 : i32, i32
  }
  func.func @transform_1(%arg0: i32) -> (i32, i32) {
    %c0_i32 = arith.constant 0 : i32
    %c0_i32_0 = arith.constant 0 : i32
    %c0_i32_1 = arith.constant 0 : i32
    return %c0_i32, %c0_i32_0 : i32, i32
  }
  func.func @transform_2(%arg0: i32) -> (i32, i32) {
    %c0_i32 = arith.constant 0 : i32
    %c0_i32_0 = arith.constant 0 : i32
    return %arg0, %c0_i32 : i32, i32
  }
  func.func @transform_3(%arg0: i32) -> (i32, i32) {
    %c0_i32 = arith.constant 0 : i32
    %c0_i32_0 = arith.constant 0 : i32
    return %arg0, %c0_i32 : i32, i32
  }
}

module attributes {stable_mosaic.version = 14 : i64} {
  func.func @_dist_body(%arg0: i32, %arg1: i32, %arg2: memref<1024x128xf32, #tpu.memory_space<vmem>>, %arg3: memref<1024x128xf32, #tpu.memory_space<vmem>>, %arg4: memref<1024x1024xf32, #tpu.memory_space<vmem>>, %arg5: memref<1024x1xi32, #tpu.memory_space<vmem>>, %arg6: memref<1024x1xf32, #tpu.memory_space<vmem>>, %arg7: memref<1024x1xi32, #tpu.memory_space<vmem>>) attributes {dimension_semantics = [#tpu.dimension_semantics<arbitrary>, #tpu.dimension_semantics<arbitrary>], iteration_bounds = array<i64: 8, 8>, scalar_prefetch = 0 : i64, scratch_operands = 2 : i64, tpu.core_type = #tpu.core_type<tc>, window_params = [{transform_indices = @transform_0, window_bounds = array<i64: 1024, 128>}, {transform_indices = @transform_1, window_bounds = array<i64: 1024, 128>}, {transform_indices = @transform_2, window_bounds = array<i64: 1024, 1024>}, {transform_indices = @transform_3, window_bounds = array<i64: 1024, 1>}]} {
    %get3A = arith.constant 0 : index
    %get3A_0 = arith.constant 0 : index
    %get3A_1 = vector.load %arg2[%get3A, %get3A_0] : memref<1024x128xf32, #tpu.memory_space<vmem>>, vector<1024x128xf32>
    %get3A_2 = arith.constant 0 : index
    %get3A_3 = arith.constant 0 : index
    %get3A_4 = vector.load %arg3[%get3A_2, %get3A_3] : memref<1024x128xf32, #tpu.memory_space<vmem>>, vector<1024x128xf32>
    %dot_general3A = arith.constant dense<0.000000e+00> : vector<1024x1024xf32>
    %dot_general3A_5 = tpu.matmul %get3A_1, %get3A_4, %dot_general3A {dimension_numbers = #tpu.dot_dimension_numbers<[1], [1], [0], [0], [0, 0, 1, 0], [], []>, transpose_lhs_hint = false} : vector<1024x128xf32>, vector<1024x128xf32>, vector<1024x1024xf32> -> vector<1024x1024xf32>
    %swap3A = arith.constant 0 : index
    %swap3A_6 = arith.constant 0 : index
    %swap3A_7 = vector.load %arg4[%swap3A, %swap3A_6] : memref<1024x1024xf32, #tpu.memory_space<vmem>>, vector<1024x1024xf32>
    tpu.vector_store %arg4[%swap3A, %swap3A_6], %dot_general3A_5 {strides = array<i32>} : memref<1024x1024xf32, #tpu.memory_space<vmem>>, vector<1024x1024xf32>,
    %reduce_max3A = arith.constant dense<0xFF800000> : vector<1024xf32>
    %reduce_max3A_8 = vector.multi_reduction <maximumf>, %dot_general3A_5, %reduce_max3A [1] : vector<1024x1024xf32> to vector<1024xf32>
    %broadcast_in_dim3A = vector.shape_cast %reduce_max3A_8 : vector<1024xf32> to vector<1024x1xf32>
    %iota3A = tpu.iota {dimensions = array<i32: 1>} : vector<1024x1024xi32>
    %ge3A = vector.broadcast %broadcast_in_dim3A : vector<1024x1xf32> to vector<1024x1024xf32>
    %ge3A_9 = arith.cmpf oge, %dot_general3A_5, %ge3A : vector<1024x1024xf32>
    %jit3A = arith.constant 1073741824 : i32
    %broadcast_in_dim3A_10 = vector.broadcast %jit3A : i32 to vector<1024x1024xi32>
    %select_n3A = arith.select %ge3A_9, %iota3A, %broadcast_in_dim3A_10 : vector<1024x1024xi1>, vector<1024x1024xi32>
    %reduce_min3A = arith.constant dense<2147483647> : vector<1024xi32>
    %reduce_min3A_11 = vector.multi_reduction <minsi>, %select_n3A, %reduce_min3A [1] : vector<1024x1024xi32> to vector<1024xi32>
    %broadcast_in_dim3A_12 = vector.shape_cast %reduce_min3A_11 : vector<1024xi32> to vector<1024x1xi32>
    %mul3A = arith.constant 1024 : i32
    %mul3A_13 = arith.muli %arg1, %mul3A : i32
    %add3A = vector.broadcast %mul3A_13 : i32 to vector<1024x1xi32>
    %add3A_14 = arith.addi %broadcast_in_dim3A_12, %add3A : vector<1024x1xi32>
    %eq3A = arith.constant 0 : i32
    %eq3A_15 = arith.cmpi eq, %arg1, %eq3A : i32
    %broadcast_in_dim3A_16 = arith.constant 0xFF800000 : f32
    %broadcast_in_dim3A_17 = vector.broadcast %broadcast_in_dim3A_16 : f32 to vector<1024x1xf32>
    %get3A_18 = arith.constant 0 : index
    %get3A_19 = arith.constant 0 : index
    %get3A_20 = vector.load %arg6[%get3A_18, %get3A_19] : memref<1024x1xf32, #tpu.memory_space<vmem>>, vector<1024x1xf32>
    %select_n3A_21 = arith.select %eq3A_15, %broadcast_in_dim3A_17, %get3A_20 : vector<1024x1xf32>
    %eq3A_22 = arith.constant 0 : i32
    %eq3A_23 = arith.cmpi eq, %arg1, %eq3A_22 : i32
    %broadcast_in_dim3A_24 = arith.constant 0 : i32
    %broadcast_in_dim3A_25 = vector.broadcast %broadcast_in_dim3A_24 : i32 to vector<1024x1xi32>
    %get3A_26 = arith.constant 0 : index
    %get3A_27 = arith.constant 0 : index
    %get3A_28 = vector.load %arg7[%get3A_26, %get3A_27] : memref<1024x1xi32, #tpu.memory_space<vmem>>, vector<1024x1xi32>
    %select_n3A_29 = arith.select %eq3A_23, %broadcast_in_dim3A_25, %get3A_28 : vector<1024x1xi32>
    %gt3A = arith.cmpf ogt, %broadcast_in_dim3A, %select_n3A_21 : vector<1024x1xf32>
    %select_n3A_30 = arith.select %gt3A, %broadcast_in_dim3A, %select_n3A_21 : vector<1024x1xi1>, vector<1024x1xf32>
    %select_n3A_31 = arith.select %gt3A, %add3A_14, %select_n3A_29 : vector<1024x1xi1>, vector<1024x1xi32>
    %swap3A_32 = arith.constant 0 : index
    %swap3A_33 = arith.constant 0 : index
    %swap3A_34 = vector.load %arg6[%swap3A_32, %swap3A_33] : memref<1024x1xf32, #tpu.memory_space<vmem>>, vector<1024x1xf32>
    tpu.vector_store %arg6[%swap3A_32, %swap3A_33], %select_n3A_30 {strides = array<i32>} : memref<1024x1xf32, #tpu.memory_space<vmem>>, vector<1024x1xf32>,
    %swap3A_35 = arith.constant 0 : index
    %swap3A_36 = arith.constant 0 : index
    %swap3A_37 = vector.load %arg7[%swap3A_35, %swap3A_36] : memref<1024x1xi32, #tpu.memory_space<vmem>>, vector<1024x1xi32>
    tpu.vector_store %arg7[%swap3A_35, %swap3A_36], %select_n3A_31 {strides = array<i32>} : memref<1024x1xi32, #tpu.memory_space<vmem>>, vector<1024x1xi32>,
    %swap3A_38 = arith.constant 0 : index
    %swap3A_39 = arith.constant 0 : index
    %swap3A_40 = vector.load %arg5[%swap3A_38, %swap3A_39] : memref<1024x1xi32, #tpu.memory_space<vmem>>, vector<1024x1xi32>
    tpu.vector_store %arg5[%swap3A_38, %swap3A_39], %select_n3A_31 {strides = array<i32>} : memref<1024x1xi32, #tpu.memory_space<vmem>>, vector<1024x1xi32>,
    return
  }
  func.func @transform_0(%arg0: i32, %arg1: i32) -> (i32, i32) {
    %c0_i32 = arith.constant 0 : i32
    %c0_i32_0 = arith.constant 0 : i32
    return %arg0, %c0_i32 : i32, i32
  }
  func.func @transform_1(%arg0: i32, %arg1: i32) -> (i32, i32) {
    %c0_i32 = arith.constant 0 : i32
    %c0_i32_0 = arith.constant 0 : i32
    return %arg1, %c0_i32 : i32, i32
  }
  func.func @transform_2(%arg0: i32, %arg1: i32) -> (i32, i32) {
    %c0_i32 = arith.constant 0 : i32
    return %arg0, %arg1 : i32, i32
  }
  func.func @transform_3(%arg0: i32, %arg1: i32) -> (i32, i32) {
    %c0_i32 = arith.constant 0 : i32
    %c0_i32_0 = arith.constant 0 : i32
    return %arg0, %c0_i32 : i32, i32
  }
}

module attributes {stable_mosaic.version = 14 : i64} {
  func.func @_loss_body(%arg0: i32, %arg1: memref<512x128xf32, #tpu.memory_space<vmem>>, %arg2: memref<512x128xf32, #tpu.memory_space<vmem>>, %arg3: memref<128x128xf32, #tpu.memory_space<vmem>>, %arg4: memref<1x128xf32, #tpu.memory_space<vmem>>, %arg5: memref<1x512x512xf32, #tpu.memory_space<vmem>>, %arg6: memref<512x128xf32, #tpu.memory_space<vmem>>, %arg7: memref<512x128xf32, #tpu.memory_space<vmem>>, %arg8: memref<1x1xf32, #tpu.memory_space<vmem>>, %arg9: memref<2xf32, #tpu.memory_space<smem>>) attributes {dimension_semantics = [#tpu.dimension_semantics<arbitrary>], iteration_bounds = array<i64: 16>, scalar_prefetch = 0 : i64, scratch_operands = 1 : i64, tpu.core_type = #tpu.core_type<tc>, window_params = [{transform_indices = @transform_0, window_bounds = array<i64: 512, 128>}, {transform_indices = @transform_1, window_bounds = array<i64: 512, 128>}, {pipeline_mode = #tpu.pipeline_mode<synchronous>, transform_indices = @transform_2, window_bounds = array<i64: 128, 128>}, {pipeline_mode = #tpu.pipeline_mode<synchronous>, transform_indices = @transform_3, window_bounds = array<i64: 1, 128>}, {transform_indices = @transform_4, window_bounds = array<i64: 1, 512, 512>}, {transform_indices = @transform_5, window_bounds = array<i64: 512, 128>}, {transform_indices = @transform_6, window_bounds = array<i64: 512, 128>}, {pipeline_mode = #tpu.pipeline_mode<synchronous>, transform_indices = @transform_7, window_bounds = array<i64: 1, 1>}]} {
    %get3A = arith.constant 0 : index
    %get3A_0 = arith.constant 0 : index
    %get3A_1 = vector.load %arg1[%get3A, %get3A_0] : memref<512x128xf32, #tpu.memory_space<vmem>>, vector<512x128xf32>
    %get3A_2 = arith.constant 0 : index
    %get3A_3 = arith.constant 0 : index
    %get3A_4 = vector.load %arg2[%get3A_2, %get3A_3] : memref<512x128xf32, #tpu.memory_space<vmem>>, vector<512x128xf32>
    %sub3A = arith.subf %get3A_4, %get3A_1 : vector<512x128xf32>
    %add3A = arith.addf %get3A_1, %sub3A : vector<512x128xf32>
    %swap3A = arith.constant 0 : index
    %swap3A_5 = arith.constant 0 : index
    %swap3A_6 = vector.load %arg6[%swap3A, %swap3A_5] : memref<512x128xf32, #tpu.memory_space<vmem>>, vector<512x128xf32>
    tpu.vector_store %arg6[%swap3A, %swap3A_5], %add3A {strides = array<i32>} : memref<512x128xf32, #tpu.memory_space<vmem>>, vector<512x128xf32>,
    %sub3A_7 = arith.subf %get3A_4, %get3A_1 : vector<512x128xf32>
    %sub3A_8 = arith.subf %get3A_4, %get3A_1 : vector<512x128xf32>
    %mul3A = arith.mulf %sub3A_7, %sub3A_8 : vector<512x128xf32>
    %reduce_sum3A = vector.shape_cast %mul3A : vector<512x128xf32> to vector<1x512x128xf32>
    %reduce_sum3A_9 = arith.constant dense<0.000000e+00> : vector<1xf32>
    %reduce_sum3A_10 = vector.multi_reduction <add>, %reduce_sum3A, %reduce_sum3A_9 [1, 2] : vector<1x512x128xf32> to vector<1xf32>
    %reduce_sum3A_11 = vector.shape_cast %reduce_sum3A_10 : vector<1xf32> to vector<1x1x1xf32>
    %reduce_sum3A_12 = vector.extract %reduce_sum3A_11[0, 0, 0] : f32 from vector<1x1x1xf32>
    %get3A_13 = arith.constant 0 : index
    %get3A_14 = arith.constant 0 : index
    %get3A_15 = vector.load %arg3[%get3A_13, %get3A_14] : memref<128x128xf32, #tpu.memory_space<vmem>>, vector<128x128xf32>
    %dot_general3A = arith.constant dense<0.000000e+00> : vector<512x128xf32>
    %dot_general3A_16 = tpu.matmul %add3A, %get3A_15, %dot_general3A {dimension_numbers = #tpu.dot_dimension_numbers<[1], [0], [0], [1], [0, 0, 1, 1], [], []>, transpose_lhs_hint = false} : vector<512x128xf32>, vector<128x128xf32>, vector<512x128xf32> -> vector<512x128xf32>
    %get3A_17 = arith.constant 0 : index
    %get3A_18 = arith.constant 0 : index
    %get3A_19 = vector.load %arg4[%get3A_17, %get3A_18] : memref<1x128xf32, #tpu.memory_space<vmem>>, vector<1x128xf32>
    %add3A_20 = vector.broadcast %get3A_19 : vector<1x128xf32> to vector<512x128xf32>
    %add3A_21 = arith.addf %dot_general3A_16, %add3A_20 : vector<512x128xf32>
    %swap3A_22 = arith.constant 0 : index
    %swap3A_23 = arith.constant 0 : index
    %swap3A_24 = vector.load %arg7[%swap3A_22, %swap3A_23] : memref<512x128xf32, #tpu.memory_space<vmem>>, vector<512x128xf32>
    tpu.vector_store %arg7[%swap3A_22, %swap3A_23], %add3A_21 {strides = array<i32>} : memref<512x128xf32, #tpu.memory_space<vmem>>, vector<512x128xf32>,
    %dot_general3A_25 = arith.constant dense<0.000000e+00> : vector<512x512xf32>
    %dot_general3A_26 = tpu.matmul %add3A_21, %add3A_21, %dot_general3A_25 {dimension_numbers = #tpu.dot_dimension_numbers<[1], [1], [0], [0], [0, 0, 1, 0], [], []>, transpose_lhs_hint = false} : vector<512x128xf32>, vector<512x128xf32>, vector<512x512xf32> -> vector<512x512xf32>
    %get3A_27 = arith.constant 0 : index
    %get3A_28 = arith.constant 0 : index
    %get3A_29 = arith.constant 0 : index
    %get3A_30 = vector.load %arg5[%get3A_27, %get3A_28, %get3A_29] : memref<1x512x512xf32, #tpu.memory_space<vmem>>, vector<1x512x512xf32>
    %get3A_31 = vector.shape_cast %get3A_30 : vector<1x512x512xf32> to vector<512x512xf32>
    %min3A = arith.constant 1.000000e+00 : f32
    %min3A_32 = vector.broadcast %min3A : f32 to vector<512x512xf32>
    %min3A_33 = arith.minimumf %get3A_31, %min3A_32 : vector<512x512xf32>
    %iota3A = tpu.iota {dimensions = array<i32: 0>} : vector<512x512xi32>
    %iota3A_34 = tpu.iota {dimensions = array<i32: 1>} : vector<512x512xi32>
    %lt3A = arith.cmpi slt, %iota3A, %iota3A_34 : vector<512x512xi32>
    %convert_element_type3A = arith.extui %lt3A : vector<512x512xi1> to vector<512x512xi32>
    %convert_element_type3A_35 = arith.sitofp %convert_element_type3A : vector<512x512xi32> to vector<512x512xf32>
    %max3A = arith.constant 0.000000e+00 : f32
    %max3A_36 = vector.broadcast %max3A : f32 to vector<512x512xf32>
    %max3A_37 = arith.maximumf %dot_general3A_26, %max3A_36 : vector<512x512xf32>
    %abs3A = math.absf %dot_general3A_26 : vector<512x512xf32>
    %neg3A = arith.constant 0.000000e+00 : f32
    %neg3A_38 = vector.broadcast %neg3A : f32 to vector<512x512xf32>
    %neg3A_39 = arith.subf %neg3A_38, %abs3A : vector<512x512xf32>
    %exp3A = math.exp %neg3A_39 : vector<512x512xf32>
    %log1p3A = math.log1p %exp3A : vector<512x512xf32>
    %add3A_40 = arith.addf %max3A_37, %log1p3A : vector<512x512xf32>
    %sub3A_41 = arith.subf %add3A_40, %dot_general3A_26 : vector<512x512xf32>
    %mul3A_42 = arith.mulf %convert_element_type3A_35, %min3A_33 : vector<512x512xf32>
    %mul3A_43 = arith.mulf %mul3A_42, %sub3A_41 : vector<512x512xf32>
    %reduce_sum3A_44 = vector.shape_cast %mul3A_43 : vector<512x512xf32> to vector<1x512x512xf32>
    %reduce_sum3A_45 = arith.constant dense<0.000000e+00> : vector<1xf32>
    %reduce_sum3A_46 = vector.multi_reduction <add>, %reduce_sum3A_44, %reduce_sum3A_45 [1, 2] : vector<1x512x512xf32> to vector<1xf32>
    %reduce_sum3A_47 = vector.shape_cast %reduce_sum3A_46 : vector<1xf32> to vector<1x1x1xf32>
    %reduce_sum3A_48 = vector.extract %reduce_sum3A_47[0, 0, 0] : f32 from vector<1x1x1xf32>
    %sub3A_49 = arith.constant 1.000000e+00 : f32
    %sub3A_50 = vector.broadcast %sub3A_49 : f32 to vector<512x512xf32>
    %sub3A_51 = arith.subf %sub3A_50, %min3A_33 : vector<512x512xf32>
    %mul3A_52 = arith.mulf %convert_element_type3A_35, %sub3A_51 : vector<512x512xf32>
    %mul3A_53 = arith.mulf %mul3A_52, %add3A_40 : vector<512x512xf32>
    %reduce_sum3A_54 = vector.shape_cast %mul3A_53 : vector<512x512xf32> to vector<1x512x512xf32>
    %reduce_sum3A_55 = arith.constant dense<0.000000e+00> : vector<1xf32>
    %reduce_sum3A_56 = vector.multi_reduction <add>, %reduce_sum3A_54, %reduce_sum3A_55 [1, 2] : vector<1x512x512xf32> to vector<1xf32>
    %reduce_sum3A_57 = vector.shape_cast %reduce_sum3A_56 : vector<1xf32> to vector<1x1x1xf32>
    %reduce_sum3A_58 = vector.extract %reduce_sum3A_57[0, 0, 0] : f32 from vector<1x1x1xf32>
    %mul3A_59 = arith.mulf %convert_element_type3A_35, %min3A_33 : vector<512x512xf32>
    %reduce_sum3A_60 = vector.shape_cast %mul3A_59 : vector<512x512xf32> to vector<1x512x512xf32>
    %reduce_sum3A_61 = arith.constant dense<0.000000e+00> : vector<1xf32>
    %reduce_sum3A_62 = vector.multi_reduction <add>, %reduce_sum3A_60, %reduce_sum3A_61 [1, 2] : vector<1x512x512xf32> to vector<1xf32>
    %reduce_sum3A_63 = vector.shape_cast %reduce_sum3A_62 : vector<1xf32> to vector<1x1x1xf32>
    %reduce_sum3A_64 = vector.extract %reduce_sum3A_63[0, 0, 0] : f32 from vector<1x1x1xf32>
    %sub3A_65 = arith.constant 1.310720e+05 : f32
    %sub3A_66 = arith.subf %sub3A_65, %reduce_sum3A_64 : f32
    %add3A_67 = arith.constant 9.99999997E-7 : f32
    %add3A_68 = arith.addf %reduce_sum3A_64, %add3A_67 : f32
    %div3A = arith.divf %sub3A_66, %add3A_68 : f32
    %mul3A_69 = arith.mulf %div3A, %reduce_sum3A_48 : f32
    %add3A_70 = arith.addf %mul3A_69, %reduce_sum3A_58 : f32
    %div3A_71 = arith.constant 1.308160e+05 : f32
    %div3A_72 = arith.divf %add3A_70, %div3A_71 : f32
    %eq3A = arith.constant 0 : i32
    %eq3A_73 = arith.cmpi eq, %arg0, %eq3A : i32
    %convert_element_type3A_74 = arith.extui %eq3A_73 : i1 to i32
    %cond3A = arith.constant 0 : i32
    %cond3A_75 = arith.cmpi ne, %convert_element_type3A_74, %cond3A : i32
    scf.if %cond3A_75 {
      %swap3A_85 = arith.constant 0 : index
      %swap3A_86 = memref.load %arg9[%swap3A_85] : memref<2xf32, #tpu.memory_space<smem>>
      memref.store %reduce_sum3A_12, %arg9[%swap3A_85] : memref<2xf32, #tpu.memory_space<smem>>
      %swap3A_87 = arith.constant 1 : index
      %swap3A_88 = memref.load %arg9[%swap3A_87] : memref<2xf32, #tpu.memory_space<smem>>
      memref.store %div3A_72, %arg9[%swap3A_87] : memref<2xf32, #tpu.memory_space<smem>>
    } else {
    }
    %gt3A = arith.constant 0 : i32
    %gt3A_76 = arith.cmpi sgt, %arg0, %gt3A : i32
    %convert_element_type3A_77 = arith.extui %gt3A_76 : i1 to i32
    %cond3A_78 = arith.constant 0 : i32
    %cond3A_79 = arith.cmpi ne, %convert_element_type3A_77, %cond3A_78 : i32
    scf.if %cond3A_79 {
      %get3A_85 = arith.constant 0 : index
      %get3A_86 = memref.load %arg9[%get3A_85] : memref<2xf32, #tpu.memory_space<smem>>
      %add3A_87 = arith.addf %get3A_86, %reduce_sum3A_12 : f32
      %swap3A_88 = arith.constant 0 : index
      %swap3A_89 = memref.load %arg9[%swap3A_88] : memref<2xf32, #tpu.memory_space<smem>>
      memref.store %add3A_87, %arg9[%swap3A_88] : memref<2xf32, #tpu.memory_space<smem>>
      %get3A_90 = arith.constant 1 : index
      %get3A_91 = memref.load %arg9[%get3A_90] : memref<2xf32, #tpu.memory_space<smem>>
      %add3A_92 = arith.addf %get3A_91, %div3A_72 : f32
      %swap3A_93 = arith.constant 1 : index
      %swap3A_94 = memref.load %arg9[%swap3A_93] : memref<2xf32, #tpu.memory_space<smem>>
      memref.store %add3A_92, %arg9[%swap3A_93] : memref<2xf32, #tpu.memory_space<smem>>
    } else {
    }
    %eq3A_80 = arith.constant 15 : i32
    %eq3A_81 = arith.cmpi eq, %arg0, %eq3A_80 : i32
    %convert_element_type3A_82 = arith.extui %eq3A_81 : i1 to i32
    %cond3A_83 = arith.constant 0 : i32
    %cond3A_84 = arith.cmpi ne, %convert_element_type3A_82, %cond3A_83 : i32
    scf.if %cond3A_84 {
      %get3A_85 = arith.constant 1 : index
      %get3A_86 = memref.load %arg9[%get3A_85] : memref<2xf32, #tpu.memory_space<smem>>
      %div3A_87 = arith.constant 1.600000e+01 : f32
      %div3A_88 = arith.divf %get3A_86, %div3A_87 : f32
      %mul3A_89 = arith.constant 1.000000e+02 : f32
      %mul3A_90 = arith.mulf %div3A_88, %mul3A_89 : f32
      %get3A_91 = arith.constant 0 : index
      %get3A_92 = memref.load %arg9[%get3A_91] : memref<2xf32, #tpu.memory_space<smem>>
      %mul3A_93 = arith.constant 1.000000e+03 : f32
      %mul3A_94 = arith.mulf %mul3A_93, %get3A_92 : f32
      %div3A_95 = arith.constant 0x49800000 : f32
      %div3A_96 = arith.divf %mul3A_94, %div3A_95 : f32
      %add3A_97 = arith.addf %mul3A_90, %div3A_96 : f32
      %broadcast_in_dim3A = arith.constant 0.000000e+00 : f32
      %broadcast_in_dim3A_98 = vector.broadcast %broadcast_in_dim3A : f32 to vector<1x1xf32>
      %add3A_99 = vector.broadcast %add3A_97 : f32 to vector<1x1xf32>
      %add3A_100 = arith.addf %broadcast_in_dim3A_98, %add3A_99 : vector<1x1xf32>
      %swap3A_101 = arith.constant 0 : index
      %swap3A_102 = arith.constant 0 : index
      %swap3A_103 = vector.load %arg8[%swap3A_101, %swap3A_102] : memref<1x1xf32, #tpu.memory_space<vmem>>, vector<1x1xf32>
      tpu.vector_store %arg8[%swap3A_101, %swap3A_102], %add3A_100 {strides = array<i32>} : memref<1x1xf32, #tpu.memory_space<vmem>>, vector<1x1xf32>,
    } else {
    }
    return
  }
  func.func @transform_0(%arg0: i32) -> (i32, i32) {
    %c0_i32 = arith.constant 0 : i32
    %c0_i32_0 = arith.constant 0 : i32
    return %arg0, %c0_i32 : i32, i32
  }
  func.func @transform_1(%arg0: i32) -> (i32, i32) {
    %c0_i32 = arith.constant 0 : i32
    %c0_i32_0 = arith.constant 0 : i32
    return %arg0, %c0_i32 : i32, i32
  }
  func.func @transform_2(%arg0: i32) -> (i32, i32) {
    %c0_i32 = arith.constant 0 : i32
    %c0_i32_0 = arith.constant 0 : i32
    %c0_i32_1 = arith.constant 0 : i32
    return %c0_i32, %c0_i32_0 : i32, i32
  }
  func.func @transform_3(%arg0: i32) -> (i32, i32) {
    %c0_i32 = arith.constant 0 : i32
    %c0_i32_0 = arith.constant 0 : i32
    %c0_i32_1 = arith.constant 0 : i32
    return %c0_i32, %c0_i32_0 : i32, i32
  }
  func.func @transform_4(%arg0: i32) -> (i32, i32, i32) {
    %c0_i32 = arith.constant 0 : i32
    %c0_i32_0 = arith.constant 0 : i32
    %c0_i32_1 = arith.constant 0 : i32
    return %arg0, %c0_i32, %c0_i32_0 : i32, i32, i32
  }
  func.func @transform_5(%arg0: i32) -> (i32, i32) {
    %c0_i32 = arith.constant 0 : i32
    %c0_i32_0 = arith.constant 0 : i32
    return %arg0, %c0_i32 : i32, i32
  }
  func.func @transform_6(%arg0: i32) -> (i32, i32) {
    %c0_i32 = arith.constant 0 : i32
    %c0_i32_0 = arith.constant 0 : i32
    return %arg0, %c0_i32 : i32, i32
  }
  func.func @transform_7(%arg0: i32) -> (i32, i32) {
    %c0_i32 = arith.constant 0 : i32
    %c0_i32_0 = arith.constant 0 : i32
    %c0_i32_1 = arith.constant 0 : i32
    return %c0_i32, %c0_i32_0 : i32, i32
  }
}

</mosaic_0001>

<sc_bundles>
// kernel: kernel.11.cloned.1.call-start
scs
__scs_entry_jumppad:
0x0: {  	(pc) =	sbr.rel $0x88, $3  }
0x1: {  	(tag) =	ssettag $0x0;
	lr =	simm.s32 $0x1  }
0x2: {  	[smem:$0x3F96] =	sst lr;
	_ =	strace $0xD0000000  }
0x3: {  	_ = 	snop  }
0x4: {  	_ = 	snop  }
0x5: {  	_ = 	snop  }
0x6: {  	_ = 	snop  }
0x7: {  	_ = 	snop  }
__scs_overlays_trampoline_lowered:
0x8: {  	[smem:$0x3FA5] =	sst s0  }
0x9: {  	[smem:$0x3FA6] =	sst s1  }
0xa: {  	[smem:$0x3FA7] =	sst s2  }
0xb: {  	[smem:$0x3FA8] =	sst s3  }
0xc: {  	[smem:$0x3FA9] =	sst s4  }
0xd: {  	[smem:$0x3FAA] =	sst s5  }
0xe: {  	[smem:$0x3FAB] =	sst s6  }
0xf: {  	[smem:$0x3FAC] =	sst s7  }
0x10: {  	[smem:$0x3FAD] =	sst s8  }
0x11: {  	[smem:$0x3FAE] =	sst s9;
	s0 =	simm.s32 @!p0 $0x0  }
0x12: {  	s1 =	sld [smem:$0x3F94];
	s0 =	simm.s32 @p0 $0x1  }
0x13: {  	[smem:$0x3FAF] =	sst s0;
	s0 =	simm.s32 @!p1 $0x0  }
0x14: {  	s2 =	sld [smem:$0x3F93];
	s0 =	simm.s32 @p1 $0x1  }
0x15: {  	[smem:$0x3FB0] =	sst s0;
	s0 =	simm.s32 @!p2 $0x0  }
0x16: {  	s3 =	sld [smem:$0x3FDB];
	s0 =	simm.s32 @p2 $0x1  }
0x17: {  	s4 =	simm.s32 $0x1BF5;
	[smem:$0x3FB2] =	sst s0  }
0x18: {  	s0 =	sld [smem:$0x3F95];
	_ =	swait.ge [sflag:s4], $0x0  }
0x19: {  	s7 =	sld [smem:$0x3F96]  }
0x1a: {  	s8 =	sadd.s32 $0xFFFFE003, lr  }
0x1b: {  	s9 =	sadd.s32 $0xFFFFFEF7, lr;
	s5 =	simm.s32 $0xFFFFFFFF;
	p2 =	slt.u32 s8, $0xFFFFF086  }
0x1c: {  	p1 =	slt.u32 s9, $0xF7A;
	s5 =	simm.s32 @!p2 $0x0  }
0x1d: {  	s5 =	simm.s32 @p1 $0x1;
	p0 =	seq.s32 s7, s2  }
0x1e: {  	s7 =	smul.u32 @!p0 $0xF7A, s2;
	p2 =	seq.s32 @!p0 s5, $0x0  }
0x1f: {  	s9 =	smul.u32 $0xF7A, s1;
	s8 =	simm.s32 @!p0 $0x1BF5;
	p2 =	por !p2, p0  }
0x20: {  	[sflag:s8] =	ssyncset.s32 @!p0 $0xFFFFF086;
	s6 =	sadd.s32 @!p0 s3, s7;
	s7 =	simm.s32 @!p0 $0x108  }
0x21: {  	s3 =	sadd.s32 s3, s9;
	s6 =	sadd.s32 @!p0 $0x88, s6;
	s7 =	simm.s32 @p2 $0x1082  }
0x22: {  	[simem:s7], [sflag:s8] =	dma.local @!p0 [hbm:s6], $0xF7A  }
0x23: {  	s9 =	sor.u32 $0xD0000000, s2;
	s6 =	simm.s32 $0x108;
	_ =	swait.ge @!p0 [sflag:s8], $0x0  }
0x24: {  	s3 =	sadd.s32 $0x88, s3;
	s6 =	simm.s32 @!p1 $0x1082;
	[sflag:s4] =	ssyncset.s32 $0xFFFFF086  }
0x25: {  	[simem:s6], [sflag:s4] =	dma.local [hbm:s3], $0xF7A  }
0x26: {  	[smem:$0x3F96] =	sst s1;
	(tag) =	ssettag s2;
	_ =	strace s9  }
0x27: {  	s1 =	sld [smem:$0x3FA6]  }
0x28: {  	s2 =	sld [smem:$0x3FA7]  }
0x29: {  	s4 =	sld [smem:$0x3FA9]  }
0x2a: {  	p0 =	seq.s32 s5, $0x0;
	s5 =	sld [smem:$0x3FAA]  }
0x2b: {  	s6 =	sld [smem:$0x3FAB]  }
0x2c: {  	s7 =	sld [smem:$0x3FAC]  }
0x2d: {  	s3 =	simm.s32 $0x108;
	s8 =	sld [smem:$0x3FAD]  }
0x2e: {  	s3 =	simm.s32 @!p0 $0x1082;
	s9 =	sld [smem:$0x3FAE]  }
0x2f: {  	lr =	sadd.s32 s0, s3;
	s0 =	sld [smem:$0x3FA5]  }
0x30: {  	s3 =	sld [smem:$0x3FA8]  }
0x31: {  	[smem:$0x3FB1] =	sst s10  }
0x32: {  	s10 =	sld [smem:$0x3FAF];
	_ =	sdelay $0x3  }
0x33: {  	p0 =	seq.s32 s10, $0x1;
	s10 =	sld [smem:$0x3FB1];
	_ =	sdelay $0x3  }
0x34: {  	[smem:$0x3FB1] =	sst s10  }
0x35: {  	s10 =	sld [smem:$0x3FB0];
	_ =	sdelay $0x3  }
0x36: {  	p1 =	seq.s32 s10, $0x1;
	s10 =	sld [smem:$0x3FB1];
	_ =	sdelay $0x3  }
0x37: {  	[smem:$0x3FB1] =	sst s10  }
0x38: {  	s10 =	sld [smem:$0x3FB2]  }
0x39: {  	_ = 	snop;
	(pc) =	sbr.ind lr, $3  }
0x3a: {  	_ = 	snop  }
0x3b: {  	_ = 	snop  }
0x3c: {  	p2 =	seq.s32 s10, $0x1;
	s10 =	sld [smem:$0x3FB1]  }
0x3d: {  	_ =	shalt  }
0x3e: {  	_ =	shalt  }
0x3f: {  	_ =	shalt  }
0x40: {  	_ =	shalt  }
0x41: {  	_ =	shalt  }
0x42: {  	_ =	shalt  }
0x43: {  	_ =	shalt  }
0x44: {  	_ =	shalt  }
0x45: {  	_ =	shalt  }
0x46: {  	_ =	shalt  }
0x47: {  	_ =	shalt  }
0x48: {  	_ =	shalt  }
0x49: {  	_ =	shalt  }
0x4a: {  	_ =	shalt  }
0x4b: {  	_ =	shalt  }
0x4c: {  	_ =	shalt  }
0x4d: {  	_ =	shalt  }
0x4e: {  	_ =	shalt  }
0x4f: {  	_ =	shalt  }
0x50: {  	_ =	shalt  }
0x51: {  	_ =	shalt  }
0x52: {  	_ =	shalt  }
0x53: {  	_ =	shalt  }
0x54: {  	_ =	shalt  }
0x55: {  	_ =	shalt  }
0x56: {  	_ =	shalt  }
0x57: {  	_ =	shalt  }
0x58: {  	_ =	shalt  }
0x59: {  	_ =	shalt  }
0x5a: {  	_ =	shalt  }
0x5b: {  	_ =	shalt  }
0x5c: {  	_ =	shalt  }
0x5d: {  	_ =	shalt  }
0x5e: {  	_ =	shalt  }
0x5f: {  	_ =	shalt  }
0x60: {  	_ =	shalt  }
0x61: {  	_ =	shalt  }
0x62: {  	_ =	shalt  }
0x63: {  	_ =	shalt  }
0x64: {  	_ =	shalt  }
0x65: {  	_ =	shalt  }
0x66: {  	_ =	shalt  }
0x67: {  	_ =	shalt  }
0x68: {  	_ =	shalt  }
0x69: {  	_ =	shalt  }
0x6a: {  	_ =	shalt  }
0x6b: {  	_ =	shalt  }
0x6c: {  	_ =	shalt  }
0x6d: {  	_ =	shalt  }
0x6e: {  	_ =	shalt  }
0x6f: {  	_ =	shalt  }
0x70: {  	_ =	shalt  }
0x71: {  	_ =	shalt  }
0x72: {  	_ =	shalt  }
0x73: {  	_ =	shalt  }
0x74: {  	_ =	shalt  }
0x75: {  	_ =	shalt  }
0x76: {  	_ =	shalt  }
0x77: {  	_ =	shalt  }
0x78: {  	_ =	shalt  }
0x79: {  	_ =	shalt  }
0x7a: {  	_ =	shalt  }
0x7b: {  	_ =	shalt  }
0x7c: {  	_ =	shalt  }
0x7d: {  	_ =	shalt  }
0x7e: {  	_ =	shalt  }
0x7f: {  	_ =	shalt  }
0x80: {  	_ =	shalt  }
0x81: {  	_ =	shalt  }
0x82: {  	_ =	shalt  }
0x83: {  	_ =	shalt  }
0x84: {  	_ =	shalt  }
0x85: {  	_ =	shalt  }
0x86: {  	_ =	shalt  }
0x87: {  	_ =	shalt  }
.Lfunc_end0:
.L_simem_size_0:
called_computation.5_lowered:
.L_overlay_start_0:
0x88: {  	s2 =	sld [smem:$0x3FD9]  }
0x89: {  	s3 =	sld [smem:$0x3FFE];
	_ =	sdelay $0x1  }
0x8a: {  	s1 =	srdreg.scid  }
0x8b: {  	s0 =	sand.u32 $0x1, s1  }
0x8c: {  	s15 =	sshll.u32 s0, $0xA;
	s2 =	sadd.s32 s3, s2  }
0x8d: {  	s2 =	sadd.s32 s2, s15  }
0x8e: {  	[smem:$0x3FBD] =	sst s2  }
0x8f: {  	_ = 	snop  }
0x90: {  	s2 =	sld [smem:$0x3FD0];
	_ =	sdelay $0x2  }
0x91: {  	s4 =	simm.s32 $0xD;
	s16 =	simm.s32 $0x10  }
0x92: {  	[smem:s16], [sflag:s4] =	dma.local [hbm:s2], $0x1  }
0x93: {  	_ =	swait.eq [sflag:s4], $0x1  }
0x94: {  	[sflag:s4] =	ssyncset.done $0x0  }
0x95: {  	s17 =	sld [smem:$0x12];
	[sflag:s4] =	ssyncadd.s32 $0xFFFFFFFF  }
0x96: {  	s18 =	sld [smem:$0x15];
	(tm) =	ssettm $0x1  }
0x97: {  	s19 =	sld [smem:$0x3FFB];
	_ =	sdelay $0x3  }
0x98: {  	_ =	strace s19  }
0x99: {  	s2 =	sld [smem:$0x3FFC];
	_ =	sdelay $0x3  }
0x9a: {  	_ =	strace s2  }
0x9b: {  	s2 =	sld [smem:$0x3FFD];
	_ =	sdelay $0x3  }
0x9c: {  	_ =	strace s2  }
0x9d: {  	_ =	strace $0x8FFFFFFF  }
0x9e: {  	s20 =	sld [smem:$0x3FDB];
	_ =	sdelay $0x1  }
0x9f: {  	s5 =	simm.s32 $_scs_section_size  }
0xa0: {  	s6 =	simm.s32 $_size__tile_overlayer_lowered;
	s7 =	simm.s32 $_tile_overlayer_lowered  }
0xa1: {  	s8 =	simm.s32 $0x1BFF;
	s21 =	sshll.u32 s7, $0x1;
	s5 =	sadd.s32 s5, s20  }
0xa2: {  	s22 =	simm.s32 $0x0;
	s6 =	sshll.u32 s6, $0x1;
	s7 =	sadd.s32 s21, s5  }
0xa3: {  	[timem:s22], [sflag:s8] =	dma.local [hbm:s7], s6  }
0xa4: {  	_ =	swait.ge [sflag:s8], s6  }
0xa5: {  	s6 =	ssub.s32 $0x0, s6;
	[sflag:s8] =	ssyncset.done $0x0  }
0xa6: {  	[sflag:s8] =	ssyncadd.s32 s6;
	_ =	sdelay $0x1  }
0xa7: {  	s23 =	simm.s32 $0x1B8B  }
0xa8: {  	_ =	swait.ge [sflag:s23], $0x1  }
0xa9: {  	[sflag:s23] =	ssyncset.done $0x0  }
0xaa: {  	[sflag:s23] =	ssyncadd.s32 $0xFFFFFFFF  }
0xab: {  	s6 =	sld [smem:$0x0]  }
0xac: {  	s7 =	sand.u32 $0xFFFFFFFE, s1  }
0xad: {  	p0 =	sne.s32 s1, s7  }
0xae: {  	s7 =	sshll.u32 @p0 s7, $0xE  }
0xaf: {  	s7 =	sadd.s32 @p0 $0x11B8D, s7;
	s8 =	sshll.u32 @p0 s6, $0x11  }
0xb0: {  	s7 =	sor.u32 @p0 s8, s7  }
0xb1: {  	[sflag:s7] =	ssyncadd.remote.s32 @p0 $0x1;
	_ =	sdelay $0x1  }
0xb2: {  	s7 =	simm.s32 @p0 $0x1B8D  }
0xb3: {  	_ =	swait.eq @p0 [sflag:s7], $0x1  }
0xb4: {  	[sflag:s7] =	ssyncadd.s32 @p0 $0xFFFFFFFF  }
0xb5: {  	s8 =	sshll.u32 @!p0 s1, $0xE  }
0xb6: {  	s8 =	sor.u32 @!p0 $0x4000, s8;
	s7 =	simm.s32 @!p0 $0x1B8D  }
0xb7: {  	s6 =	sshll.u32 @!p0 s6, $0x11;
	s8 =	sadd.s32 @!p0 $0x11B8D, s8;
	_ =	swait.eq @!p0 [sflag:s7], $0x1  }
0xb8: {  	s6 =	sor.u32 @!p0 s6, s8;
	[sflag:s7] =	ssyncadd.s32 @!p0 $0xFFFFFFFF  }
0xb9: {  	s25 =	simm.s32 $0x1B8E;
	s24 =	sld [smem:$0x3FFE];
	[sflag:s6] =	ssyncadd.remote.s32 @!p0 $0x1  }
0xba: {  	s26 =	simm.s32 $execute0_lowered;
	[smem:$0x3FD2] =	sst s25  }
0xbb: {  	s7 =	sshll.u32 s26, $0x1;
	_ =	strace $0x8000005E;
	[dreg:$0x1] =	wrdreg $0xFFFFFFFF  }
0xbc: {  	s28 =	simm.s32 $_size_execute0_lowered;
	s5 =	sadd.s32 s5, s7;
	[dreg:$0x0] =	wrdreg $0x0  }
0xbd: {  	s7 =	sshll.u32 s28, $0x1;
	[dreg:$0x2] =	wrdreg s5  }
0xbe: {  	[dreg:$0x3] =	wrdreg s7  }
0xbf: {  	[dreg:$0x4] =	wrdreg $0xC0  }
0xc0: {  	_ =	task [dreg:s22], $0x5FFFF  }
0xc1: {  	[dreg:$0x1] =	wrdreg $0xFFFFFFFF  }
0xc2: {  	[dreg:$0x0] =	wrdreg $0x60  }
0xc3: {  	[dreg:$0x2] =	wrdreg s18  }
0xc4: {  	[dreg:$0x3] =	wrdreg s24  }
0xc5: {  	[dreg:$0x4] =	wrdreg s17  }
0xc6: {  	[dreg:$0x5] =	wrdreg $0xA  }
0xc7: {  	_ =	task.clear_ibuf [dreg:s22], $0x6FFFF;
	_ =	strace $0x9000005E  }
0xc8: {  	s29 =	simm.s32 $0xA;
	_ =	strace $0x80000060  }
0xc9: {  	_ =	swait.ge [sflag:s29], $0x1  }
0xca: {  	[sflag:s29] =	ssyncadd.s32 $0xFFFFFFFF  }
0xcb: {  	_ =	strace $0x90000060  }
0xcc: {  	_ =	sfence  }
0xcd: {  	s30 =	sld [smem:$0x0];
	_ =	sdelay $0x2  }
0xce: {  	s31 =	sshll.u32 s1, $0xD;
	s1 =	sshrl.u32 s1, $0x2  }
0xcf: {  	s4 =	sand.u32 $0x4000, s31;
	s1 =	sadd.s32 s1, s30  }
0xd0: {  	s0 =	sor.u32 s4, s0;
	s1 =	sshll.u32 s1, $0x11  }
0xd1: {  	s0 =	sor.u32 s1, s0  }
0xd2: {  	s0 =	sadd.s32 $0x8F2B, s0  }
0xd3: {  	[sflag:s0] =	ssyncadd.remote.s32 $0x1  }
0xd4: {  	_ =	sfence.sel $0xFFFF  }
0xd5: {  	[dreg:$0x0] =	wrdreg $0xFFFFFFFF;
	(pc) =	sbr.abs _section_cstart, $3  }
0xd6: {  	[dreg:$0x1] =	wrdreg $0xFFFFFFFF  }
0xd7: {  	_ =	task.clear_ibuf [dreg:s22], $0x2FFFF;
	_ =	strace $0x9FFFFFFF  }
0xd8: {  	(tm) =	ssettm $0x7FFFFFFF  }
0xd9: {  	_ =	shalt  }
tec
execute0_lowered:
.L_overlay_start_1:
0x0: {  	(tag) =	ssettag $0x1  }
0x1: {  	s0 =	srdreg.scid  }
0x2: {  	s1 =	rddreg [dreg:$0x0];
	s10 =	sand.u32 $0x1, s0  }
0x3: {  	s4 =	rddreg [dreg:$0x1];
	s0 =	stileid.u32;
	s2 =	sshll.u32 s10, $0x4  }
0x4: {  	s11 =	rddreg [dreg:$0x2];
	s3 =	sshll.u32 s0, $0x5;
	s12 =	sor.u32 s0, s2  }
0x5: {  	s2 =	rddreg [dreg:$0x3];
	s5 =	sand.u32 $0x60, s3;
	s6 =	sshll.u32 s12, $0x5  }
0x6: {  	s3 =	simm.s32 $0x0;
	s4 =	sadd.s32 s5, s4;
	s29 =	sand.u32 $0x380, s6  }
0x7: {  	[smem:$0x7FF] =	sst s3;
	s4 =	sadd.s32 s29, s4  }
0x8: {  	_ =	strace $0x8000005F;
	s5 =	sadd.s32 $0x8800, s4;
	s4 =	simm.s32 $0x2  }
0x9: {  	[tilespmem:s3], [sflag:$0x2] =	stream.linear.gather [hbm4b:s5+s3], $0x100, $0x38;
	[tilespmem:$0x8100] =	vst v63  }
0xa: {  	_ =	swait.ge [sflag:s4], $0x100  }
0xb: {  	[sflag:s4] =	ssyncset.done $0x0  }
0xc: {  	s7 =	simm.s32 $0x100;
	s6 =	simm.s32 $0x80;
	[sflag:s4] =	ssyncadd.s32 $0xFFFFFF00  }
0xd: {  	[tilespmem:s7], [sflag:$0x1] =	stream.indirect.gather [hbm4b:s1+s6], $0x80, s3, s6, $0xb8;
	[tilespmem:$0x8100] =	vst v63  }
0xe: {  	s8 =	simm.s32 $0x4100;
	s9 =	simm.s32 $0x1;
	s10 =	ssub.s32 $0x2, s10  }
0xf: {  	[tilespmem:s8], [sflag:$0x1] =	stream.indirect.gather [hbm4b:s1+s6], $0x80, s6, s6, $0xb8;
	[tilespmem:$0x8100] =	vst v63  }
0x10: {  	s13 =	sshrl.u32 s10, $0x1;
	_ =	swait.ge [sflag:s9], $0x4000  }
0x11: {  	s13 =	ssub.s32 s10, s13;
	[sflag:s9] =	ssyncset.done $0x0  }
0x12: {  	s31 =	smax.u32 s13, $0x1;
	[sflag:s9] =	ssyncadd.s32 $0xFFFFC000  }
0x13: {  	p0 =	sne.s32 s31, $0x1;
	_ =	swait.ge [sflag:s9], $0x4000  }
.Ltmp0:
0x14: {  	s30 =	sshll.u32 s12, $0xC;
	[sflag:s9] =	ssyncset.done $0x0;
	(pc) =	sbr.rel @!p0 .LBB2_2-.Ltmp0, $4  }
0x15: {  	s10 =	sadd.s32 s11, s30;
	[sflag:s9] =	ssyncadd.s32 $0xFFFFC000  }
0x16: {  	[hbm4b:s10+s3] =	stream.linear.scatter [tilespmem:s7], [sflag:$0x2], $0x8000, $0x38;
	[tilespmem:$0x8100] =	vst v63  }
0x17: {  	_ =	swait.ge [sflag:s4], $0x8000  }
0x18: {  	s11 =	sadd.s32 $0xFFFFFFFF, s31;
	[sflag:s4] =	ssyncset.done $0x0  }
.LBB2_1:
0x19: {  	p0 =	sne.s32 s11, $0x1;
	s11 =	sadd.s32 $0xFFFFFFFF, s11;
	[sflag:s4] =	ssyncadd.s32 $0xFFFF8000  }
0x1a: {  	[tilespmem:s3], [sflag:$0x2] =	stream.linear.gather [hbm4b:s5+s3], $0x100, $0x38;
	[tilespmem:$0x8100] =	vst v63  }
0x1b: {  	_ =	swait.ge [sflag:s4], $0x100  }
0x1c: {  	[sflag:s4] =	ssyncset.done $0x0  }
0x1d: {  	[sflag:s4] =	ssyncadd.s32 $0xFFFFFF00  }
0x1e: {  	[tilespmem:s7], [sflag:$0x1] =	stream.indirect.gather [hbm4b:s1+s6], $0x80, s3, s6, $0xb8;
	[tilespmem:$0x8100] =	vst v63  }
0x1f: {  	_ = 	snop  }
0x20: {  	[tilespmem:s8], [sflag:$0x1] =	stream.indirect.gather [hbm4b:s1+s6], $0x80, s6, s6, $0xb8;
	[tilespmem:$0x8100] =	vst v63  }
0x21: {  	_ =	swait.ge [sflag:s9], $0x4000  }
0x22: {  	[sflag:s9] =	ssyncset.done $0x0  }
0x23: {  	[sflag:s9] =	ssyncadd.s32 $0xFFFFC000  }
0x24: {  	_ =	swait.ge [sflag:s9], $0x4000  }
.Ltmp1:
0x25: {  	[sflag:s9] =	ssyncset.done $0x0;
	(pc) =	sbr.rel @p0 .LBB2_1-.Ltmp1, $4  }
0x26: {  	[sflag:s9] =	ssyncadd.s32 $0xFFFFC000  }
0x27: {  	[hbm4b:s10+s3] =	stream.linear.scatter [tilespmem:s7], [sflag:$0x2], $0x8000, $0x38;
	[tilespmem:$0x8100] =	vst v63  }
0x28: {  	_ =	swait.ge [sflag:s4], $0x8000  }
0x29: {  	[sflag:s4] =	ssyncset.done $0x0  }
.LBB2_2:
0x2a: {  	[sflag:s4] =	ssyncadd.s32 $0xFFFF8000  }
0x2b: {  	_ =	sfence.sel $0x180000  }
0x2c: {  	[bflag:$0x0] =	sbarrier.arrive $0xFFFF  }
0x2d: {  	p0 =	sne.s32 s0, $0x0;
	_ =	strace $0x9000005F  }
0x2e: {  	s0 =	sadd.s32 @!p0 $0x100000, s2;
	[bflag:$0x2] =	sbarrier.arrive $0xFFFF  }
0x2f: {  	[sflag:s0] =	ssyncadd.tile.s32 @!p0 $0x1;
	_ =	shalt  }
.Lfunc_end2:
_tile_overlayer_lowered:
.L_overlay_start_2:
0x30: {  	(tag) =	ssettag $0x2  }
0x31: {  	s0 =	rddreg [dreg:$0x0];
	s2 =	stileid.u32  }
0x32: {  	s1 =	rddreg [dreg:$0x1];
	p0 =	sne.s32 s2, $0x0  }
0x33: {  	s3 =	rddreg [dreg:$0x2];
	[bflag:$0x3] =	sbarrier.arrive $0xFFFF;
	s2 =	simm.s32 @!p0 $0x1C02  }
0x34: {  	[timem:s3], [sflag:s2] =	dma.local @!p0 [hbm:s0], s1  }
0x35: {  	s0 =	simm.s32 @!p0 $0x2  }
0x36: {  	_ =	swait.ge @!p0 [sflag:s0], s1  }
0x37: {  	s1 =	ssub.s32 @!p0 $0x0, s1;
	[sflag:s0] =	ssyncset.done @!p0 $0x0  }
0x38: {  	[sflag:s0] =	ssyncadd.s32 @!p0 s1  }
0x39: {  	[bflag:$0x3] =	sbarrier.arrive $0xFFFF  }
0x3a: {  	_ =	shalt  }

// kernel: kernel.8.cloned.1.call-start
scs
__scs_entry_jumppad:
0x0: {  	(pc) =	sbr.rel $0x88, $3  }
0x1: {  	(tag) =	ssettag $0x0;
	lr =	simm.s32 $0x1  }
0x2: {  	[smem:$0x3F96] =	sst lr;
	_ =	strace $0xD0000000  }
0x3: {  	_ = 	snop  }
0x4: {  	_ = 	snop  }
0x5: {  	_ = 	snop  }
0x6: {  	_ = 	snop  }
0x7: {  	_ = 	snop  }
__scs_overlays_trampoline_lowered:
0x8: {  	[smem:$0x3FA5] =	sst s0  }
0x9: {  	[smem:$0x3FA6] =	sst s1  }
0xa: {  	[smem:$0x3FA7] =	sst s2  }
0xb: {  	[smem:$0x3FA8] =	sst s3  }
0xc: {  	[smem:$0x3FA9] =	sst s4  }
0xd: {  	[smem:$0x3FAA] =	sst s5  }
0xe: {  	[smem:$0x3FAB] =	sst s6  }
0xf: {  	[smem:$0x3FAC] =	sst s7  }
0x10: {  	[smem:$0x3FAD] =	sst s8  }
0x11: {  	[smem:$0x3FAE] =	sst s9;
	s0 =	simm.s32 @!p0 $0x0  }
0x12: {  	s1 =	sld [smem:$0x3F94];
	s0 =	simm.s32 @p0 $0x1  }
0x13: {  	[smem:$0x3FAF] =	sst s0;
	s0 =	simm.s32 @!p1 $0x0  }
0x14: {  	s2 =	sld [smem:$0x3F93];
	s0 =	simm.s32 @p1 $0x1  }
0x15: {  	[smem:$0x3FB0] =	sst s0;
	s0 =	simm.s32 @!p2 $0x0  }
0x16: {  	s3 =	sld [smem:$0x3FDB];
	s0 =	simm.s32 @p2 $0x1  }
0x17: {  	s4 =	simm.s32 $0x1BF5;
	[smem:$0x3FB2] =	sst s0  }
0x18: {  	s0 =	sld [smem:$0x3F95];
	_ =	swait.ge [sflag:s4], $0x0  }
0x19: {  	s7 =	sld [smem:$0x3F96]  }
0x1a: {  	s8 =	sadd.s32 $0xFFFFE003, lr  }
0x1b: {  	s9 =	sadd.s32 $0xFFFFFEF7, lr;
	s5 =	simm.s32 $0xFFFFFFFF;
	p2 =	slt.u32 s8, $0xFFFFF086  }
0x1c: {  	p1 =	slt.u32 s9, $0xF7A;
	s5 =	simm.s32 @!p2 $0x0  }
0x1d: {  	s5 =	simm.s32 @p1 $0x1;
	p0 =	seq.s32 s7, s2  }
0x1e: {  	s7 =	smul.u32 @!p0 $0xF7A, s2;
	p2 =	seq.s32 @!p0 s5, $0x0  }
0x1f: {  	s9 =	smul.u32 $0xF7A, s1;
	s8 =	simm.s32 @!p0 $0x1BF5;
	p2 =	por !p2, p0  }
0x20: {  	[sflag:s8] =	ssyncset.s32 @!p0 $0xFFFFF086;
	s6 =	sadd.s32 @!p0 s3, s7;
	s7 =	simm.s32 @!p0 $0x108  }
0x21: {  	s3 =	sadd.s32 s3, s9;
	s6 =	sadd.s32 @!p0 $0x88, s6;
	s7 =	simm.s32 @p2 $0x1082  }
0x22: {  	[simem:s7], [sflag:s8] =	dma.local @!p0 [hbm:s6], $0xF7A  }
0x23: {  	s9 =	sor.u32 $0xD0000000, s2;
	s6 =	simm.s32 $0x108;
	_ =	swait.ge @!p0 [sflag:s8], $0x0  }
0x24: {  	s3 =	sadd.s32 $0x88, s3;
	s6 =	simm.s32 @!p1 $0x1082;
	[sflag:s4] =	ssyncset.s32 $0xFFFFF086  }
0x25: {  	[simem:s6], [sflag:s4] =	dma.local [hbm:s3], $0xF7A  }
0x26: {  	[smem:$0x3F96] =	sst s1;
	(tag) =	ssettag s2;
	_ =	strace s9  }
0x27: {  	s1 =	sld [smem:$0x3FA6]  }
0x28: {  	s2 =	sld [smem:$0x3FA7]  }
0x29: {  	s4 =	sld [smem:$0x3FA9]  }
0x2a: {  	p0 =	seq.s32 s5, $0x0;
	s5 =	sld [smem:$0x3FAA]  }
0x2b: {  	s6 =	sld [smem:$0x3FAB]  }
0x2c: {  	s7 =	sld [smem:$0x3FAC]  }
0x2d: {  	s3 =	simm.s32 $0x108;
	s8 =	sld [smem:$0x3FAD]  }
0x2e: {  	s3 =	simm.s32 @!p0 $0x1082;
	s9 =	sld [smem:$0x3FAE]  }
0x2f: {  	lr =	sadd.s32 s0, s3;
	s0 =	sld [smem:$0x3FA5]  }
0x30: {  	s3 =	sld [smem:$0x3FA8]  }
0x31: {  	[smem:$0x3FB1] =	sst s10  }
0x32: {  	s10 =	sld [smem:$0x3FAF];
	_ =	sdelay $0x3  }
0x33: {  	p0 =	seq.s32 s10, $0x1;
	s10 =	sld [smem:$0x3FB1];
	_ =	sdelay $0x3  }
0x34: {  	[smem:$0x3FB1] =	sst s10  }
0x35: {  	s10 =	sld [smem:$0x3FB0];
	_ =	sdelay $0x3  }
0x36: {  	p1 =	seq.s32 s10, $0x1;
	s10 =	sld [smem:$0x3FB1];
	_ =	sdelay $0x3  }
0x37: {  	[smem:$0x3FB1] =	sst s10  }
0x38: {  	s10 =	sld [smem:$0x3FB2]  }
0x39: {  	_ = 	snop;
	(pc) =	sbr.ind lr, $3  }
0x3a: {  	_ = 	snop  }
0x3b: {  	_ = 	snop  }
0x3c: {  	p2 =	seq.s32 s10, $0x1;
	s10 =	sld [smem:$0x3FB1]  }
0x3d: {  	_ =	shalt  }
0x3e: {  	_ =	shalt  }
0x3f: {  	_ =	shalt  }
0x40: {  	_ =	shalt  }
0x41: {  	_ =	shalt  }
0x42: {  	_ =	shalt  }
0x43: {  	_ =	shalt  }
0x44: {  	_ =	shalt  }
0x45: {  	_ =	shalt  }
0x46: {  	_ =	shalt  }
0x47: {  	_ =	shalt  }
0x48: {  	_ =	shalt  }
0x49: {  	_ =	shalt  }
0x4a: {  	_ =	shalt  }
0x4b: {  	_ =	shalt  }
0x4c: {  	_ =	shalt  }
0x4d: {  	_ =	shalt  }
0x4e: {  	_ =	shalt  }
0x4f: {  	_ =	shalt  }
0x50: {  	_ =	shalt  }
0x51: {  	_ =	shalt  }
0x52: {  	_ =	shalt  }
0x53: {  	_ =	shalt  }
0x54: {  	_ =	shalt  }
0x55: {  	_ =	shalt  }
0x56: {  	_ =	shalt  }
0x57: {  	_ =	shalt  }
0x58: {  	_ =	shalt  }
0x59: {  	_ =	shalt  }
0x5a: {  	_ =	shalt  }
0x5b: {  	_ =	shalt  }
0x5c: {  	_ =	shalt  }
0x5d: {  	_ =	shalt  }
0x5e: {  	_ =	shalt  }
0x5f: {  	_ =	shalt  }
0x60: {  	_ =	shalt  }
0x61: {  	_ =	shalt  }
0x62: {  	_ =	shalt  }
0x63: {  	_ =	shalt  }
0x64: {  	_ =	shalt  }
0x65: {  	_ =	shalt  }
0x66: {  	_ =	shalt  }
0x67: {  	_ =	shalt  }
0x68: {  	_ =	shalt  }
0x69: {  	_ =	shalt  }
0x6a: {  	_ =	shalt  }
0x6b: {  	_ =	shalt  }
0x6c: {  	_ =	shalt  }
0x6d: {  	_ =	shalt  }
0x6e: {  	_ =	shalt  }
0x6f: {  	_ =	shalt  }
0x70: {  	_ =	shalt  }
0x71: {  	_ =	shalt  }
0x72: {  	_ =	shalt  }
0x73: {  	_ =	shalt  }
0x74: {  	_ =	shalt  }
0x75: {  	_ =	shalt  }
0x76: {  	_ =	shalt  }
0x77: {  	_ =	shalt  }
0x78: {  	_ =	shalt  }
0x79: {  	_ =	shalt  }
0x7a: {  	_ =	shalt  }
0x7b: {  	_ =	shalt  }
0x7c: {  	_ =	shalt  }
0x7d: {  	_ =	shalt  }
0x7e: {  	_ =	shalt  }
0x7f: {  	_ =	shalt  }
0x80: {  	_ =	shalt  }
0x81: {  	_ =	shalt  }
0x82: {  	_ =	shalt  }
0x83: {  	_ =	shalt  }
0x84: {  	_ =	shalt  }
0x85: {  	_ =	shalt  }
0x86: {  	_ =	shalt  }
0x87: {  	_ =	shalt  }
.Lfunc_end0:
.L_simem_size_0:
called_computation.4_lowered:
.L_overlay_start_0:
0x88: {  	s2 =	sld [smem:$0x3FD9]  }
0x89: {  	s3 =	sld [smem:$0x3FFE];
	_ =	sdelay $0x1  }
0x8a: {  	s1 =	srdreg.scid  }
0x8b: {  	s0 =	sand.u32 $0x1, s1  }
0x8c: {  	s15 =	sshll.u32 s0, $0xA;
	s2 =	sadd.s32 s3, s2  }
0x8d: {  	s2 =	sadd.s32 s2, s15  }
0x8e: {  	[smem:$0x3FBD] =	sst s2  }
0x8f: {  	_ = 	snop  }
0x90: {  	s2 =	sld [smem:$0x3FD0];
	_ =	sdelay $0x2  }
0x91: {  	s16 =	simm.s32 $0xD;
	s4 =	simm.s32 $0x10  }
0x92: {  	[smem:s4], [sflag:s16] =	dma.local [hbm:s2], $0x1  }
0x93: {  	_ =	swait.eq [sflag:s16], $0x1  }
0x94: {  	[sflag:s16] =	ssyncset.done $0x0  }
0x95: {  	[sflag:s16] =	ssyncadd.s32 $0xFFFFFFFF  }
0x96: {  	s17 =	sld [smem:$0x13];
	(tm) =	ssettm $0x1  }
0x97: {  	s18 =	sld [smem:$0x3FFB];
	_ =	sdelay $0x3  }
0x98: {  	_ =	strace s18  }
0x99: {  	s2 =	sld [smem:$0x3FFC];
	_ =	sdelay $0x3  }
0x9a: {  	_ =	strace s2  }
0x9b: {  	s2 =	sld [smem:$0x3FFD];
	_ =	sdelay $0x3  }
0x9c: {  	_ =	strace s2  }
0x9d: {  	_ =	strace $0x8FFFFFFF  }
0x9e: {  	s19 =	sld [smem:$0x3FDB];
	_ =	sdelay $0x1  }
0x9f: {  	s20 =	simm.s32 $_scs_section_size  }
0xa0: {  	s5 =	simm.s32 $_size__tile_overlayer_lowered;
	s6 =	simm.s32 $_tile_overlayer_lowered  }
0xa1: {  	s7 =	simm.s32 $0x1BFF;
	s21 =	sshll.u32 s6, $0x1;
	s4 =	sadd.s32 s20, s19  }
0xa2: {  	s22 =	simm.s32 $0x0;
	s5 =	sshll.u32 s5, $0x1;
	s6 =	sadd.s32 s21, s4  }
0xa3: {  	[timem:s22], [sflag:s7] =	dma.local [hbm:s6], s5  }
0xa4: {  	_ =	swait.ge [sflag:s7], s5  }
0xa5: {  	s5 =	ssub.s32 $0x0, s5;
	[sflag:s7] =	ssyncset.done $0x0  }
0xa6: {  	[sflag:s7] =	ssyncadd.s32 s5;
	_ =	sdelay $0x1  }
0xa7: {  	s23 =	simm.s32 $0x1B8B  }
0xa8: {  	_ =	swait.ge [sflag:s23], $0x1  }
0xa9: {  	[sflag:s23] =	ssyncset.done $0x0  }
0xaa: {  	[sflag:s23] =	ssyncadd.s32 $0xFFFFFFFF  }
0xab: {  	s5 =	sld [smem:$0x0]  }
0xac: {  	s6 =	sand.u32 $0xFFFFFFFE, s1  }
0xad: {  	p0 =	sne.s32 s1, s6  }
0xae: {  	s6 =	sshll.u32 @p0 s6, $0xE  }
0xaf: {  	s6 =	sadd.s32 @p0 $0x11B8D, s6;
	s7 =	sshll.u32 @p0 s5, $0x11  }
0xb0: {  	s6 =	sor.u32 @p0 s7, s6  }
0xb1: {  	[sflag:s6] =	ssyncadd.remote.s32 @p0 $0x1;
	_ =	sdelay $0x1  }
0xb2: {  	s6 =	simm.s32 @p0 $0x1B8D  }
0xb3: {  	_ =	swait.eq @p0 [sflag:s6], $0x1  }
0xb4: {  	[sflag:s6] =	ssyncadd.s32 @p0 $0xFFFFFFFF  }
0xb5: {  	s7 =	sshll.u32 @!p0 s1, $0xE  }
0xb6: {  	s7 =	sor.u32 @!p0 $0x4000, s7;
	s6 =	simm.s32 @!p0 $0x1B8D  }
0xb7: {  	s5 =	sshll.u32 @!p0 s5, $0x11;
	s7 =	sadd.s32 @!p0 $0x11B8D, s7;
	_ =	swait.eq @!p0 [sflag:s6], $0x1  }
0xb8: {  	s5 =	sor.u32 @!p0 s5, s7;
	[sflag:s6] =	ssyncadd.s32 @!p0 $0xFFFFFFFF  }
0xb9: {  	s25 =	simm.s32 $0x1B8E;
	s24 =	sld [smem:$0x3FFE];
	[sflag:s5] =	ssyncadd.remote.s32 @!p0 $0x1  }
0xba: {  	s26 =	simm.s32 $execute0_lowered;
	[smem:$0x3FD2] =	sst s25  }
0xbb: {  	s6 =	sshll.u32 s26, $0x1;
	_ =	strace $0x8000005B;
	[dreg:$0x1] =	wrdreg $0xFFFFFFFF  }
0xbc: {  	s28 =	simm.s32 $_size_execute0_lowered;
	s4 =	sadd.s32 s4, s6;
	[dreg:$0x0] =	wrdreg $0x0  }
0xbd: {  	s6 =	sshll.u32 s28, $0x1;
	[dreg:$0x2] =	wrdreg s4  }
0xbe: {  	[dreg:$0x3] =	wrdreg s6  }
0xbf: {  	[dreg:$0x4] =	wrdreg $0xC0  }
0xc0: {  	_ =	task [dreg:s22], $0x5FFFF  }
0xc1: {  	[dreg:$0x1] =	wrdreg $0xFFFFFFFF  }
0xc2: {  	[dreg:$0x0] =	wrdreg $0x60  }
0xc3: {  	[dreg:$0x2] =	wrdreg s24  }
0xc4: {  	[dreg:$0x3] =	wrdreg s17  }
0xc5: {  	[dreg:$0x4] =	wrdreg $0xC0800  }
0xc6: {  	[dreg:$0x5] =	wrdreg $0xC2800  }
0xc7: {  	[dreg:$0x6] =	wrdreg $0x9  }
0xc8: {  	_ =	task.clear_ibuf [dreg:s22], $0x7FFFF;
	_ =	strace $0x9000005B  }
0xc9: {  	s29 =	simm.s32 $0x9;
	_ =	strace $0x8000005D  }
0xca: {  	_ =	swait.ge [sflag:s29], $0x1  }
0xcb: {  	[sflag:s29] =	ssyncadd.s32 $0xFFFFFFFF  }
0xcc: {  	_ =	strace $0x9000005D  }
0xcd: {  	_ =	sfence  }
0xce: {  	s30 =	sld [smem:$0x0];
	_ =	sdelay $0x2  }
0xcf: {  	s31 =	sshll.u32 s1, $0xD;
	s1 =	sshrl.u32 s1, $0x2  }
0xd0: {  	s4 =	sand.u32 $0x4000, s31;
	s1 =	sadd.s32 s1, s30  }
0xd1: {  	s0 =	sor.u32 s4, s0;
	s1 =	sshll.u32 s1, $0x11  }
0xd2: {  	s0 =	sor.u32 s1, s0  }
0xd3: {  	s0 =	sadd.s32 $0x8F2B, s0  }
0xd4: {  	[sflag:s0] =	ssyncadd.remote.s32 $0x1  }
0xd5: {  	_ =	sfence.sel $0xFFFF  }
0xd6: {  	[dreg:$0x0] =	wrdreg $0xFFFFFFFF;
	(pc) =	sbr.abs _section_cstart, $3  }
0xd7: {  	[dreg:$0x1] =	wrdreg $0xFFFFFFFF  }
0xd8: {  	_ =	task.clear_ibuf [dreg:s22], $0x2FFFF;
	_ =	strace $0x9FFFFFFF  }
0xd9: {  	(tm) =	ssettm $0x7FFFFFFF  }
tec
execute0_lowered:
.L_overlay_start_1:
0x0: {  	(tag) =	ssettag $0x1  }
0x1: {  	s0 =	rddreg [dreg:$0x0]  }
0x2: {  	s5 =	rddreg [dreg:$0x1]  }
0x3: {  	s1 =	rddreg [dreg:$0x2]  }
0x4: {  	s2 =	rddreg [dreg:$0x3]  }
0x5: {  	s3 =	simm.s32 $0x0;
	s4 =	srdreg.scid;
	s21 =	stileid.u32  }
0x6: {  	p2 =	por $0x0, $0x0;
	s28 =	simm.s32 $0x8000;
	s29 =	simm.s32 $0x0  }
0x7: {  	[smem:$0x7FF] =	sst s3;
	s6 =	sand.u32 $0x1, s4;
	s8 =	sadd.s32 $0x800, s0  }
0x8: {  	s4 =	sadd.s32 $0x14C00, s0;
	s24 =	sshll.u32 s21, $0xA;
	s25 =	sshll.u32 s21, $0x11  }
0x9: {  	p0 =	sne.s32 s21, $0x0;
	s31 =	sshll.u32 s21, $0x12;
	p1 =	sgt.u32 s21, $0x1  }
0xa: {  	s21 =	simm.s32 $0x1;
	_ =	strace $0x8000005C;
	s17 =	sshll.u32 s6, $0x4  }
0xb: {  	s7 =	ssub.s32 $0x2, s6;
	s20 =	sshll.u32 s6, $0x15;
	s10 =	sadd.s32 s8, s24  }
0xc: {  	s26 =	sshll.u32 s6, $0x9;
	p2 =	por @!p1 p0, p0;
	s18 =	sadd.s32 s17, s0  }
0xd: {  	s9 =	sshrl.u32 s7, $0x1;
	[dreg:$0x5] =	wrdreg s10;
	s0 =	sadd.s32 $0x4800, s0  }
0xe: {  	s10 =	sor.u32 s26, s24;
	s17 =	sadd.s32 s5, s17;
	s26 =	simm.s32 $0x80  }
0xf: {  	s19 =	ssub.s32 s7, s9;
	s9 =	sor.u32 s25, s20;
	s7 =	sadd.s32 s24, s0  }
0x10: {  	s30 =	sadd.s32 s8, s10;
	s0 =	sadd.s32 s10, s0;
	[dreg:$0x6] =	wrdreg s7  }
0x11: {  	s18 =	sadd.s32 $0x8C00, s18;
	s25 =	simm.s32 $0x8080;
	[dreg:$0x7] =	wrdreg s30  }
0x12: {  	s9 =	sshrl.u32 s9, $0x3;
	[dreg:$0x8] =	wrdreg s0;
	s0 =	sand.u32 $0x1C0000, s31  }
0x13: {  	s19 =	smax.u32 s19, $0x1;
	s8 =	sadd.s32 s4, s9;
	s0 =	sor.u32 s20, s0  }
0x14: {  	s20 =	smov.u32 s1;
	s10 =	sadd.s32 $0x800, s8;
	s11 =	sadd.s32 $0x1000, s8  }
0x15: {  	v2 =	vimm.f32 $1.000000000e+00;
	v3 =	vimm.f32 $0.0e+00;
	s12 =	sadd.s32 $0x1800, s8;
	s13 =	sadd.s32 $0x2000, s8;
	s14 =	sadd.s32 $0x2800, s8  }
0x16: {  	v4 =	vlaneseq.u32;
	v0 =	vmov s6;
	s15 =	sadd.s32 $0x3000, s8;
	s16 =	sadd.s32 $0x3800, s8;
	s20 =	smov.u32 @p0 s2;
	v1 =	vmov s0  }
.LBB2_1:
0x17: {  	[tilespmem:$0x8000] =	vst v2  }
0x18: {  	[tilespmem:$0x8010] =	vst v2  }
0x19: {  	[tilespmem:$0x8020] =	vst v2  }
0x1a: {  	[tilespmem:$0x8030] =	vst v2  }
0x1b: {  	[tilespmem:$0x8040] =	vst v2  }
0x1c: {  	[tilespmem:$0x8050] =	vst v2  }
0x1d: {  	[tilespmem:$0x8060] =	vst v2  }
0x1e: {  	[tilespmem:$0x8070] =	vst v2;
	s0 =	simm.s32 $0x40;
	s5 =	simm.s32 $0x0  }
.LBB2_2:
0x1f: {  	p3 =	sne.s32 s0, $0xFFC0;
	[tilespmem:s5+$0x8080] =	vst v3;
	s5 =	smov.u32 s0;
	s0 =	sadd.s32 $0x40, s0  }
.Ltmp0:
0x20: {  	(pc) =	sbr.rel @p3 .LBB2_2-.Ltmp0, $2  }
0x21: {  	_ =	sdelay $0x2  }
0x22: {  	s5 =	sshra.s32 s5, $0x2  }
0x23: {  	[tilespmem:s5+$0x8080] =	vst v3;
	s0 =	rddreg [dreg:$0x5]  }
0x24: {  	[tilespmem:s3], [sflag:$0x1] =	stream.linear.gather [hbm4b:s0+s3], $0x2000, $0x38;
	[tilespmem:$0xC480] =	vst v63  }
0x25: {  	_ =	swait.ge [sflag:s21], $0x2000  }
0x26: {  	[sflag:s21] =	ssyncset.done $0x0  }
0x27: {  	s7 =	simm.s32 $0x2000;
	s6 =	rddreg [dreg:$0x6];
	[sflag:s21] =	ssyncadd.s32 $0xFFFFE000  }
0x28: {  	[tilespmem:s7], [sflag:$0x1] =	stream.linear.gather [hbm4b:s6+s3], $0x2000, $0x38;
	[tilespmem:$0xC480] =	vst v63  }
0x29: {  	_ =	swait.ge [sflag:s21], $0x2000  }
0x2a: {  	[sflag:s21] =	ssyncset.done $0x0  }
0x2b: {  	s22 =	simm.s32 $0x6000;
	s9 =	rddreg [dreg:$0x7];
	[sflag:s21] =	ssyncadd.s32 $0xFFFFE000  }
0x2c: {  	[tilespmem:s22], [sflag:$0x1] =	stream.linear.gather [hbm4b:s9+s3], $0x1000, $0x38;
	[tilespmem:$0xC480] =	vst v63  }
0x2d: {  	_ =	swait.ge [sflag:s21], $0x1000  }
0x2e: {  	[sflag:s21] =	ssyncset.done $0x0  }
0x2f: {  	s24 =	simm.s32 $0x7000;
	s23 =	rddreg [dreg:$0x8];
	[sflag:s21] =	ssyncadd.s32 $0xFFFFF000  }
0x30: {  	[tilespmem:s24], [sflag:$0x1] =	stream.linear.gather [hbm4b:s23+s3], $0x1000, $0x38;
	[tilespmem:$0xC480] =	vst v63  }
0x31: {  	_ =	swait.ge [sflag:s21], $0x1000  }
0x32: {  	[sflag:s21] =	ssyncset.done $0x0  }
0x33: {  	s0 =	simm.s32 @!p1 $0x8080;
	[sflag:s21] =	ssyncadd.s32 $0xFFFFF000  }
0x34: {  	[spmem:s20] =	stream.linear.scatter @!p1 [tilespmem:s0], [sflag:$0x1], $0x2000, $0x38;
	[tilespmem:$0xC480] =	vst v63  }
0x35: {  	s0 =	simm.s32 @!p1 $0x1  }
0x36: {  	_ =	swait.ge @!p1 [sflag:s0], $0x2000  }
0x37: {  	[sflag:s0] =	ssyncset.done @!p1 $0x0  }
0x38: {  	s30 =	simm.s32 $0x0;
	[sflag:s0] =	ssyncadd.s32 @!p1 $0xFFFFE000  }
0x39: {  	[hbm4b:s8+s30] =	stream.linear.scatter [tilespmem:s25], [sflag:$0x1], $0x4000, $0x38;
	[tilespmem:$0xC480] =	vst v63  }
0x3a: {  	_ =	swait.ge [sflag:s21], $0x4000  }
0x3b: {  	[sflag:s21] =	ssyncset.done $0x0  }
0x3c: {  	[sflag:s21] =	ssyncadd.s32 $0xFFFFC000  }
0x3d: {  	[hbm4b:s10+s30] =	stream.linear.scatter [tilespmem:s25], [sflag:$0x1], $0x4000, $0x38;
	[tilespmem:$0xC480] =	vst v63  }
0x3e: {  	_ =	swait.ge [sflag:s21], $0x4000  }
0x3f: {  	[sflag:s21] =	ssyncset.done $0x0  }
0x40: {  	[sflag:s21] =	ssyncadd.s32 $0xFFFFC000  }
0x41: {  	[hbm4b:s11+s30] =	stream.linear.scatter [tilespmem:s25], [sflag:$0x1], $0x4000, $0x38;
	[tilespmem:$0xC480] =	vst v63  }
0x42: {  	_ =	swait.ge [sflag:s21], $0x4000  }
0x43: {  	[sflag:s21] =	ssyncset.done $0x0  }
0x44: {  	[sflag:s21] =	ssyncadd.s32 $0xFFFFC000  }
0x45: {  	[hbm4b:s12+s30] =	stream.linear.scatter [tilespmem:s25], [sflag:$0x1], $0x4000, $0x38;
	[tilespmem:$0xC480] =	vst v63  }
0x46: {  	_ =	swait.ge [sflag:s21], $0x4000  }
0x47: {  	[sflag:s21] =	ssyncset.done $0x0  }
0x48: {  	[sflag:s21] =	ssyncadd.s32 $0xFFFFC000  }
0x49: {  	[hbm4b:s13+s30] =	stream.linear.scatter [tilespmem:s25], [sflag:$0x1], $0x4000, $0x38;
	[tilespmem:$0xC480] =	vst v63  }
0x4a: {  	_ =	swait.ge [sflag:s21], $0x4000  }
0x4b: {  	[sflag:s21] =	ssyncset.done $0x0  }
0x4c: {  	[sflag:s21] =	ssyncadd.s32 $0xFFFFC000  }
0x4d: {  	[hbm4b:s14+s30] =	stream.linear.scatter [tilespmem:s25], [sflag:$0x1], $0x4000, $0x38;
	[tilespmem:$0xC480] =	vst v63  }
0x4e: {  	_ =	swait.ge [sflag:s21], $0x4000  }
0x4f: {  	[sflag:s21] =	ssyncset.done $0x0  }
0x50: {  	[sflag:s21] =	ssyncadd.s32 $0xFFFFC000  }
0x51: {  	[hbm4b:s15+s30] =	stream.linear.scatter [tilespmem:s25], [sflag:$0x1], $0x4000, $0x38;
	[tilespmem:$0xC480] =	vst v63  }
0x52: {  	_ =	swait.ge [sflag:s21], $0x4000  }
0x53: {  	[sflag:s21] =	ssyncset.done $0x0  }
0x54: {  	[sflag:s21] =	ssyncadd.s32 $0xFFFFC000  }
0x55: {  	[hbm4b:s16+s30] =	stream.linear.scatter [tilespmem:s25], [sflag:$0x1], $0x4000, $0x38;
	[tilespmem:$0xC480] =	vst v63  }
0x56: {  	_ =	swait.ge [sflag:s21], $0x4000  }
0x57: {  	[sflag:s21] =	ssyncset.done $0x0  }
0x58: {  	s0 =	simm.s32 $0x2040;
	[sflag:s21] =	ssyncadd.s32 $0xFFFFC000  }
0x59: {  	s31 =	simm.s32 $0x40;
	v5 =	vld [tilespmem:s0+$0xFFFFFFC0]  }
0x5a: {  	v6 =	vld [tilespmem:s31+$0xFFFFFFC0];
	_ =	sdelay $0x1  }
0x5b: {  	v7 =	vor.u32 s30, v4  }
0x5c: {  	v7 =	vand.u32 $0x18F, v7  }
0x5d: {  	v7 =	vmul.u32 $0x201, v7;
	v8 =	vshrl.u32 v5, $0x9  }
0x5e: {  	v9 =	vshrl.u32 v6, $0x9;
	v10 =	vshrl.u32 v6, $0xC;
	v6 =	vshll.u32 v6, $0x9  }
0x5f: {  	v5 =	vand.u32 $0x1FF, v5;
	v6 =	vand.u32 $0x3FE00, v6;
	v50 =	vshll.u32 v9, $0x12  }
0x60: {  	vm0 =	veq.s32 v10, v0;
	vm1 =	veq.s32 v9, v8;
	v6 =	vor.u32 v6, v50  }
0x61: {  	v7 =	vor.u32 v1, v7;
	vm0 =	vmand vm0, vm1;
	v5 =	vor.u32 v5, v6  }
0x62: {  	s22 =	simm.s32 $0x4040;
	v5 =	vsel vm0, v5, v7  }
0x63: {  	[tilespmem:s22+$0xFFFFFFC0] =	vst v5  }
0x64: {  	v5 =	vld [tilespmem:s31+$0xFFFFFFD0]  }
0x65: {  	v6 =	vld [tilespmem:s0+$0xFFFFFFD0]  }
0x66: {  	s6 =	simm.s32 $0x10  }
0x67: {  	v7 =	vor.u32 s6, v4  }
0x68: {  	v7 =	vand.u32 $0x19F, v7  }
0x69: {  	v7 =	vmul.u32 $0x201, v7;
	v8 =	vshrl.u32 v5, $0xC  }
0x6a: {  	v51 =	vshrl.u32 v5, $0x9;
	v5 =	vshll.u32 v5, $0x9;
	v52 =	vshrl.u32 v6, $0x9  }
0x6b: {  	vm6 =	veq.s32 v8, v0;
	v8 =	vshll.u32 v51, $0x12;
	v5 =	vand.u32 $0x3FE00, v5  }
0x6c: {  	v6 =	vand.u32 $0x1FF, v6;
	vm7 =	veq.s32 v51, v52;
	v5 =	vor.u32 v5, v8  }
0x6d: {  	v7 =	vor.u32 v1, v7;
	vm0 =	vmand vm6, vm7;
	v5 =	vor.u32 v6, v5  }
0x6e: {  	v5 =	vsel vm0, v5, v7  }
0x6f: {  	[tilespmem:s22+$0xFFFFFFD0] =	vst v5  }
0x70: {  	v5 =	vld [tilespmem:s31+$0xFFFFFFE0]  }
0x71: {  	v6 =	vld [tilespmem:s0+$0xFFFFFFE0]  }
0x72: {  	s7 =	simm.s32 $0x20  }
0x73: {  	v7 =	vor.u32 s7, v4  }
0x74: {  	v7 =	vand.u32 $0x1AF, v7  }
0x75: {  	v7 =	vmul.u32 $0x201, v7;
	v8 =	vshrl.u32 v5, $0x9  }
0x76: {  	v53 =	vshrl.u32 v5, $0xC;
	v5 =	vshll.u32 v5, $0x9;
	v54 =	vshrl.u32 v6, $0x9  }
0x77: {  	v6 =	vand.u32 $0x1FF, v6;
	v55 =	vshll.u32 v8, $0x12;
	v5 =	vand.u32 $0x3FE00, v5  }
0x78: {  	vm8 =	veq.s32 v53, v0;
	vm9 =	veq.s32 v8, v54;
	v5 =	vor.u32 v5, v55  }
0x79: {  	v7 =	vor.u32 v1, v7;
	vm0 =	vmand vm8, vm9;
	v5 =	vor.u32 v6, v5  }
0x7a: {  	v5 =	vsel vm0, v5, v7  }
0x7b: {  	[tilespmem:s22+$0xFFFFFFE0] =	vst v5  }
0x7c: {  	v5 =	vld [tilespmem:s31+$0xFFFFFFF0]  }
0x7d: {  	v6 =	vld [tilespmem:s0+$0xFFFFFFF0]  }
0x7e: {  	s9 =	simm.s32 $0x30  }
0x7f: {  	v7 =	vor.u32 s9, v4  }
0x80: {  	v7 =	vand.u32 $0x1BF, v7  }
0x81: {  	v7 =	vmul.u32 $0x201, v7;
	v8 =	vshrl.u32 v5, $0x9  }
0x82: {  	v56 =	vshrl.u32 v5, $0xC;
	v57 =	vshrl.u32 v6, $0x9;
	v5 =	vshll.u32 v5, $0x9  }
0x83: {  	v6 =	vand.u32 $0x1FF, v6;
	v11 =	vshll.u32 v8, $0x12;
	v5 =	vand.u32 $0x3FE00, v5  }
0x84: {  	vm10 =	veq.s32 v8, v57;
	vm11 =	veq.s32 v56, v0;
	v5 =	vor.u32 v5, v11  }
0x85: {  	v7 =	vor.u32 v1, v7;
	vm0 =	vmand vm11, vm10;
	v5 =	vor.u32 v6, v5  }
0x86: {  	v5 =	vsel vm0, v5, v7  }
0x87: {  	[tilespmem:s22+$0xFFFFFFF0] =	vst v5  }
0x88: {  	v5 =	vld [tilespmem:s31+$0x0]  }
0x89: {  	v6 =	vld [tilespmem:s0+$0x0]  }
0x8a: {  	s23 =	simm.s32 $0x40  }
0x8b: {  	v7 =	vor.u32 s23, v4  }
0x8c: {  	v7 =	vand.u32 $0x1CF, v7  }
0x8d: {  	v7 =	vmul.u32 $0x201, v7;
	v8 =	vshrl.u32 v5, $0x9  }
0x8e: {  	v58 =	vshll.u32 v5, $0x9;
	v5 =	vshrl.u32 v5, $0xC;
	v60 =	vshrl.u32 v6, $0x9  }
0x8f: {  	v59 =	vshll.u32 v8, $0x12;
	vm12 =	veq.s32 v5, v0;
	v5 =	vand.u32 $0x3FE00, v58  }
0x90: {  	v6 =	vand.u32 $0x1FF, v6;
	vm13 =	veq.s32 v8, v60;
	v5 =	vor.u32 v5, v59  }
0x91: {  	v7 =	vor.u32 v1, v7;
	vm0 =	vmand vm12, vm13;
	v5 =	vor.u32 v6, v5  }
0x92: {  	v5 =	vsel vm0, v5, v7  }
0x93: {  	[tilespmem:s22+$0x0] =	vst v5  }
0x94: {  	v5 =	vld [tilespmem:s31+$0x10]  }
0x95: {  	v6 =	vld [tilespmem:s0+$0x10]  }
0x96: {  	s24 =	simm.s32 $0x50  }
0x97: {  	v7 =	vor.u32 s24, v4  }
0x98: {  	v7 =	vand.u32 $0x1DF, v7  }
0x99: {  	v7 =	vmul.u32 $0x201, v7;
	v8 =	vshrl.u32 v5, $0x9  }
0x9a: {  	v61 =	vshll.u32 v5, $0x9;
	v63 =	vshrl.u32 v6, $0x9;
	v5 =	vshrl.u32 v5, $0xC  }
0x9b: {  	v6 =	vand.u32 $0x1FF, v6;
	v62 =	vshll.u32 v8, $0x12;
	v9 =	vand.u32 $0x3FE00, v61  }
0x9c: {  	vm14 =	veq.s32 v8, v63;
	vm15 =	veq.s32 v5, v0;
	v9 =	vor.u32 v9, v62  }
0x9d: {  	v5 =	vor.u32 v1, v7;
	vm0 =	vmand vm15, vm14;
	v6 =	vor.u32 v6, v9  }
0x9e: {  	v5 =	vsel vm0, v6, v5  }
0x9f: {  	[tilespmem:s22+$0x10] =	vst v5  }
0xa0: {  	s5 =	simm.s32 $0x80;
	v6 =	vld [tilespmem:s31+$0x20]  }
0xa1: {  	s6 =	simm.s32 $0xC0;
	s23 =	simm.s32 $0x4040;
	s24 =	simm.s32 $0x2040;
	v5 =	vld [tilespmem:s0+$0x20]  }
.LBB2_4:
0xa2: {  	s7 =	sadd.s32 $0x60, s30;
	s22 =	sadd.s32 $0x80, s22;
	s0 =	sadd.s32 $0x80, s0  }
0xa3: {  	p3 =	sne.s32 s5, $0x1F80;
	v7 =	vor.u32 s7, v4;
	s7 =	smov.u32 s5;
	s5 =	sadd.s32 $0x80, s5  }
0xa4: {  	v7 =	vand.u32 $0x1EF, v7  }
0xa5: {  	v8 =	vshrl.u32 v6, $0x9;
	v9 =	vshrl.u32 v6, $0xC;
	v6 =	vshll.u32 v6, $0x9  }
0xa6: {  	v7 =	vmul.u32 $0x201, v7;
	v10 =	vshrl.u32 v5, $0x9;
	v11 =	vshll.u32 v8, $0x12  }
0xa7: {  	vm0 =	veq.s32 v9, v0;
	v6 =	vand.u32 $0x3FE00, v6;
	v5 =	vand.u32 $0x1FF, v5  }
0xa8: {  	vm1 =	veq.s32 v8, v10;
	v6 =	vor.u32 v6, v11;
	v7 =	vor.u32 v1, v7  }
0xa9: {  	vm0 =	vmand vm0, vm1;
	v5 =	vor.u32 v5, v6  }
0xaa: {  	v5 =	vsel vm0, v5, v7  }
0xab: {  	[tilespmem:s23+$0x20] =	vst v5  }
0xac: {  	v5 =	vld [tilespmem:s31+$0x30];
	s31 =	smov.u32 s6  }
0xad: {  	v6 =	vld [tilespmem:s24+$0x30];
	s24 =	smov.u32 s0;
	_ =	sdelay $0x2  }
0xae: {  	s9 =	sadd.s32 $0x70, s30;
	s30 =	smov.u32 s7  }
0xaf: {  	v9 =	vor.u32 s9, v4;
	v7 =	vshrl.u32 v5, $0xC;
	v8 =	vshll.u32 v5, $0x9  }
0xb0: {  	v9 =	vand.u32 $0x1FF, v9;
	v5 =	vshrl.u32 v5, $0x9;
	v8 =	vand.u32 $0x3FE00, v8  }
0xb1: {  	v9 =	vmul.u32 $0x201, v9;
	v10 =	vshrl.u32 v6, $0x9;
	v11 =	vshll.u32 v5, $0x12  }
0xb2: {  	v12 =	vor.u32 s30, v4;
	vm0 =	veq.s32 v5, v10;
	v5 =	vor.u32 v8, v11  }
0xb3: {  	vm1 =	veq.s32 v7, v0;
	v6 =	vand.u32 $0x1FF, v6;
	v7 =	vor.u32 v1, v9  }
0xb4: {  	vm0 =	vmand vm1, vm0;
	v5 =	vor.u32 v6, v5  }
0xb5: {  	v5 =	vsel vm0, v5, v7  }
0xb6: {  	v6 =	vand.u32 $0x18F, v12;
	[tilespmem:s23+$0x30] =	vst v5;
	s23 =	smov.u32 s22  }
0xb7: {  	v5 =	vmul.u32 $0x201, v6;
	_ =	sdelay $0x1  }
0xb8: {  	v5 =	vor.u32 v1, v5;
	v6 =	vld [tilespmem:s0+$0xFFFFFFC0]  }
0xb9: {  	v7 =	vld [tilespmem:s6+$0xFFFFFFC0];
	_ =	sdelay $0x3  }
0xba: {  	v8 =	vshrl.u32 v6, $0x9  }
0xbb: {  	v9 =	vshrl.u32 v7, $0x9;
	v10 =	vshrl.u32 v7, $0xC;
	v7 =	vshll.u32 v7, $0x9  }
0xbc: {  	s7 =	sadd.s32 $0x10, s30;
	v6 =	vand.u32 $0x1FF, v6;
	vm0 =	veq.s32 v10, v0;
	v7 =	vand.u32 $0x3FE00, v7  }
0xbd: {  	vm1 =	veq.s32 v9, v8;
	v8 =	vshll.u32 v9, $0x12;
	v9 =	vor.u32 s7, v4  }
0xbe: {  	vm0 =	vmand vm0, vm1;
	v7 =	vor.u32 v7, v8  }
0xbf: {  	v6 =	vor.u32 v6, v7  }
0xc0: {  	v5 =	vsel vm0, v6, v5;
	v6 =	vand.u32 $0x19F, v9  }
0xc1: {  	[tilespmem:s22+$0xFFFFFFC0] =	vst v5;
	v5 =	vmul.u32 $0x201, v6  }
0xc2: {  	v6 =	vld [tilespmem:s6+$0xFFFFFFD0]  }
0xc3: {  	v7 =	vld [tilespmem:s0+$0xFFFFFFD0];
	v5 =	vor.u32 v1, v5;
	_ =	sdelay $0x3  }
0xc4: {  	v8 =	vshrl.u32 v6, $0x9;
	v9 =	vshrl.u32 v6, $0xC;
	v6 =	vshll.u32 v6, $0x9  }
0xc5: {  	vm0 =	veq.s32 v9, v0;
	v9 =	vshll.u32 v8, $0x12;
	v6 =	vand.u32 $0x3FE00, v6  }
0xc6: {  	v10 =	vshrl.u32 v7, $0x9;
	v7 =	vand.u32 $0x1FF, v7;
	v6 =	vor.u32 v6, v9  }
0xc7: {  	s7 =	sadd.s32 $0x20, s30;
	vm1 =	veq.s32 v8, v10;
	v6 =	vor.u32 v7, v6  }
0xc8: {  	vm0 =	vmand vm0, vm1  }
0xc9: {  	v5 =	vsel vm0, v6, v5;
	v6 =	vor.u32 s7, v4  }
0xca: {  	[tilespmem:s22+$0xFFFFFFD0] =	vst v5  }
0xcb: {  	v5 =	vld [tilespmem:s6+$0xFFFFFFE0]  }
0xcc: {  	v6 =	vand.u32 $0x1AF, v6;
	v7 =	vld [tilespmem:s0+$0xFFFFFFE0]  }
0xcd: {  	v6 =	vmul.u32 $0x201, v6;
	_ =	sdelay $0x1  }
0xce: {  	v6 =	vor.u32 v1, v6  }
0xcf: {  	v8 =	vshrl.u32 v5, $0x9;
	v9 =	vshrl.u32 v5, $0xC;
	v5 =	vshll.u32 v5, $0x9  }
0xd0: {  	v10 =	vshrl.u32 v7, $0x9;
	vm0 =	veq.s32 v9, v0;
	v9 =	vshll.u32 v8, $0x12  }
0xd1: {  	v5 =	vand.u32 $0x3FE00, v5;
	vm1 =	veq.s32 v8, v10  }
0xd2: {  	v7 =	vand.u32 $0x1FF, v7;
	v5 =	vor.u32 v5, v9;
	vm0 =	vmand vm0, vm1  }
0xd3: {  	v5 =	vor.u32 v7, v5  }
0xd4: {  	v5 =	vsel vm0, v5, v6  }
0xd5: {  	s7 =	sadd.s32 $0x30, s30;
	[tilespmem:s22+$0xFFFFFFE0] =	vst v5  }
0xd6: {  	v6 =	vor.u32 s7, v4;
	v5 =	vld [tilespmem:s6+$0xFFFFFFF0]  }
0xd7: {  	v6 =	vand.u32 $0x1BF, v6;
	v7 =	vld [tilespmem:s0+$0xFFFFFFF0];
	_ =	sdelay $0x1  }
0xd8: {  	v6 =	vmul.u32 $0x201, v6;
	_ =	sdelay $0x1  }
0xd9: {  	v6 =	vor.u32 v1, v6;
	v8 =	vshrl.u32 v5, $0x9;
	v9 =	vshrl.u32 v5, $0xC  }
0xda: {  	v5 =	vshll.u32 v5, $0x9;
	v10 =	vshrl.u32 v7, $0x9;
	v11 =	vshll.u32 v8, $0x12  }
0xdb: {  	vm1 =	veq.s32 v9, v0;
	v5 =	vand.u32 $0x3FE00, v5;
	vm0 =	veq.s32 v8, v10  }
0xdc: {  	v7 =	vand.u32 $0x1FF, v7;
	v5 =	vor.u32 v5, v11;
	vm0 =	vmand vm1, vm0  }
0xdd: {  	v5 =	vor.u32 v7, v5  }
0xde: {  	v5 =	vsel vm0, v5, v6  }
0xdf: {  	[tilespmem:s22+$0xFFFFFFF0] =	vst v5  }
0xe0: {  	s7 =	sadd.s32 $0x40, s30;
	v5 =	vld [tilespmem:s6+$0x0]  }
0xe1: {  	v6 =	vor.u32 s7, v4  }
0xe2: {  	v6 =	vand.u32 $0x1CF, v6;
	v7 =	vld [tilespmem:s0+$0x0];
	_ =	sdelay $0x1  }
0xe3: {  	v6 =	vmul.u32 $0x201, v6  }
0xe4: {  	v8 =	vshrl.u32 v5, $0x9;
	v9 =	vshll.u32 v5, $0x9  }
0xe5: {  	v6 =	vor.u32 v1, v6;
	v5 =	vshrl.u32 v5, $0xC;
	v10 =	vshll.u32 v8, $0x12  }
0xe6: {  	vm0 =	veq.s32 v5, v0;
	v5 =	vand.u32 $0x3FE00, v9;
	v11 =	vshrl.u32 v7, $0x9  }
0xe7: {  	v5 =	vor.u32 v5, v10;
	v7 =	vand.u32 $0x1FF, v7;
	vm1 =	veq.s32 v8, v11  }
0xe8: {  	v5 =	vor.u32 v7, v5;
	vm0 =	vmand vm0, vm1  }
0xe9: {  	v5 =	vsel vm0, v5, v6  }
0xea: {  	[tilespmem:s22+$0x0] =	vst v5  }
0xeb: {  	v5 =	vld [tilespmem:s6+$0x10]  }
0xec: {  	v6 =	vld [tilespmem:s0+$0x10]  }
0xed: {  	s7 =	sadd.s32 $0x50, s30  }
0xee: {  	v7 =	vor.u32 s7, v4  }
0xef: {  	v7 =	vand.u32 $0x1DF, v7  }
0xf0: {  	v7 =	vmul.u32 $0x201, v7;
	v8 =	vshrl.u32 v5, $0x9;
	v9 =	vshll.u32 v5, $0x9  }
0xf1: {  	v10 =	vshrl.u32 v6, $0x9;
	v11 =	vshll.u32 v8, $0x12;
	v9 =	vand.u32 $0x3FE00, v9  }
0xf2: {  	v7 =	vor.u32 v1, v7;
	v6 =	vand.u32 $0x1FF, v6;
	v9 =	vor.u32 v9, v11  }
0xf3: {  	v5 =	vshrl.u32 v5, $0xC;
	vm0 =	veq.s32 v8, v10;
	v6 =	vor.u32 v6, v9  }
0xf4: {  	vm1 =	veq.s32 v5, v0  }
.Ltmp1:
0xf5: {  	vm0 =	vmand vm1, vm0;
	(pc) =	sbr.rel @p3 .LBB2_4-.Ltmp1, $4  }
0xf6: {  	v5 =	vsel vm0, v6, v7  }
0xf7: {  	[tilespmem:s22+$0x10] =	vst v5  }
0xf8: {  	v6 =	vld [tilespmem:s6+$0x20]  }
0xf9: {  	s6 =	sadd.s32 $0x80, s6;
	v5 =	vld [tilespmem:s0+$0x20]  }
0xfa: {  	_ = 	snop  }
0xfb: {  	s0 =	sadd.s32 $0x60, s30  }
0xfc: {  	v7 =	vor.u32 s0, v4  }
0xfd: {  	v7 =	vand.u32 $0x1EF, v7;
	v8 =	vshrl.u32 v6, $0x9;
	v9 =	vshrl.u32 v6, $0xC  }
0xfe: {  	v6 =	vshll.u32 v6, $0x9;
	v7 =	vmul.u32 $0x201, v7;
	v10 =	vshrl.u32 v5, $0x9  }
0xff: {  	v11 =	vshll.u32 v8, $0x12;
	vm0 =	veq.s32 v9, v0;
	v6 =	vand.u32 $0x3FE00, v6  }
0x100: {  	v5 =	vand.u32 $0x1FF, v5;
	vm1 =	veq.s32 v8, v10;
	v6 =	vor.u32 v6, v11  }
0x101: {  	v7 =	vor.u32 v1, v7;
	vm0 =	vmand vm0, vm1;
	v5 =	vor.u32 v5, v6  }
0x102: {  	v5 =	vsel vm0, v5, v7  }
0x103: {  	[tilespmem:s23+$0x20] =	vst v5  }
0x104: {  	v5 =	vld [tilespmem:s31+$0x30]  }
0x105: {  	v6 =	vld [tilespmem:s24+$0x30]  }
0x106: {  	s30 =	sadd.s32 $0x70, s30  }
0x107: {  	v61 =	vor.u32 s30, v4  }
0x108: {  	v9 =	vand.u32 $0x1FF, v61  }
0x109: {  	v9 =	vmul.u32 $0x201, v9;
	v7 =	vshrl.u32 v5, $0xC  }
0x10a: {  	v60 =	vshll.u32 v5, $0x9;
	v5 =	vshrl.u32 v5, $0x9;
	v62 =	vshrl.u32 v6, $0x9  }
0x10b: {  	v6 =	vand.u32 $0x1FF, v6;
	v8 =	vand.u32 $0x3FE00, v60;
	v63 =	vshll.u32 v5, $0x12  }
0x10c: {  	vm14 =	veq.s32 v5, v62;
	vm15 =	veq.s32 v7, v0;
	v5 =	vor.u32 v8, v63  }
0x10d: {  	v7 =	vor.u32 v1, v9;
	vm0 =	vmand vm15, vm14;
	v5 =	vor.u32 v6, v5  }
0x10e: {  	v5 =	vsel vm0, v5, v7  }
0x10f: {  	[tilespmem:s23+$0x30] =	vst v5  }
0x110: {  	s31 =	simm.s32 $0x4000;
	[bflag:$0x0] =	sbarrier.arrive $0xFFFF  }
0x111: {  	[hbm4b:s4+s26] =	stream.indirect.scatter [tilespmem:s28], [sflag:$0x1], $0x1, s31, s26, $0xb8;
	[tilespmem:$0xC480] =	vst v63  }
0x112: {  	s0 =	simm.s32 $0x200;
	_ =	swait.ge [sflag:s21], $0x80  }
.LBB2_6:
0x113: {  	s5 =	sshra.s32 s0, $0x2;
	[sflag:s21] =	ssyncset.done $0x0;
	p3 =	sne.s32 s0, $0x7E00  }
.Ltmp2:
0x114: {  	s5 =	sadd.s32 $0x4000, s5;
	[sflag:s21] =	ssyncadd.s32 $0xFFFFFF80;
	(pc) =	sbr.rel @p3 .LBB2_6-.Ltmp2, $3  }
0x115: {  	[hbm4b:s4+s26] =	stream.indirect.scatter [tilespmem:s28], [sflag:$0x1], $0x1, s5, s26, $0xb8;
	[tilespmem:$0xC480] =	vst v63  }
0x116: {  	s0 =	sadd.s32 $0x200, s0;
	_ =	sdelay $0x1  }
0x117: {  	_ =	swait.ge [sflag:s21], $0x80  }
0x118: {  	[sflag:s21] =	ssyncset.done $0x0  }
0x119: {  	s0 =	simm.s32 $0x6000;
	[sflag:s21] =	ssyncadd.s32 $0xFFFFFF80  }
0x11a: {  	[spmem:s1] =	stream.indirect.scatter.add.f32 [tilespmem:s28], [sflag:$0x1], $0x1, s0, s26, $0xb8;
	[tilespmem:$0xC480] =	vst v63  }
0x11b: {  	_ =	swait.ge [sflag:s21], $0x80  }
0x11c: {  	[sflag:s21] =	ssyncset.done $0x0  }
0x11d: {  	s31 =	simm.s32 $0x7000;
	[sflag:s21] =	ssyncadd.s32 $0xFFFFFF80  }
0x11e: {  	[spmem:s2] =	stream.indirect.scatter.add.f32 [tilespmem:s28], [sflag:$0x1], $0x1, s31, s26, $0xb8;
	[tilespmem:$0xC480] =	vst v63  }
0x11f: {  	_ =	swait.ge [sflag:s21], $0x80  }
0x120: {  	s5 =	simm.s32 $0x400;
	s0 =	simm.s32 $0x80;
	[sflag:s21] =	ssyncset.done $0x0  }
.LBB2_8:
0x121: {  	s6 =	sadd.s32 $0x6000, s0  }
0x122: {  	[sflag:s21] =	ssyncadd.s32 $0xFFFFFF80;
	s7 =	smov.u32 s5;
	s9 =	sadd.s32 $0x200, s5  }
0x123: {  	[spmem:s1] =	stream.indirect.scatter.add.f32 [tilespmem:s28], [sflag:$0x1], $0x1, s6, s26, $0xb8;
	[tilespmem:$0xC480] =	vst v63  }
0x124: {  	p3 =	sne.s32 s5, $0x3E00;
	_ =	swait.ge [sflag:s21], $0x80  }
.Ltmp3:
0x125: {  	[sflag:s21] =	ssyncset.done $0x0;
	(pc) =	sbr.rel @p3 .LBB2_8-.Ltmp3, $4  }
0x126: {  	s0 =	sadd.s32 $0x7000, s0;
	[sflag:s21] =	ssyncadd.s32 $0xFFFFFF80  }
0x127: {  	[spmem:s2] =	stream.indirect.scatter.add.f32 [tilespmem:s28], [sflag:$0x1], $0x1, s0, s26, $0xb8;
	[tilespmem:$0xC480] =	vst v63  }
0x128: {  	_ =	swait.ge [sflag:s21], $0x80  }
0x129: {  	s5 =	smov.u32 s9;
	s0 =	sshra.s32 s7, $0x2;
	[sflag:s21] =	ssyncset.done $0x0  }
0x12a: {  	s5 =	sadd.s32 $0x6000, s0;
	[sflag:s21] =	ssyncadd.s32 $0xFFFFFF80  }
0x12b: {  	[spmem:s1] =	stream.indirect.scatter.add.f32 [tilespmem:s28], [sflag:$0x1], $0x1, s5, s26, $0xb8;
	[tilespmem:$0xC480] =	vst v63  }
0x12c: {  	_ =	swait.ge [sflag:s21], $0x80  }
0x12d: {  	[sflag:s21] =	ssyncset.done $0x0  }
0x12e: {  	s31 =	sadd.s32 $0x7000, s0;
	[sflag:s21] =	ssyncadd.s32 $0xFFFFFF80  }
0x12f: {  	[spmem:s2] =	stream.indirect.scatter.add.f32 [tilespmem:s28], [sflag:$0x1], $0x1, s31, s26, $0xb8;
	[tilespmem:$0xC480] =	vst v63  }
0x130: {  	_ =	swait.ge [sflag:s21], $0x80  }
0x131: {  	[sflag:s21] =	ssyncset.done $0x0  }
0x132: {  	[sflag:s21] =	ssyncadd.s32 $0xFFFFFF80  }
0x133: {  	s0 =	simm.s32 @!p0 $0x8080;
	s5 =	simm.s32 @!p0 $0x1;
	[bflag:$0x0] =	sbarrier.arrive $0xFFFF  }
0x134: {  	[tilespmem:s0], [sflag:$0x1] =	stream.linear.gather @!p0 [spmem:s1], $0x2000, $0x38;
	[tilespmem:$0xC480] =	vst v63  }
0x135: {  	_ =	swait.ge @!p0 [sflag:s5], $0x2000  }
0x136: {  	[sflag:s5] =	ssyncset.done @!p0 $0x0  }
0x137: {  	s6 =	simm.s32 @!p0 $0x80;
	s7 =	simm.s32 @!p0 $0x100;
	[sflag:s5] =	ssyncadd.s32 @!p0 $0xFFFFE000  }
0x138: {  	[hbm4b:s17+s6] =	stream.strided.scatter @!p0 [tilespmem:s0], [sflag:$0x1], $0x2000, s7, s6, $0x38;
	[tilespmem:$0xC480] =	vst v63  }
0x139: {  	_ =	swait.ge @!p0 [sflag:s5], $0x2000  }
0x13a: {  	[sflag:s5] =	ssyncset.done @!p0 $0x0  }
0x13b: {  	s0 =	simm.s32 @p2 $0x8080;
	[sflag:s5] =	ssyncadd.s32 @!p0 $0xFFFFE000;
	s5 =	simm.s32 @p2 $0x1  }
0x13c: {  	[tilespmem:s0], [sflag:$0x1] =	stream.linear.gather @p2 [spmem:s2], $0x2000, $0x38;
	[tilespmem:$0xC480] =	vst v63  }
0x13d: {  	s29 =	sadd.s32 $0x1, s29;
	_ =	swait.ge @p2 [sflag:s5], $0x2000  }
0x13e: {  	p3 =	sne.s32 s29, s19;
	s6 =	simm.s32 @p2 $0x80;
	[sflag:s5] =	ssyncset.done @p2 $0x0  }
.Ltmp4:
0x13f: {  	s7 =	simm.s32 @p2 $0x100;
	[sflag:s5] =	ssyncadd.s32 @p2 $0xFFFFE000;
	(pc) =	sbr.rel @p3 .LBB2_1-.Ltmp4, $4  }
0x140: {  	[hbm4b:s18+s6] =	stream.strided.scatter @p2 [tilespmem:s0], [sflag:$0x1], $0x2000, s7, s6, $0x38;
	[tilespmem:$0xC480] =	vst v63  }
0x141: {  	_ =	swait.ge @p2 [sflag:s5], $0x2000  }
0x142: {  	[sflag:s5] =	ssyncset.done @p2 $0x0  }
0x143: {  	[sflag:s5] =	ssyncadd.s32 @p2 $0xFFFFE000  }
0x144: {  	_ =	sfence.sel $0x180000  }
0x145: {  	[bflag:$0x0] =	sbarrier.arrive $0xFFFF  }
0x146: {  	_ =	strace $0x9000005C  }
0x147: {  	[bflag:$0x2] =	sbarrier.arrive $0xFFFF  }
0x148: {  	s0 =	rddreg [dreg:$0x4]  }
0x149: {  	s0 =	sadd.s32 @!p0 $0x100000, s0  }
0x14a: {  	[sflag:s0] =	ssyncadd.tile.s32 @!p0 $0x1;
	_ =	shalt  }
.Lfunc_end2:
_tile_overlayer_lowered:
.L_overlay_start_2:
0x14b: {  	(tag) =	ssettag $0x2  }
0x14c: {  	s0 =	rddreg [dreg:$0x0];
	s2 =	stileid.u32  }
0x14d: {  	s1 =	rddreg [dreg:$0x1];
	p0 =	sne.s32 s2, $0x0  }
0x14e: {  	s3 =	rddreg [dreg:$0x2];
	[bflag:$0x3] =	sbarrier.arrive $0xFFFF;
	s2 =	simm.s32 @!p0 $0x1C01  }
0x14f: {  	[timem:s3], [sflag:s2] =	dma.local @!p0 [hbm:s0], s1  }
0x150: {  	s0 =	simm.s32 @!p0 $0x1  }
0x151: {  	_ =	swait.ge @!p0 [sflag:s0], s1  }
0x152: {  	s1 =	ssub.s32 @!p0 $0x0, s1;
	[sflag:s0] =	ssyncset.done @!p0 $0x0  }
0x153: {  	[sflag:s0] =	ssyncadd.s32 @!p0 s1  }
0x154: {  	[bflag:$0x3] =	sbarrier.arrive $0xFFFF  }
0x155: {  	_ =	shalt  }

// kernel: scatter_offload_async_start.1
scs
__scs_entry_jumppad:
0x0: {  	(pc) =	sbr.rel $0x88, $3  }
0x1: {  	(tag) =	ssettag $0x0;
	lr =	simm.s32 $0x1  }
0x2: {  	[smem:$0x3F96] =	sst lr;
	_ =	strace $0xD0000000  }
0x3: {  	_ = 	snop  }
0x4: {  	_ = 	snop  }
0x5: {  	_ = 	snop  }
0x6: {  	_ = 	snop  }
0x7: {  	_ = 	snop  }
__scs_overlays_trampoline_lowered:
0x8: {  	[smem:$0x3FA5] =	sst s0  }
0x9: {  	[smem:$0x3FA6] =	sst s1  }
0xa: {  	[smem:$0x3FA7] =	sst s2  }
0xb: {  	[smem:$0x3FA8] =	sst s3  }
0xc: {  	[smem:$0x3FA9] =	sst s4  }
0xd: {  	[smem:$0x3FAA] =	sst s5  }
0xe: {  	[smem:$0x3FAB] =	sst s6  }
0xf: {  	[smem:$0x3FAC] =	sst s7  }
0x10: {  	[smem:$0x3FAD] =	sst s8  }
0x11: {  	[smem:$0x3FAE] =	sst s9;
	s0 =	simm.s32 @!p0 $0x0  }
0x12: {  	s1 =	sld [smem:$0x3F94];
	s0 =	simm.s32 @p0 $0x1  }
0x13: {  	[smem:$0x3FAF] =	sst s0;
	s0 =	simm.s32 @!p1 $0x0  }
0x14: {  	s2 =	sld [smem:$0x3F93];
	s0 =	simm.s32 @p1 $0x1  }
0x15: {  	[smem:$0x3FB0] =	sst s0;
	s0 =	simm.s32 @!p2 $0x0  }
0x16: {  	s3 =	sld [smem:$0x3FDB];
	s0 =	simm.s32 @p2 $0x1  }
0x17: {  	s4 =	simm.s32 $0x1BF5;
	[smem:$0x3FB2] =	sst s0  }
0x18: {  	s0 =	sld [smem:$0x3F95];
	_ =	swait.ge [sflag:s4], $0x0  }
0x19: {  	s7 =	sld [smem:$0x3F96]  }
0x1a: {  	s8 =	sadd.s32 $0xFFFFE003, lr  }
0x1b: {  	s9 =	sadd.s32 $0xFFFFFEF7, lr;
	s5 =	simm.s32 $0xFFFFFFFF;
	p2 =	slt.u32 s8, $0xFFFFF086  }
0x1c: {  	p1 =	slt.u32 s9, $0xF7A;
	s5 =	simm.s32 @!p2 $0x0  }
0x1d: {  	s5 =	simm.s32 @p1 $0x1;
	p0 =	seq.s32 s7, s2  }
0x1e: {  	s7 =	smul.u32 @!p0 $0xF7A, s2;
	p2 =	seq.s32 @!p0 s5, $0x0  }
0x1f: {  	s9 =	smul.u32 $0xF7A, s1;
	s8 =	simm.s32 @!p0 $0x1BF5;
	p2 =	por !p2, p0  }
0x20: {  	[sflag:s8] =	ssyncset.s32 @!p0 $0xFFFFF086;
	s6 =	sadd.s32 @!p0 s3, s7;
	s7 =	simm.s32 @!p0 $0x108  }
0x21: {  	s3 =	sadd.s32 s3, s9;
	s6 =	sadd.s32 @!p0 $0x88, s6;
	s7 =	simm.s32 @p2 $0x1082  }
0x22: {  	[simem:s7], [sflag:s8] =	dma.local @!p0 [hbm:s6], $0xF7A  }
0x23: {  	s9 =	sor.u32 $0xD0000000, s2;
	s6 =	simm.s32 $0x108;
	_ =	swait.ge @!p0 [sflag:s8], $0x0  }
0x24: {  	s3 =	sadd.s32 $0x88, s3;
	s6 =	simm.s32 @!p1 $0x1082;
	[sflag:s4] =	ssyncset.s32 $0xFFFFF086  }
0x25: {  	[simem:s6], [sflag:s4] =	dma.local [hbm:s3], $0xF7A  }
0x26: {  	[smem:$0x3F96] =	sst s1;
	(tag) =	ssettag s2;
	_ =	strace s9  }
0x27: {  	s1 =	sld [smem:$0x3FA6]  }
0x28: {  	s2 =	sld [smem:$0x3FA7]  }
0x29: {  	s4 =	sld [smem:$0x3FA9]  }
0x2a: {  	p0 =	seq.s32 s5, $0x0;
	s5 =	sld [smem:$0x3FAA]  }
0x2b: {  	s6 =	sld [smem:$0x3FAB]  }
0x2c: {  	s7 =	sld [smem:$0x3FAC]  }
0x2d: {  	s3 =	simm.s32 $0x108;
	s8 =	sld [smem:$0x3FAD]  }
0x2e: {  	s3 =	simm.s32 @!p0 $0x1082;
	s9 =	sld [smem:$0x3FAE]  }
0x2f: {  	lr =	sadd.s32 s0, s3;
	s0 =	sld [smem:$0x3FA5]  }
0x30: {  	s3 =	sld [smem:$0x3FA8]  }
0x31: {  	[smem:$0x3FB1] =	sst s10  }
0x32: {  	s10 =	sld [smem:$0x3FAF];
	_ =	sdelay $0x3  }
0x33: {  	p0 =	seq.s32 s10, $0x1;
	s10 =	sld [smem:$0x3FB1];
	_ =	sdelay $0x3  }
0x34: {  	[smem:$0x3FB1] =	sst s10  }
0x35: {  	s10 =	sld [smem:$0x3FB0];
	_ =	sdelay $0x3  }
0x36: {  	p1 =	seq.s32 s10, $0x1;
	s10 =	sld [smem:$0x3FB1];
	_ =	sdelay $0x3  }
0x37: {  	[smem:$0x3FB1] =	sst s10  }
0x38: {  	s10 =	sld [smem:$0x3FB2]  }
0x39: {  	_ = 	snop;
	(pc) =	sbr.ind lr, $3  }
0x3a: {  	_ = 	snop  }
0x3b: {  	_ = 	snop  }
0x3c: {  	p2 =	seq.s32 s10, $0x1;
	s10 =	sld [smem:$0x3FB1]  }
0x3d: {  	_ =	shalt  }
0x3e: {  	_ =	shalt  }
0x3f: {  	_ =	shalt  }
0x40: {  	_ =	shalt  }
0x41: {  	_ =	shalt  }
0x42: {  	_ =	shalt  }
0x43: {  	_ =	shalt  }
0x44: {  	_ =	shalt  }
0x45: {  	_ =	shalt  }
0x46: {  	_ =	shalt  }
0x47: {  	_ =	shalt  }
0x48: {  	_ =	shalt  }
0x49: {  	_ =	shalt  }
0x4a: {  	_ =	shalt  }
0x4b: {  	_ =	shalt  }
0x4c: {  	_ =	shalt  }
0x4d: {  	_ =	shalt  }
0x4e: {  	_ =	shalt  }
0x4f: {  	_ =	shalt  }
0x50: {  	_ =	shalt  }
0x51: {  	_ =	shalt  }
0x52: {  	_ =	shalt  }
0x53: {  	_ =	shalt  }
0x54: {  	_ =	shalt  }
0x55: {  	_ =	shalt  }
0x56: {  	_ =	shalt  }
0x57: {  	_ =	shalt  }
0x58: {  	_ =	shalt  }
0x59: {  	_ =	shalt  }
0x5a: {  	_ =	shalt  }
0x5b: {  	_ =	shalt  }
0x5c: {  	_ =	shalt  }
0x5d: {  	_ =	shalt  }
0x5e: {  	_ =	shalt  }
0x5f: {  	_ =	shalt  }
0x60: {  	_ =	shalt  }
0x61: {  	_ =	shalt  }
0x62: {  	_ =	shalt  }
0x63: {  	_ =	shalt  }
0x64: {  	_ =	shalt  }
0x65: {  	_ =	shalt  }
0x66: {  	_ =	shalt  }
0x67: {  	_ =	shalt  }
0x68: {  	_ =	shalt  }
0x69: {  	_ =	shalt  }
0x6a: {  	_ =	shalt  }
0x6b: {  	_ =	shalt  }
0x6c: {  	_ =	shalt  }
0x6d: {  	_ =	shalt  }
0x6e: {  	_ =	shalt  }
0x6f: {  	_ =	shalt  }
0x70: {  	_ =	shalt  }
0x71: {  	_ =	shalt  }
0x72: {  	_ =	shalt  }
0x73: {  	_ =	shalt  }
0x74: {  	_ =	shalt  }
0x75: {  	_ =	shalt  }
0x76: {  	_ =	shalt  }
0x77: {  	_ =	shalt  }
0x78: {  	_ =	shalt  }
0x79: {  	_ =	shalt  }
0x7a: {  	_ =	shalt  }
0x7b: {  	_ =	shalt  }
0x7c: {  	_ =	shalt  }
0x7d: {  	_ =	shalt  }
0x7e: {  	_ =	shalt  }
0x7f: {  	_ =	shalt  }
0x80: {  	_ =	shalt  }
0x81: {  	_ =	shalt  }
0x82: {  	_ =	shalt  }
0x83: {  	_ =	shalt  }
0x84: {  	_ =	shalt  }
0x85: {  	_ =	shalt  }
0x86: {  	_ =	shalt  }
0x87: {  	_ =	shalt  }
.Lfunc_end0:
.L_simem_size_0:
called_computation.1_lowered:
.L_overlay_start_0:
0x88: {  	s0 =	sld [smem:$0x3FD9]  }
0x89: {  	s1 =	sld [smem:$0x3FFE];
	_ =	sdelay $0x3  }
0x8a: {  	s0 =	sadd.s32 s1, s0  }
0x8b: {  	[smem:$0x3FBD] =	sst s0  }
0x8c: {  	_ = 	snop  }
0x8d: {  	s0 =	sld [smem:$0x3FD0];
	_ =	sdelay $0x2  }
0x8e: {  	s12 =	simm.s32 $0xD;
	s2 =	simm.s32 $0x10  }
0x8f: {  	[smem:s2], [sflag:s12] =	dma.local [hbm:s0], $0x1  }
0x90: {  	_ =	swait.eq [sflag:s12], $0x1  }
0x91: {  	[sflag:s12] =	ssyncset.done $0x0  }
0x92: {  	[sflag:s12] =	ssyncadd.s32 $0xFFFFFFFF  }
0x93: {  	s13 =	sld [smem:$0x10];
	(tm) =	ssettm $0x1  }
0x94: {  	s14 =	sld [smem:$0x3FFB];
	_ =	sdelay $0x3  }
0x95: {  	_ =	strace s14  }
0x96: {  	s0 =	sld [smem:$0x3FFC];
	_ =	sdelay $0x3  }
0x97: {  	_ =	strace s0  }
0x98: {  	s0 =	sld [smem:$0x3FFD];
	_ =	sdelay $0x3  }
0x99: {  	_ =	strace s0  }
0x9a: {  	_ =	strace $0x8FFFFFFF  }
0x9b: {  	s15 =	sld [smem:$0x3FDB];
	_ =	sdelay $0x1  }
0x9c: {  	s16 =	simm.s32 $_scs_section_size  }
0x9d: {  	s3 =	simm.s32 $_size__tile_overlayer_lowered;
	s4 =	simm.s32 $_tile_overlayer_lowered  }
0x9e: {  	s5 =	simm.s32 $0x1BFF;
	s17 =	sshll.u32 s4, $0x1;
	s2 =	sadd.s32 s16, s15  }
0x9f: {  	s18 =	simm.s32 $0x0;
	s3 =	sshll.u32 s3, $0x1;
	s4 =	sadd.s32 s17, s2  }
0xa0: {  	[timem:s18], [sflag:s5] =	dma.local [hbm:s4], s3  }
0xa1: {  	_ =	swait.ge [sflag:s5], s3  }
0xa2: {  	s3 =	ssub.s32 $0x0, s3;
	[sflag:s5] =	ssyncset.done $0x0  }
0xa3: {  	[sflag:s5] =	ssyncadd.s32 s3;
	_ =	sdelay $0x1  }
0xa4: {  	s19 =	simm.s32 $0x1B8B  }
0xa5: {  	_ =	swait.ge [sflag:s19], $0x1  }
0xa6: {  	[sflag:s19] =	ssyncset.done $0x0  }
0xa7: {  	s21 =	simm.s32 $0x1B8E;
	s20 =	sld [smem:$0x3FFE];
	[sflag:s19] =	ssyncadd.s32 $0xFFFFFFFF  }
0xa8: {  	s22 =	simm.s32 $execute0_lowered;
	[smem:$0x3FD2] =	sst s21  }
0xa9: {  	s4 =	sshll.u32 s22, $0x1;
	_ =	strace $0x8000004C;
	[dreg:$0x1] =	wrdreg $0xFFFFFFFF  }
0xaa: {  	s23 =	simm.s32 $_size_execute0_lowered;
	s4 =	sadd.s32 s2, s4;
	[dreg:$0x0] =	wrdreg $0x0  }
0xab: {  	s5 =	sshll.u32 s23, $0x1;
	[dreg:$0x2] =	wrdreg s4  }
0xac: {  	[dreg:$0x3] =	wrdreg s5  }
0xad: {  	[dreg:$0x4] =	wrdreg $0xC0  }
0xae: {  	s24 =	simm.s32 $execute1_lowered;
	_ =	task [dreg:s18], $0x5FFFF  }
0xaf: {  	s4 =	sshll.u32 s24, $0x1;
	[dreg:$0x1] =	wrdreg $0xFFFFFFFF  }
0xb0: {  	s2 =	sadd.s32 s2, s4;
	[dreg:$0x0] =	wrdreg $0x60  }
0xb1: {  	[dreg:$0x2] =	wrdreg s2  }
0xb2: {  	[dreg:$0x3] =	wrdreg s20  }
0xb3: {  	[dreg:$0x4] =	wrdreg $0x9  }
0xb4: {  	_ =	task.clear_ibuf [dreg:s18], $0x5FFFF;
	_ =	strace $0x9000004C  }
0xb5: {  	s25 =	simm.s32 $0x9;
	_ =	strace $0x8000004E  }
0xb6: {  	_ =	swait.ge [sflag:s25], $0x1  }
0xb7: {  	[sflag:s25] =	ssyncadd.s32 $0xFFFFFFFF  }
0xb8: {  	_ =	strace $0x9000004E  }
0xb9: {  	_ =	strace $0x8000004F;
	[dreg:$0x1] =	wrdreg $0xFFFFFFFF  }
0xba: {  	[dreg:$0x0] =	wrdreg $0x2030  }
0xbb: {  	[dreg:$0x2] =	wrdreg s20  }
0xbc: {  	[dreg:$0x3] =	wrdreg s13  }
0xbd: {  	[dreg:$0x4] =	wrdreg $0xA  }
0xbe: {  	_ =	task.clear_ibuf [dreg:s18], $0x5FFFF;
	_ =	strace $0x9000004F  }
0xbf: {  	s26 =	simm.s32 $0xA;
	_ =	strace $0x80000051  }
0xc0: {  	_ =	swait.ge [sflag:s26], $0x1  }
0xc1: {  	[sflag:s26] =	ssyncadd.s32 $0xFFFFFFFF  }
0xc2: {  	_ =	strace $0x90000051  }
0xc3: {  	_ =	sfence  }
0xc4: {  	s28 =	sld [smem:$0x0];
	_ =	sdelay $0x1  }
0xc5: {  	s29 =	srdreg.scid  }
0xc6: {  	s30 =	sshll.u32 s29, $0xD;
	s31 =	sshrl.u32 s29, $0x2  }
0xc7: {  	s3 =	sand.u32 $0x4000, s30;
	s2 =	sand.u32 $0x1, s29;
	s1 =	sadd.s32 s31, s28  }
0xc8: {  	s2 =	sor.u32 s3, s2;
	s1 =	sshll.u32 s1, $0x11  }
0xc9: {  	s1 =	sor.u32 s1, s2  }
0xca: {  	s1 =	sadd.s32 $0x8F2B, s1  }
0xcb: {  	[sflag:s1] =	ssyncadd.remote.s32 $0x1  }
0xcc: {  	_ =	sfence.sel $0xFFFF  }
0xcd: {  	[dreg:$0x0] =	wrdreg $0xFFFFFFFF;
	(pc) =	sbr.abs _section_cstart, $3  }
0xce: {  	[dreg:$0x1] =	wrdreg $0xFFFFFFFF  }
0xcf: {  	_ =	task.clear_ibuf [dreg:s18], $0x2FFFF;
	_ =	strace $0x9FFFFFFF  }
0xd0: {  	(tm) =	ssettm $0x7FFFFFFF  }
0xd1: {  	_ =	shalt  }
tec
execute0_lowered:
.L_overlay_start_1:
0x0: {  	(tag) =	ssettag $0x1  }
0x1: {  	s2 =	rddreg [dreg:$0x0]  }
0x2: {  	s4 =	rddreg [dreg:$0x1]  }
0x3: {  	s0 =	rddreg [dreg:$0x2]  }
0x4: {  	s3 =	stileid.u32;
	[bflag:$0x3] =	sbarrier.arrive $0xFFFF;
	s1 =	simm.s32 $_size_execute1_lowered  }
0x5: {  	s8 =	simm.s32 $0x2;
	s9 =	simm.s32 $0x0;
	p0 =	sne.s32 s3, $0x0  }
0x6: {  	s1 =	sshll.u32 s1, $0x1;
	s5 =	simm.s32 @!p0 $0x1C3F;
	s6 =	simm.s32 @!p0 $0x4060  }
0x7: {  	[timem:s6], [sflag:s5] =	dma.local @!p0 [hbm:s2], s1  }
0x8: {  	s11 =	simm.s32 $0x0;
	s10 =	simm.s32 $0x0;
	s2 =	sshll.u32 s3, $0x9  }
0x9: {  	s3 =	sshll.u32 s3, $0x6;
	_ =	strace $0x8000004D;
	s30 =	ssub.s32 $0x2000, s2  }
.Ltmp0:
0xa: {  	s31 =	sadd.s32 s3, s4;
	s7 =	sand.u32 $0x1E00, s30;
	(pc) =	sbr.rel .LBB2_1-.Ltmp0, $4  }
0xb: {  	s3 =	simm.s32 $0x1;
	p1 =	sne.s32 s7, $0x0;
	s7 =	simm.s32 $0x1  }
0xc: {  	s4 =	sadd.s32 $0x14C00, s4;
	s5 =	sshrl.u32 s30, $0xD;
	s7 =	simm.s32 @!p1 $0x0  }
0xd: {  	[sflag:s3] =	ssyncpa.u1 $0x0;
	s6 =	sadd.s32 $0x8800, s31;
	s5 =	sadd.s32 s7, s5  }
0xe: {  	[sflag:s8] =	ssyncpa.u1 $0x0;
	s8 =	simm.s32 $0x0;
	s7 =	sadd.s32 $0x1, s5  }
.LBB2_3:
0xf: {  	p2 =	sne.s32 s10, s7  }
.Ltmp1:
0x10: {  	p1 =	slt.u32 s10, $0x2;
	(pc) =	sbr.rel @!p2 .LBB2_4-.Ltmp1, $4  }
0x11: {  	s11 =	simm.s32 @!p1 $0x2  }
0x12: {  	_ =	swait.ge @!p1 [sflag:s11], $0x200  }
0x13: {  	s9 =	sadd.s32 $0x200, s9;
	[sflag:s11] =	ssyncset.done @!p1 $0x0  }
0x14: {  	s10 =	sadd.s32 $0x1, s10;
	[sflag:s11] =	ssyncadd.s32 @!p1 $0xFFFFFE00;
	s11 =	smov.u32 s2  }
.LBB2_1:
0x15: {  	p1 =	sge.u32 s10, s5  }
0x16: {  	s12 =	sxor.u32 @!p1 $0xFFFFFFFF, s9  }
0x17: {  	s31 =	sadd.s32 $0xFFFFFFFF, s10;
	s13 =	simm.s32 @!p1 $0x0;
	s12 =	sand.u32 @!p1 $0x200, s12  }
0x18: {  	[tilespmem:s12], [sflag:$0x1] =	stream.linear.gather @!p1 [hbm4b:s6+s13], $0x200, $0x38;
	[tilespmem:$0x800] =	vst v63  }
0x19: {  	p1 =	sge.u32 s31, s5  }
.Ltmp2:
0x1a: {  	_ = 	snop;
	(pc) =	sbr.rel @p1 .LBB2_3-.Ltmp2, $1  }
0x1b: {  	_ =	sdelay $0x3  }
0x1c: {  	_ =	swait.ge [sflag:s3], $0x200  }
0x1d: {  	[sflag:s3] =	ssyncset.done $0x0  }
0x1e: {  	s12 =	sand.u32 $0x200, s9;
	[sflag:s3] =	ssyncadd.s32 $0xFFFFFE00  }
0x1f: {  	v0 =	vld [tilespmem:s12+$0x0]  }
0x20: {  	v1 =	vld [tilespmem:s12+$0x10]  }
0x21: {  	v2 =	vld [tilespmem:s12+$0x20]  }
0x22: {  	v3 =	vld [tilespmem:s12+$0x30]  }
0x23: {  	v4 =	vld [tilespmem:s12+$0x40]  }
0x24: {  	v37 =	vld [tilespmem:s12+$0x50];
	[tilespmem:s12+$0x400] =	vst v0  }
0x25: {  	v38 =	vld [tilespmem:s12+$0x60];
	[tilespmem:s12+$0x410] =	vst v1  }
0x26: {  	v39 =	vld [tilespmem:s12+$0x70];
	[tilespmem:s12+$0x420] =	vst v2  }
0x27: {  	v40 =	vld [tilespmem:s12+$0x80];
	[tilespmem:s12+$0x430] =	vst v3  }
0x28: {  	v41 =	vld [tilespmem:s12+$0x90];
	[tilespmem:s12+$0x440] =	vst v4  }
0x29: {  	v42 =	vld [tilespmem:s12+$0xA0];
	[tilespmem:s12+$0x450] =	vst v37  }
0x2a: {  	v43 =	vld [tilespmem:s12+$0xB0];
	[tilespmem:s12+$0x460] =	vst v38  }
0x2b: {  	v44 =	vld [tilespmem:s12+$0xC0];
	[tilespmem:s12+$0x470] =	vst v39  }
0x2c: {  	v45 =	vld [tilespmem:s12+$0xD0];
	[tilespmem:s12+$0x480] =	vst v40  }
0x2d: {  	v46 =	vld [tilespmem:s12+$0xE0];
	[tilespmem:s12+$0x490] =	vst v41  }
0x2e: {  	v47 =	vld [tilespmem:s12+$0xF0];
	[tilespmem:s12+$0x4A0] =	vst v42  }
0x2f: {  	v48 =	vld [tilespmem:s12+$0x100];
	[tilespmem:s12+$0x4B0] =	vst v43  }
0x30: {  	v49 =	vld [tilespmem:s12+$0x110];
	[tilespmem:s12+$0x4C0] =	vst v44  }
0x31: {  	v50 =	vld [tilespmem:s12+$0x120];
	[tilespmem:s12+$0x4D0] =	vst v45  }
0x32: {  	v51 =	vld [tilespmem:s12+$0x130];
	[tilespmem:s12+$0x4E0] =	vst v46  }
0x33: {  	v52 =	vld [tilespmem:s12+$0x140];
	[tilespmem:s12+$0x4F0] =	vst v47  }
0x34: {  	v53 =	vld [tilespmem:s12+$0x150];
	[tilespmem:s12+$0x500] =	vst v48  }
0x35: {  	v54 =	vld [tilespmem:s12+$0x160];
	[tilespmem:s12+$0x510] =	vst v49  }
0x36: {  	v55 =	vld [tilespmem:s12+$0x170];
	[tilespmem:s12+$0x520] =	vst v50  }
0x37: {  	v56 =	vld [tilespmem:s12+$0x180];
	[tilespmem:s12+$0x530] =	vst v51  }
0x38: {  	v57 =	vld [tilespmem:s12+$0x190];
	[tilespmem:s12+$0x540] =	vst v52  }
0x39: {  	v58 =	vld [tilespmem:s12+$0x1A0];
	[tilespmem:s12+$0x550] =	vst v53  }
0x3a: {  	v59 =	vld [tilespmem:s12+$0x1B0];
	[tilespmem:s12+$0x560] =	vst v54  }
0x3b: {  	v60 =	vld [tilespmem:s12+$0x1C0];
	[tilespmem:s12+$0x570] =	vst v55  }
0x3c: {  	v61 =	vld [tilespmem:s12+$0x1D0];
	[tilespmem:s12+$0x580] =	vst v56  }
0x3d: {  	v62 =	vld [tilespmem:s12+$0x1E0];
	[tilespmem:s12+$0x590] =	vst v57  }
0x3e: {  	v63 =	vld [tilespmem:s12+$0x1F0];
	[tilespmem:s12+$0x5A0] =	vst v58  }
0x3f: {  	[tilespmem:s12+$0x5B0] =	vst v59  }
.Ltmp3:
0x40: {  	[tilespmem:s12+$0x5C0] =	vst v60;
	(pc) =	sbr.rel .LBB2_3-.Ltmp3, $4  }
0x41: {  	[tilespmem:s12+$0x5D0] =	vst v61  }
0x42: {  	s11 =	sshrl.u32 s11, $0x3;
	[tilespmem:s12+$0x5E0] =	vst v62  }
0x43: {  	s13 =	sor.u32 $0x400, s12;
	s11 =	sadd.s32 s4, s11;
	[tilespmem:s12+$0x5F0] =	vst v63  }
0x44: {  	[hbm4b:s11+s8] =	stream.linear.scatter [tilespmem:s13], [sflag:$0x2], $0x200, $0x38;
	[tilespmem:$0x800] =	vst v63  }
.LBB2_4:
0x45: {  	_ =	sfence.sel $0x180000  }
0x46: {  	s2 =	simm.s32 $0x1;
	[bflag:$0x0] =	sbarrier.arrive $0xFFFF  }
0x47: {  	s31 =	simm.s32 $0x2;
	[sflag:s2] =	ssyncpa.u1 $0x1  }
0x48: {  	[sflag:s31] =	ssyncpa.u1 $0x1  }
0x49: {  	_ =	strace $0x9000004D  }
0x4a: {  	s0 =	sadd.s32 @!p0 $0x100000, s0;
	[bflag:$0x2] =	sbarrier.arrive $0xFFFF  }
0x4b: {  	[sflag:s0] =	ssyncadd.tile.s32 @!p0 $0x1;
	s0 =	simm.s32 @!p0 $0x3F  }
0x4c: {  	_ =	swait.ge @!p0 [sflag:s0], s1  }
0x4d: {  	s1 =	ssub.s32 @!p0 $0x0, s1;
	[sflag:s0] =	ssyncset.done @!p0 $0x0  }
0x4e: {  	[sflag:s0] =	ssyncadd.s32 @!p0 s1  }
0x4f: {  	[bflag:$0x3] =	sbarrier.arrive $0xFFFF  }
0x50: {  	_ =	shalt  }
.Lfunc_end2:
execute1_lowered:
.L_overlay_start_2:
0x51: {  	(tag) =	ssettag $0x2  }
0x52: {  	s0 =	rddreg [dreg:$0x0];
	_ =	strace $0x80000050;
	s4 =	simm.s32 $0x1  }
0x53: {  	v1 =	vimm.s32 $0xFFFFFFFF;
	[sflag:s4] =	ssyncpa.u1 $0x0  }
0x54: {  	[tilespmem:$0x10] =	vst v1  }
0x55: {  	v0 =	vimm.f32 $0.0e+00;
	[tilespmem:$0x20] =	vst v1  }
0x56: {  	[tilespmem:$0x30] =	vst v0  }
0x57: {  	s2 =	simm.s32 $0x2;
	s6 =	simm.s32 $0x7;
	s26 =	stileid.u32;
	[tilespmem:$0x40] =	vst v0  }
0x58: {  	s7 =	simm.s32 $0x8;
	s31 =	simm.s32 $0x9;
	s14 =	simm.s32 $0x0;
	[tilespmem:$0x50] =	vst v0  }
0x59: {  	s15 =	simm.s32 $0x100;
	s17 =	simm.s32 $0x20FF;
	s18 =	simm.s32 $0x10;
	[tilespmem:$0x60] =	vst v1  }
0x5a: {  	s19 =	simm.s32 $0x12100;
	s20 =	simm.s32 $0xF;
	s21 =	simm.s32 $0x50;
	[tilespmem:$0x70] =	vst v1  }
0x5b: {  	s22 =	simm.s32 $0x80FF;
	s23 =	simm.s32 $0x20;
	s24 =	simm.s32 $0x30;
	[tilespmem:$0x80] =	vst v1  }
0x5c: {  	s25 =	simm.s32 $0x100FF;
	s30 =	simm.s32 $0x0;
	s29 =	simm.s32 $0x0;
	v1 =	vimm.s32 $0x0;
	[tilespmem:$0xB0] =	vst v0  }
.Ltmp4:
0x5d: {  	s1 =	sadd.s32 $0x14C00, s0;
	s5 =	sadd.s32 $0xCC00, s0;
	[tilespmem:$0x90] =	vst v1;
	(pc) =	sbr.rel .LBB3_1-.Ltmp4, $4  }
0x5e: {  	s8 =	sshll.u32 s26, $0xD;
	s10 =	sshll.u32 s26, $0x1;
	[tilespmem:$0xA0] =	vst v1;
	[sflag:s2] =	ssyncpa.u1 $0x0  }
0x5f: {  	s12 =	sshllo.u32 s26, $0x1;
	s26 =	simm.s32 $0x80;
	[sflag:s6] =	ssyncpa.u1 $0x0  }
0x60: {  	vm0 =	vmmov $0xffff;
	v2 =	vlaneseq.u32;
	s9 =	sadd.s32 $0x2000, s8;
	s11 =	sor.u32 $0x81, s10;
	[sflag:s7] =	ssyncpa.u1 $0x0  }
0x61: {  	vm1 =	vmxor vm1, vm1;
	vm2 =	vmmov $0x1;
	vm3 =	vcmask $0x3F3C;
	s13 =	sor.u32 $0x80, s10;
	s28 =	smov.u32 s8;
	[sflag:s31] =	ssyncpa.u1 $0x0  }
.LBB3_3:
0x62: {  	s0 =	sshrl.u32 s28, $0x3;
	s2 =	rddreg [dreg:$0x1]  }
0x63: {  	s31 =	sand.u32 $0x7, s28;
	s0 =	sadd.s32 s2, s0  }
0x64: {  	[tilespmem:s15], [sflag:$0x7] =	stream.linear.gather [hbm4b:s0+s31], $0x2000, $0x38;
	[tilespmem:$0x12120] =	vst v63  }
.LBB3_4:
0x65: {  	s0 =	sadd.s32 $0x2000, s28  }
0x66: {  	s2 =	smov.u32 s8;
	s29 =	sadd.s32 $0x1, s29;
	p0 =	slt.s32 s0, s9  }
0x67: {  	s2 =	smov.u32 @p0 s0;
	p0 =	sne.s32 s29, $0x4  }
.Ltmp5:
0x68: {  	_ = 	snop;
	(pc) =	sbr.rel @!p0 .LBB3_13-.Ltmp5, $2  }
0x69: {  	_ =	sdelay $0x2  }
0x6a: {  	s30 =	smov.u32 s28;
	s28 =	smov.u32 s2  }
.LBB3_1:
0x6b: {  	p0 =	sgt.s32 s29, $0x1  }
.Ltmp6:
0x6c: {  	_ = 	snop;
	(pc) =	sbr.rel @p0 .LBB3_11-.Ltmp6, $1  }
0x6d: {  	_ =	sdelay $0x3  }
0x6e: {  	p0 =	seq.s32 s29, $0x0  }
.Ltmp7:
0x6f: {  	_ = 	snop;
	(pc) =	sbr.rel @p0 .LBB3_3-.Ltmp7, $1  }
0x70: {  	_ =	sdelay $0x3  }
0x71: {  	_ =	swait.ge [sflag:s6], $0x2000  }
0x72: {  	[sflag:s6] =	ssyncset.done $0x0  }
0x73: {  	[sflag:s6] =	ssyncadd.s32 $0xFFFFE000;
	(ifvalue) =	ssetifvalue $0xFFFFFFFF;
	v3 =	vld.msk [tilespmem:s15+$0x0 ss:$0x1], $0xffff;
	_ =	sdelay $0x4  }
0x74: {  	v4 =	vperm.xlane v3, v1  }
0x75: {  	vm4 =	vlt.u32 v3, $0x2000  }
0x76: {  	v3 =	vnsel vm4, $0xFFFFFFFE, v3;
	vm4 =	vlt.u32 v4, $0x2000  }
0x77: {  	[tilespmem:$0x70] =	vst v3;
	v3 =	vnsel vm4, $0xFFFFFFFE, v4  }
0x78: {  	s16 =	simm.s32 $0x20F0;
	[tilespmem:$0x80] =	vst v3  }
0x79: {  	v3 =	vld.msk [tilespmem:s16+$0x0 ss:$0x1], $0xffff;
	_ =	sdelay $0x4  }
0x7a: {  	(xrf1) =	vunique.msk.u32 $0xffff, v3;
	_ =	sdelay $0xd  }
0x7b: {  	v4 =	vimm.s32 $0xFFFFFFFF;
	v5, _, _ =	vpop (xrf1)  }
0x7c: {  	vm5 =	vne.s32 v3, v4;
	vm4 =	veq.s32 v5, v2  }
0x7d: {  	vm6 =	vlt.u32 v3, $0x2000;
	vm4 =	vmand vm5, vm4  }
0x7e: {  	vm4 =	vmand vm6, vm4  }
0x7f: {  	v4 =	vnsel vm4, $0xFFFFFFFF, v3;
	_ =	sdelay $0x3  }
0x80: {  	s0 =	simm.s32 $0x80F0;
	(ifvalue) =	ssetifvalue $0xFFFFFFFF  }
0x81: {  	v3 =	vperm.xlane v3, v1;
	[tilespmem:s0], [sflag:$0x8] =	stream.indirect_vreg.gather [hbm4b:s1+s14], $0x1, v4, vm0, $0x4038;
	v4 =	vnsel vm6, $0xFFFFFFFE, v4;
	[tilespmem:$0x12120] =	vst v63  }
0x82: {  	s2 =	simm.s32 $0x0;
	s3 =	simm.s32 $0x20E0;
	[tilespmem:s16+$0x0] =	vst v4  }
.LBB3_6:
0x83: {  	v4 =	vld.msk [tilespmem:s3+$0x0 ss:$0x1], $0xffff;
	s2 =	sadd.s32 $0x10, s2;
	v5 =	vmov v3;
	s16 =	smov.u32 s3  }
0x84: {  	p0 =	slt.u32 s2, $0x1FF0;
	_ =	sdelay $0x4  }
0x85: {  	v3 =	vperm.xlane v4, v1;
	(xrf1) =	vunique.msk.u32 $0xffff, v4;
	_ =	sdelay $0xd  }
0x86: {  	v6, _, _ =	vpop (xrf1)  }
0x87: {  	vm5 =	vne.s32 v4, v5;
	vm4 =	veq.s32 v6, v2  }
0x88: {  	vm6 =	vlt.u32 v4, $0x2000;
	vm4 =	vmand vm5, vm4  }
0x89: {  	vm4 =	vmand vm6, vm4  }
0x8a: {  	v4 =	vnsel vm4, $0xFFFFFFFF, v4  }
.Ltmp8:
0x8b: {  	v5 =	vnsel vm6, $0xFFFFFFFE, v4;
	(pc) =	sbr.rel @p0 .LBB3_6-.Ltmp8, $3  }
0x8c: {  	_ =	sdelay $0x1  }
0x8d: {  	s3 =	sadd.s32 $0xFFFFFFF0, s3;
	s0 =	sadd.s32 $0xFFFFFFF0, s0;
	(ifvalue) =	ssetifvalue $0xFFFFFFFF  }
0x8e: {  	[tilespmem:s0], [sflag:$0x8] =	stream.indirect_vreg.gather [hbm4b:s1+s14], $0x1, v4, vm0, $0x4038;
	[tilespmem:s16+$0x0] =	vst v5  }
.Ltmp9:
0x8f: {  	(pc) =	sbr.rel .LBB3_4-.Ltmp9, $4  }
0x90: {  	_ = 	snop  }
0x91: {  	s0 =	sshrl.u32 s30, $0x3  }
0x92: {  	s2 =	simm.s32 $0xA100;
	s0 =	sadd.s32 s5, s0  }
0x93: {  	[tilespmem:s2], [sflag:$0x8] =	stream.linear.gather [hbm:s0], $0x2000, $0x38;
	[tilespmem:$0x12120] =	vst v63  }
.LBB3_11:
0x94: {  	p0 =	seq.s32 s29, $0x2  }
.Ltmp10:
0x95: {  	_ = 	snop;
	(pc) =	sbr.rel @!p0 .LBB3_12-.Ltmp10, $1  }
0x96: {  	_ =	sdelay $0x3  }
0x97: {  	_ =	swait.ge [sflag:s7], $0x4000  }
0x98: {  	[sflag:s7] =	ssyncset.done $0x0  }
0x99: {  	[sflag:s7] =	ssyncadd.s32 $0xFFFFC000  }
0x9a: {  	[spmem:s11] =	stream.linear.scatter [tilespmem:s17], [sflag:$0x1], $0x1, $0x38;
	[tilespmem:$0x12120] =	vst v63  }
0x9b: {  	_ =	swait.ge [sflag:s4], $0x1  }
0x9c: {  	[sflag:s4] =	ssyncset.done $0x0  }
0x9d: {  	[sflag:s4] =	ssyncadd.s32 $0xFFFFFFFF  }
0x9e: {  	v4 =	vld [tilespmem:$0x10]  }
0x9f: {  	v5 =	vld [tilespmem:$0x70]  }
0xa0: {  	v3 =	vld [tilespmem:$0x80];
	_ =	sdelay $0x2  }
0xa1: {  	(v2sf) =	vpush v4, $0x0  }
0xa2: {  	(v2sf) =	vpush v5, $0x0  }
0xa3: {  	(v2sf) =	vpush v3, $0x0;
	_ =	sdelay $0xc  }
0xa4: {  	s0 =	spop (v2sf)  }
0xa5: {  	s2 =	spop (v2sf)  }
0xa6: {  	s30 =	spop (v2sf)  }
0xa7: {  	p0 =	seq.s32 s0, s2;
	p1 =	seq.s32 s30, s0  }
0xa8: {  	p1 =	por p0, p1  }
0xa9: {  	v4 =	vpsel p1, $0xFFFFFFFF, v4  }
0xaa: {  	[tilespmem:s18+$0x0] =	vst.msk $0x1, v4  }
0xab: {  	v4 =	vld [tilespmem:$0x30]  }
0xac: {  	v5 =	vld [tilespmem:$0xA100]  }
0xad: {  	v6 =	vld [tilespmem:$0x40];
	_ =	sdelay $0x3  }
0xae: {  	vm4 =	vmmov vm1;
	v5 =	vadd.f32 v5, v4  }
0xaf: {  	vm5 =	vmmov vm2;
	s31 =	simm.s32 $0xA100;
	vm4 =	vmmov @p0 vm2;
	v4 =	vadd.f32 v6, v4  }
0xb0: {  	vm5 =	vmmov @p1 vm1;
	[tilespmem:s31+$0x0] =	vst.msk vm4, v5  }
0xb1: {  	[tilespmem:s19+$0x0] =	vst.msk vm5, v4  }
0xb2: {  	v4 =	vld [tilespmem:$0x80F0];
	_ =	sdelay $0x3  }
0xb3: {  	v5 =	vimm.f32 $0.0e+00  }
0xb4: {  	v4 =	vshift.insert v4, v5, s20;
	_ =	sdelay $0x1  }
0xb5: {  	[tilespmem:s21+$0x0] =	vst.msk $0x1, v4  }
0xb6: {  	[tilespmem:s22+$0x0] =	vst.msk $0x1, v5  }
0xb7: {  	v4 =	vld [tilespmem:$0x20F0];
	_ =	sdelay $0x4  }
0xb8: {  	v4 =	vshift.insert v4, v1, s20;
	_ =	sdelay $0x1  }
0xb9: {  	[tilespmem:s23+$0x0] =	vst.msk $0x1, v4  }
0xba: {  	s16 =	simm.s32 $0x100;
	v6 =	vld [tilespmem:s31+$0x0]  }
0xbb: {  	v7 =	vld [tilespmem:s16+$0x0];
	_ =	sdelay $0x3  }
0xbc: {  	v5 =	vadd.f32 v6, v5  }
0xbd: {  	vm4 =	vne.s32 v7, $0xFFFFFFFF  }
0xbe: {  	(xrf2) =	vadd.seg.scan.f32 vm4, v5;
	_ =	sdelay $0x3  }
0xbf: {  	s0 =	simm.s32 $0x6100;
	v5 =	vperm.xlane v4, v1  }
0xc0: {  	v6 =	vld [tilespmem:s0+$0x0]  }
0xc1: {  	vm5 =	veq.s32 v7, v3;
	vm6 =	veq.s32 v7, v5  }
0xc2: {  	vm7 =	vgt.u32 v7, $0xFFFFFFFD;
	vm6 =	vmor vm6, vm5  }
0xc3: {  	vm6 =	vmor vm6, vm7  }
0xc4: {  	v9 =	vld [tilespmem:$0xA0];
	v7 =	vsel vm6, $0xFFFFFFFF, v7  }
0xc5: {  	v10 =	vld [tilespmem:$0x90];
	v6 =	vsel vm5, $0x0, v6;
	v8, _, _ =	vpop (xrf2)  }
0xc6: {  	v6 =	vadd.f32 v8, v6  }
0xc7: {  	s2 =	simm.s32 $0xE100  }
0xc8: {  	vm4 =	vmand vm4, vm3;
	[tilespmem:s2+$0x0] =	vst v6;
	(ifvalue) =	ssetifvalue $0xFFFFFFFF  }
0xc9: {  	vm6 =	veq.s32 v9, $0x1;
	[hbm4b:s1+s14] =	stream.indirect_vreg.scatter [tilespmem:s2], [sflag:$0x2], $0x1, v7, vm0, $0x4038;
	v7 =	vsel vm4, $0x0, v8;
	[tilespmem:$0x12120] =	vst v63  }
0xca: {  	s3 =	simm.s32 $0x0;
	s16 =	simm.s32 $0x110;
	vm4 =	vmor vm6, vm5;
	v6 =	vsel vm5, v8, v10;
	v7 =	vshift.insert v7, v0, s20  }
.LBB3_9:
0xcb: {  	v8 =	vld [tilespmem:s16+$0x0];
	s31 =	sadd.s32 $0x10, s31  }
0xcc: {  	s0 =	sadd.s32 $0x10, s0;
	v9 =	vld [tilespmem:s31+$0x0]  }
0xcd: {  	s3 =	sadd.s32 $0x10, s3;
	v10 =	vld [tilespmem:s0+$0x0]  }
0xce: {  	p0 =	slt.u32 s3, $0x1FF0;
	_ =	sdelay $0x2  }
0xcf: {  	v7 =	vadd.f32 v9, v7  }
0xd0: {  	vm5 =	vne.s32 v8, $0xFFFFFFFF  }
0xd1: {  	vm6 =	vmand vm5, vm3;
	(xrf2) =	vadd.seg.scan.f32 vm5, v7;
	_ =	sdelay $0x5  }
0xd2: {  	vm7 =	veq.s32 v8, v5;
	vm5 =	veq.s32 v8, v3  }
0xd3: {  	vm8 =	vgt.u32 v8, $0xFFFFFFFD;
	vm4 =	vmor vm4, vm5;
	vm7 =	vmor vm7, vm5  }
0xd4: {  	vm7 =	vmor vm7, vm8  }
0xd5: {  	v8 =	vsel vm7, $0xFFFFFFFF, v8  }
.Ltmp11:
0xd6: {  	v7 =	vsel vm5, $0x0, v10;
	v9, _, _ =	vpop (xrf2);
	(pc) =	sbr.rel @p0 .LBB3_9-.Ltmp11, $4  }
0xd7: {  	v6 =	vsel vm5, v9, v6;
	v10 =	vadd.f32 v9, v7;
	v7 =	vsel vm6, $0x0, v9  }
0xd8: {  	s2 =	sadd.s32 $0x10, s2;
	v7 =	vshift.insert v7, v0, s20  }
0xd9: {  	s16 =	sadd.s32 $0x10, s16;
	[tilespmem:s2+$0x0] =	vst v10;
	(ifvalue) =	ssetifvalue $0xFFFFFFFF  }
0xda: {  	[hbm4b:s1+s14] =	stream.indirect_vreg.scatter [tilespmem:s2], [sflag:$0x2], $0x1, v8, vm0, $0x4038;
	[tilespmem:$0x12120] =	vst v63  }
0xdb: {  	v3 =	vld [tilespmem:$0x100F0];
	_ =	sdelay $0x4  }
0xdc: {  	v3 =	vshift.insert v3, v0, s20;
	_ =	sdelay $0x1  }
0xdd: {  	[tilespmem:s24+$0x0] =	vst.msk $0x1, v3  }
0xde: {  	v3 =	vsel vm4, $0x1, v1;
	[tilespmem:$0x90] =	vst v6  }
0xdf: {  	[tilespmem:$0xA0] =	vst v3  }
0xe0: {  	[spmem:s12] =	stream.linear.scatter [tilespmem:s25], [sflag:$0x1], $0x1, $0x38;
	[tilespmem:$0x12120] =	vst v63  }
0xe1: {  	v3 =	vmctz.xlane vm4;
	_ =	swait.ge [sflag:s4], $0x1  }
0xe2: {  	(v2sf) =	vpush v4, $0x0  }
0xe3: {  	(v2sf) =	vpush v3, $0x0;
	_ =	sdelay $0xd  }
0xe4: {  	s0 =	spop (v2sf)  }
0xe5: {  	s2 =	spop (v2sf)  }
0xe6: {  	[sflag:s4] =	ssyncset.done $0x0;
	p0 =	sne.s32 s30, s0;
	p1 =	slt.s32 s2, $0xF  }
0xe7: {  	[sflag:s4] =	ssyncadd.s32 $0xFFFFFFFF;
	v3 =	vimm.s32 @!p0 $0xFFFFFFFF;
	s2 =	simm.s32 @!p1 $0xF  }
0xe8: {  	[tilespmem:$0x80] =	vst @!p0 v3;
	s31 =	sadd.s32 $0x90, s2  }
0xe9: {  	[spmem:s10] =	stream.linear.scatter [tilespmem:s31], [sflag:$0x1], $0x1, $0x38;
	[tilespmem:$0x12120] =	vst v63  }
0xea: {  	_ =	swait.ge [sflag:s4], $0x1  }
0xeb: {  	[sflag:s4] =	ssyncset.done $0x0  }
0xec: {  	[sflag:s4] =	ssyncadd.s32 $0xFFFFFFFF  }
0xed: {  	[spmem:s13] =	stream.linear.scatter [tilespmem:s26], [sflag:$0x1], $0x1, $0x38;
	[tilespmem:$0x12120] =	vst v63  }
0xee: {  	_ =	swait.ge [sflag:s4], $0x1  }
0xef: {  	[sflag:s4] =	ssyncset.done $0x0  }
0xf0: {  	[sflag:s4] =	ssyncadd.s32 $0xFFFFFFFF;
	(ifvalue) =	ssetifvalue $0xFFFFFFFF;
	v3 =	vld [tilespmem:$0x10];
	_ =	sdelay $0x3  }
.Ltmp12:
0xf1: {  	_ = 	snop;
	(pc) =	sbr.rel .LBB3_4-.Ltmp12, $3  }
0xf2: {  	_ =	sdelay $0x1  }
0xf3: {  	(ifvalue) =	ssetifvalue $0xFFFFFFFF  }
0xf4: {  	[hbm4b:s1+s14] =	stream.indirect_vreg.scatter [tilespmem:s19], [sflag:$0x9], $0x1, v3, vm0, $0x4038;
	[tilespmem:$0x12120] =	vst v63  }
.LBB3_12:
0xf5: {  	s0 =	simm.s32 $0x2  }
0xf6: {  	_ =	swait.ge [sflag:s0], $0x2000  }
0xf7: {  	[sflag:s0] =	ssyncset.done $0x0  }
0xf8: {  	s31 =	simm.s32 $0x9;
	[sflag:s0] =	ssyncadd.s32 $0xFFFFE000  }
0xf9: {  	_ =	swait.ge [sflag:s31], $0x10  }
0xfa: {  	[sflag:s31] =	ssyncset.done $0x0  }
0xfb: {  	[sflag:s31] =	ssyncadd.s32 $0xFFFFFFF0  }
.LBB3_13:
0xfc: {  	_ =	sfence.sel $0x180000  }
0xfd: {  	s0 =	simm.s32 $0x7;
	[bflag:$0x0] =	sbarrier.arrive $0xFFFF  }
0xfe: {  	s26 =	simm.s32 $0x8;
	[sflag:s0] =	ssyncpa.u1 $0x1  }
0xff: {  	s28 =	simm.s32 $0x9;
	[sflag:s26] =	ssyncpa.u1 $0x1  }
0x100: {  	[sflag:s28] =	ssyncpa.u1 $0x1  }
0x101: {  	_ =	sfence.stream.spmem  }
0x102: {  	s29 =	simm.s32 $0x3;
	[bflag:$0x0] =	sbarrier.arrive $0xFFFF  }
0x103: {  	s30 =	simm.s32 $0x4;
	[sflag:s29] =	ssyncpa.u1 $0x1  }
0x104: {  	s31 =	simm.s32 $0x3C;
	s2 =	stileid.u32;
	[sflag:s30] =	ssyncpa.u1 $0x1  }
0x105: {  	p0 =	sne.s32 s2, $0x0;
	[sflag:s31] =	ssyncpa.u1 $0x1  }
0x106: {  	s0 =	simm.s32 @p0 $0x1;
	_ =	sfence @p0  }
0x107: {  	[sflag:s0] =	ssyncpa.u1 @p0 $0x1;
	s0 =	simm.s32 @p0 $0x2  }
0x108: {  	[sflag:s0] =	ssyncpa.u1 @p0 $0x1  }
0x109: {  	_ =	strace @p0 $0x90000050  }
0x10a: {  	[bflag:$0x2] =	sbarrier.arrive @p0 $0xFFFF  }
0x10b: {  	_ =	shalt @p0  }
.LBB3_14:
0x10c: {  	_ =	sfence.stream.spmem;
	s0 =	simm.s32 $0x5  }
0x10d: {  	s2 =	simm.s32 $0x80;
	s3 =	simm.s32 $0xC0;
	[sflag:s0] =	ssyncpa.u1 $0x0  }
0x10e: {  	[tilespmem:s3], [sflag:$0x5] =	stream.linear.gather [spmem:s2], $0x20, $0x38;
	[tilespmem:$0x12120] =	vst v63  }
0x10f: {  	s2 =	simm.s32 $0x0;
	s3 =	simm.s32 $0xE0  }
0x110: {  	[tilespmem:s3], [sflag:$0x5] =	stream.linear.gather [spmem:s2], $0x20, $0x38;
	[tilespmem:$0x12120] =	vst v63  }
.Ltmp13:
0x111: {  	_ = 	snop;
	(pc) =	sbr.rel .LBB3_15-.Ltmp13, $4  }
0x112: {  	_ =	swait.ge [sflag:s0], $0x40  }
0x113: {  	[sflag:s0] =	ssyncset.done $0x0  }
0x114: {  	s31 =	simm.s32 $0x6;
	[sflag:s0] =	ssyncadd.s32 $0xFFFFFFC0  }
0x115: {  	s4 =	simm.s32 $0x0;
	[sflag:s31] =	ssyncpa.u1 $0x0  }
.LBB3_20:
0x116: {  	p0 =	sgt.u32 s0, $0x1FFF  }
0x117: {  	s5 =	sshrl.u32 @!p0 s0, $0x3  }
0x118: {  	s0 =	sand.u32 @!p0 $0x7, s0;
	s6 =	simm.s32 @!p0 $0xB0;
	s5 =	sadd.s32 @!p0 s1, s5  }
0x119: {  	[tilespmem:s6], [sflag:$0x6] =	stream.linear.gather @!p0 [hbm4b:s5+s0], $0x1, $0x38;
	[tilespmem:$0x12120] =	vst v63  }
0x11a: {  	s0 =	simm.s32 @!p0 $0x6  }
0x11b: {  	_ =	swait.ge @!p0 [sflag:s0], $0x1  }
0x11c: {  	[sflag:s0] =	ssyncset.done @!p0 $0x0  }
0x11d: {  	[sflag:s0] =	ssyncadd.s32 @!p0 $0xFFFFFFFF  }
0x11e: {  	v2 =	vmov @!p0 s4;
	v1 =	vld.msk @!p0 [tilespmem:$0xB0], $0x1;
	_ =	sdelay $0x3  }
0x11f: {  	s0 =	simm.s32 @!p0 $0xE0  }
0x120: {  	[tilespmem:v2+s0+$0x0], v1 =	vst.idx.ret.add.f32.msk @!p0 $0x1, v1  }
0x121: {  	[tilespmem:s2+$0xC0] =	vst.msk $0x1, v0  }
0x122: {  	v0 =	vld.msk [tilespmem:s4+$0xE0], $0x1;
	_ =	sdelay $0x4  }
0x123: {  	[tilespmem:s2+$0xE0] =	vst.msk $0x1, v0;
	s2 =	sadd.s32 $0x1, s2  }
.LBB3_22:
0x124: {  	s4 =	sadd.s32 $0x1, s4  }
0x125: {  	p0 =	sne.s32 s4, $0x20  }
.Ltmp14:
0x126: {  	_ = 	snop;
	(pc) =	sbr.rel @!p0 .LBB3_23-.Ltmp14, $1  }
0x127: {  	_ =	sdelay $0x3  }
.LBB3_15:
0x128: {  	v0 =	vld.msk [tilespmem:s4+$0xC0], $0x1;
	_ =	sdelay $0x4  }
0x129: {  	(v2sf) =	vpush v0, $0x0;
	_ =	sdelay $0xe  }
0x12a: {  	s0 =	spop (v2sf)  }
0x12b: {  	p0 =	seq.s32 s0, $0xFFFFFFFF  }
.Ltmp15:
0x12c: {  	_ = 	snop;
	(pc) =	sbr.rel @p0 .LBB3_22-.Ltmp15, $1  }
0x12d: {  	_ =	sdelay $0x3  }
0x12e: {  	p0 =	slt.s32 s2, $0x1  }
.Ltmp16:
0x12f: {  	_ = 	snop;
	(pc) =	sbr.rel @p0 .LBB3_20-.Ltmp16, $1  }
0x130: {  	_ =	sdelay $0x3  }
0x131: {  	s5 =	simm.s32 $0xC0;
	p0 =	por $0x0, $0x0  }
0x132: {  	v1 =	vld.msk @!p0 [tilespmem:s5+$0x0], $0x1;
	_ =	sdelay $0x4  }
0x133: {  	(v2sf) =	vpush @!p0 v1, $0x0;
	_ =	sdelay $0xd  }
0x134: {  	p2 =	sne.s32 s2, $0x1  }
.Ltmp17:
0x135: {  	s6 =	spop @!p0 (v2sf);
	(pc) =	sbr.rel @!p2 .LBB3_19-.Ltmp17, $4  }
0x136: {  	p1 =	seq.s32 @!p0 s0, s6  }
0x137: {  	s6 =	simm.s32 $0x0;
	p1 =	por !p1, p0  }
0x138: {  	s8 =	simm.s32 $0xFFFFFFFF;
	s6 =	simm.s32 @p1 $0xFFFFFFFF  }
0x139: {  	s7 =	simm.s32 $0x1;
	s6 =	smov.u32 @p0 s8  }
.LBB3_18:
0x13a: {  	s8 =	smov.u32 s6;
	p0 =	sne.s32 s6, $0xFFFFFFFF  }
0x13b: {  	s5 =	sadd.s32 $0x1, s5;
	s6 =	smov.u32 s7;
	s7 =	sadd.s32 $0x1, s7  }
0x13c: {  	p1 =	sne.s32 s2, s7;
	v1 =	vld.msk @!p0 [tilespmem:s5+$0x0], $0x1;
	_ =	sdelay $0x4  }
0x13d: {  	(v2sf) =	vpush @!p0 v1, $0x0;
	_ =	sdelay $0xe  }
.Ltmp18:
0x13e: {  	s9 =	spop @!p0 (v2sf);
	(pc) =	sbr.rel @p1 .LBB3_18-.Ltmp18, $4  }
0x13f: {  	p2 =	seq.s32 @!p0 s0, s9  }
0x140: {  	p2 =	por !p2, p0  }
0x141: {  	s6 =	simm.s32 @p2 $0xFFFFFFFF  }
0x142: {  	s6 =	smov.u32 @p0 s8  }
.LBB3_19:
0x143: {  	p0 =	sne.s32 s6, $0xFFFFFFFF  }
.Ltmp19:
0x144: {  	_ = 	snop;
	(pc) =	sbr.rel @!p0 .LBB3_20-.Ltmp19, $1  }
0x145: {  	_ =	sdelay $0x3  }
0x146: {  	v0 =	vld.msk [tilespmem:s4+$0xE0], $0x1;
	v1 =	vmov s6  }
.Ltmp20:
0x147: {  	_ = 	snop;
	(pc) =	sbr.rel .LBB3_22-.Ltmp20, $2  }
0x148: {  	_ =	sdelay $0x2  }
0x149: {  	[tilespmem:v1+s3+$0x0], v0 =	vst.idx.ret.add.f32.msk $0x1, v0  }
.LBB3_23:
0x14a: {  	p0 =	slt.s32 s2, $0x1  }
.Ltmp21:
0x14b: {  	_ = 	snop;
	(pc) =	sbr.rel @p0 .LBB3_27-.Ltmp21, $3  }
0x14c: {  	_ =	sdelay $0x1  }
0x14d: {  	s0 =	simm.s32 $0x6  }
0x14e: {  	[sflag:s0] =	ssyncpa.u1 $0x1;
	s0 =	simm.s32 $0x0  }
0x14f: {  	s3 =	simm.s32 $0xC0  }
0x150: {  	v0 =	vld.msk [tilespmem:s3+$0x0], $0x1;
	_ =	sdelay $0x4  }
0x151: {  	(v2sf) =	vpush v0, $0x0;
	_ =	sdelay $0xe  }
0x152: {  	s2 =	sadd.s32 $0xFFFFFFFF, s2;
	s4 =	spop (v2sf)  }
0x153: {  	p1 =	sne.s32 s2, $0x0;
	p0 =	sgt.u32 s4, $0x1FFF  }
.Ltmp22:
0x154: {  	s5 =	sshrl.u32 @!p0 s4, $0x3;
	(pc) =	sbr.rel @!p1 .LBB3_26-.Ltmp22, $4  }
0x155: {  	s3 =	simm.s32 $0xE0;
	s4 =	sand.u32 @!p0 $0x7, s4;
	s5 =	sadd.s32 @!p0 s1, s5  }
0x156: {  	[hbm4b:s5+s4] =	stream.linear.scatter @!p0 [tilespmem:s3], [sflag:$0x5], $0x1, $0x38;
	[tilespmem:$0x12120] =	vst v63  }
0x157: {  	s5 =	simm.s32 $0x0  }
0x158: {  	s4 =	simm.s32 $0xC1;
	s5 =	simm.s32 @!p0 $0x4  }
.LBB3_25:
0x159: {  	v0 =	vld.msk [tilespmem:s4+$0x0], $0x1;
	s2 =	sadd.s32 $0xFFFFFFFF, s2;
	s0 =	sadd.s32 s0, s5  }
0x15a: {  	p0 =	sne.s32 s2, $0x0;
	_ =	sdelay $0x3  }
0x15b: {  	(v2sf) =	vpush v0, $0x0;
	_ =	sdelay $0xe  }
.Ltmp23:
0x15c: {  	s6 =	spop (v2sf);
	(pc) =	sbr.rel @p0 .LBB3_25-.Ltmp23, $4  }
0x15d: {  	s5 =	simm.s32 $0x0;
	p1 =	sgt.u32 s6, $0x1FFF  }
0x15e: {  	s3 =	sadd.s32 $0x1, s3;
	s5 =	simm.s32 @!p1 $0x4;
	s7 =	sshrl.u32 @!p1 s6, $0x3  }
0x15f: {  	s4 =	sadd.s32 $0x1, s4;
	s6 =	sand.u32 @!p1 $0x7, s6;
	s7 =	sadd.s32 @!p1 s1, s7  }
0x160: {  	[hbm4b:s7+s6] =	stream.linear.scatter @!p1 [tilespmem:s3], [sflag:$0x5], $0x1, $0x38;
	[tilespmem:$0x12120] =	vst v63  }
.LBB3_26:
0x161: {  	s0 =	sadd.s32 s0, s5  }
0x162: {  	s0 =	sshrl.u32 s0, $0x2  }
.LBB3_27:
0x163: {  	s1 =	simm.s32 $0x5  }
0x164: {  	_ =	swait.ge [sflag:s1], s0  }
0x165: {  	s28 =	ssub.s32 $0x0, s0;
	[sflag:s1] =	ssyncset.done $0x0  }
0x166: {  	[sflag:s1] =	ssyncadd.s32 s28  }
0x167: {  	[sflag:s1] =	ssyncpa.u1 $0x1  }
0x168: {  	s29 =	simm.s32 $0x1;
	_ =	sfence  }
0x169: {  	s30 =	simm.s32 $0x2;
	[sflag:s29] =	ssyncpa.u1 $0x1  }
0x16a: {  	[sflag:s30] =	ssyncpa.u1 $0x1  }
0x16b: {  	_ =	strace $0x90000050  }
0x16c: {  	[bflag:$0x2] =	sbarrier.arrive $0xFFFF  }
0x16d: {  	s31 =	rddreg [dreg:$0x2]  }
0x16e: {  	s0 =	sadd.s32 $0x100000, s31  }
0x16f: {  	[sflag:s0] =	ssyncadd.tile.s32 $0x1;
	_ =	shalt  }
.Lfunc_end3:
_tile_overlayer_lowered:
.L_overlay_start_3:
0x170: {  	(tag) =	ssettag $0x3  }
0x171: {  	s0 =	rddreg [dreg:$0x0];
	s2 =	stileid.u32  }
0x172: {  	s1 =	rddreg [dreg:$0x1];
	p0 =	sne.s32 s2, $0x0  }
0x173: {  	s3 =	rddreg [dreg:$0x2];
	[bflag:$0x3] =	sbarrier.arrive $0xFFFF;
	s2 =	simm.s32 @!p0 $0x1C01  }
0x174: {  	[timem:s3], [sflag:s2] =	dma.local @!p0 [hbm:s0], s1  }
0x175: {  	s0 =	simm.s32 @!p0 $0x1  }
0x176: {  	_ =	swait.ge @!p0 [sflag:s0], s1  }
0x177: {  	s1 =	ssub.s32 @!p0 $0x0, s1;
	[sflag:s0] =	ssyncset.done @!p0 $0x0  }
0x178: {  	[sflag:s0] =	ssyncadd.s32 @!p0 s1  }
0x179: {  	[bflag:$0x3] =	sbarrier.arrive $0xFFFF  }
0x17a: {  	_ =	shalt  }

// kernel: scatter_offload_async_start.2
scs
__scs_entry_jumppad:
0x0: {  	(pc) =	sbr.rel $0x88, $3  }
0x1: {  	(tag) =	ssettag $0x0;
	lr =	simm.s32 $0x1  }
0x2: {  	[smem:$0x3F96] =	sst lr;
	_ =	strace $0xD0000000  }
0x3: {  	_ = 	snop  }
0x4: {  	_ = 	snop  }
0x5: {  	_ = 	snop  }
0x6: {  	_ = 	snop  }
0x7: {  	_ = 	snop  }
__scs_overlays_trampoline_lowered:
0x8: {  	[smem:$0x3FA5] =	sst s0  }
0x9: {  	[smem:$0x3FA6] =	sst s1  }
0xa: {  	[smem:$0x3FA7] =	sst s2  }
0xb: {  	[smem:$0x3FA8] =	sst s3  }
0xc: {  	[smem:$0x3FA9] =	sst s4  }
0xd: {  	[smem:$0x3FAA] =	sst s5  }
0xe: {  	[smem:$0x3FAB] =	sst s6  }
0xf: {  	[smem:$0x3FAC] =	sst s7  }
0x10: {  	[smem:$0x3FAD] =	sst s8  }
0x11: {  	[smem:$0x3FAE] =	sst s9;
	s0 =	simm.s32 @!p0 $0x0  }
0x12: {  	s1 =	sld [smem:$0x3F94];
	s0 =	simm.s32 @p0 $0x1  }
0x13: {  	[smem:$0x3FAF] =	sst s0;
	s0 =	simm.s32 @!p1 $0x0  }
0x14: {  	s2 =	sld [smem:$0x3F93];
	s0 =	simm.s32 @p1 $0x1  }
0x15: {  	[smem:$0x3FB0] =	sst s0;
	s0 =	simm.s32 @!p2 $0x0  }
0x16: {  	s3 =	sld [smem:$0x3FDB];
	s0 =	simm.s32 @p2 $0x1  }
0x17: {  	s4 =	simm.s32 $0x1BF5;
	[smem:$0x3FB2] =	sst s0  }
0x18: {  	s0 =	sld [smem:$0x3F95];
	_ =	swait.ge [sflag:s4], $0x0  }
0x19: {  	s7 =	sld [smem:$0x3F96]  }
0x1a: {  	s8 =	sadd.s32 $0xFFFFE003, lr  }
0x1b: {  	s9 =	sadd.s32 $0xFFFFFEF7, lr;
	s5 =	simm.s32 $0xFFFFFFFF;
	p2 =	slt.u32 s8, $0xFFFFF086  }
0x1c: {  	p1 =	slt.u32 s9, $0xF7A;
	s5 =	simm.s32 @!p2 $0x0  }
0x1d: {  	s5 =	simm.s32 @p1 $0x1;
	p0 =	seq.s32 s7, s2  }
0x1e: {  	s7 =	smul.u32 @!p0 $0xF7A, s2;
	p2 =	seq.s32 @!p0 s5, $0x0  }
0x1f: {  	s9 =	smul.u32 $0xF7A, s1;
	s8 =	simm.s32 @!p0 $0x1BF5;
	p2 =	por !p2, p0  }
0x20: {  	[sflag:s8] =	ssyncset.s32 @!p0 $0xFFFFF086;
	s6 =	sadd.s32 @!p0 s3, s7;
	s7 =	simm.s32 @!p0 $0x108  }
0x21: {  	s3 =	sadd.s32 s3, s9;
	s6 =	sadd.s32 @!p0 $0x88, s6;
	s7 =	simm.s32 @p2 $0x1082  }
0x22: {  	[simem:s7], [sflag:s8] =	dma.local @!p0 [hbm:s6], $0xF7A  }
0x23: {  	s9 =	sor.u32 $0xD0000000, s2;
	s6 =	simm.s32 $0x108;
	_ =	swait.ge @!p0 [sflag:s8], $0x0  }
0x24: {  	s3 =	sadd.s32 $0x88, s3;
	s6 =	simm.s32 @!p1 $0x1082;
	[sflag:s4] =	ssyncset.s32 $0xFFFFF086  }
0x25: {  	[simem:s6], [sflag:s4] =	dma.local [hbm:s3], $0xF7A  }
0x26: {  	[smem:$0x3F96] =	sst s1;
	(tag) =	ssettag s2;
	_ =	strace s9  }
0x27: {  	s1 =	sld [smem:$0x3FA6]  }
0x28: {  	s2 =	sld [smem:$0x3FA7]  }
0x29: {  	s4 =	sld [smem:$0x3FA9]  }
0x2a: {  	p0 =	seq.s32 s5, $0x0;
	s5 =	sld [smem:$0x3FAA]  }
0x2b: {  	s6 =	sld [smem:$0x3FAB]  }
0x2c: {  	s7 =	sld [smem:$0x3FAC]  }
0x2d: {  	s3 =	simm.s32 $0x108;
	s8 =	sld [smem:$0x3FAD]  }
0x2e: {  	s3 =	simm.s32 @!p0 $0x1082;
	s9 =	sld [smem:$0x3FAE]  }
0x2f: {  	lr =	sadd.s32 s0, s3;
	s0 =	sld [smem:$0x3FA5]  }
0x30: {  	s3 =	sld [smem:$0x3FA8]  }
0x31: {  	[smem:$0x3FB1] =	sst s10  }
0x32: {  	s10 =	sld [smem:$0x3FAF];
	_ =	sdelay $0x3  }
0x33: {  	p0 =	seq.s32 s10, $0x1;
	s10 =	sld [smem:$0x3FB1];
	_ =	sdelay $0x3  }
0x34: {  	[smem:$0x3FB1] =	sst s10  }
0x35: {  	s10 =	sld [smem:$0x3FB0];
	_ =	sdelay $0x3  }
0x36: {  	p1 =	seq.s32 s10, $0x1;
	s10 =	sld [smem:$0x3FB1];
	_ =	sdelay $0x3  }
0x37: {  	[smem:$0x3FB1] =	sst s10  }
0x38: {  	s10 =	sld [smem:$0x3FB2]  }
0x39: {  	_ = 	snop;
	(pc) =	sbr.ind lr, $3  }
0x3a: {  	_ = 	snop  }
0x3b: {  	_ = 	snop  }
0x3c: {  	p2 =	seq.s32 s10, $0x1;
	s10 =	sld [smem:$0x3FB1]  }
0x3d: {  	_ =	shalt  }
0x3e: {  	_ =	shalt  }
0x3f: {  	_ =	shalt  }
0x40: {  	_ =	shalt  }
0x41: {  	_ =	shalt  }
0x42: {  	_ =	shalt  }
0x43: {  	_ =	shalt  }
0x44: {  	_ =	shalt  }
0x45: {  	_ =	shalt  }
0x46: {  	_ =	shalt  }
0x47: {  	_ =	shalt  }
0x48: {  	_ =	shalt  }
0x49: {  	_ =	shalt  }
0x4a: {  	_ =	shalt  }
0x4b: {  	_ =	shalt  }
0x4c: {  	_ =	shalt  }
0x4d: {  	_ =	shalt  }
0x4e: {  	_ =	shalt  }
0x4f: {  	_ =	shalt  }
0x50: {  	_ =	shalt  }
0x51: {  	_ =	shalt  }
0x52: {  	_ =	shalt  }
0x53: {  	_ =	shalt  }
0x54: {  	_ =	shalt  }
0x55: {  	_ =	shalt  }
0x56: {  	_ =	shalt  }
0x57: {  	_ =	shalt  }
0x58: {  	_ =	shalt  }
0x59: {  	_ =	shalt  }
0x5a: {  	_ =	shalt  }
0x5b: {  	_ =	shalt  }
0x5c: {  	_ =	shalt  }
0x5d: {  	_ =	shalt  }
0x5e: {  	_ =	shalt  }
0x5f: {  	_ =	shalt  }
0x60: {  	_ =	shalt  }
0x61: {  	_ =	shalt  }
0x62: {  	_ =	shalt  }
0x63: {  	_ =	shalt  }
0x64: {  	_ =	shalt  }
0x65: {  	_ =	shalt  }
0x66: {  	_ =	shalt  }
0x67: {  	_ =	shalt  }
0x68: {  	_ =	shalt  }
0x69: {  	_ =	shalt  }
0x6a: {  	_ =	shalt  }
0x6b: {  	_ =	shalt  }
0x6c: {  	_ =	shalt  }
0x6d: {  	_ =	shalt  }
0x6e: {  	_ =	shalt  }
0x6f: {  	_ =	shalt  }
0x70: {  	_ =	shalt  }
0x71: {  	_ =	shalt  }
0x72: {  	_ =	shalt  }
0x73: {  	_ =	shalt  }
0x74: {  	_ =	shalt  }
0x75: {  	_ =	shalt  }
0x76: {  	_ =	shalt  }
0x77: {  	_ =	shalt  }
0x78: {  	_ =	shalt  }
0x79: {  	_ =	shalt  }
0x7a: {  	_ =	shalt  }
0x7b: {  	_ =	shalt  }
0x7c: {  	_ =	shalt  }
0x7d: {  	_ =	shalt  }
0x7e: {  	_ =	shalt  }
0x7f: {  	_ =	shalt  }
0x80: {  	_ =	shalt  }
0x81: {  	_ =	shalt  }
0x82: {  	_ =	shalt  }
0x83: {  	_ =	shalt  }
0x84: {  	_ =	shalt  }
0x85: {  	_ =	shalt  }
0x86: {  	_ =	shalt  }
0x87: {  	_ =	shalt  }
.Lfunc_end0:
.L_simem_size_0:
called_computation.2_lowered:
.L_overlay_start_0:
0x88: {  	s2 =	sld [smem:$0x3FD9]  }
0x89: {  	s3 =	sld [smem:$0x3FFE];
	_ =	sdelay $0x1  }
0x8a: {  	s1 =	srdreg.scid  }
0x8b: {  	s0 =	sand.u32 $0x1, s1  }
0x8c: {  	s28 =	sshll.u32 s0, $0xA;
	s2 =	sadd.s32 s3, s2  }
0x8d: {  	s2 =	sadd.s32 s2, s28  }
0x8e: {  	[smem:$0x3FBD] =	sst s2  }
0x8f: {  	_ = 	snop  }
0x90: {  	s2 =	sld [smem:$0x3FD0];
	_ =	sdelay $0x2  }
0x91: {  	s4 =	simm.s32 $0xD;
	s29 =	simm.s32 $0x10  }
0x92: {  	[smem:s29], [sflag:s4] =	dma.local [hbm:s2], $0x1  }
0x93: {  	_ =	swait.eq [sflag:s4], $0x1  }
0x94: {  	s30 =	sld [smem:$0x11]  }
0x95: {  	s7 =	sld [smem:$0x12];
	[sflag:s4] =	ssyncset.done $0x0  }
0x96: {  	s5 =	sld [smem:$0x15];
	[sflag:s4] =	ssyncadd.s32 $0xFFFFFFFF  }
0x97: {  	s31 =	sld [smem:$0x16];
	(tm) =	ssettm $0x1  }
0x98: {  	s14 =	sld [smem:$0x3FFB];
	_ =	sdelay $0x3  }
0x99: {  	_ =	strace s14  }
0x9a: {  	s2 =	sld [smem:$0x3FFC];
	_ =	sdelay $0x3  }
0x9b: {  	_ =	strace s2  }
0x9c: {  	s2 =	sld [smem:$0x3FFD];
	_ =	sdelay $0x3  }
0x9d: {  	_ =	strace s2  }
0x9e: {  	_ =	strace $0x8FFFFFFF  }
0x9f: {  	s15 =	sld [smem:$0x3FDB];
	_ =	sdelay $0x1  }
0xa0: {  	s6 =	simm.s32 $_scs_section_size  }
0xa1: {  	s8 =	simm.s32 $_size__tile_overlayer_lowered;
	s9 =	simm.s32 $_tile_overlayer_lowered  }
0xa2: {  	s19 =	simm.s32 $0x1BFF;
	s17 =	sshll.u32 s9, $0x1;
	s10 =	sadd.s32 s6, s15  }
0xa3: {  	s20 =	simm.s32 $0x0;
	s16 =	sshll.u32 s8, $0x1;
	s18 =	sadd.s32 s17, s10  }
0xa4: {  	[timem:s20], [sflag:s19] =	dma.local [hbm:s18], s16  }
0xa5: {  	_ =	swait.ge [sflag:s19], s16  }
0xa6: {  	s6 =	ssub.s32 $0x0, s16;
	[sflag:s19] =	ssyncset.done $0x0  }
0xa7: {  	[sflag:s19] =	ssyncadd.s32 s6;
	_ =	sdelay $0x1  }
0xa8: {  	s21 =	simm.s32 $0x1B8B  }
0xa9: {  	_ =	swait.ge [sflag:s21], $0x1  }
0xaa: {  	[sflag:s21] =	ssyncset.done $0x0  }
0xab: {  	[sflag:s21] =	ssyncadd.s32 $0xFFFFFFFF  }
0xac: {  	s6 =	sld [smem:$0x0]  }
0xad: {  	s8 =	sand.u32 $0xFFFFFFFE, s1  }
0xae: {  	p0 =	sne.s32 s1, s8  }
0xaf: {  	s8 =	sshll.u32 @p0 s8, $0xE  }
0xb0: {  	s9 =	sadd.s32 @p0 $0x11B8D, s8;
	s11 =	sshll.u32 @p0 s6, $0x11  }
0xb1: {  	s9 =	sor.u32 @p0 s11, s9  }
0xb2: {  	[sflag:s9] =	ssyncadd.remote.s32 @p0 $0x1;
	_ =	sdelay $0x1  }
0xb3: {  	s9 =	simm.s32 @p0 $0x1B8D  }
0xb4: {  	_ =	swait.eq @p0 [sflag:s9], $0x1  }
0xb5: {  	[sflag:s9] =	ssyncadd.s32 @p0 $0xFFFFFFFF  }
0xb6: {  	s11 =	sshll.u32 @!p0 s1, $0xE  }
0xb7: {  	s11 =	sor.u32 @!p0 $0x4000, s11;
	s9 =	simm.s32 @!p0 $0x1B8D  }
0xb8: {  	s13 =	sshll.u32 @!p0 s6, $0x11;
	s12 =	sadd.s32 @!p0 $0x11B8D, s11;
	_ =	swait.eq @!p0 [sflag:s9], $0x1  }
0xb9: {  	[sflag:s9] =	ssyncadd.s32 @!p0 $0xFFFFFFFF;
	s9 =	sor.u32 @!p0 s13, s12  }
0xba: {  	s23 =	simm.s32 $0x1B8E;
	s22 =	sld [smem:$0x3FFE];
	[sflag:s9] =	ssyncadd.remote.s32 @!p0 $0x1  }
0xbb: {  	s24 =	simm.s32 $execute0_lowered;
	[smem:$0x3FD2] =	sst s23  }
0xbc: {  	s12 =	sshll.u32 s24, $0x1;
	_ =	strace $0x80000052;
	[dreg:$0x1] =	wrdreg $0xFFFFFFFF  }
0xbd: {  	s25 =	simm.s32 $_size_execute0_lowered;
	s12 =	sadd.s32 s10, s12;
	[dreg:$0x0] =	wrdreg $0x0  }
0xbe: {  	s13 =	sshll.u32 s25, $0x1;
	[dreg:$0x2] =	wrdreg s12  }
0xbf: {  	[dreg:$0x3] =	wrdreg s13  }
0xc0: {  	[dreg:$0x4] =	wrdreg $0xC0  }
0xc1: {  	s26 =	simm.s32 $execute1_lowered;
	_ =	task [dreg:s20], $0x5FFFF  }
0xc2: {  	s12 =	sshll.u32 s26, $0x1;
	[dreg:$0x1] =	wrdreg $0xFFFFFFFF  }
0xc3: {  	s10 =	sadd.s32 s10, s12;
	[dreg:$0x0] =	wrdreg $0x60  }
0xc4: {  	[dreg:$0x2] =	wrdreg s10  }
0xc5: {  	[dreg:$0x3] =	wrdreg s7  }
0xc6: {  	[dreg:$0x4] =	wrdreg s5  }
0xc7: {  	[dreg:$0x5] =	wrdreg $0xB  }
0xc8: {  	_ =	task.clear_ibuf [dreg:s20], $0x6FFFF;
	_ =	strace $0x90000052  }
0xc9: {  	s28 =	simm.s32 $0xB;
	_ =	strace $0x80000054  }
0xca: {  	_ =	swait.ge [sflag:s28], $0x1  }
0xcb: {  	[sflag:s28] =	ssyncadd.s32 $0xFFFFFFFF  }
0xcc: {  	_ =	strace $0x90000054  }
0xcd: {  	s7 =	sld [smem:$0x0];
	_ =	sdelay $0x3  }
0xce: {  	s8 =	sadd.s32 @p0 $0x11BF3, s8;
	s10 =	sshll.u32 @p0 s7, $0x11  }
0xcf: {  	s8 =	sor.u32 @p0 s10, s8  }
0xd0: {  	[sflag:s8] =	ssyncadd.remote.s32 @p0 $0x1;
	_ =	sdelay $0x1  }
0xd1: {  	s8 =	simm.s32 @p0 $0x1BF3  }
0xd2: {  	_ =	swait.eq @p0 [sflag:s8], $0x1  }
0xd3: {  	[sflag:s8] =	ssyncadd.s32 @p0 $0xFFFFFFFF;
	_ =	sdelay $0x1  }
0xd4: {  	s8 =	simm.s32 @!p0 $0x1BF3  }
0xd5: {  	s7 =	sshll.u32 @!p0 s7, $0x11;
	s10 =	sadd.s32 @!p0 $0x11BF3, s11;
	_ =	swait.eq @!p0 [sflag:s8], $0x1  }
0xd6: {  	s7 =	sor.u32 @!p0 s7, s10;
	[sflag:s8] =	ssyncadd.s32 @!p0 $0xFFFFFFFF  }
0xd7: {  	[sflag:s7] =	ssyncadd.remote.s32 @!p0 $0x1  }
0xd8: {  	_ =	strace $0x80000055;
	[dreg:$0x1] =	wrdreg $0xFFFFFFFF  }
0xd9: {  	[dreg:$0x0] =	wrdreg $0x2030  }
0xda: {  	[dreg:$0x2] =	wrdreg s5  }
0xdb: {  	[dreg:$0x3] =	wrdreg s30  }
0xdc: {  	[dreg:$0x4] =	wrdreg s31  }
0xdd: {  	[dreg:$0x5] =	wrdreg s22  }
0xde: {  	[dreg:$0x6] =	wrdreg s1  }
0xdf: {  	[dreg:$0x7] =	wrdreg s6  }
0xe0: {  	[dreg:$0x8] =	wrdreg $0xC  }
0xe1: {  	_ =	task.clear_ibuf [dreg:s20], $0x9FFFF;
	_ =	strace $0x90000055  }
0xe2: {  	s29 =	simm.s32 $0xC;
	_ =	strace $0x80000057  }
0xe3: {  	_ =	swait.ge [sflag:s29], $0x1  }
0xe4: {  	[sflag:s29] =	ssyncadd.s32 $0xFFFFFFFF  }
0xe5: {  	_ =	strace $0x90000057  }
0xe6: {  	_ =	sfence  }
0xe7: {  	s30 =	sld [smem:$0x0];
	_ =	sdelay $0x2  }
0xe8: {  	s31 =	sshll.u32 s1, $0xD;
	s1 =	sshrl.u32 s1, $0x2  }
0xe9: {  	s4 =	sand.u32 $0x4000, s31;
	s1 =	sadd.s32 s1, s30  }
0xea: {  	s0 =	sor.u32 s4, s0;
	s1 =	sshll.u32 s1, $0x11  }
0xeb: {  	s0 =	sor.u32 s1, s0  }
0xec: {  	s0 =	sadd.s32 $0x8F2B, s0  }
0xed: {  	[sflag:s0] =	ssyncadd.remote.s32 $0x1  }
0xee: {  	_ =	sfence.sel $0xFFFF  }
0xef: {  	[dreg:$0x0] =	wrdreg $0xFFFFFFFF;
	(pc) =	sbr.abs _section_cstart, $3  }
0xf0: {  	[dreg:$0x1] =	wrdreg $0xFFFFFFFF  }
0xf1: {  	_ =	task.clear_ibuf [dreg:s20], $0x2FFFF;
	_ =	strace $0x9FFFFFFF  }
0xf2: {  	(tm) =	ssettm $0x7FFFFFFF  }
0xf3: {  	_ =	shalt  }
tec
execute0_lowered:
.L_overlay_start_1:
0x0: {  	(tag) =	ssettag $0x1  }
0x1: {  	s4 =	rddreg [dreg:$0x0]  }
0x2: {  	s2 =	rddreg [dreg:$0x1]  }
0x3: {  	s3 =	rddreg [dreg:$0x2]  }
0x4: {  	s0 =	rddreg [dreg:$0x3];
	s5 =	stileid.u32;
	[bflag:$0x3] =	sbarrier.arrive $0xFFFF  }
0x5: {  	s1 =	simm.s32 $_size_execute1_lowered;
	s29 =	srdreg.scid;
	p0 =	sne.s32 s5, $0x0  }
0x6: {  	s1 =	sshll.u32 s1, $0x1;
	s6 =	simm.s32 @!p0 $0x1C3F;
	s7 =	simm.s32 @!p0 $0x4060  }
0x7: {  	[timem:s7], [sflag:s6] =	dma.local @!p0 [hbm:s4], s1  }
0x8: {  	s4 =	sshll.u32 s29, $0x7  }
0x9: {  	s5 =	sshll.u32 s5, $0x8;
	s4 =	sand.u32 $0x80, s4  }
0xa: {  	s8 =	simm.s32 $0x2;
	s4 =	sor.u32 s5, s4  }
0xb: {  	s9 =	simm.s32 $0x0;
	s12 =	simm.s32 $0x0;
	s30 =	ssub.s32 $0x2000, s4  }
.Ltmp0:
0xc: {  	s11 =	simm.s32 $0x0;
	s31 =	sand.u32 $0xF80, s30;
	(pc) =	sbr.rel .LBB2_1-.Ltmp0, $4  }
0xd: {  	s7 =	simm.s32 $0x1;
	_ =	strace $0x80000053;
	p1 =	sne.s32 s31, $0x0  }
0xe: {  	s5 =	simm.s32 $0x1;
	s6 =	sshrl.u32 s30, $0xC;
	s7 =	simm.s32 @!p1 $0x0  }
0xf: {  	[sflag:s5] =	ssyncpa.u1 $0x0;
	s10 =	smov.u32 s4;
	s6 =	sadd.s32 s7, s6  }
0x10: {  	[sflag:s8] =	ssyncpa.u1 $0x0;
	s8 =	simm.s32 $0x0;
	s7 =	sadd.s32 $0x1, s6  }
.LBB2_4:
0x11: {  	_ =	sdelay $0x3  }
0x12: {  	[tilespmem:v0+s14+$0xFFFFFFA0 ss:$0x1] =	vst.idx.msk $0xffff, v6  }
0x13: {  	v56 =	vld.idx.msk [tilespmem:v1+s15+$0x30 ss:$0x1], $0xffff;
	[tilespmem:v0+s14+$0xFFFFFFB0 ss:$0x1] =	vst.idx.msk $0xffff, v4  }
0x14: {  	v57 =	vld.idx.msk [tilespmem:v1+s15+$0xFFFFFFC0 ss:$0x1], $0xffff;
	[tilespmem:v0+s14+$0xFFFFFFC0 ss:$0x1] =	vst.idx.msk $0xffff, v2  }
0x15: {  	v58 =	vld.idx.msk [tilespmem:v1+s15+$0xFFFFFFD0 ss:$0x1], $0xffff;
	[tilespmem:v0+s14+$0xFFFFFFD0 ss:$0x1] =	vst.idx.msk $0xffff, v3  }
0x16: {  	v59 =	vld.idx.msk [tilespmem:v1+s15+$0xFFFFFFE0 ss:$0x1], $0xffff;
	[tilespmem:v0+s14+$0xFFFFFFE0 ss:$0x1] =	vst.idx.msk $0xffff, v5  }
0x17: {  	v60 =	vld.idx.msk [tilespmem:v1+s15+$0xFFFFFFF0 ss:$0x1], $0xffff;
	[tilespmem:v0+s14+$0xFFFFFFF0 ss:$0x1] =	vst.idx.msk $0xffff, v7  }
0x18: {  	v61 =	vld.idx.msk [tilespmem:v1+s15+$0x0 ss:$0x1], $0xffff;
	[tilespmem:v0+s15+$0x0 ss:$0x1] =	vst.idx.msk $0xffff, v56  }
0x19: {  	v62 =	vld.idx.msk [tilespmem:v1+s15+$0x10 ss:$0x1], $0xffff;
	[tilespmem:v0+s15+$0xFFFFFF90 ss:$0x1] =	vst.idx.msk $0xffff, v57  }
0x1a: {  	v63 =	vld.idx.msk [tilespmem:v1+s15+$0x20 ss:$0x1], $0xffff;
	[tilespmem:v0+s15+$0xFFFFFFA0 ss:$0x1] =	vst.idx.msk $0xffff, v58  }
0x1b: {  	[tilespmem:v0+s15+$0xFFFFFFB0 ss:$0x1] =	vst.idx.msk $0xffff, v59  }
0x1c: {  	[tilespmem:v0+s15+$0xFFFFFFC0 ss:$0x1] =	vst.idx.msk $0xffff, v60  }
0x1d: {  	s12 =	sshll.u32 s12, $0x4;
	[tilespmem:v0+s15+$0xFFFFFFD0 ss:$0x1] =	vst.idx.msk $0xffff, v61  }
0x1e: {  	s12 =	sand.u32 $0x1FFF0, s12;
	[tilespmem:v0+s15+$0xFFFFFFE0 ss:$0x1] =	vst.idx.msk $0xffff, v62  }
0x1f: {  	s12 =	sadd.s32 s3, s12;
	[tilespmem:v0+s15+$0xFFFFFFF0 ss:$0x1] =	vst.idx.msk $0xffff, v63  }
0x20: {  	[hbm4b:s12+s8] =	stream.linear.scatter [tilespmem:s13], [sflag:$0x2], $0x4000, $0x38;
	[tilespmem:$0x10000] =	vst v63  }
.LBB2_5:
0x21: {  	s14 =	sadd.s32 $0x1000, s10  }
0x22: {  	p2 =	sgt.s32 s14, $0x1FFF  }
0x23: {  	s14 =	smov.u32 @p2 s4;
	p2 =	sne.s32 s11, s7  }
.Ltmp1:
0x24: {  	p1 =	slt.u32 s11, $0x2;
	(pc) =	sbr.rel @!p2 .LBB2_6-.Ltmp1, $4  }
0x25: {  	s13 =	simm.s32 @!p1 $0x2  }
0x26: {  	s15 =	sadd.s32 $0x1, s11;
	_ =	swait.ge @!p1 [sflag:s13], $0x4000  }
0x27: {  	s12 =	smov.u32 s10;
	s9 =	sadd.s32 $0x4000, s9;
	[sflag:s13] =	ssyncset.done @!p1 $0x0  }
0x28: {  	s11 =	smov.u32 s15;
	s10 =	smov.u32 s14;
	[sflag:s13] =	ssyncadd.s32 @!p1 $0xFFFFC000  }
.LBB2_1:
0x29: {  	p1 =	sge.u32 s11, s6  }
0x2a: {  	s13 =	sxor.u32 @!p1 $0xFFFFFFFF, s11;
	s14 =	sshll.u32 @!p1 s10, $0x4  }
0x2b: {  	s31 =	sadd.s32 $0xFFFFFFFF, s11;
	s13 =	sshll.u32 @!p1 s13, $0xE;
	s14 =	sand.u32 @!p1 $0x1FFF0, s14  }
0x2c: {  	s15 =	simm.s32 @!p1 $0x0;
	s13 =	sand.u32 @!p1 $0x4000, s13;
	s14 =	sadd.s32 @!p1 s2, s14  }
0x2d: {  	[tilespmem:s13], [sflag:$0x1] =	stream.linear.gather @!p1 [hbm4b:s14+s15], $0x4000, $0x38;
	[tilespmem:$0x10000] =	vst v63  }
0x2e: {  	p1 =	sge.u32 s31, s6  }
.Ltmp2:
0x2f: {  	_ = 	snop;
	(pc) =	sbr.rel @p1 .LBB2_5-.Ltmp2, $1  }
0x30: {  	_ =	sdelay $0x3  }
0x31: {  	s13 =	sand.u32 $0x4000, s9  }
0x32: {  	s14 =	sor.u32 $0x40, s13  }
0x33: {  	v1 =	vmov s14;
	_ =	sdelay $0x1  }
0x34: {  	_ =	swait.ge [sflag:s5], $0x4000  }
0x35: {  	[sflag:s5] =	ssyncset.done $0x0  }
0x36: {  	[sflag:s5] =	ssyncadd.s32 $0xFFFFC000;
	s14 =	simm.s32 $0x0  }
0x37: {  	s13 =	sor.u32 $0x8070, s13;
	v7 =	vld.idx.msk [tilespmem:v1+s14+$0x30 ss:$0x1], $0xffff  }
0x38: {  	v0 =	vmov s13;
	v8 =	vld.idx.msk [tilespmem:v1+s14+$0xFFFFFFC0 ss:$0x1], $0xffff  }
0x39: {  	v6 =	vld.idx.msk [tilespmem:v1+s14+$0xFFFFFFD0 ss:$0x1], $0xffff  }
0x3a: {  	v4 =	vld.idx.msk [tilespmem:v1+s14+$0xFFFFFFE0 ss:$0x1], $0xffff  }
0x3b: {  	v2 =	vld.idx.msk [tilespmem:v1+s14+$0xFFFFFFF0 ss:$0x1], $0xffff  }
0x3c: {  	s31 =	sshll.u32 s11, $0xE;
	v3 =	vld.idx.msk [tilespmem:v1+s14+$0x0 ss:$0x1], $0xffff  }
0x3d: {  	s13 =	sand.u32 $0x4000, s31;
	v5 =	vld.idx.msk [tilespmem:v1+s14+$0x10 ss:$0x1], $0xffff;
	[tilespmem:v0+s14+$0x0 ss:$0x1] =	vst.idx.msk $0xffff, v7  }
0x3e: {  	s15 =	simm.s32 $0x80;
	s16 =	simm.s32 $0x400;
	s13 =	sor.u32 $0x8000, s13;
	[tilespmem:v0+s14+$0xFFFFFF90 ss:$0x1] =	vst.idx.msk $0xffff, v8;
	v7 =	vld.idx.msk [tilespmem:v1+s14+$0x20 ss:$0x1], $0xffff  }
.LBB2_3:
0x3f: {  	p1 =	sne.s32 s16, $0xFE00;
	v8 =	vld.idx.msk [tilespmem:v1+s15+$0x30 ss:$0x1], $0xffff;
	[tilespmem:v0+s14+$0xFFFFFFA0 ss:$0x1] =	vst.idx.msk $0xffff, v6  }
0x40: {  	v9 =	vld.idx.msk [tilespmem:v1+s15+$0xFFFFFFC0 ss:$0x1], $0xffff;
	[tilespmem:v0+s14+$0xFFFFFFB0 ss:$0x1] =	vst.idx.msk $0xffff, v4  }
0x41: {  	v6 =	vld.idx.msk [tilespmem:v1+s15+$0xFFFFFFD0 ss:$0x1], $0xffff;
	[tilespmem:v0+s14+$0xFFFFFFC0 ss:$0x1] =	vst.idx.msk $0xffff, v2  }
.Ltmp3:
0x42: {  	v4 =	vld.idx.msk [tilespmem:v1+s15+$0xFFFFFFE0 ss:$0x1], $0xffff;
	[tilespmem:v0+s14+$0xFFFFFFD0 ss:$0x1] =	vst.idx.msk $0xffff, v3;
	(pc) =	sbr.rel @p1 .LBB2_3-.Ltmp3, $4  }
0x43: {  	v2 =	vld.idx.msk [tilespmem:v1+s15+$0xFFFFFFF0 ss:$0x1], $0xffff;
	[tilespmem:v0+s14+$0xFFFFFFE0 ss:$0x1] =	vst.idx.msk $0xffff, v5  }
0x44: {  	v3 =	vld.idx.msk [tilespmem:v1+s15+$0x0 ss:$0x1], $0xffff;
	[tilespmem:v0+s14+$0xFFFFFFF0 ss:$0x1] =	vst.idx.msk $0xffff, v7;
	s14 =	smov.u32 s15  }
0x45: {  	v5 =	vld.idx.msk [tilespmem:v1+s14+$0x10 ss:$0x1], $0xffff;
	[tilespmem:v0+s14+$0x0 ss:$0x1] =	vst.idx.msk $0xffff, v8  }
0x46: {  	s15 =	sshra.s32 s16, $0x2;
	s16 =	sadd.s32 $0x200, s16;
	[tilespmem:v0+s14+$0xFFFFFF90 ss:$0x1] =	vst.idx.msk $0xffff, v9;
	v7 =	vld.idx.msk [tilespmem:v1+s14+$0x20 ss:$0x1], $0xffff  }
.Ltmp4:
0x47: {  	_ = 	snop;
	(pc) =	sbr.rel .LBB2_4-.Ltmp4, $1  }
0x48: {  	_ =	sdelay $0x3  }
.LBB2_6:
0x49: {  	_ =	sfence.sel $0x180000  }
0x4a: {  	s2 =	simm.s32 $0x1;
	[bflag:$0x0] =	sbarrier.arrive $0xFFFF  }
0x4b: {  	s31 =	simm.s32 $0x2;
	[sflag:s2] =	ssyncpa.u1 $0x1  }
0x4c: {  	[sflag:s31] =	ssyncpa.u1 $0x1  }
0x4d: {  	_ =	strace $0x90000053  }
0x4e: {  	s0 =	sadd.s32 @!p0 $0x100000, s0;
	[bflag:$0x2] =	sbarrier.arrive $0xFFFF  }
0x4f: {  	[sflag:s0] =	ssyncadd.tile.s32 @!p0 $0x1;
	s0 =	simm.s32 @!p0 $0x3F  }
0x50: {  	_ =	swait.ge @!p0 [sflag:s0], s1  }
0x51: {  	s1 =	ssub.s32 @!p0 $0x0, s1;
	[sflag:s0] =	ssyncset.done @!p0 $0x0  }
0x52: {  	[sflag:s0] =	ssyncadd.s32 @!p0 s1  }
0x53: {  	[bflag:$0x3] =	sbarrier.arrive $0xFFFF  }
0x54: {  	_ =	shalt  }
.Lfunc_end2:
execute1_lowered:
.L_overlay_start_2:
0x55: {  	(tag) =	ssettag $0x2  }
0x56: {  	s1 =	rddreg [dreg:$0x0]  }
0x57: {  	s15 =	rddreg [dreg:$0x1]  }
0x58: {  	s9 =	rddreg [dreg:$0x2]  }
0x59: {  	s2 =	rddreg [dreg:$0x3]  }
0x5a: {  	s3 =	rddreg [dreg:$0x4];
	_ =	strace $0x80000056;
	s0 =	simm.s32 $0x1  }
0x5b: {  	v0 =	vimm.s32 $0x0;
	[sflag:s0] =	ssyncpa.u1 $0x0;
	s0 =	simm.s32 $0x108  }
0x5c: {  	[tilespmem:s0+$0x70] =	vst v0  }
0x5d: {  	[tilespmem:s0+$0x60] =	vst v0  }
0x5e: {  	[tilespmem:s0+$0x50] =	vst v0  }
0x5f: {  	[tilespmem:s0+$0x40] =	vst v0  }
0x60: {  	[tilespmem:s0+$0x30] =	vst v0  }
0x61: {  	s3 =	sand.u32 $0x1, s3;
	s14 =	sadd.s32 $0x10C00, s2;
	[tilespmem:s0+$0x20] =	vst v0  }
0x62: {  	[dreg:$0x7] =	wrdreg s3;
	s16 =	sshll.u32 s3, $0xD;
	s3 =	simm.s32 $0x40;
	[tilespmem:s0+$0x10] =	vst v0  }
.LBB3_1:
0x63: {  	s3 =	sadd.s32 $0x40, s3;
	[tilespmem:s0+$0x0] =	vst v0;
	s0 =	sadd.s32 $0x80, s0  }
0x64: {  	p0 =	slt.u32 s3, $0x3C40;
	[tilespmem:s0+$0x70] =	vst v0  }
0x65: {  	[tilespmem:s0+$0x60] =	vst v0  }
.Ltmp5:
0x66: {  	[tilespmem:s0+$0x50] =	vst v0;
	(pc) =	sbr.rel @p0 .LBB3_1-.Ltmp5, $4  }
0x67: {  	[tilespmem:s0+$0x40] =	vst v0  }
0x68: {  	[tilespmem:s0+$0x30] =	vst v0  }
0x69: {  	[tilespmem:s0+$0x20] =	vst v0  }
0x6a: {  	[tilespmem:s0+$0x10] =	vst v0  }
0x6b: {  	s5 =	stileid.u32  }
0x6c: {  	s2 =	smul.u32 $0x11, s5  }
0x6d: {  	s3 =	smin.u32 s5, $0x2  }
0x6e: {  	s2 =	sadd.s32 s3, s2  }
0x6f: {  	p0 =	slt.u32 s5, $0x2;
	s7 =	smul.u32 $0xF0, s2;
	s2 =	simm.s32 $0x10E0  }
0x70: {  	s2 =	simm.s32 @!p0 $0xFF0  }
0x71: {  	s2 =	sadd.s32 s2, s7  }
0x72: {  	s8 =	smin.u32 s2, $0x10000  }
0x73: {  	s2 =	ssub.s32 s8, s7  }
0x74: {  	p0 =	sgt.s32 s2, $0x0  }
0x75: {  	s2 =	simm.s32 @!p0 $0x0  }
0x76: {  	s30 =	simm.s32 $0x2;
	s10 =	simm.s32 $0x9;
	s29 =	smulhi.u32 $0x88888889, s2  }
0x77: {  	s4 =	simm.s32 $0xA;
	s11 =	simm.s32 $0xB;
	s12 =	simm.s32 $0x1  }
0x78: {  	s14 =	sadd.s32 s16, s14;
	s15 =	sadd.s32 s16, s15;
	s31 =	sshrl.u32 s29, $0x7  }
0x79: {  	s22 =	simm.s32 $0x0;
	s18 =	simm.s32 $0xC;
	s3 =	smul.u32 $0xF0, s31  }
.Ltmp6:
0x7a: {  	[tilespmem:s0+$0x0] =	vst v0;
	v0 =	vimm.s32 $0xFFFFFFFF;
	s20 =	simm.s32 $0x0;
	[sflag:s30] =	ssyncpa.u1 $0x0;
	(pc) =	sbr.rel .LBB3_3-.Ltmp6, $4  }
0x7b: {  	[tilespmem:$0xF208] =	vst v0;
	[sflag:s10] =	ssyncpa.u1 $0x0;
	p0 =	sne.s32 s2, s3;
	s2 =	simm.s32 $0x1  }
0x7c: {  	s21 =	simm.s32 $0x0;
	[sflag:s4] =	ssyncpa.u1 $0x0;
	s2 =	simm.s32 @!p0 $0x0  }
0x7d: {  	s16 =	sshll.u32 s5, $0x8;
	[sflag:s11] =	ssyncpa.u1 $0x0;
	s13 =	sadd.s32 s2, s31  }
0x7e: {  	v0 =	vlaneseq.u32;
	s19 =	smov.u32 s7;
	p0 =	por $0x0, $0x0;
	s17 =	sadd.s32 $0x1, s13  }
.LBB3_18:
0x7f: {  	s0 =	sshrl.u32 s31, $0x2  }
.LBB3_20:
0x80: {  	_ =	swait.ge [sflag:s18], s0  }
0x81: {  	s31 =	ssub.s32 $0x0, s0;
	v1 =	vmov s24;
	vm0 =	veq.s32 v0, $0x0;
	[sflag:s18] =	ssyncset.done $0x0  }
0x82: {  	vm15 =	veq.s32 v0, $0x2;
	v1 =	vsel vm0, s30, v1;
	[sflag:s18] =	ssyncadd.s32 s31  }
0x83: {  	v1 =	vsel vm15, s22, v1;
	[sflag:s18] =	ssyncpa.u1 $0x1  }
0x84: {  	[tilespmem:$0xF208] =	vst v1  }
.LBB3_21:
0x85: {  	s0 =	sadd.s32 $0xF0, s19  }
0x86: {  	s2 =	smov.u32 s7;
	p1 =	slt.s32 s0, s8  }
0x87: {  	s2 =	smov.u32 @p1 s0;
	p1 =	sne.s32 s21, s17  }
.Ltmp7:
0x88: {  	_ = 	snop;
	(pc) =	sbr.rel @!p1 .LBB3_22-.Ltmp7, $3  }
0x89: {  	_ =	sdelay $0x1  }
0x8a: {  	s22 =	smov.u32 s20;
	s31 =	sadd.s32 $0x1, s21;
	s20 =	smov.u32 s19  }
0x8b: {  	p0 =	por !p0, !p0;
	s21 =	smov.u32 s31;
	s19 =	smov.u32 s2  }
.LBB3_3:
0x8c: {  	p1 =	sge.u32 s21, s13  }
0x8d: {  	s0 =	smulhi.u32 @!p1 $0xAAAAAAAB, s21  }
0x8e: {  	s2 =	smov.u32 s19;
	p2 =	sgt.s32 @!p1 s19, $0xFF10  }
0x8f: {  	s3 =	sshra.s32 @!p1 s19, $0x1F;
	p2 =	por !p2, p1;
	s0 =	sshrl.u32 @!p1 s0, $0x1  }
0x90: {  	s3 =	sand.u32 @!p1 s3, s19;
	s2 =	simm.s32 @p2 $0xFF10;
	s0 =	smul.u32 @!p1 $0x3, s0  }
0x91: {  	s2 =	ssub.s32 @!p1 s2, s3  }
0x92: {  	s2 =	sadd.s32 @!p1 $0xFFFF00F0, s2;
	s0 =	ssub.s32 @!p1 s21, s0  }
0x93: {  	s3 =	sshll.u32 @!p1 s2, $0x2;
	p2 =	sgt.s32 @!p1 s2, $0xEF;
	s0 =	smul.u32 @!p1 $0x3C0, s0  }
0x94: {  	s4 =	sand.u32 @!p1 $0x7, s19;
	s2 =	ssub.s32 @!p1 $0x3C0, s3;
	p2 =	por !p2, p1  }
0x95: {  	s3 =	sshrl.u32 @!p1 s19, $0x3;
	s2 =	sshrl.u32 @!p1 s2, $0x2;
	s0 =	sshrl.u32 @!p1 s0, $0x2  }
0x96: {  	s3 =	sadd.s32 @!p1 s3, s14;
	s2 =	simm.s32 @!p2 $0x0;
	s0 =	sadd.s32 @!p1 $0x10248, s0  }
0x97: {  	[tilespmem:s0], [sflag:$0xA] =	stream.linear.gather @!p1 [hbm4b:s3+s4], s2, $0x38;
	[tilespmem:$0x1F6F8] =	vst v63  }
0x98: {  	s0 =	sadd.s32 $0xFFFFFFFF, s21  }
0x99: {  	p1 =	sge.u32 s0, s13  }
0x9a: {  	p2 =	sgt.s32 @!p1 s20, $0xFF10  }
0x9b: {  	s2 =	smov.u32 s20;
	s3 =	sshra.s32 @!p1 s20, $0x1F;
	p2 =	por !p2, p1  }
0x9c: {  	s3 =	sand.u32 @!p1 s3, s20;
	s2 =	simm.s32 @p2 $0xFF10  }
0x9d: {  	s2 =	ssub.s32 @!p1 s2, s3  }
0x9e: {  	s2 =	sadd.s32 @!p1 $0xFFFF00F0, s2  }
0x9f: {  	s4 =	sand.u32 @!p1 $0x1, s0;
	s3 =	sshll.u32 @!p1 s2, $0x2  }
0xa0: {  	p2 =	sgt.s32 @!p1 s2, $0xEF;
	s2 =	ssub.s32 @!p1 $0x3C0, s3;
	s3 =	smulhi.u32 @!p1 $0xAAAAAAAB, s0  }
0xa1: {  	s23 =	smul.u32 @!p1 $0x3C0, s4;
	p2 =	por !p2, p1;
	s2 =	sshrl.u32 @!p1 s2, $0x2  }
0xa2: {  	s5 =	simm.s32 @!p1 $0xA;
	s2 =	simm.s32 @!p2 $0x0;
	s3 =	sshrl.u32 @!p1 s3, $0x1  }
0xa3: {  	s23 =	sshrl.u32 @!p1 s23, $0x2;
	_ =	swait.ge @!p1 [sflag:s5], s2;
	s3 =	smul.u32 @!p1 $0x3, s3  }
0xa4: {  	s23 =	sadd.s32 @!p1 $0x10518, s23;
	s24 =	ssub.s32 @!p1 $0x0, s2;
	[sflag:s5] =	ssyncset.done @!p1 $0x0  }
0xa5: {  	[sflag:s5] =	ssyncadd.s32 @!p1 s24;
	s5 =	sshrl.u32 @!p1 s20, $0x3;
	s0 =	ssub.s32 @!p1 s0, s3  }
0xa6: {  	s24 =	sand.u32 @!p1 $0x7, s20;
	s5 =	sadd.s32 @!p1 s5, s15;
	s0 =	smul.u32 @!p1 $0x3C0, s0  }
0xa7: {  	[tilespmem:s23], [sflag:$0xB] =	stream.linear.gather @!p1 [hbm4b:s5+s24], s2, $0x38;
	[tilespmem:$0x1F6F8] =	vst v63  }
0xa8: {  	s3 =	ssub.s32 @!p1 $0x10000, s20;
	s2 =	smul.u32 @!p1 $0x1E000, s4  }
0xa9: {  	p2 =	slt.s32 @!p1 s3, $0xF0  }
0xaa: {  	p2 =	por !p2, p1;
	s0 =	sshrl.u32 @!p1 s0, $0x2;
	s2 =	sshrl.u32 @!p1 s2, $0x2  }
0xab: {  	s3 =	simm.s32 @p2 $0xF0;
	s0 =	sadd.s32 @!p1 $0x10248, s0;
	s2 =	sor.u32 @!p1 $0x106F8, s2  }
0xac: {  	[tilespmem:s2], [sflag:$0x9] =	stream.indirect.gather @!p1 [hbm4b:s9+s3], $0x80, s0, s3, $0xb8;
	[tilespmem:$0x1F6F8] =	vst v63  }
0xad: {  	p1 =	slt.u32 s21, $0x2  }
.Ltmp8:
0xae: {  	_ = 	snop;
	(pc) =	sbr.rel @p1 .LBB3_21-.Ltmp8, $1  }
0xaf: {  	_ =	sdelay $0x3  }
0xb0: {  	p1 =	sgt.s32 s22, $0xFF10  }
0xb1: {  	s0 =	smov.u32 s22;
	s2 =	sshra.s32 s22, $0x1F;
	s3 =	ssub.s32 $0x10000, s22  }
0xb2: {  	s0 =	simm.s32 @!p1 $0xFF10;
	s2 =	sand.u32 s2, s22;
	p1 =	slt.s32 s3, $0xF0  }
0xb3: {  	s0 =	ssub.s32 s0, s2;
	s3 =	simm.s32 @!p1 $0xF0  }
0xb4: {  	s0 =	sadd.s32 $0xFFFF00F0, s0;
	s25 =	sshll.u32 s3, $0x7  }
0xb5: {  	s26 =	sshll.u32 s0, $0x2;
	s2 =	sand.u32 $0x3FFFFF80, s25  }
0xb6: {  	p1 =	sgt.s32 s0, $0xEF;
	s29 =	ssub.s32 $0x3C0, s26;
	_ =	swait.ge [sflag:s10], s2  }
0xb7: {  	s2 =	ssub.s32 $0x0, s2;
	[sflag:s10] =	ssyncset.done $0x0;
	s0 =	sshrl.u32 s29, $0x2  }
0xb8: {  	[sflag:s10] =	ssyncadd.s32 s2;
	s0 =	simm.s32 @p1 $0x0  }
0xb9: {  	_ =	swait.ge [sflag:s11], s0  }
0xba: {  	s0 =	ssub.s32 $0x0, s0;
	[sflag:s11] =	ssyncset.done $0x0  }
0xbb: {  	[sflag:s11] =	ssyncadd.s32 s0  }
0xbc: {  	v1 =	vld [tilespmem:$0xF208];
	_ =	sdelay $0x4  }
0xbd: {  	(v2sf) =	vpush v1, $0x0  }
0xbe: {  	(v2sf) =	vpush v1, $0x1  }
0xbf: {  	(v2sf) =	vpush v1, $0x2;
	_ =	sdelay $0x3  }
0xc0: {  	s0 =	sadd.s32 $0xF0, s22  }
0xc1: {  	s2 =	ssub.s32 $0x20000, s22;
	p1 =	slt.s32 s8, s0  }
0xc2: {  	s0 =	smov.u32 @p1 s8;
	p1 =	sgt.s32 s2, $0x0  }
0xc3: {  	s26 =	ssub.s32 s0, s22;
	s2 =	simm.s32 @!p1 $0x0  }
0xc4: {  	p1 =	slt.s32 s2, s26  }
0xc5: {  	s26 =	smov.u32 @p1 s2  }
0xc6: {  	s25 =	simm.s32 $0x1;
	p1 =	slt.s32 s26, $0x1  }
.Ltmp9:
0xc7: {  	s25 =	simm.s32 @!p0 $0x0;
	(pc) =	sbr.rel @p1 .LBB3_8-.Ltmp9, $4  }
0xc8: {  	s31 =	smul.u32 $0x3C0, s25  }
0xc9: {  	s28 =	spop (v2sf)  }
0xca: {  	s0 =	sshrl.u32 s31, $0x2;
	s30 =	spop (v2sf)  }
0xcb: {  	s23 =	sadd.s32 $0x10518, s0;
	s22 =	spop (v2sf)  }
0xcc: {  	s0 =	smin.u32 s26, $0x10  }
0xcd: {  	v1 =	vmov s0  }
0xce: {  	p2 =	sgt.s32 s26, $0x10;
	vm1 =	vgt.u32 v1, v0  }
.Ltmp10:
0xcf: {  	_ = 	snop;
	(pc) =	sbr.rel @!p2 .LBB3_7-.Ltmp10, $2  }
0xd0: {  	_ =	sdelay $0x2  }
0xd1: {  	s4 =	simm.s32 $0x10;
	s24 =	sadd.s32 $0xFFFFFFF0, s26;
	s0 =	smov.u32 s23;
	vm0 =	vmmov vm1  }
.LBB3_6:
0xd2: {  	s2 =	smin.u32 s24, $0x10;
	s4 =	sadd.s32 $0x10, s4;
	v1 =	vld.msk [tilespmem:s0+$0x0 ss:$0x1], vm1  }
0xd3: {  	v2 =	vmov s2;
	p2 =	slt.s32 s4, s26  }
0xd4: {  	vm1 =	vgt.u32 v2, v0  }
.Ltmp11:
0xd5: {  	(pc) =	sbr.rel @p2 .LBB3_6-.Ltmp11, $3  }
0xd6: {  	_ =	sdelay $0x1  }
0xd7: {  	v1 =	vshll.u32 v1, $0x4  }
0xd8: {  	s24 =	sadd.s32 $0xFFFFFFF0, s24;
	[tilespmem:s0+$0x0] =	vst.msk vm0, v1;
	s0 =	sadd.s32 $0x10, s0;
	vm0 =	vmmov vm1  }
.LBB3_7:
0xd9: {  	_ =	sdelay $0x4  }
0xda: {  	v1 =	vld.msk [tilespmem:s0+$0x0 ss:$0x1], vm1;
	_ =	sdelay $0x4  }
0xdb: {  	v1 =	vshll.u32 v1, $0x4  }
0xdc: {  	[tilespmem:s0+$0x0] =	vst.msk vm0, v1  }
.LBB3_8:
0xdd: {  	s0 =	sand.u32 $0x1, s21  }
0xde: {  	s0 =	smul.u32 $0xF0, s0  }
0xdf: {  	p2 =	sne.s32 s30, $0xFFFFFFFF  }
0xe0: {  	v1 =	vld.msk @!p2 [tilespmem:s0+$0x10518], $0x1;
	_ =	sdelay $0x4  }
0xe1: {  	(v2sf) =	vpush @!p2 v1, $0x0;
	_ =	sdelay $0xc  }
.Ltmp12:
0xe2: {  	_ = 	snop;
	(pc) =	sbr.rel @p1 .LBB3_19-.Ltmp12, $4  }
0xe3: {  	_ = 	snop  }
0xe4: {  	s29 =	spop @!p2 (v2sf)  }
0xe5: {  	s22 =	simm.s32 @!p2 $0x0;
	s24 =	smov.u32 s29  }
0xe6: {  	[sflag:s18] =	ssyncpa.u1 $0x0;
	s29 =	smov.u32 @p2 s28;
	s24 =	smov.u32 @p2 s30  }
0xe7: {  	v1 =	vld.msk [tilespmem:s23+$0x0], $0x1;
	_ =	sdelay $0x4  }
0xe8: {  	(v2sf) =	vpush v1, $0x0;
	_ =	sdelay $0xe  }
0xe9: {  	s2 =	smul.u32 $0x1E000, s25;
	s0 =	spop (v2sf)  }
0xea: {  	s26 =	ssub.s32 $0x0, s26;
	p1 =	seq.s32 s29, s0  }
0xeb: {  	s30 =	sadd.s32 $0x1, s26;
	s2 =	sshrl.u32 s2, $0x2;
	p2 =	sgt.s32 @!p1 s29, $0x0  }
0xec: {  	s25 =	sor.u32 $0x10738, s2;
	s2 =	smov.u32 s29;
	p2 =	por !p2, p1  }
0xed: {  	s2 =	simm.s32 @p2 $0x0;
	p2 =	seq.s32 s30, $0x0  }
.Ltmp13:
0xee: {  	_ = 	snop;
	(pc) =	sbr.rel @p2 .LBB3_11-.Ltmp13, $4  }
0xef: {  	_ = 	snop  }
0xf0: {  	s28 =	simm.s32 $0x0;
	s31 =	sadd.s32 $0x1, s23;
	s2 =	smin.u32 @!p1 s2, $0x1FFF0  }
0xf1: {  	s4 =	simm.s32 @!p1 $0x1;
	s5 =	simm.s32 @!p1 $0x7988;
	s3 =	sand.u32 @!p1 $0x1FFF8, s2  }
0xf2: {  	s4 =	smov.u32 @p1 s28;
	s2 =	sand.u32 @!p1 $0x7, s2;
	s3 =	sadd.s32 @!p1 s1, s3  }
.LBB3_10:
0xf3: {  	s6 =	smov.u32 s4  }
0xf4: {  	[tilespmem:s5], [sflag:$0x2] =	stream.linear.gather @!p1 [hbm4b:s3+s2], $0x80, $0x38;
	[tilespmem:$0x1F6F8] =	vst v63  }
0xf5: {  	s30 =	sadd.s32 $0x1, s30;
	s2 =	smov.u32 s0;
	v1 =	vld.msk [tilespmem:s31+$0x0], $0x1  }
0xf6: {  	p2 =	seq.s32 s30, $0x0;
	_ =	sdelay $0x3  }
0xf7: {  	(v2sf) =	vpush v1, $0x0;
	_ =	sdelay $0xe  }
0xf8: {  	s0 =	spop (v2sf)  }
0xf9: {  	p1 =	seq.s32 s2, s0  }
0xfa: {  	p3 =	sgt.s32 @!p1 s2, $0x0;
	s3 =	sshll.u32 @!p1 s4, $0x9;
	s4 =	sadd.s32 @!p1 $0x1, s4  }
.Ltmp14:
0xfb: {  	p3 =	por !p3, p1;
	s3 =	sshra.s32 @!p1 s3, $0x2;
	(pc) =	sbr.rel @!p2 .LBB3_10-.Ltmp14, $4  }
0xfc: {  	s4 =	smov.u32 @p1 s6;
	s2 =	simm.s32 @p3 $0x0;
	s5 =	sadd.s32 @!p1 $0x7988, s3  }
0xfd: {  	s2 =	smin.u32 @!p1 s2, $0x1FFF0  }
0xfe: {  	s3 =	sand.u32 @!p1 $0x1FFF8, s2;
	s2 =	sand.u32 @!p1 $0x7, s2  }
0xff: {  	s31 =	sadd.s32 $0x1, s31;
	s3 =	sadd.s32 @!p1 s1, s3  }
.LBB3_11:
0x100: {  	[tilespmem:s5], [sflag:$0x2] =	stream.linear.gather @!p1 [hbm4b:s3+s2], $0x80, $0x38;
	[tilespmem:$0x1F6F8] =	vst v63  }
.Ltmp15:
0x101: {  	s0 =	sshll.u32 s4, $0x7;
	(pc) =	sbr.rel .LBB3_12-.Ltmp15, $4  }
0x102: {  	s30 =	simm.s32 $0x2;
	s0 =	sand.u32 $0x3FFFFF80, s0  }
0x103: {  	_ =	swait.ge [sflag:s30], s0  }
0x104: {  	s0 =	ssub.s32 $0x0, s0;
	[sflag:s30] =	ssyncset.done $0x0  }
0x105: {  	s31 =	simm.s32 $0x0;
	[sflag:s30] =	ssyncadd.s32 s0  }
.LBB3_13:
0x106: {  	v1 =	vld [tilespmem:s25+$0xFFFFFFC0];
	_ =	sdelay $0x3  }
0x107: {  	s0 =	sshra.s32 s0, $0x2  }
0x108: {  	[tilespmem:s0+$0x108] =	vst.add.f32.msk $0xffff, v1  }
0x109: {  	v1 =	vld [tilespmem:s25+$0xFFFFFFD0];
	_ =	sdelay $0x4  }
0x10a: {  	[tilespmem:s0+$0x118] =	vst.add.f32.msk $0xffff, v1  }
0x10b: {  	v1 =	vld [tilespmem:s25+$0xFFFFFFE0];
	_ =	sdelay $0x4  }
0x10c: {  	[tilespmem:s0+$0x128] =	vst.add.f32.msk $0xffff, v1  }
0x10d: {  	v1 =	vld [tilespmem:s25+$0xFFFFFFF0];
	_ =	sdelay $0x4  }
0x10e: {  	[tilespmem:s0+$0x138] =	vst.add.f32.msk $0xffff, v1  }
0x10f: {  	v1 =	vld [tilespmem:s25+$0x0];
	_ =	sdelay $0x4  }
0x110: {  	[tilespmem:s0+$0x148] =	vst.add.f32.msk $0xffff, v1  }
0x111: {  	v1 =	vld [tilespmem:s25+$0x10];
	_ =	sdelay $0x4  }
0x112: {  	[tilespmem:s0+$0x158] =	vst.add.f32.msk $0xffff, v1  }
0x113: {  	v1 =	vld [tilespmem:s25+$0x20];
	_ =	sdelay $0x4  }
0x114: {  	[tilespmem:s0+$0x168] =	vst.add.f32.msk $0xffff, v1  }
0x115: {  	v1 =	vld [tilespmem:s25+$0x30];
	_ =	sdelay $0x4  }
0x116: {  	[tilespmem:s0+$0x178] =	vst.add.f32.msk $0xffff, v1  }
.LBB3_17:
0x117: {  	s26 =	sadd.s32 $0x1, s26  }
0x118: {  	p1 =	seq.s32 s26, $0x0  }
.Ltmp16:
0x119: {  	_ = 	snop;
	(pc) =	sbr.rel @p1 .LBB3_18-.Ltmp16, $2  }
0x11a: {  	_ =	sdelay $0x2  }
0x11b: {  	s23 =	sadd.s32 $0x1, s23;
	s25 =	sadd.s32 $0x80, s25;
	s29 =	smov.u32 s30  }
.LBB3_12:
0x11c: {  	v1 =	vld.msk [tilespmem:s23+$0x0], $0x1;
	_ =	sdelay $0x4  }
0x11d: {  	(v2sf) =	vpush v1, $0x0;
	_ =	sdelay $0xe  }
0x11e: {  	s30 =	spop (v2sf)  }
0x11f: {  	p1 =	sne.s32 s29, s30  }
.Ltmp17:
0x120: {  	_ = 	snop;
	(pc) =	sbr.rel @!p1 .LBB3_13-.Ltmp17, $2  }
0x121: {  	_ =	sdelay $0x2  }
0x122: {  	s0 =	sshll.u32 s22, $0x9  }
0x123: {  	p1 =	seq.s32 s29, s24  }
.Ltmp18:
0x124: {  	_ = 	snop;
	(pc) =	sbr.rel @!p1 .LBB3_15-.Ltmp18, $1  }
0x125: {  	_ =	sdelay $0x3  }
0x126: {  	s0 =	sshra.s32 s0, $0x2  }
.Ltmp19:
0x127: {  	s0 =	sadd.s32 $0x108, s0;
	(pc) =	sbr.rel .LBB3_16-.Ltmp19, $4  }
0x128: {  	[spmem:s16] =	stream.linear.scatter [tilespmem:s0], [sflag:$0x1], $0x80, $0x38;
	[tilespmem:$0x1F6F8] =	vst v63  }
0x129: {  	_ =	swait.ge [sflag:s12], $0x80  }
0x12a: {  	[sflag:s12] =	ssyncset.done $0x0  }
0x12b: {  	[sflag:s12] =	ssyncadd.s32 $0xFFFFFF80  }
.LBB3_15:
0x12c: {  	s2 =	sshll.u32 s28, $0x9  }
0x12d: {  	s2 =	sshra.s32 s2, $0x2  }
0x12e: {  	v1 =	vld [tilespmem:s2+$0x7988];
	_ =	sdelay $0x3  }
0x12f: {  	s0 =	sshra.s32 s0, $0x2  }
0x130: {  	[tilespmem:s0+$0x108] =	vst.add.f32.msk $0xffff, v1  }
0x131: {  	v1 =	vld [tilespmem:s2+$0x7998];
	_ =	sdelay $0x4  }
0x132: {  	[tilespmem:s0+$0x118] =	vst.add.f32.msk $0xffff, v1  }
0x133: {  	v1 =	vld [tilespmem:s2+$0x79A8];
	_ =	sdelay $0x4  }
0x134: {  	[tilespmem:s0+$0x128] =	vst.add.f32.msk $0xffff, v1  }
0x135: {  	v1 =	vld [tilespmem:s2+$0x79B8];
	_ =	sdelay $0x4  }
0x136: {  	[tilespmem:s0+$0x138] =	vst.add.f32.msk $0xffff, v1  }
0x137: {  	v1 =	vld [tilespmem:s2+$0x79C8];
	_ =	sdelay $0x4  }
0x138: {  	[tilespmem:s0+$0x148] =	vst.add.f32.msk $0xffff, v1  }
0x139: {  	v1 =	vld [tilespmem:s2+$0x79D8];
	_ =	sdelay $0x4  }
0x13a: {  	[tilespmem:s0+$0x158] =	vst.add.f32.msk $0xffff, v1  }
0x13b: {  	v1 =	vld [tilespmem:s2+$0x79E8];
	_ =	sdelay $0x4  }
0x13c: {  	[tilespmem:s0+$0x168] =	vst.add.f32.msk $0xffff, v1  }
0x13d: {  	v1 =	vld [tilespmem:s2+$0x79F8];
	_ =	sdelay $0x2  }
0x13e: {  	p1 =	sgt.u32 s29, $0x1FFF0  }
0x13f: {  	s2 =	sand.u32 @!p1 $0x1FFF8, s29  }
0x140: {  	s3 =	sadd.s32 $0x108, s0;
	[tilespmem:s0+$0x178] =	vst.add.f32.msk $0xffff, v1;
	s0 =	sadd.s32 @!p1 s1, s2;
	s2 =	sand.u32 @!p1 $0x7, s29  }
0x141: {  	[hbm4b:s0+s2] =	stream.linear.scatter @!p1 [tilespmem:s3], [sflag:$0xC], $0x80, $0x38;
	[tilespmem:$0x1F6F8] =	vst v63  }
0x142: {  	s0 =	simm.s32 $0x0  }
0x143: {  	s0 =	simm.s32 @!p1 $0x200  }
0x144: {  	s31 =	sadd.s32 s0, s31  }
.LBB3_16:
0x145: {  	s0 =	sadd.s32 $0x1, s22  }
0x146: {  	s2 =	smulhi.u32 $0x88888889, s0;
	_ =	sdelay $0x1  }
0x147: {  	v1 =	vld [tilespmem:s25+$0xFFFFFFC0];
	s2 =	sshrl.u32 s2, $0x7  }
0x148: {  	s2 =	smul.u32 $0xF0, s2;
	_ =	sdelay $0x1  }
0x149: {  	s22 =	ssub.s32 s0, s2  }
0x14a: {  	s0 =	sshll.u32 s22, $0x7  }
0x14b: {  	[tilespmem:s0+$0x108] =	vst v1  }
0x14c: {  	v1 =	vld [tilespmem:s25+$0xFFFFFFD0];
	_ =	sdelay $0x4  }
0x14d: {  	[tilespmem:s0+$0x118] =	vst v1  }
0x14e: {  	v1 =	vld [tilespmem:s25+$0xFFFFFFE0];
	_ =	sdelay $0x4  }
0x14f: {  	[tilespmem:s0+$0x128] =	vst v1  }
0x150: {  	v1 =	vld [tilespmem:s25+$0xFFFFFFF0];
	_ =	sdelay $0x4  }
0x151: {  	[tilespmem:s0+$0x138] =	vst v1  }
0x152: {  	v1 =	vld [tilespmem:s25+$0x0];
	_ =	sdelay $0x4  }
0x153: {  	[tilespmem:s0+$0x148] =	vst v1  }
0x154: {  	v1 =	vld [tilespmem:s25+$0x10];
	_ =	sdelay $0x4  }
0x155: {  	[tilespmem:s0+$0x158] =	vst v1  }
0x156: {  	v1 =	vld [tilespmem:s25+$0x20];
	_ =	sdelay $0x4  }
0x157: {  	[tilespmem:s0+$0x168] =	vst v1  }
0x158: {  	v1 =	vld [tilespmem:s25+$0x30]  }
.Ltmp20:
0x159: {  	_ = 	snop;
	(pc) =	sbr.rel .LBB3_17-.Ltmp20, $2  }
0x15a: {  	_ =	sdelay $0x2  }
0x15b: {  	s28 =	sadd.s32 $0x1, s28;
	[tilespmem:s0+$0x178] =	vst v1  }
.LBB3_19:
.Ltmp21:
0x15c: {  	(pc) =	sbr.rel .LBB3_20-.Ltmp21, $4  }
0x15d: {  	_ = 	snop  }
0x15e: {  	s0 =	simm.s32 $0x2  }
0x15f: {  	_ =	swait.ge [sflag:s0], $0x0  }
0x160: {  	s30 =	smov.u32 s29;
	[sflag:s0] =	ssyncset.done $0x0;
	s0 =	simm.s32 $0x0  }
.LBB3_22:
0x161: {  	_ =	sfence.sel $0x180000  }
0x162: {  	s0 =	simm.s32 $0x9;
	[bflag:$0x0] =	sbarrier.arrive $0xFFFF  }
0x163: {  	s24 =	simm.s32 $0xA;
	[sflag:s0] =	ssyncpa.u1 $0x1  }
0x164: {  	s25 =	simm.s32 $0xB;
	[sflag:s24] =	ssyncpa.u1 $0x1  }
0x165: {  	s26 =	simm.s32 $0x2;
	[sflag:s25] =	ssyncpa.u1 $0x1  }
0x166: {  	[sflag:s26] =	ssyncpa.u1 $0x1  }
0x167: {  	v0 =	vld [tilespmem:$0xF208];
	_ =	sdelay $0x4  }
0x168: {  	(v2sf) =	vpush v0, $0x0  }
0x169: {  	(v2sf) =	vpush v0, $0x1;
	_ =	sdelay $0x1  }
0x16a: {  	(v2sf) =	vpush v0, $0x2;
	_ =	sdelay $0xb  }
0x16b: {  	s0 =	spop (v2sf)  }
0x16c: {  	s2 =	spop (v2sf)  }
0x16d: {  	s3 =	smov.u32 s0;
	p0 =	sne.s32 s0, s2  }
0x16e: {  	s4 =	spop (v2sf);
	s3 =	simm.s32 @!p0 $0xFFFFFFFF  }
0x16f: {  	v2 =	vimm.s32 $0x1;
	v3 =	vlaneseq.u32;
	p0 =	seq.s32 s4, $0xFFFFFFFF;
	v1 =	vmov s3  }
0x170: {  	s16 =	stileid.u32;
	v0 =	vperm.xlane v0, v2;
	p1 =	sne.s32 @!p0 s0, s2;
	v1 =	vperm.xlane v1, v3  }
0x171: {  	vm0 =	vcmask $0x3F04;
	s6 =	simm.s32 $0xF208;
	s0 =	simm.s32 @!p0 $0x1;
	p1 =	por !p1, p0  }
0x172: {  	s3 =	sshll.u32 s16, $0x1;
	s2 =	sshll.u32 @!p0 s4, $0x9;
	s0 =	simm.s32 @p1 $0x0;
	v0 =	vsel vm0, v1, v0  }
0x173: {  	s5 =	sor.u32 $0x1000, s3;
	s2 =	sshra.s32 @!p0 s2, $0x2;
	s0 =	sor.u32 @!p0 s0, s3;
	[tilespmem:$0xF208] =	vst v0  }
0x174: {  	[spmem:s5] =	stream.linear.scatter [tilespmem:s6], [sflag:$0x1], $0x2, $0x38;
	[tilespmem:$0x1F6F8] =	vst v63  }
0x175: {  	s2 =	sadd.s32 @!p0 $0x108, s2;
	s0 =	sshll.u32 @!p0 s0, $0x7  }
0x176: {  	[spmem:s0] =	stream.linear.scatter @!p0 [tilespmem:s2], [sflag:$0x1], $0x80, $0x38;
	[tilespmem:$0x1F6F8] =	vst v63  }
0x177: {  	s0 =	simm.s32 @!p0 $0x82  }
0x178: {  	s28 =	simm.s32 $0x1;
	s0 =	simm.s32 @p0 $0x2  }
0x179: {  	_ =	swait.ge [sflag:s28], s0  }
0x17a: {  	s0 =	ssub.s32 $0x0, s0;
	[sflag:s28] =	ssyncset.done $0x0  }
0x17b: {  	p0 =	sne.s32 s16, $0x0;
	[sflag:s28] =	ssyncadd.s32 s0  }
.Ltmp22:
0x17c: {  	_ =	sfence.stream.spmem;
	(pc) =	sbr.rel @p0 .LBB3_39-.Ltmp22, $4  }
0x17d: {  	s29 =	simm.s32 $0x3;
	[bflag:$0x0] =	sbarrier.arrive $0xFFFF  }
0x17e: {  	s30 =	simm.s32 $0x4;
	[sflag:s29] =	ssyncpa.u1 $0x1  }
0x17f: {  	s31 =	simm.s32 $0x3C;
	[sflag:s30] =	ssyncpa.u1 $0x1  }
0x180: {  	s15 =	rddreg [dreg:$0x7];
	[sflag:s31] =	ssyncpa.u1 $0x1  }
0x181: {  	_ =	sfence.stream.spmem;
	s0 =	simm.s32 $0x5  }
0x182: {  	s2 =	simm.s32 $0x1000;
	s3 =	simm.s32 $0xF218;
	[sflag:s0] =	ssyncpa.u1 $0x0  }
0x183: {  	[tilespmem:s3], [sflag:$0x5] =	stream.linear.gather [spmem:s2], $0x20, $0x38;
	[tilespmem:$0x1F6F8] =	vst v63  }
0x184: {  	s26 =	simm.s32 $0x0;
	s28 =	simm.s32 $0xF238  }
0x185: {  	[tilespmem:s28], [sflag:$0x5] =	stream.linear.gather [spmem:s26], $0x1000, $0x38;
	[tilespmem:$0x1F6F8] =	vst v63  }
0x186: {  	_ =	swait.ge [sflag:s0], $0x1020  }
0x187: {  	[sflag:s0] =	ssyncset.done $0x0  }
0x188: {  	s29 =	simm.s32 $0x0;
	[sflag:s0] =	ssyncadd.s32 $0xFFFFEFE0  }
0x189: {  	v0 =	vld.msk [tilespmem:s29+$0xF218], $0x1;
	_ =	sdelay $0x1  }
0x18a: {  	s30 =	simm.s32 $0x1  }
0x18b: {  	v1 =	vld.msk [tilespmem:s30+$0xF218], $0x1;
	_ =	sdelay $0x1  }
0x18c: {  	(v2sf) =	vpush v0, $0x0;
	_ =	sdelay $0x2  }
0x18d: {  	(v2sf) =	vpush v1, $0x0;
	_ =	sdelay $0x2  }
0x18e: {  	s31 =	simm.s32 $0x2  }
0x18f: {  	v0 =	vld.msk [tilespmem:s31+$0xF218], $0x1;
	_ =	sdelay $0x2  }
0x190: {  	s4 =	simm.s32 $0xFFFFFFFF;
	s5 =	simm.s32 $0xFFFFFFFF;
	s0 =	simm.s32 $0xC  }
.LBB3_24:
0x191: {  	s2 =	smov.u32 s5;
	s3 =	smov.u32 s4  }
0x192: {  	s4 =	sshra.s32 s0, $0x2;
	p1 =	sne.s32 s0, $0x7C;
	s0 =	sadd.s32 $0x4, s0;
	(v2sf) =	vpush v0, $0x0  }
0x193: {  	v0 =	vld.msk [tilespmem:s4+$0xF218], $0x1  }
.Ltmp23:
0x194: {  	(pc) =	sbr.rel @p1 .LBB3_24-.Ltmp23, $4  }
0x195: {  	s5 =	spop (v2sf)  }
0x196: {  	p2 =	sne.s32 s3, $0xFFFFFFFF;
	s4 =	smov.u32 s5  }
0x197: {  	p3 =	seq.s32 s5, $0xFFFFFFFF;
	s4 =	smov.u32 @p2 s3  }
0x198: {  	s5 =	smov.u32 @p3 s2;
	s4 =	smov.u32 @p3 s3  }
0x199: {  	(v2sf) =	vpush v0, $0x0;
	_ =	sdelay $0x8  }
0x19a: {  	s0 =	spop (v2sf)  }
0x19b: {  	p1 =	sne.s32 s4, $0xFFFFFFFF;
	s2 =	smov.u32 s0  }
0x19c: {  	s9 =	simm.s32 $0x6;
	p2 =	seq.s32 s0, $0xFFFFFFFF;
	s2 =	smov.u32 @p1 s4  }
0x19d: {  	s6 =	simm.s32 $0x0;
	s2 =	smov.u32 @p2 s4;
	s3 =	spop (v2sf)  }
0x19e: {  	s0 =	smov.u32 @p2 s5;
	p1 =	sne.s32 s2, $0xFFFFFFFF;
	s4 =	smov.u32 s3  }
.Ltmp24:
0x19f: {  	p2 =	seq.s32 s3, $0xFFFFFFFF;
	s4 =	smov.u32 @p1 s2;
	(pc) =	sbr.rel .LBB3_26-.Ltmp24, $4  }
0x1a0: {  	s10 =	simm.s32 $0xF188;
	s4 =	smov.u32 @p2 s2;
	s7 =	spop (v2sf)  }
0x1a1: {  	s11 =	simm.s32 $0x0;
	p1 =	sne.s32 s4, $0xFFFFFFFF;
	s8 =	smov.u32 s7  }
0x1a2: {  	s3 =	smov.u32 @p2 s0;
	p2 =	seq.s32 s7, $0xFFFFFFFF;
	s8 =	smov.u32 @p1 s4  }
0x1a3: {  	[sflag:s9] =	ssyncpa.u1 $0x0;
	s7 =	smov.u32 @p2 s3;
	s8 =	smov.u32 @p2 s4  }
.LBB3_32:
0x1a4: {  	p1 =	sgt.u32 s12, $0x1FFF0  }
0x1a5: {  	p2 =	seq.s32 @!p1 s12, s8  }
0x1a6: {  	p1 =	por p1, p2  }
0x1a7: {  	p2 =	sne.s32 @!p1 s12, s7  }
0x1a8: {  	p1 =	por p1, !p2  }
0x1a9: {  	s0 =	sshll.u32 @p1 s11, $0x9  }
0x1aa: {  	s0 =	sand.u32 @!p1 $0x1FFF8, s12  }
0x1ab: {  	s2 =	sand.u32 @!p1 $0x7, s12;
	s0 =	sadd.s32 @!p1 s1, s0  }
0x1ac: {  	[tilespmem:s10], [sflag:$0x6] =	stream.linear.gather @!p1 [hbm4b:s0+s2], $0x80, $0x38;
	[tilespmem:$0x1F6F8] =	vst v63  }
0x1ad: {  	_ =	swait.ge @!p1 [sflag:s9], $0x80  }
0x1ae: {  	[sflag:s9] =	ssyncset.done @!p1 $0x0  }
0x1af: {  	[sflag:s9] =	ssyncadd.s32 @!p1 $0xFFFFFF80  }
0x1b0: {  	v1 =	vld @!p1 [tilespmem:$0xF188];
	_ =	sdelay $0x2  }
0x1b1: {  	s0 =	sshll.u32 @!p1 s11, $0x9  }
0x1b2: {  	s2 =	sshrl.u32 @!p1 s0, $0x2  }
0x1b3: {  	[tilespmem:s2+$0xF238] =	vst.add.f32.msk @!p1 $0xffff, v1  }
0x1b4: {  	v1 =	vld @!p1 [tilespmem:$0xF198];
	_ =	sdelay $0x4  }
0x1b5: {  	[tilespmem:s2+$0xF248] =	vst.add.f32.msk @!p1 $0xffff, v1  }
0x1b6: {  	v1 =	vld @!p1 [tilespmem:$0xF1A8];
	_ =	sdelay $0x4  }
0x1b7: {  	[tilespmem:s2+$0xF258] =	vst.add.f32.msk @!p1 $0xffff, v1  }
0x1b8: {  	v1 =	vld @!p1 [tilespmem:$0xF1B8];
	_ =	sdelay $0x4  }
0x1b9: {  	[tilespmem:s2+$0xF268] =	vst.add.f32.msk @!p1 $0xffff, v1  }
0x1ba: {  	v1 =	vld @!p1 [tilespmem:$0xF1C8];
	_ =	sdelay $0x4  }
0x1bb: {  	[tilespmem:s2+$0xF278] =	vst.add.f32.msk @!p1 $0xffff, v1  }
0x1bc: {  	v1 =	vld @!p1 [tilespmem:$0xF1D8];
	_ =	sdelay $0x4  }
0x1bd: {  	[tilespmem:s2+$0xF288] =	vst.add.f32.msk @!p1 $0xffff, v1  }
0x1be: {  	v1 =	vld @!p1 [tilespmem:$0xF1E8];
	_ =	sdelay $0x4  }
0x1bf: {  	[tilespmem:s2+$0xF298] =	vst.add.f32.msk @!p1 $0xffff, v1  }
0x1c0: {  	v1 =	vld @!p1 [tilespmem:$0xF1F8];
	_ =	sdelay $0x4  }
0x1c1: {  	[tilespmem:s2+$0xF2A8] =	vst.add.f32.msk @!p1 $0xffff, v1  }
0x1c2: {  	s0 =	sshrl.u32 s0, $0x2;
	[tilespmem:s6+$0xF218] =	vst.msk $0x1, v0  }
0x1c3: {  	v0 =	vld [tilespmem:s0+$0xF238];
	_ =	sdelay $0x2  }
0x1c4: {  	s31 =	sshll.u32 s6, $0x9  }
0x1c5: {  	s2 =	sshra.s32 s31, $0x2  }
0x1c6: {  	[tilespmem:s2+$0xF238] =	vst v0  }
0x1c7: {  	v0 =	vld [tilespmem:s0+$0xF248];
	_ =	sdelay $0x4  }
0x1c8: {  	[tilespmem:s2+$0xF248] =	vst v0  }
0x1c9: {  	v0 =	vld [tilespmem:s0+$0xF258];
	_ =	sdelay $0x4  }
0x1ca: {  	[tilespmem:s2+$0xF258] =	vst v0  }
0x1cb: {  	v0 =	vld [tilespmem:s0+$0xF268];
	_ =	sdelay $0x4  }
0x1cc: {  	[tilespmem:s2+$0xF268] =	vst v0  }
0x1cd: {  	v0 =	vld [tilespmem:s0+$0xF278];
	_ =	sdelay $0x4  }
0x1ce: {  	[tilespmem:s2+$0xF278] =	vst v0  }
0x1cf: {  	v0 =	vld [tilespmem:s0+$0xF288];
	_ =	sdelay $0x4  }
0x1d0: {  	[tilespmem:s2+$0xF288] =	vst v0  }
0x1d1: {  	v0 =	vld [tilespmem:s0+$0xF298];
	_ =	sdelay $0x4  }
0x1d2: {  	[tilespmem:s2+$0xF298] =	vst v0  }
0x1d3: {  	v0 =	vld [tilespmem:s0+$0xF2A8];
	_ =	sdelay $0x4  }
0x1d4: {  	s6 =	sadd.s32 $0x1, s6;
	[tilespmem:s2+$0xF2A8] =	vst v0  }
.LBB3_33:
0x1d5: {  	s11 =	sadd.s32 $0x1, s11  }
0x1d6: {  	p1 =	sne.s32 s11, $0x20  }
.Ltmp25:
0x1d7: {  	_ = 	snop;
	(pc) =	sbr.rel @!p1 .LBB3_34-.Ltmp25, $1  }
0x1d8: {  	_ =	sdelay $0x3  }
.LBB3_26:
0x1d9: {  	v0 =	vld.msk [tilespmem:s11+$0xF218], $0x1;
	_ =	sdelay $0x4  }
0x1da: {  	(v2sf) =	vpush v0, $0x0;
	_ =	sdelay $0xe  }
0x1db: {  	s12 =	spop (v2sf)  }
0x1dc: {  	p1 =	seq.s32 s12, $0xFFFFFFFF  }
.Ltmp26:
0x1dd: {  	_ = 	snop;
	(pc) =	sbr.rel @p1 .LBB3_33-.Ltmp26, $1  }
0x1de: {  	_ =	sdelay $0x3  }
0x1df: {  	p1 =	slt.s32 s6, $0x1  }
.Ltmp27:
0x1e0: {  	_ = 	snop;
	(pc) =	sbr.rel @p1 .LBB3_32-.Ltmp27, $1  }
0x1e1: {  	_ =	sdelay $0x3  }
0x1e2: {  	s13 =	simm.s32 $0xF218;
	p1 =	por $0x0, $0x0  }
0x1e3: {  	v1 =	vld.msk @!p1 [tilespmem:s13+$0x0], $0x1;
	_ =	sdelay $0x4  }
0x1e4: {  	(v2sf) =	vpush @!p1 v1, $0x0;
	_ =	sdelay $0xd  }
0x1e5: {  	p3 =	sne.s32 s6, $0x1  }
.Ltmp28:
0x1e6: {  	s0 =	spop @!p1 (v2sf);
	(pc) =	sbr.rel @!p3 .LBB3_30-.Ltmp28, $4  }
0x1e7: {  	p2 =	seq.s32 @!p1 s12, s0  }
0x1e8: {  	s14 =	simm.s32 $0x0;
	p2 =	por !p2, p1  }
0x1e9: {  	s2 =	simm.s32 $0xFFFFFFFF;
	s14 =	simm.s32 @p2 $0xFFFFFFFF  }
0x1ea: {  	s0 =	simm.s32 $0x1;
	s14 =	smov.u32 @p1 s2  }
.LBB3_29:
0x1eb: {  	s2 =	smov.u32 s14;
	p1 =	sne.s32 s14, $0xFFFFFFFF  }
0x1ec: {  	s13 =	sadd.s32 $0x1, s13;
	s14 =	smov.u32 s0;
	s0 =	sadd.s32 $0x1, s0  }
0x1ed: {  	p2 =	sne.s32 s6, s0;
	v1 =	vld.msk @!p1 [tilespmem:s13+$0x0], $0x1;
	_ =	sdelay $0x4  }
0x1ee: {  	(v2sf) =	vpush @!p1 v1, $0x0;
	_ =	sdelay $0xe  }
.Ltmp29:
0x1ef: {  	s3 =	spop @!p1 (v2sf);
	(pc) =	sbr.rel @p2 .LBB3_29-.Ltmp29, $4  }
0x1f0: {  	p3 =	seq.s32 @!p1 s12, s3  }
0x1f1: {  	p3 =	por !p3, p1  }
0x1f2: {  	s14 =	simm.s32 @p3 $0xFFFFFFFF  }
0x1f3: {  	s14 =	smov.u32 @p1 s2  }
.LBB3_30:
0x1f4: {  	p1 =	seq.s32 s14, $0xFFFFFFFF  }
.Ltmp30:
0x1f5: {  	_ = 	snop;
	(pc) =	sbr.rel @p1 .LBB3_32-.Ltmp30, $1  }
0x1f6: {  	_ =	sdelay $0x3  }
0x1f7: {  	s0 =	sshll.u32 s11, $0x7  }
0x1f8: {  	s0 =	sand.u32 $0x3FFFFF80, s0  }
0x1f9: {  	v0 =	vld [tilespmem:s0+$0xF238];
	_ =	sdelay $0x2  }
0x1fa: {  	s2 =	sshll.u32 s14, $0x9  }
0x1fb: {  	s2 =	sshra.s32 s2, $0x2  }
0x1fc: {  	[tilespmem:s2+$0xF238] =	vst.add.f32.msk $0xffff, v0  }
0x1fd: {  	v0 =	vld [tilespmem:s0+$0xF248];
	_ =	sdelay $0x4  }
0x1fe: {  	[tilespmem:s2+$0xF248] =	vst.add.f32.msk $0xffff, v0  }
0x1ff: {  	v0 =	vld [tilespmem:s0+$0xF258];
	_ =	sdelay $0x4  }
0x200: {  	[tilespmem:s2+$0xF258] =	vst.add.f32.msk $0xffff, v0  }
0x201: {  	v0 =	vld [tilespmem:s0+$0xF268];
	_ =	sdelay $0x4  }
0x202: {  	[tilespmem:s2+$0xF268] =	vst.add.f32.msk $0xffff, v0  }
0x203: {  	v0 =	vld [tilespmem:s0+$0xF278];
	_ =	sdelay $0x4  }
0x204: {  	[tilespmem:s2+$0xF278] =	vst.add.f32.msk $0xffff, v0  }
0x205: {  	v0 =	vld [tilespmem:s0+$0xF288];
	_ =	sdelay $0x4  }
0x206: {  	[tilespmem:s2+$0xF288] =	vst.add.f32.msk $0xffff, v0  }
0x207: {  	v0 =	vld [tilespmem:s0+$0xF298];
	_ =	sdelay $0x4  }
0x208: {  	[tilespmem:s2+$0xF298] =	vst.add.f32.msk $0xffff, v0  }
0x209: {  	v0 =	vld [tilespmem:s0+$0xF2A8]  }
.Ltmp31:
0x20a: {  	_ = 	snop;
	(pc) =	sbr.rel .LBB3_33-.Ltmp31, $2  }
0x20b: {  	_ =	sdelay $0x2  }
0x20c: {  	[tilespmem:s2+$0xF2A8] =	vst.add.f32.msk $0xffff, v0  }
.LBB3_34:
0x20d: {  	s0 =	simm.s32 $0x6;
	p1 =	seq.s32 s6, $0x0  }
0x20e: {  	[sflag:s0] =	ssyncpa.u1 $0x1;
	v0 =	vimm.s32 @p1 $0xFFFFFFFF  }
0x20f: {  	s9 =	sadd.s32 $0xFFFFFFFF, s6;
	[tilespmem:$0x10238] =	vst @p1 v0  }
0x210: {  	v0 =	vld.msk @!p1 [tilespmem:s9+$0xF218], $0x1;
	_ =	sdelay $0x1  }
0x211: {  	v1 =	vld.msk @!p1 [tilespmem:$0xF218], $0x1;
	_ =	sdelay $0x2  }
0x212: {  	p2 =	seq.s32 @!p1 s9, $0x0;
	v0 =	vbroadcast @!p1 v0, $0x0  }
0x213: {  	vm0 =	vmmov @!p1 $0x1;
	p2 =	por !p2, p1  }
0x214: {  	v1 =	vnsel @!p1 vm0, $0xFFFFFFFF, v1;
	vm0 =	vcmask @!p1 $0x308;
	v0 =	vpsel !p2, $0xFFFFFFFF, v0  }
0x215: {  	p2 =	sne.s32 @!p1 s8, s7;
	v0 =	vsel @!p1 vm0, v1, v0  }
0x216: {  	s0 =	simm.s32 @!p1 $0xF238;
	s2 =	simm.s32 @!p1 $0x0;
	p3 =	por !p2, p1;
	[tilespmem:$0x10238] =	vst @!p1 v0  }
0x217: {  	[spmem:s2] =	stream.linear.scatter @!p1 [tilespmem:s0], [sflag:$0x1], $0x80, $0x38;
	[tilespmem:$0x1F6F8] =	vst v63  }
0x218: {  	s0 =	sshll.u32 @!p3 s9, $0x9  }
0x219: {  	s0 =	sshra.s32 @!p3 s0, $0x2  }
0x21a: {  	s2 =	simm.s32 @!p3 $0x80;
	s0 =	sadd.s32 @!p3 $0xF238, s0  }
0x21b: {  	[spmem:s2] =	stream.linear.scatter @!p3 [tilespmem:s0], [sflag:$0x1], $0x80, $0x38;
	[tilespmem:$0x1F6F8] =	vst v63  }
0x21c: {  	s0 =	simm.s32 @!p3 $0x1  }
0x21d: {  	_ =	swait.ge @!p3 [sflag:s0], $0x100  }
0x21e: {  	p1 =	por p2, p1;
	[sflag:s0] =	ssyncset.done @!p3 $0x0  }
0x21f: {  	[sflag:s0] =	ssyncadd.s32 @!p3 $0xFFFFFF00;
	s0 =	simm.s32 @!p1 $0x1  }
0x220: {  	_ =	swait.ge @!p1 [sflag:s0], $0x80  }
0x221: {  	s29 =	simm.s32 $0x10238;
	[sflag:s0] =	ssyncset.done @!p1 $0x0  }
0x222: {  	s30 =	simm.s32 $0x1000;
	s31 =	simm.s32 $0x1;
	[sflag:s0] =	ssyncadd.s32 @!p1 $0xFFFFFF80  }
0x223: {  	[spmem:s30] =	stream.linear.scatter [tilespmem:s29], [sflag:$0x1], $0x10, $0x38;
	[tilespmem:$0x1F6F8] =	vst v63  }
0x224: {  	_ =	swait.ge [sflag:s31], $0x10  }
0x225: {  	[sflag:s31] =	ssyncset.done $0x0  }
0x226: {  	p1 =	seq.s32 s15, $0x0;
	s8 =	rddreg [dreg:$0x4];
	[sflag:s31] =	ssyncadd.s32 $0xFFFFFFF0  }
0x227: {  	s2 =	sshll.u32 @p1 s8, $0xE;
	s7 =	rddreg [dreg:$0x5]  }
0x228: {  	s0 =	sadd.s32 @p1 $0x15C3C, s2;
	s2 =	sshll.u32 @p1 s7, $0x11  }
0x229: {  	_ =	sfence.stream.spmem;
	s0 =	sor.u32 @p1 s2, s0  }
0x22a: {  	[sflag:s0] =	ssyncadd.remote.s32 @p1 $0x1;
	s0 =	simm.s32 @p1 $0x4  }
0x22b: {  	s3 =	simm.s32 @!p1 $0x3C;
	s2 =	sand.u32 $0xFFFFFFFE, s8;
	_ =	swait.ge @p1 [sflag:s0], $0x22  }
0x22c: {  	s4 =	simm.s32 @!p1 $0x0;
	s2 =	sadd.s32 @!p1 $0x4, s2;
	[sflag:s0] =	ssyncset.done @p1 $0x0  }
0x22d: {  	s5 =	simm.s32 @!p1 $0x100;
	[sflag:s0] =	ssyncadd.s32 @p1 $0xFFFFFFDE;
	s0 =	sshll.u32 @!p1 s2, $0x1A  }
0x22e: {  	s2 =	sshll.u32 @!p1 s2, $0xD;
	s0 =	sor.u32 @!p1 s0, s7;
	_ =	swait.eq @!p1 [sflag:s3], $0x1  }
0x22f: {  	s2 =	sor.u32 @!p1 $0x1C04, s2;
	s3 =	simm.s32 @!p1 $0x1C03;
	s0 =	sor.u32 @!p1 $0x80004000, s0  }
0x230: {  	[spmem:s5], [sflag:s2] =	dma.general @!p1 [spmem:s4], [sflag:s3], length:$0x20, [dreg:$0x0], stride_count:$0x0, ici_dest:s0, dma_misc:DstOpCode:WRITE  }
0x231: {  	p2 =	slt.s32 s9, $0x2;
	s4 =	simm.s32 @!p1 $0x200;
	s5 =	simm.s32 @!p1 $0x202  }
0x232: {  	[spmem:s5], [sflag:s2] =	dma.general @!p1 [spmem:s4], [sflag:s3], length:$0x2, [dreg:$0x0], stride_count:$0x0, ici_dest:s0, dma_misc:DstOpCode:WRITE  }
.Ltmp32:
0x233: {  	s0 =	simm.s32 @!p1 $0x3;
	(pc) =	sbr.rel @p2 .LBB3_38-.Ltmp32, $4  }
0x234: {  	s2 =	sshll.u32 @!p1 s8, $0xE;
	_ =	swait.ge @!p1 [sflag:s0], $0x22  }
0x235: {  	s3 =	sshll.u32 @!p1 s7, $0x11;
	s2 =	sadd.s32 @!p1 $0x11C3C, s2;
	[sflag:s0] =	ssyncset.done @!p1 $0x0  }
0x236: {  	[sflag:s0] =	ssyncadd.s32 @!p1 $0xFFFFFFDE;
	s0 =	sor.u32 @!p1 s3, s2  }
0x237: {  	[sflag:s0] =	ssyncadd.remote.s32 @!p1 $0xFFFFFFFF;
	s0 =	simm.s32 $0x0  }
0x238: {  	s0 =	simm.s32 $0xF219  }
0x239: {  	v0 =	vld.msk [tilespmem:s0+$0x0], $0x1;
	_ =	sdelay $0x4  }
0x23a: {  	(v2sf) =	vpush v0, $0x0;
	_ =	sdelay $0xb  }
0x23b: {  	s31 =	sadd.s32 $0xFFFFFFFE, s6  }
0x23c: {  	s0 =	sadd.s32 $0xFFFFFFFF, s31  }
0x23d: {  	p2 =	sne.s32 s0, $0x0  }
.Ltmp33:
0x23e: {  	s2 =	spop (v2sf);
	(pc) =	sbr.rel @!p2 .LBB3_37-.Ltmp33, $4  }
0x23f: {  	s4 =	simm.s32 $0xF2B8;
	s7 =	simm.s32 $0x0;
	p1 =	sgt.u32 s2, $0x1FFF0  }
0x240: {  	s5 =	simm.s32 $0x0;
	s6 =	simm.s32 $0xF21A;
	s3 =	sand.u32 @!p1 $0x1FFF8, s2  }
0x241: {  	s2 =	sand.u32 @!p1 $0x7, s2;
	s7 =	simm.s32 @!p1 $0x200;
	s3 =	sadd.s32 @!p1 s1, s3  }
0x242: {  	[hbm4b:s3+s2] =	stream.linear.scatter @!p1 [tilespmem:s4], [sflag:$0x5], $0x80, $0x38;
	[tilespmem:$0x1F6F8] =	vst v63  }
.LBB3_36:
0x243: {  	v0 =	vld.msk [tilespmem:s6+$0x0], $0x1;
	s0 =	sadd.s32 $0xFFFFFFFF, s0;
	s5 =	sadd.s32 s5, s7  }
0x244: {  	p1 =	sne.s32 s0, $0x0;
	_ =	sdelay $0x3  }
0x245: {  	(v2sf) =	vpush v0, $0x0;
	_ =	sdelay $0xe  }
.Ltmp34:
0x246: {  	s2 =	spop (v2sf);
	(pc) =	sbr.rel @p1 .LBB3_36-.Ltmp34, $4  }
0x247: {  	s7 =	simm.s32 $0x0;
	p2 =	sgt.u32 s2, $0x1FFF0  }
0x248: {  	s4 =	sadd.s32 $0x80, s4;
	s7 =	simm.s32 @!p2 $0x200;
	s3 =	sand.u32 @!p2 $0x1FFF8, s2  }
0x249: {  	s6 =	sadd.s32 $0x1, s6;
	s2 =	sand.u32 @!p2 $0x7, s2;
	s3 =	sadd.s32 @!p2 s1, s3  }
0x24a: {  	[hbm4b:s3+s2] =	stream.linear.scatter @!p2 [tilespmem:s4], [sflag:$0x5], $0x80, $0x38;
	[tilespmem:$0x1F6F8] =	vst v63  }
.LBB3_37:
0x24b: {  	s0 =	sadd.s32 s5, s7  }
0x24c: {  	s0 =	sshrl.u32 s0, $0x2  }
.LBB3_38:
0x24d: {  	s2 =	simm.s32 $0x5  }
0x24e: {  	_ =	swait.ge [sflag:s2], s0  }
0x24f: {  	s31 =	ssub.s32 $0x0, s0;
	[sflag:s2] =	ssyncset.done $0x0  }
0x250: {  	[sflag:s2] =	ssyncadd.s32 s31  }
0x251: {  	[sflag:s2] =	ssyncpa.u1 $0x1  }
.LBB3_39:
0x252: {  	s0 =	sor.u32 s15, s16  }
0x253: {  	p1 =	sne.s32 s0, $0x0  }
.Ltmp35:
0x254: {  	_ = 	snop;
	(pc) =	sbr.rel @p1 .LBB3_54-.Ltmp35, $3  }
0x255: {  	_ =	sdelay $0x1  }
0x256: {  	[bflag:$0x0] =	sbarrier.arrive $0xFFFF  }
0x257: {  	_ =	sfence  }
0x258: {  	s0 =	simm.s32 $0x7  }
0x259: {  	s2 =	simm.s32 $0x1000;
	s3 =	simm.s32 $0xF218;
	[sflag:s0] =	ssyncpa.u1 $0x0  }
0x25a: {  	[tilespmem:s3], [sflag:$0x7] =	stream.linear.gather [spmem:s2], $0x20, $0x38;
	[tilespmem:$0x1F6F8] =	vst v63  }
0x25b: {  	s30 =	simm.s32 $0xF238;
	s2 =	simm.s32 $0x0  }
0x25c: {  	[tilespmem:s30], [sflag:$0x7] =	stream.linear.gather [spmem:s2], $0x1000, $0x38;
	[tilespmem:$0x1F6F8] =	vst v63  }
.Ltmp36:
0x25d: {  	_ = 	snop;
	(pc) =	sbr.rel .LBB3_41-.Ltmp36, $4  }
0x25e: {  	_ =	swait.ge [sflag:s0], $0x1020  }
0x25f: {  	[sflag:s0] =	ssyncset.done $0x0  }
0x260: {  	s31 =	simm.s32 $0x8;
	[sflag:s0] =	ssyncadd.s32 $0xFFFFEFE0  }
0x261: {  	s3 =	simm.s32 $0x0;
	[sflag:s31] =	ssyncpa.u1 $0x0  }
.LBB3_47:
0x262: {  	p1 =	slt.u32 s4, $0x1FFF1  }
0x263: {  	s0 =	sand.u32 @p1 $0x1FFF8, s4  }
0x264: {  	s4 =	sand.u32 @p1 $0x7, s4;
	s5 =	simm.s32 @p1 $0xF188;
	s0 =	sadd.s32 @p1 s1, s0  }
0x265: {  	[tilespmem:s5], [sflag:$0x8] =	stream.linear.gather @p1 [hbm4b:s0+s4], $0x80, $0x38;
	[tilespmem:$0x1F6F8] =	vst v63  }
0x266: {  	s0 =	simm.s32 @p1 $0x8  }
0x267: {  	_ =	swait.ge @p1 [sflag:s0], $0x80  }
0x268: {  	[sflag:s0] =	ssyncset.done @p1 $0x0  }
0x269: {  	[sflag:s0] =	ssyncadd.s32 @p1 $0xFFFFFF80  }
0x26a: {  	v1 =	vld @p1 [tilespmem:$0xF188];
	_ =	sdelay $0x2  }
0x26b: {  	s0 =	sshll.u32 @p1 s3, $0x9  }
0x26c: {  	s4 =	sshrl.u32 @p1 s0, $0x2  }
0x26d: {  	[tilespmem:s4+$0xF238] =	vst.add.f32.msk @p1 $0xffff, v1  }
0x26e: {  	v1 =	vld @p1 [tilespmem:$0xF198];
	_ =	sdelay $0x4  }
0x26f: {  	[tilespmem:s4+$0xF248] =	vst.add.f32.msk @p1 $0xffff, v1  }
0x270: {  	v1 =	vld @p1 [tilespmem:$0xF1A8];
	_ =	sdelay $0x4  }
0x271: {  	[tilespmem:s4+$0xF258] =	vst.add.f32.msk @p1 $0xffff, v1  }
0x272: {  	v1 =	vld @p1 [tilespmem:$0xF1B8];
	_ =	sdelay $0x4  }
0x273: {  	[tilespmem:s4+$0xF268] =	vst.add.f32.msk @p1 $0xffff, v1  }
0x274: {  	v1 =	vld @p1 [tilespmem:$0xF1C8];
	_ =	sdelay $0x4  }
0x275: {  	[tilespmem:s4+$0xF278] =	vst.add.f32.msk @p1 $0xffff, v1  }
0x276: {  	v1 =	vld @p1 [tilespmem:$0xF1D8];
	_ =	sdelay $0x4  }
0x277: {  	[tilespmem:s4+$0xF288] =	vst.add.f32.msk @p1 $0xffff, v1  }
0x278: {  	v1 =	vld @p1 [tilespmem:$0xF1E8];
	_ =	sdelay $0x4  }
0x279: {  	[tilespmem:s4+$0xF298] =	vst.add.f32.msk @p1 $0xffff, v1  }
0x27a: {  	v1 =	vld @p1 [tilespmem:$0xF1F8];
	_ =	sdelay $0x3  }
0x27b: {  	s5 =	sshll.u32 @!p1 s3, $0x9  }
0x27c: {  	s5 =	smov.u32 @p1 s0;
	[tilespmem:s4+$0xF2A8] =	vst.add.f32.msk @p1 $0xffff, v1  }
0x27d: {  	s0 =	sshrl.u32 s5, $0x2;
	[tilespmem:s2+$0xF218] =	vst.msk $0x1, v0  }
0x27e: {  	v0 =	vld [tilespmem:s0+$0xF238];
	_ =	sdelay $0x2  }
0x27f: {  	s31 =	sshll.u32 s2, $0x9  }
0x280: {  	s4 =	sshra.s32 s31, $0x2  }
0x281: {  	[tilespmem:s4+$0xF238] =	vst v0  }
0x282: {  	v0 =	vld [tilespmem:s0+$0xF248];
	_ =	sdelay $0x4  }
0x283: {  	[tilespmem:s4+$0xF248] =	vst v0  }
0x284: {  	v0 =	vld [tilespmem:s0+$0xF258];
	_ =	sdelay $0x4  }
0x285: {  	[tilespmem:s4+$0xF258] =	vst v0  }
0x286: {  	v0 =	vld [tilespmem:s0+$0xF268];
	_ =	sdelay $0x4  }
0x287: {  	[tilespmem:s4+$0xF268] =	vst v0  }
0x288: {  	v0 =	vld [tilespmem:s0+$0xF278];
	_ =	sdelay $0x4  }
0x289: {  	[tilespmem:s4+$0xF278] =	vst v0  }
0x28a: {  	v0 =	vld [tilespmem:s0+$0xF288];
	_ =	sdelay $0x4  }
0x28b: {  	[tilespmem:s4+$0xF288] =	vst v0  }
0x28c: {  	v0 =	vld [tilespmem:s0+$0xF298];
	_ =	sdelay $0x4  }
0x28d: {  	[tilespmem:s4+$0xF298] =	vst v0  }
0x28e: {  	v0 =	vld [tilespmem:s0+$0xF2A8];
	_ =	sdelay $0x4  }
0x28f: {  	s2 =	sadd.s32 $0x1, s2;
	[tilespmem:s4+$0xF2A8] =	vst v0  }
.LBB3_48:
0x290: {  	s3 =	sadd.s32 $0x1, s3  }
0x291: {  	p1 =	sne.s32 s3, $0x20  }
.Ltmp37:
0x292: {  	_ = 	snop;
	(pc) =	sbr.rel @!p1 .LBB3_49-.Ltmp37, $1  }
0x293: {  	_ =	sdelay $0x3  }
.LBB3_41:
0x294: {  	v0 =	vld.msk [tilespmem:s3+$0xF218], $0x1;
	_ =	sdelay $0x4  }
0x295: {  	(v2sf) =	vpush v0, $0x0;
	_ =	sdelay $0xe  }
0x296: {  	s4 =	spop (v2sf)  }
0x297: {  	p1 =	seq.s32 s4, $0xFFFFFFFF  }
.Ltmp38:
0x298: {  	_ = 	snop;
	(pc) =	sbr.rel @p1 .LBB3_48-.Ltmp38, $1  }
0x299: {  	_ =	sdelay $0x3  }
0x29a: {  	p1 =	slt.s32 s2, $0x1  }
.Ltmp39:
0x29b: {  	_ = 	snop;
	(pc) =	sbr.rel @p1 .LBB3_47-.Ltmp39, $1  }
0x29c: {  	_ =	sdelay $0x3  }
0x29d: {  	s5 =	simm.s32 $0xF218;
	p1 =	por $0x0, $0x0  }
0x29e: {  	v1 =	vld.msk @!p1 [tilespmem:s5+$0x0], $0x1;
	_ =	sdelay $0x4  }
0x29f: {  	(v2sf) =	vpush @!p1 v1, $0x0;
	_ =	sdelay $0xd  }
0x2a0: {  	p3 =	sne.s32 s2, $0x1  }
.Ltmp40:
0x2a1: {  	s0 =	spop @!p1 (v2sf);
	(pc) =	sbr.rel @!p3 .LBB3_45-.Ltmp40, $4  }
0x2a2: {  	p2 =	seq.s32 @!p1 s4, s0  }
0x2a3: {  	s6 =	simm.s32 $0x0;
	p2 =	por !p2, p1  }
0x2a4: {  	s7 =	simm.s32 $0xFFFFFFFF;
	s6 =	simm.s32 @p2 $0xFFFFFFFF  }
0x2a5: {  	s0 =	simm.s32 $0x1;
	s6 =	smov.u32 @p1 s7  }
.LBB3_44:
0x2a6: {  	s7 =	smov.u32 s6;
	p1 =	sne.s32 s6, $0xFFFFFFFF  }
0x2a7: {  	s5 =	sadd.s32 $0x1, s5;
	s6 =	smov.u32 s0;
	s0 =	sadd.s32 $0x1, s0  }
0x2a8: {  	p2 =	sne.s32 s2, s0;
	v1 =	vld.msk @!p1 [tilespmem:s5+$0x0], $0x1;
	_ =	sdelay $0x4  }
0x2a9: {  	(v2sf) =	vpush @!p1 v1, $0x0;
	_ =	sdelay $0xe  }
.Ltmp41:
0x2aa: {  	s8 =	spop @!p1 (v2sf);
	(pc) =	sbr.rel @p2 .LBB3_44-.Ltmp41, $4  }
0x2ab: {  	p3 =	seq.s32 @!p1 s4, s8  }
0x2ac: {  	p3 =	por !p3, p1  }
0x2ad: {  	s6 =	simm.s32 @p3 $0xFFFFFFFF  }
0x2ae: {  	s6 =	smov.u32 @p1 s7  }
.LBB3_45:
0x2af: {  	p1 =	seq.s32 s6, $0xFFFFFFFF  }
.Ltmp42:
0x2b0: {  	_ = 	snop;
	(pc) =	sbr.rel @p1 .LBB3_47-.Ltmp42, $1  }
0x2b1: {  	_ =	sdelay $0x3  }
0x2b2: {  	s0 =	sshll.u32 s3, $0x7  }
0x2b3: {  	s0 =	sand.u32 $0x3FFFFF80, s0  }
0x2b4: {  	v0 =	vld [tilespmem:s0+$0xF238];
	_ =	sdelay $0x2  }
0x2b5: {  	s4 =	sshll.u32 s6, $0x9  }
0x2b6: {  	s4 =	sshra.s32 s4, $0x2  }
0x2b7: {  	[tilespmem:s4+$0xF238] =	vst.add.f32.msk $0xffff, v0  }
0x2b8: {  	v0 =	vld [tilespmem:s0+$0xF248];
	_ =	sdelay $0x4  }
0x2b9: {  	[tilespmem:s4+$0xF248] =	vst.add.f32.msk $0xffff, v0  }
0x2ba: {  	v0 =	vld [tilespmem:s0+$0xF258];
	_ =	sdelay $0x4  }
0x2bb: {  	[tilespmem:s4+$0xF258] =	vst.add.f32.msk $0xffff, v0  }
0x2bc: {  	v0 =	vld [tilespmem:s0+$0xF268];
	_ =	sdelay $0x4  }
0x2bd: {  	[tilespmem:s4+$0xF268] =	vst.add.f32.msk $0xffff, v0  }
0x2be: {  	v0 =	vld [tilespmem:s0+$0xF278];
	_ =	sdelay $0x4  }
0x2bf: {  	[tilespmem:s4+$0xF278] =	vst.add.f32.msk $0xffff, v0  }
0x2c0: {  	v0 =	vld [tilespmem:s0+$0xF288];
	_ =	sdelay $0x4  }
0x2c1: {  	[tilespmem:s4+$0xF288] =	vst.add.f32.msk $0xffff, v0  }
0x2c2: {  	v0 =	vld [tilespmem:s0+$0xF298];
	_ =	sdelay $0x4  }
0x2c3: {  	[tilespmem:s4+$0xF298] =	vst.add.f32.msk $0xffff, v0  }
0x2c4: {  	v0 =	vld [tilespmem:s0+$0xF2A8]  }
.Ltmp43:
0x2c5: {  	_ = 	snop;
	(pc) =	sbr.rel .LBB3_48-.Ltmp43, $2  }
0x2c6: {  	_ =	sdelay $0x2  }
0x2c7: {  	[tilespmem:s4+$0xF2A8] =	vst.add.f32.msk $0xffff, v0  }
.LBB3_49:
0x2c8: {  	p1 =	slt.s32 s2, $0x1  }
.Ltmp44:
0x2c9: {  	_ = 	snop;
	(pc) =	sbr.rel @p1 .LBB3_53-.Ltmp44, $3  }
0x2ca: {  	_ =	sdelay $0x1  }
0x2cb: {  	s0 =	simm.s32 $0x8  }
0x2cc: {  	s3 =	simm.s32 $0x0;
	[sflag:s0] =	ssyncpa.u1 $0x1  }
0x2cd: {  	s0 =	simm.s32 $0xF218  }
0x2ce: {  	v0 =	vld.msk [tilespmem:s0+$0x0], $0x1;
	_ =	sdelay $0x4  }
0x2cf: {  	(v2sf) =	vpush v0, $0x0;
	_ =	sdelay $0xe  }
0x2d0: {  	s0 =	sadd.s32 $0xFFFFFFFF, s2;
	s5 =	spop (v2sf)  }
0x2d1: {  	p2 =	sne.s32 s0, $0x0;
	p1 =	sgt.u32 s5, $0x1FFF0  }
.Ltmp45:
0x2d2: {  	s6 =	sand.u32 @!p1 $0x1FFF8, s5;
	(pc) =	sbr.rel @!p2 .LBB3_52-.Ltmp45, $4  }
0x2d3: {  	s4 =	simm.s32 $0xF238;
	s5 =	sand.u32 @!p1 $0x7, s5;
	s2 =	sadd.s32 @!p1 s1, s6  }
0x2d4: {  	[hbm4b:s2+s5] =	stream.linear.scatter @!p1 [tilespmem:s4], [sflag:$0x7], $0x80, $0x38;
	[tilespmem:$0x1F6F8] =	vst v63  }
0x2d5: {  	s5 =	simm.s32 $0x0  }
0x2d6: {  	s2 =	simm.s32 $0xF219;
	s5 =	simm.s32 @!p1 $0x200  }
.LBB3_51:
0x2d7: {  	v0 =	vld.msk [tilespmem:s2+$0x0], $0x1;
	s0 =	sadd.s32 $0xFFFFFFFF, s0;
	s3 =	sadd.s32 s3, s5  }
0x2d8: {  	p1 =	sne.s32 s0, $0x0;
	_ =	sdelay $0x3  }
0x2d9: {  	(v2sf) =	vpush v0, $0x0;
	_ =	sdelay $0xe  }
.Ltmp46:
0x2da: {  	s6 =	spop (v2sf);
	(pc) =	sbr.rel @p1 .LBB3_51-.Ltmp46, $4  }
0x2db: {  	s5 =	simm.s32 $0x0;
	p2 =	sgt.u32 s6, $0x1FFF0  }
0x2dc: {  	s4 =	sadd.s32 $0x80, s4;
	s5 =	simm.s32 @!p2 $0x200;
	s7 =	sand.u32 @!p2 $0x1FFF8, s6  }
0x2dd: {  	s2 =	sadd.s32 $0x1, s2;
	s6 =	sand.u32 @!p2 $0x7, s6;
	s7 =	sadd.s32 @!p2 s1, s7  }
0x2de: {  	[hbm4b:s7+s6] =	stream.linear.scatter @!p2 [tilespmem:s4], [sflag:$0x7], $0x80, $0x38;
	[tilespmem:$0x1F6F8] =	vst v63  }
.LBB3_52:
0x2df: {  	s0 =	sadd.s32 s3, s5  }
0x2e0: {  	s3 =	sshrl.u32 s0, $0x2  }
.LBB3_53:
0x2e1: {  	s0 =	simm.s32 $0x7  }
0x2e2: {  	_ =	swait.ge [sflag:s0], s3  }
0x2e3: {  	s1 =	ssub.s32 $0x0, s3;
	[sflag:s0] =	ssyncset.done $0x0  }
0x2e4: {  	[sflag:s0] =	ssyncadd.s32 s1  }
0x2e5: {  	[sflag:s0] =	ssyncpa.u1 $0x1  }
.LBB3_54:
0x2e6: {  	_ =	sfence;
	s0 =	simm.s32 $0x1  }
0x2e7: {  	[sflag:s0] =	ssyncpa.u1 $0x1  }
0x2e8: {  	_ =	strace $0x90000056  }
0x2e9: {  	[bflag:$0x2] =	sbarrier.arrive $0xFFFF  }
0x2ea: {  	s0 =	rddreg [dreg:$0x6]  }
0x2eb: {  	s0 =	sadd.s32 @!p0 $0x100000, s0  }
0x2ec: {  	[sflag:s0] =	ssyncadd.tile.s32 @!p0 $0x1;
	_ =	shalt  }
.Lfunc_end3:
_tile_overlayer_lowered:
.L_overlay_start_3:
0x2ed: {  	(tag) =	ssettag $0x3  }
0x2ee: {  	s0 =	rddreg [dreg:$0x0];
	s2 =	stileid.u32  }
0x2ef: {  	s1 =	rddreg [dreg:$0x1];
	p0 =	sne.s32 s2, $0x0  }
0x2f0: {  	s3 =	rddreg [dreg:$0x2];
	[bflag:$0x3] =	sbarrier.arrive $0xFFFF;
	s2 =	simm.s32 @!p0 $0x1C01  }
0x2f1: {  	[timem:s3], [sflag:s2] =	dma.local @!p0 [hbm:s0], s1  }
0x2f2: {  	s0 =	simm.s32 @!p0 $0x1  }
0x2f3: {  	_ =	swait.ge @!p0 [sflag:s0], s1  }
0x2f4: {  	s1 =	ssub.s32 @!p0 $0x0, s1;
	[sflag:s0] =	ssyncset.done @!p0 $0x0  }
0x2f5: {  	[sflag:s0] =	ssyncadd.s32 @!p0 s1  }
0x2f6: {  	[bflag:$0x3] =	sbarrier.arrive $0xFFFF  }
0x2f7: {  	_ =	shalt  }

// kernel: scatter_offload_async_start.3
scs
__scs_entry_jumppad:
0x0: {  	(pc) =	sbr.rel $0x88, $3  }
0x1: {  	(tag) =	ssettag $0x0;
	lr =	simm.s32 $0x1  }
0x2: {  	[smem:$0x3F96] =	sst lr;
	_ =	strace $0xD0000000  }
0x3: {  	_ = 	snop  }
0x4: {  	_ = 	snop  }
0x5: {  	_ = 	snop  }
0x6: {  	_ = 	snop  }
0x7: {  	_ = 	snop  }
__scs_overlays_trampoline_lowered:
0x8: {  	[smem:$0x3FA5] =	sst s0  }
0x9: {  	[smem:$0x3FA6] =	sst s1  }
0xa: {  	[smem:$0x3FA7] =	sst s2  }
0xb: {  	[smem:$0x3FA8] =	sst s3  }
0xc: {  	[smem:$0x3FA9] =	sst s4  }
0xd: {  	[smem:$0x3FAA] =	sst s5  }
0xe: {  	[smem:$0x3FAB] =	sst s6  }
0xf: {  	[smem:$0x3FAC] =	sst s7  }
0x10: {  	[smem:$0x3FAD] =	sst s8  }
0x11: {  	[smem:$0x3FAE] =	sst s9;
	s0 =	simm.s32 @!p0 $0x0  }
0x12: {  	s1 =	sld [smem:$0x3F94];
	s0 =	simm.s32 @p0 $0x1  }
0x13: {  	[smem:$0x3FAF] =	sst s0;
	s0 =	simm.s32 @!p1 $0x0  }
0x14: {  	s2 =	sld [smem:$0x3F93];
	s0 =	simm.s32 @p1 $0x1  }
0x15: {  	[smem:$0x3FB0] =	sst s0;
	s0 =	simm.s32 @!p2 $0x0  }
0x16: {  	s3 =	sld [smem:$0x3FDB];
	s0 =	simm.s32 @p2 $0x1  }
0x17: {  	s4 =	simm.s32 $0x1BF5;
	[smem:$0x3FB2] =	sst s0  }
0x18: {  	s0 =	sld [smem:$0x3F95];
	_ =	swait.ge [sflag:s4], $0x0  }
0x19: {  	s7 =	sld [smem:$0x3F96]  }
0x1a: {  	s8 =	sadd.s32 $0xFFFFE003, lr  }
0x1b: {  	s9 =	sadd.s32 $0xFFFFFEF7, lr;
	s5 =	simm.s32 $0xFFFFFFFF;
	p2 =	slt.u32 s8, $0xFFFFF086  }
0x1c: {  	p1 =	slt.u32 s9, $0xF7A;
	s5 =	simm.s32 @!p2 $0x0  }
0x1d: {  	s5 =	simm.s32 @p1 $0x1;
	p0 =	seq.s32 s7, s2  }
0x1e: {  	s7 =	smul.u32 @!p0 $0xF7A, s2;
	p2 =	seq.s32 @!p0 s5, $0x0  }
0x1f: {  	s9 =	smul.u32 $0xF7A, s1;
	s8 =	simm.s32 @!p0 $0x1BF5;
	p2 =	por !p2, p0  }
0x20: {  	[sflag:s8] =	ssyncset.s32 @!p0 $0xFFFFF086;
	s6 =	sadd.s32 @!p0 s3, s7;
	s7 =	simm.s32 @!p0 $0x108  }
0x21: {  	s3 =	sadd.s32 s3, s9;
	s6 =	sadd.s32 @!p0 $0x88, s6;
	s7 =	simm.s32 @p2 $0x1082  }
0x22: {  	[simem:s7], [sflag:s8] =	dma.local @!p0 [hbm:s6], $0xF7A  }
0x23: {  	s9 =	sor.u32 $0xD0000000, s2;
	s6 =	simm.s32 $0x108;
	_ =	swait.ge @!p0 [sflag:s8], $0x0  }
0x24: {  	s3 =	sadd.s32 $0x88, s3;
	s6 =	simm.s32 @!p1 $0x1082;
	[sflag:s4] =	ssyncset.s32 $0xFFFFF086  }
0x25: {  	[simem:s6], [sflag:s4] =	dma.local [hbm:s3], $0xF7A  }
0x26: {  	[smem:$0x3F96] =	sst s1;
	(tag) =	ssettag s2;
	_ =	strace s9  }
0x27: {  	s1 =	sld [smem:$0x3FA6]  }
0x28: {  	s2 =	sld [smem:$0x3FA7]  }
0x29: {  	s4 =	sld [smem:$0x3FA9]  }
0x2a: {  	p0 =	seq.s32 s5, $0x0;
	s5 =	sld [smem:$0x3FAA]  }
0x2b: {  	s6 =	sld [smem:$0x3FAB]  }
0x2c: {  	s7 =	sld [smem:$0x3FAC]  }
0x2d: {  	s3 =	simm.s32 $0x108;
	s8 =	sld [smem:$0x3FAD]  }
0x2e: {  	s3 =	simm.s32 @!p0 $0x1082;
	s9 =	sld [smem:$0x3FAE]  }
0x2f: {  	lr =	sadd.s32 s0, s3;
	s0 =	sld [smem:$0x3FA5]  }
0x30: {  	s3 =	sld [smem:$0x3FA8]  }
0x31: {  	[smem:$0x3FB1] =	sst s10  }
0x32: {  	s10 =	sld [smem:$0x3FAF];
	_ =	sdelay $0x3  }
0x33: {  	p0 =	seq.s32 s10, $0x1;
	s10 =	sld [smem:$0x3FB1];
	_ =	sdelay $0x3  }
0x34: {  	[smem:$0x3FB1] =	sst s10  }
0x35: {  	s10 =	sld [smem:$0x3FB0];
	_ =	sdelay $0x3  }
0x36: {  	p1 =	seq.s32 s10, $0x1;
	s10 =	sld [smem:$0x3FB1];
	_ =	sdelay $0x3  }
0x37: {  	[smem:$0x3FB1] =	sst s10  }
0x38: {  	s10 =	sld [smem:$0x3FB2]  }
0x39: {  	_ = 	snop;
	(pc) =	sbr.ind lr, $3  }
0x3a: {  	_ = 	snop  }
0x3b: {  	_ = 	snop  }
0x3c: {  	p2 =	seq.s32 s10, $0x1;
	s10 =	sld [smem:$0x3FB1]  }
0x3d: {  	_ =	shalt  }
0x3e: {  	_ =	shalt  }
0x3f: {  	_ =	shalt  }
0x40: {  	_ =	shalt  }
0x41: {  	_ =	shalt  }
0x42: {  	_ =	shalt  }
0x43: {  	_ =	shalt  }
0x44: {  	_ =	shalt  }
0x45: {  	_ =	shalt  }
0x46: {  	_ =	shalt  }
0x47: {  	_ =	shalt  }
0x48: {  	_ =	shalt  }
0x49: {  	_ =	shalt  }
0x4a: {  	_ =	shalt  }
0x4b: {  	_ =	shalt  }
0x4c: {  	_ =	shalt  }
0x4d: {  	_ =	shalt  }
0x4e: {  	_ =	shalt  }
0x4f: {  	_ =	shalt  }
0x50: {  	_ =	shalt  }
0x51: {  	_ =	shalt  }
0x52: {  	_ =	shalt  }
0x53: {  	_ =	shalt  }
0x54: {  	_ =	shalt  }
0x55: {  	_ =	shalt  }
0x56: {  	_ =	shalt  }
0x57: {  	_ =	shalt  }
0x58: {  	_ =	shalt  }
0x59: {  	_ =	shalt  }
0x5a: {  	_ =	shalt  }
0x5b: {  	_ =	shalt  }
0x5c: {  	_ =	shalt  }
0x5d: {  	_ =	shalt  }
0x5e: {  	_ =	shalt  }
0x5f: {  	_ =	shalt  }
0x60: {  	_ =	shalt  }
0x61: {  	_ =	shalt  }
0x62: {  	_ =	shalt  }
0x63: {  	_ =	shalt  }
0x64: {  	_ =	shalt  }
0x65: {  	_ =	shalt  }
0x66: {  	_ =	shalt  }
0x67: {  	_ =	shalt  }
0x68: {  	_ =	shalt  }
0x69: {  	_ =	shalt  }
0x6a: {  	_ =	shalt  }
0x6b: {  	_ =	shalt  }
0x6c: {  	_ =	shalt  }
0x6d: {  	_ =	shalt  }
0x6e: {  	_ =	shalt  }
0x6f: {  	_ =	shalt  }
0x70: {  	_ =	shalt  }
0x71: {  	_ =	shalt  }
0x72: {  	_ =	shalt  }
0x73: {  	_ =	shalt  }
0x74: {  	_ =	shalt  }
0x75: {  	_ =	shalt  }
0x76: {  	_ =	shalt  }
0x77: {  	_ =	shalt  }
0x78: {  	_ =	shalt  }
0x79: {  	_ =	shalt  }
0x7a: {  	_ =	shalt  }
0x7b: {  	_ =	shalt  }
0x7c: {  	_ =	shalt  }
0x7d: {  	_ =	shalt  }
0x7e: {  	_ =	shalt  }
0x7f: {  	_ =	shalt  }
0x80: {  	_ =	shalt  }
0x81: {  	_ =	shalt  }
0x82: {  	_ =	shalt  }
0x83: {  	_ =	shalt  }
0x84: {  	_ =	shalt  }
0x85: {  	_ =	shalt  }
0x86: {  	_ =	shalt  }
0x87: {  	_ =	shalt  }
.Lfunc_end0:
.L_simem_size_0:
called_computation.3_lowered:
.L_overlay_start_0:
0x88: {  	s2 =	sld [smem:$0x3FD9]  }
0x89: {  	s3 =	sld [smem:$0x3FFE];
	_ =	sdelay $0x1  }
0x8a: {  	s1 =	srdreg.scid  }
0x8b: {  	s0 =	sand.u32 $0x1, s1  }
0x8c: {  	s13 =	sshll.u32 s0, $0xA;
	s2 =	sadd.s32 s3, s2  }
0x8d: {  	s2 =	sadd.s32 s2, s13  }
0x8e: {  	[smem:$0x3FBD] =	sst s2  }
0x8f: {  	_ = 	snop  }
0x90: {  	s2 =	sld [smem:$0x3FD0];
	_ =	sdelay $0x2  }
0x91: {  	s14 =	simm.s32 $0xD;
	s4 =	simm.s32 $0x10  }
0x92: {  	[smem:s4], [sflag:s14] =	dma.local [hbm:s2], $0x1  }
0x93: {  	_ =	swait.eq [sflag:s14], $0x1  }
0x94: {  	s15 =	sld [smem:$0x11];
	[sflag:s14] =	ssyncset.done $0x0  }
0x95: {  	s16 =	sld [smem:$0x12];
	[sflag:s14] =	ssyncadd.s32 $0xFFFFFFFF  }
0x96: {  	s17 =	sld [smem:$0x16];
	(tm) =	ssettm $0x1  }
0x97: {  	s5 =	sld [smem:$0x3FFB];
	_ =	sdelay $0x3  }
0x98: {  	_ =	strace s5  }
0x99: {  	s5 =	sld [smem:$0x3FFC];
	_ =	sdelay $0x3  }
0x9a: {  	_ =	strace s5  }
0x9b: {  	s5 =	sld [smem:$0x3FFD];
	_ =	sdelay $0x3  }
0x9c: {  	_ =	strace s5  }
0x9d: {  	_ =	strace $0x8FFFFFFF  }
0x9e: {  	s18 =	sld [smem:$0x3FDB];
	_ =	sdelay $0x1  }
0x9f: {  	s6 =	simm.s32 $_scs_section_size  }
0xa0: {  	s7 =	simm.s32 $_size__tile_overlayer_lowered;
	s8 =	simm.s32 $_tile_overlayer_lowered  }
0xa1: {  	s21 =	simm.s32 $0x1BFF;
	s20 =	sshll.u32 s8, $0x1;
	s5 =	sadd.s32 s6, s18  }
0xa2: {  	s9 =	simm.s32 $0x0;
	s19 =	sshll.u32 s7, $0x1;
	s7 =	sadd.s32 s20, s5  }
0xa3: {  	[timem:s9], [sflag:s21] =	dma.local [hbm:s7], s19  }
0xa4: {  	_ =	swait.ge [sflag:s21], s19  }
0xa5: {  	s6 =	ssub.s32 $0x0, s19;
	[sflag:s21] =	ssyncset.done $0x0  }
0xa6: {  	[sflag:s21] =	ssyncadd.s32 s6;
	_ =	sdelay $0x1  }
0xa7: {  	s22 =	simm.s32 $0x1B8B  }
0xa8: {  	_ =	swait.ge [sflag:s22], $0x1  }
0xa9: {  	[sflag:s22] =	ssyncset.done $0x0  }
0xaa: {  	s23 =	sld [smem:$0x3FFE];
	[sflag:s22] =	ssyncadd.s32 $0xFFFFFFFF  }
0xab: {  	s25 =	simm.s32 $0x1B8E;
	s24 =	sld [smem:$0x0]  }
0xac: {  	s26 =	simm.s32 $execute0_lowered;
	[smem:$0x3FD2] =	sst s25  }
0xad: {  	s8 =	sshll.u32 s26, $0x1;
	_ =	strace $0x80000058;
	[dreg:$0x1] =	wrdreg $0xFFFFFFFF  }
0xae: {  	s28 =	simm.s32 $_size_execute0_lowered;
	s5 =	sadd.s32 s5, s8;
	[dreg:$0x0] =	wrdreg $0x0  }
0xaf: {  	s8 =	sshll.u32 s28, $0x1;
	[dreg:$0x2] =	wrdreg s5  }
0xb0: {  	[dreg:$0x3] =	wrdreg s8  }
0xb1: {  	[dreg:$0x4] =	wrdreg $0xC0  }
0xb2: {  	_ =	task [dreg:s9], $0x5FFFF  }
0xb3: {  	[dreg:$0x1] =	wrdreg $0xFFFFFFFF  }
0xb4: {  	[dreg:$0x0] =	wrdreg $0x60  }
0xb5: {  	[dreg:$0x2] =	wrdreg s16  }
0xb6: {  	[dreg:$0x3] =	wrdreg s15  }
0xb7: {  	[dreg:$0x4] =	wrdreg s17  }
0xb8: {  	[dreg:$0x5] =	wrdreg s23  }
0xb9: {  	[dreg:$0x6] =	wrdreg s1  }
0xba: {  	[dreg:$0x7] =	wrdreg s24  }
0xbb: {  	[dreg:$0x8] =	wrdreg $0xA  }
0xbc: {  	_ =	task.clear_ibuf [dreg:s9], $0x9FFFF;
	_ =	strace $0x90000058  }
0xbd: {  	s29 =	simm.s32 $0xA;
	_ =	strace $0x8000005A  }
0xbe: {  	_ =	swait.ge [sflag:s29], $0x1  }
0xbf: {  	[sflag:s29] =	ssyncadd.s32 $0xFFFFFFFF  }
0xc0: {  	_ =	strace $0x9000005A  }
0xc1: {  	_ =	sfence  }
0xc2: {  	s30 =	sld [smem:$0x0];
	_ =	sdelay $0x2  }
0xc3: {  	s31 =	sshll.u32 s1, $0xD;
	s1 =	sshrl.u32 s1, $0x2  }
0xc4: {  	s3 =	sand.u32 $0x4000, s31;
	s1 =	sadd.s32 s1, s30  }
0xc5: {  	s0 =	sor.u32 s3, s0;
	s1 =	sshll.u32 s1, $0x11  }
0xc6: {  	s0 =	sor.u32 s1, s0  }
0xc7: {  	s0 =	sadd.s32 $0x8F2B, s0  }
0xc8: {  	[sflag:s0] =	ssyncadd.remote.s32 $0x1  }
0xc9: {  	_ =	sfence.sel $0xFFFF  }
0xca: {  	[dreg:$0x0] =	wrdreg $0xFFFFFFFF;
	(pc) =	sbr.abs _section_cstart, $3  }
0xcb: {  	[dreg:$0x1] =	wrdreg $0xFFFFFFFF  }
0xcc: {  	_ =	task.clear_ibuf [dreg:s9], $0x2FFFF;
	_ =	strace $0x9FFFFFFF  }
0xcd: {  	(tm) =	ssettm $0x7FFFFFFF  }
tec
execute0_lowered:
.L_overlay_start_1:
0x0: {  	(tag) =	ssettag $0x1  }
0x1: {  	s1 =	rddreg [dreg:$0x0]  }
0x2: {  	s15 =	rddreg [dreg:$0x1]  }
0x3: {  	s9 =	rddreg [dreg:$0x2]  }
0x4: {  	s2 =	rddreg [dreg:$0x3]  }
0x5: {  	s3 =	rddreg [dreg:$0x4];
	_ =	strace $0x80000059;
	s0 =	simm.s32 $0x1  }
0x6: {  	v0 =	vimm.s32 $0x0;
	[sflag:s0] =	ssyncpa.u1 $0x0;
	s0 =	simm.s32 $0x108  }
0x7: {  	[tilespmem:s0+$0x70] =	vst v0  }
0x8: {  	[tilespmem:s0+$0x60] =	vst v0  }
0x9: {  	[tilespmem:s0+$0x50] =	vst v0  }
0xa: {  	[tilespmem:s0+$0x40] =	vst v0  }
0xb: {  	[tilespmem:s0+$0x30] =	vst v0  }
0xc: {  	s3 =	sand.u32 $0x1, s3;
	s14 =	sadd.s32 $0x10C00, s2;
	[tilespmem:s0+$0x20] =	vst v0  }
0xd: {  	[dreg:$0x7] =	wrdreg s3;
	s16 =	sshll.u32 s3, $0xD;
	s3 =	simm.s32 $0x40;
	[tilespmem:s0+$0x10] =	vst v0  }
.LBB2_1:
0xe: {  	s3 =	sadd.s32 $0x40, s3;
	[tilespmem:s0+$0x0] =	vst v0;
	s0 =	sadd.s32 $0x80, s0  }
0xf: {  	p0 =	slt.u32 s3, $0x3C40;
	[tilespmem:s0+$0x70] =	vst v0  }
0x10: {  	[tilespmem:s0+$0x60] =	vst v0  }
.Ltmp0:
0x11: {  	[tilespmem:s0+$0x50] =	vst v0;
	(pc) =	sbr.rel @p0 .LBB2_1-.Ltmp0, $4  }
0x12: {  	[tilespmem:s0+$0x40] =	vst v0  }
0x13: {  	[tilespmem:s0+$0x30] =	vst v0  }
0x14: {  	[tilespmem:s0+$0x20] =	vst v0  }
0x15: {  	[tilespmem:s0+$0x10] =	vst v0  }
0x16: {  	s5 =	stileid.u32  }
0x17: {  	s2 =	smul.u32 $0x11, s5  }
0x18: {  	s3 =	smin.u32 s5, $0x2  }
0x19: {  	s2 =	sadd.s32 s3, s2  }
0x1a: {  	p0 =	slt.u32 s5, $0x2;
	s7 =	smul.u32 $0xF0, s2;
	s2 =	simm.s32 $0x10E0  }
0x1b: {  	s2 =	simm.s32 @!p0 $0xFF0  }
0x1c: {  	s2 =	sadd.s32 s2, s7  }
0x1d: {  	s8 =	smin.u32 s2, $0x10000  }
0x1e: {  	s2 =	ssub.s32 s8, s7  }
0x1f: {  	p0 =	sgt.s32 s2, $0x0  }
0x20: {  	s2 =	simm.s32 @!p0 $0x0  }
0x21: {  	s30 =	simm.s32 $0x2;
	s10 =	simm.s32 $0x9;
	s29 =	smulhi.u32 $0x88888889, s2  }
0x22: {  	s4 =	simm.s32 $0xA;
	s11 =	simm.s32 $0xB;
	s12 =	simm.s32 $0x1  }
0x23: {  	s14 =	sadd.s32 s16, s14;
	s15 =	sadd.s32 s16, s15;
	s31 =	sshrl.u32 s29, $0x7  }
0x24: {  	s22 =	simm.s32 $0x0;
	s18 =	simm.s32 $0xC;
	s3 =	smul.u32 $0xF0, s31  }
.Ltmp1:
0x25: {  	[tilespmem:s0+$0x0] =	vst v0;
	v0 =	vimm.s32 $0xFFFFFFFF;
	s20 =	simm.s32 $0x0;
	[sflag:s30] =	ssyncpa.u1 $0x0;
	(pc) =	sbr.rel .LBB2_3-.Ltmp1, $4  }
0x26: {  	[tilespmem:$0xF208] =	vst v0;
	[sflag:s10] =	ssyncpa.u1 $0x0;
	p0 =	sne.s32 s2, s3;
	s2 =	simm.s32 $0x1  }
0x27: {  	s21 =	simm.s32 $0x0;
	[sflag:s4] =	ssyncpa.u1 $0x0;
	s2 =	simm.s32 @!p0 $0x0  }
0x28: {  	s16 =	sshll.u32 s5, $0x8;
	[sflag:s11] =	ssyncpa.u1 $0x0;
	s13 =	sadd.s32 s2, s31  }
0x29: {  	v0 =	vlaneseq.u32;
	s19 =	smov.u32 s7;
	p0 =	por $0x0, $0x0;
	s17 =	sadd.s32 $0x1, s13  }
.LBB2_18:
0x2a: {  	s0 =	sshrl.u32 s31, $0x2  }
.LBB2_20:
0x2b: {  	_ =	swait.ge [sflag:s18], s0  }
0x2c: {  	s31 =	ssub.s32 $0x0, s0;
	v1 =	vmov s24;
	vm0 =	veq.s32 v0, $0x0;
	[sflag:s18] =	ssyncset.done $0x0  }
0x2d: {  	vm15 =	veq.s32 v0, $0x2;
	v1 =	vsel vm0, s30, v1;
	[sflag:s18] =	ssyncadd.s32 s31  }
0x2e: {  	v1 =	vsel vm15, s22, v1;
	[sflag:s18] =	ssyncpa.u1 $0x1  }
0x2f: {  	[tilespmem:$0xF208] =	vst v1  }
.LBB2_21:
0x30: {  	s0 =	sadd.s32 $0xF0, s19  }
0x31: {  	s2 =	smov.u32 s7;
	p1 =	slt.s32 s0, s8  }
0x32: {  	s2 =	smov.u32 @p1 s0;
	p1 =	sne.s32 s21, s17  }
.Ltmp2:
0x33: {  	_ = 	snop;
	(pc) =	sbr.rel @!p1 .LBB2_22-.Ltmp2, $3  }
0x34: {  	_ =	sdelay $0x1  }
0x35: {  	s22 =	smov.u32 s20;
	s31 =	sadd.s32 $0x1, s21;
	s20 =	smov.u32 s19  }
0x36: {  	p0 =	por !p0, !p0;
	s21 =	smov.u32 s31;
	s19 =	smov.u32 s2  }
.LBB2_3:
0x37: {  	p1 =	sge.u32 s21, s13  }
0x38: {  	s0 =	smulhi.u32 @!p1 $0xAAAAAAAB, s21  }
0x39: {  	s2 =	smov.u32 s19;
	p2 =	sgt.s32 @!p1 s19, $0xFF10  }
0x3a: {  	s3 =	sshra.s32 @!p1 s19, $0x1F;
	p2 =	por !p2, p1;
	s0 =	sshrl.u32 @!p1 s0, $0x1  }
0x3b: {  	s3 =	sand.u32 @!p1 s3, s19;
	s2 =	simm.s32 @p2 $0xFF10;
	s0 =	smul.u32 @!p1 $0x3, s0  }
0x3c: {  	s2 =	ssub.s32 @!p1 s2, s3  }
0x3d: {  	s2 =	sadd.s32 @!p1 $0xFFFF00F0, s2;
	s0 =	ssub.s32 @!p1 s21, s0  }
0x3e: {  	s3 =	sshll.u32 @!p1 s2, $0x2;
	p2 =	sgt.s32 @!p1 s2, $0xEF;
	s0 =	smul.u32 @!p1 $0x3C0, s0  }
0x3f: {  	s4 =	sand.u32 @!p1 $0x7, s19;
	s2 =	ssub.s32 @!p1 $0x3C0, s3;
	p2 =	por !p2, p1  }
0x40: {  	s3 =	sshrl.u32 @!p1 s19, $0x3;
	s2 =	sshrl.u32 @!p1 s2, $0x2;
	s0 =	sshrl.u32 @!p1 s0, $0x2  }
0x41: {  	s3 =	sadd.s32 @!p1 s3, s14;
	s2 =	simm.s32 @!p2 $0x0;
	s0 =	sadd.s32 @!p1 $0x10248, s0  }
0x42: {  	[tilespmem:s0], [sflag:$0xA] =	stream.linear.gather @!p1 [hbm4b:s3+s4], s2, $0x38;
	[tilespmem:$0x1F6F8] =	vst v63  }
0x43: {  	s0 =	sadd.s32 $0xFFFFFFFF, s21  }
0x44: {  	p1 =	sge.u32 s0, s13  }
0x45: {  	p2 =	sgt.s32 @!p1 s20, $0xFF10  }
0x46: {  	s2 =	smov.u32 s20;
	s3 =	sshra.s32 @!p1 s20, $0x1F;
	p2 =	por !p2, p1  }
0x47: {  	s3 =	sand.u32 @!p1 s3, s20;
	s2 =	simm.s32 @p2 $0xFF10  }
0x48: {  	s2 =	ssub.s32 @!p1 s2, s3  }
0x49: {  	s2 =	sadd.s32 @!p1 $0xFFFF00F0, s2  }
0x4a: {  	s4 =	sand.u32 @!p1 $0x1, s0;
	s3 =	sshll.u32 @!p1 s2, $0x2  }
0x4b: {  	p2 =	sgt.s32 @!p1 s2, $0xEF;
	s2 =	ssub.s32 @!p1 $0x3C0, s3;
	s3 =	smulhi.u32 @!p1 $0xAAAAAAAB, s0  }
0x4c: {  	s23 =	smul.u32 @!p1 $0x3C0, s4;
	p2 =	por !p2, p1;
	s2 =	sshrl.u32 @!p1 s2, $0x2  }
0x4d: {  	s5 =	simm.s32 @!p1 $0xA;
	s2 =	simm.s32 @!p2 $0x0;
	s3 =	sshrl.u32 @!p1 s3, $0x1  }
0x4e: {  	s23 =	sshrl.u32 @!p1 s23, $0x2;
	_ =	swait.ge @!p1 [sflag:s5], s2;
	s3 =	smul.u32 @!p1 $0x3, s3  }
0x4f: {  	s23 =	sadd.s32 @!p1 $0x10518, s23;
	s24 =	ssub.s32 @!p1 $0x0, s2;
	[sflag:s5] =	ssyncset.done @!p1 $0x0  }
0x50: {  	[sflag:s5] =	ssyncadd.s32 @!p1 s24;
	s5 =	sshrl.u32 @!p1 s20, $0x3;
	s0 =	ssub.s32 @!p1 s0, s3  }
0x51: {  	s24 =	sand.u32 @!p1 $0x7, s20;
	s5 =	sadd.s32 @!p1 s5, s15;
	s0 =	smul.u32 @!p1 $0x3C0, s0  }
0x52: {  	[tilespmem:s23], [sflag:$0xB] =	stream.linear.gather @!p1 [hbm4b:s5+s24], s2, $0x38;
	[tilespmem:$0x1F6F8] =	vst v63  }
0x53: {  	s3 =	ssub.s32 @!p1 $0x10000, s20;
	s2 =	smul.u32 @!p1 $0x1E000, s4  }
0x54: {  	p2 =	slt.s32 @!p1 s3, $0xF0  }
0x55: {  	p2 =	por !p2, p1;
	s0 =	sshrl.u32 @!p1 s0, $0x2;
	s2 =	sshrl.u32 @!p1 s2, $0x2  }
0x56: {  	s3 =	simm.s32 @p2 $0xF0;
	s0 =	sadd.s32 @!p1 $0x10248, s0;
	s2 =	sor.u32 @!p1 $0x106F8, s2  }
0x57: {  	[tilespmem:s2], [sflag:$0x9] =	stream.indirect.gather @!p1 [hbm4b:s9+s3], $0x80, s0, s3, $0xb8;
	[tilespmem:$0x1F6F8] =	vst v63  }
0x58: {  	p1 =	slt.u32 s21, $0x2  }
.Ltmp3:
0x59: {  	_ = 	snop;
	(pc) =	sbr.rel @p1 .LBB2_21-.Ltmp3, $1  }
0x5a: {  	_ =	sdelay $0x3  }
0x5b: {  	p1 =	sgt.s32 s22, $0xFF10  }
0x5c: {  	s0 =	smov.u32 s22;
	s2 =	sshra.s32 s22, $0x1F;
	s3 =	ssub.s32 $0x10000, s22  }
0x5d: {  	s0 =	simm.s32 @!p1 $0xFF10;
	s2 =	sand.u32 s2, s22;
	p1 =	slt.s32 s3, $0xF0  }
0x5e: {  	s0 =	ssub.s32 s0, s2;
	s3 =	simm.s32 @!p1 $0xF0  }
0x5f: {  	s0 =	sadd.s32 $0xFFFF00F0, s0;
	s25 =	sshll.u32 s3, $0x7  }
0x60: {  	s26 =	sshll.u32 s0, $0x2;
	s2 =	sand.u32 $0x3FFFFF80, s25  }
0x61: {  	p1 =	sgt.s32 s0, $0xEF;
	s29 =	ssub.s32 $0x3C0, s26;
	_ =	swait.ge [sflag:s10], s2  }
0x62: {  	s2 =	ssub.s32 $0x0, s2;
	[sflag:s10] =	ssyncset.done $0x0;
	s0 =	sshrl.u32 s29, $0x2  }
0x63: {  	[sflag:s10] =	ssyncadd.s32 s2;
	s0 =	simm.s32 @p1 $0x0  }
0x64: {  	_ =	swait.ge [sflag:s11], s0  }
0x65: {  	s0 =	ssub.s32 $0x0, s0;
	[sflag:s11] =	ssyncset.done $0x0  }
0x66: {  	[sflag:s11] =	ssyncadd.s32 s0  }
0x67: {  	v1 =	vld [tilespmem:$0xF208];
	_ =	sdelay $0x4  }
0x68: {  	(v2sf) =	vpush v1, $0x0  }
0x69: {  	(v2sf) =	vpush v1, $0x1  }
0x6a: {  	(v2sf) =	vpush v1, $0x2;
	_ =	sdelay $0x3  }
0x6b: {  	s0 =	sadd.s32 $0xF0, s22  }
0x6c: {  	s2 =	ssub.s32 $0x20000, s22;
	p1 =	slt.s32 s8, s0  }
0x6d: {  	s0 =	smov.u32 @p1 s8;
	p1 =	sgt.s32 s2, $0x0  }
0x6e: {  	s26 =	ssub.s32 s0, s22;
	s2 =	simm.s32 @!p1 $0x0  }
0x6f: {  	p1 =	slt.s32 s2, s26  }
0x70: {  	s26 =	smov.u32 @p1 s2  }
0x71: {  	s25 =	simm.s32 $0x1;
	p1 =	slt.s32 s26, $0x1  }
.Ltmp4:
0x72: {  	s25 =	simm.s32 @!p0 $0x0;
	(pc) =	sbr.rel @p1 .LBB2_8-.Ltmp4, $4  }
0x73: {  	s31 =	smul.u32 $0x3C0, s25  }
0x74: {  	s28 =	spop (v2sf)  }
0x75: {  	s0 =	sshrl.u32 s31, $0x2;
	s30 =	spop (v2sf)  }
0x76: {  	s23 =	sadd.s32 $0x10518, s0;
	s22 =	spop (v2sf)  }
0x77: {  	s0 =	smin.u32 s26, $0x10  }
0x78: {  	v1 =	vmov s0  }
0x79: {  	p2 =	sgt.s32 s26, $0x10;
	vm1 =	vgt.u32 v1, v0  }
.Ltmp5:
0x7a: {  	_ = 	snop;
	(pc) =	sbr.rel @!p2 .LBB2_7-.Ltmp5, $2  }
0x7b: {  	_ =	sdelay $0x2  }
0x7c: {  	s4 =	simm.s32 $0x10;
	s24 =	sadd.s32 $0xFFFFFFF0, s26;
	s0 =	smov.u32 s23;
	vm0 =	vmmov vm1  }
.LBB2_6:
0x7d: {  	s2 =	smin.u32 s24, $0x10;
	s4 =	sadd.s32 $0x10, s4;
	v1 =	vld.msk [tilespmem:s0+$0x0 ss:$0x1], vm1  }
0x7e: {  	v2 =	vmov s2;
	p2 =	slt.s32 s4, s26  }
0x7f: {  	vm1 =	vgt.u32 v2, v0  }
.Ltmp6:
0x80: {  	(pc) =	sbr.rel @p2 .LBB2_6-.Ltmp6, $3  }
0x81: {  	_ =	sdelay $0x1  }
0x82: {  	v1 =	vshll.u32 v1, $0x4  }
0x83: {  	s24 =	sadd.s32 $0xFFFFFFF0, s24;
	[tilespmem:s0+$0x0] =	vst.msk vm0, v1;
	s0 =	sadd.s32 $0x10, s0;
	vm0 =	vmmov vm1  }
.LBB2_7:
0x84: {  	_ =	sdelay $0x4  }
0x85: {  	v1 =	vld.msk [tilespmem:s0+$0x0 ss:$0x1], vm1;
	_ =	sdelay $0x4  }
0x86: {  	v1 =	vshll.u32 v1, $0x4  }
0x87: {  	[tilespmem:s0+$0x0] =	vst.msk vm0, v1  }
.LBB2_8:
0x88: {  	s0 =	sand.u32 $0x1, s21  }
0x89: {  	s0 =	smul.u32 $0xF0, s0  }
0x8a: {  	p2 =	sne.s32 s30, $0xFFFFFFFF  }
0x8b: {  	v1 =	vld.msk @!p2 [tilespmem:s0+$0x10518], $0x1;
	_ =	sdelay $0x4  }
0x8c: {  	(v2sf) =	vpush @!p2 v1, $0x0;
	_ =	sdelay $0xc  }
.Ltmp7:
0x8d: {  	_ = 	snop;
	(pc) =	sbr.rel @p1 .LBB2_19-.Ltmp7, $4  }
0x8e: {  	_ = 	snop  }
0x8f: {  	s29 =	spop @!p2 (v2sf)  }
0x90: {  	s22 =	simm.s32 @!p2 $0x0;
	s24 =	smov.u32 s29  }
0x91: {  	[sflag:s18] =	ssyncpa.u1 $0x0;
	s29 =	smov.u32 @p2 s28;
	s24 =	smov.u32 @p2 s30  }
0x92: {  	v1 =	vld.msk [tilespmem:s23+$0x0], $0x1;
	_ =	sdelay $0x4  }
0x93: {  	(v2sf) =	vpush v1, $0x0;
	_ =	sdelay $0xe  }
0x94: {  	s2 =	smul.u32 $0x1E000, s25;
	s0 =	spop (v2sf)  }
0x95: {  	s26 =	ssub.s32 $0x0, s26;
	p1 =	seq.s32 s29, s0  }
0x96: {  	s30 =	sadd.s32 $0x1, s26;
	s2 =	sshrl.u32 s2, $0x2;
	p2 =	sgt.s32 @!p1 s29, $0x0  }
0x97: {  	s25 =	sor.u32 $0x10738, s2;
	s2 =	smov.u32 s29;
	p2 =	por !p2, p1  }
0x98: {  	s2 =	simm.s32 @p2 $0x0;
	p2 =	seq.s32 s30, $0x0  }
.Ltmp8:
0x99: {  	_ = 	snop;
	(pc) =	sbr.rel @p2 .LBB2_11-.Ltmp8, $4  }
0x9a: {  	_ = 	snop  }
0x9b: {  	s28 =	simm.s32 $0x0;
	s31 =	sadd.s32 $0x1, s23;
	s2 =	smin.u32 @!p1 s2, $0x1FFF0  }
0x9c: {  	s4 =	simm.s32 @!p1 $0x1;
	s5 =	simm.s32 @!p1 $0x7988;
	s3 =	sand.u32 @!p1 $0x1FFF8, s2  }
0x9d: {  	s4 =	smov.u32 @p1 s28;
	s2 =	sand.u32 @!p1 $0x7, s2;
	s3 =	sadd.s32 @!p1 s1, s3  }
.LBB2_10:
0x9e: {  	s6 =	smov.u32 s4  }
0x9f: {  	[tilespmem:s5], [sflag:$0x2] =	stream.linear.gather @!p1 [hbm4b:s3+s2], $0x80, $0x38;
	[tilespmem:$0x1F6F8] =	vst v63  }
0xa0: {  	s30 =	sadd.s32 $0x1, s30;
	s2 =	smov.u32 s0;
	v1 =	vld.msk [tilespmem:s31+$0x0], $0x1  }
0xa1: {  	p2 =	seq.s32 s30, $0x0;
	_ =	sdelay $0x3  }
0xa2: {  	(v2sf) =	vpush v1, $0x0;
	_ =	sdelay $0xe  }
0xa3: {  	s0 =	spop (v2sf)  }
0xa4: {  	p1 =	seq.s32 s2, s0  }
0xa5: {  	p3 =	sgt.s32 @!p1 s2, $0x0;
	s3 =	sshll.u32 @!p1 s4, $0x9;
	s4 =	sadd.s32 @!p1 $0x1, s4  }
.Ltmp9:
0xa6: {  	p3 =	por !p3, p1;
	s3 =	sshra.s32 @!p1 s3, $0x2;
	(pc) =	sbr.rel @!p2 .LBB2_10-.Ltmp9, $4  }
0xa7: {  	s4 =	smov.u32 @p1 s6;
	s2 =	simm.s32 @p3 $0x0;
	s5 =	sadd.s32 @!p1 $0x7988, s3  }
0xa8: {  	s2 =	smin.u32 @!p1 s2, $0x1FFF0  }
0xa9: {  	s3 =	sand.u32 @!p1 $0x1FFF8, s2;
	s2 =	sand.u32 @!p1 $0x7, s2  }
0xaa: {  	s31 =	sadd.s32 $0x1, s31;
	s3 =	sadd.s32 @!p1 s1, s3  }
.LBB2_11:
0xab: {  	[tilespmem:s5], [sflag:$0x2] =	stream.linear.gather @!p1 [hbm4b:s3+s2], $0x80, $0x38;
	[tilespmem:$0x1F6F8] =	vst v63  }
.Ltmp10:
0xac: {  	s0 =	sshll.u32 s4, $0x7;
	(pc) =	sbr.rel .LBB2_12-.Ltmp10, $4  }
0xad: {  	s30 =	simm.s32 $0x2;
	s0 =	sand.u32 $0x3FFFFF80, s0  }
0xae: {  	_ =	swait.ge [sflag:s30], s0  }
0xaf: {  	s0 =	ssub.s32 $0x0, s0;
	[sflag:s30] =	ssyncset.done $0x0  }
0xb0: {  	s31 =	simm.s32 $0x0;
	[sflag:s30] =	ssyncadd.s32 s0  }
.LBB2_13:
0xb1: {  	v1 =	vld [tilespmem:s25+$0xFFFFFFC0];
	_ =	sdelay $0x3  }
0xb2: {  	s0 =	sshra.s32 s0, $0x2  }
0xb3: {  	[tilespmem:s0+$0x108] =	vst.add.f32.msk $0xffff, v1  }
0xb4: {  	v1 =	vld [tilespmem:s25+$0xFFFFFFD0];
	_ =	sdelay $0x4  }
0xb5: {  	[tilespmem:s0+$0x118] =	vst.add.f32.msk $0xffff, v1  }
0xb6: {  	v1 =	vld [tilespmem:s25+$0xFFFFFFE0];
	_ =	sdelay $0x4  }
0xb7: {  	[tilespmem:s0+$0x128] =	vst.add.f32.msk $0xffff, v1  }
0xb8: {  	v1 =	vld [tilespmem:s25+$0xFFFFFFF0];
	_ =	sdelay $0x4  }
0xb9: {  	[tilespmem:s0+$0x138] =	vst.add.f32.msk $0xffff, v1  }
0xba: {  	v1 =	vld [tilespmem:s25+$0x0];
	_ =	sdelay $0x4  }
0xbb: {  	[tilespmem:s0+$0x148] =	vst.add.f32.msk $0xffff, v1  }
0xbc: {  	v1 =	vld [tilespmem:s25+$0x10];
	_ =	sdelay $0x4  }
0xbd: {  	[tilespmem:s0+$0x158] =	vst.add.f32.msk $0xffff, v1  }
0xbe: {  	v1 =	vld [tilespmem:s25+$0x20];
	_ =	sdelay $0x4  }
0xbf: {  	[tilespmem:s0+$0x168] =	vst.add.f32.msk $0xffff, v1  }
0xc0: {  	v1 =	vld [tilespmem:s25+$0x30];
	_ =	sdelay $0x4  }
0xc1: {  	[tilespmem:s0+$0x178] =	vst.add.f32.msk $0xffff, v1  }
.LBB2_17:
0xc2: {  	s26 =	sadd.s32 $0x1, s26  }
0xc3: {  	p1 =	seq.s32 s26, $0x0  }
.Ltmp11:
0xc4: {  	_ = 	snop;
	(pc) =	sbr.rel @p1 .LBB2_18-.Ltmp11, $2  }
0xc5: {  	_ =	sdelay $0x2  }
0xc6: {  	s23 =	sadd.s32 $0x1, s23;
	s25 =	sadd.s32 $0x80, s25;
	s29 =	smov.u32 s30  }
.LBB2_12:
0xc7: {  	v1 =	vld.msk [tilespmem:s23+$0x0], $0x1;
	_ =	sdelay $0x4  }
0xc8: {  	(v2sf) =	vpush v1, $0x0;
	_ =	sdelay $0xe  }
0xc9: {  	s30 =	spop (v2sf)  }
0xca: {  	p1 =	sne.s32 s29, s30  }
.Ltmp12:
0xcb: {  	_ = 	snop;
	(pc) =	sbr.rel @!p1 .LBB2_13-.Ltmp12, $2  }
0xcc: {  	_ =	sdelay $0x2  }
0xcd: {  	s0 =	sshll.u32 s22, $0x9  }
0xce: {  	p1 =	seq.s32 s29, s24  }
.Ltmp13:
0xcf: {  	_ = 	snop;
	(pc) =	sbr.rel @!p1 .LBB2_15-.Ltmp13, $1  }
0xd0: {  	_ =	sdelay $0x3  }
0xd1: {  	s0 =	sshra.s32 s0, $0x2  }
.Ltmp14:
0xd2: {  	s0 =	sadd.s32 $0x108, s0;
	(pc) =	sbr.rel .LBB2_16-.Ltmp14, $4  }
0xd3: {  	[spmem:s16] =	stream.linear.scatter [tilespmem:s0], [sflag:$0x1], $0x80, $0x38;
	[tilespmem:$0x1F6F8] =	vst v63  }
0xd4: {  	_ =	swait.ge [sflag:s12], $0x80  }
0xd5: {  	[sflag:s12] =	ssyncset.done $0x0  }
0xd6: {  	[sflag:s12] =	ssyncadd.s32 $0xFFFFFF80  }
.LBB2_15:
0xd7: {  	s2 =	sshll.u32 s28, $0x9  }
0xd8: {  	s2 =	sshra.s32 s2, $0x2  }
0xd9: {  	v1 =	vld [tilespmem:s2+$0x7988];
	_ =	sdelay $0x3  }
0xda: {  	s0 =	sshra.s32 s0, $0x2  }
0xdb: {  	[tilespmem:s0+$0x108] =	vst.add.f32.msk $0xffff, v1  }
0xdc: {  	v1 =	vld [tilespmem:s2+$0x7998];
	_ =	sdelay $0x4  }
0xdd: {  	[tilespmem:s0+$0x118] =	vst.add.f32.msk $0xffff, v1  }
0xde: {  	v1 =	vld [tilespmem:s2+$0x79A8];
	_ =	sdelay $0x4  }
0xdf: {  	[tilespmem:s0+$0x128] =	vst.add.f32.msk $0xffff, v1  }
0xe0: {  	v1 =	vld [tilespmem:s2+$0x79B8];
	_ =	sdelay $0x4  }
0xe1: {  	[tilespmem:s0+$0x138] =	vst.add.f32.msk $0xffff, v1  }
0xe2: {  	v1 =	vld [tilespmem:s2+$0x79C8];
	_ =	sdelay $0x4  }
0xe3: {  	[tilespmem:s0+$0x148] =	vst.add.f32.msk $0xffff, v1  }
0xe4: {  	v1 =	vld [tilespmem:s2+$0x79D8];
	_ =	sdelay $0x4  }
0xe5: {  	[tilespmem:s0+$0x158] =	vst.add.f32.msk $0xffff, v1  }
0xe6: {  	v1 =	vld [tilespmem:s2+$0x79E8];
	_ =	sdelay $0x4  }
0xe7: {  	[tilespmem:s0+$0x168] =	vst.add.f32.msk $0xffff, v1  }
0xe8: {  	v1 =	vld [tilespmem:s2+$0x79F8];
	_ =	sdelay $0x2  }
0xe9: {  	p1 =	sgt.u32 s29, $0x1FFF0  }
0xea: {  	s2 =	sand.u32 @!p1 $0x1FFF8, s29  }
0xeb: {  	s3 =	sadd.s32 $0x108, s0;
	[tilespmem:s0+$0x178] =	vst.add.f32.msk $0xffff, v1;
	s0 =	sadd.s32 @!p1 s1, s2;
	s2 =	sand.u32 @!p1 $0x7, s29  }
0xec: {  	[hbm4b:s0+s2] =	stream.linear.scatter @!p1 [tilespmem:s3], [sflag:$0xC], $0x80, $0x38;
	[tilespmem:$0x1F6F8] =	vst v63  }
0xed: {  	s0 =	simm.s32 $0x0  }
0xee: {  	s0 =	simm.s32 @!p1 $0x200  }
0xef: {  	s31 =	sadd.s32 s0, s31  }
.LBB2_16:
0xf0: {  	s0 =	sadd.s32 $0x1, s22  }
0xf1: {  	s2 =	smulhi.u32 $0x88888889, s0;
	_ =	sdelay $0x1  }
0xf2: {  	v1 =	vld [tilespmem:s25+$0xFFFFFFC0];
	s2 =	sshrl.u32 s2, $0x7  }
0xf3: {  	s2 =	smul.u32 $0xF0, s2;
	_ =	sdelay $0x1  }
0xf4: {  	s22 =	ssub.s32 s0, s2  }
0xf5: {  	s0 =	sshll.u32 s22, $0x7  }
0xf6: {  	[tilespmem:s0+$0x108] =	vst v1  }
0xf7: {  	v1 =	vld [tilespmem:s25+$0xFFFFFFD0];
	_ =	sdelay $0x4  }
0xf8: {  	[tilespmem:s0+$0x118] =	vst v1  }
0xf9: {  	v1 =	vld [tilespmem:s25+$0xFFFFFFE0];
	_ =	sdelay $0x4  }
0xfa: {  	[tilespmem:s0+$0x128] =	vst v1  }
0xfb: {  	v1 =	vld [tilespmem:s25+$0xFFFFFFF0];
	_ =	sdelay $0x4  }
0xfc: {  	[tilespmem:s0+$0x138] =	vst v1  }
0xfd: {  	v1 =	vld [tilespmem:s25+$0x0];
	_ =	sdelay $0x4  }
0xfe: {  	[tilespmem:s0+$0x148] =	vst v1  }
0xff: {  	v1 =	vld [tilespmem:s25+$0x10];
	_ =	sdelay $0x4  }
0x100: {  	[tilespmem:s0+$0x158] =	vst v1  }
0x101: {  	v1 =	vld [tilespmem:s25+$0x20];
	_ =	sdelay $0x4  }
0x102: {  	[tilespmem:s0+$0x168] =	vst v1  }
0x103: {  	v1 =	vld [tilespmem:s25+$0x30]  }
.Ltmp15:
0x104: {  	_ = 	snop;
	(pc) =	sbr.rel .LBB2_17-.Ltmp15, $2  }
0x105: {  	_ =	sdelay $0x2  }
0x106: {  	s28 =	sadd.s32 $0x1, s28;
	[tilespmem:s0+$0x178] =	vst v1  }
.LBB2_19:
.Ltmp16:
0x107: {  	(pc) =	sbr.rel .LBB2_20-.Ltmp16, $4  }
0x108: {  	_ = 	snop  }
0x109: {  	s0 =	simm.s32 $0x2  }
0x10a: {  	_ =	swait.ge [sflag:s0], $0x0  }
0x10b: {  	s30 =	smov.u32 s29;
	[sflag:s0] =	ssyncset.done $0x0;
	s0 =	simm.s32 $0x0  }
.LBB2_22:
0x10c: {  	_ =	sfence.sel $0x180000  }
0x10d: {  	s0 =	simm.s32 $0x9;
	[bflag:$0x0] =	sbarrier.arrive $0xFFFF  }
0x10e: {  	s24 =	simm.s32 $0xA;
	[sflag:s0] =	ssyncpa.u1 $0x1  }
0x10f: {  	s25 =	simm.s32 $0xB;
	[sflag:s24] =	ssyncpa.u1 $0x1  }
0x110: {  	s26 =	simm.s32 $0x2;
	[sflag:s25] =	ssyncpa.u1 $0x1  }
0x111: {  	[sflag:s26] =	ssyncpa.u1 $0x1  }
0x112: {  	v0 =	vld [tilespmem:$0xF208];
	_ =	sdelay $0x4  }
0x113: {  	(v2sf) =	vpush v0, $0x0  }
0x114: {  	(v2sf) =	vpush v0, $0x1;
	_ =	sdelay $0x1  }
0x115: {  	(v2sf) =	vpush v0, $0x2;
	_ =	sdelay $0xb  }
0x116: {  	s0 =	spop (v2sf)  }
0x117: {  	s2 =	spop (v2sf)  }
0x118: {  	s3 =	smov.u32 s0;
	p0 =	sne.s32 s0, s2  }
0x119: {  	s4 =	spop (v2sf);
	s3 =	simm.s32 @!p0 $0xFFFFFFFF  }
0x11a: {  	v2 =	vimm.s32 $0x1;
	v3 =	vlaneseq.u32;
	p0 =	seq.s32 s4, $0xFFFFFFFF;
	v1 =	vmov s3  }
0x11b: {  	s16 =	stileid.u32;
	v0 =	vperm.xlane v0, v2;
	p1 =	sne.s32 @!p0 s0, s2;
	v1 =	vperm.xlane v1, v3  }
0x11c: {  	vm0 =	vcmask $0x3F04;
	s6 =	simm.s32 $0xF208;
	s0 =	simm.s32 @!p0 $0x1;
	p1 =	por !p1, p0  }
0x11d: {  	s3 =	sshll.u32 s16, $0x1;
	s2 =	sshll.u32 @!p0 s4, $0x9;
	s0 =	simm.s32 @p1 $0x0;
	v0 =	vsel vm0, v1, v0  }
0x11e: {  	s5 =	sor.u32 $0x1000, s3;
	s2 =	sshra.s32 @!p0 s2, $0x2;
	s0 =	sor.u32 @!p0 s0, s3;
	[tilespmem:$0xF208] =	vst v0  }
0x11f: {  	[spmem:s5] =	stream.linear.scatter [tilespmem:s6], [sflag:$0x1], $0x2, $0x38;
	[tilespmem:$0x1F6F8] =	vst v63  }
0x120: {  	s2 =	sadd.s32 @!p0 $0x108, s2;
	s0 =	sshll.u32 @!p0 s0, $0x7  }
0x121: {  	[spmem:s0] =	stream.linear.scatter @!p0 [tilespmem:s2], [sflag:$0x1], $0x80, $0x38;
	[tilespmem:$0x1F6F8] =	vst v63  }
0x122: {  	s0 =	simm.s32 @!p0 $0x82  }
0x123: {  	s28 =	simm.s32 $0x1;
	s0 =	simm.s32 @p0 $0x2  }
0x124: {  	_ =	swait.ge [sflag:s28], s0  }
0x125: {  	s0 =	ssub.s32 $0x0, s0;
	[sflag:s28] =	ssyncset.done $0x0  }
0x126: {  	p0 =	sne.s32 s16, $0x0;
	[sflag:s28] =	ssyncadd.s32 s0  }
.Ltmp17:
0x127: {  	_ =	sfence.stream.spmem;
	(pc) =	sbr.rel @p0 .LBB2_39-.Ltmp17, $4  }
0x128: {  	s29 =	simm.s32 $0x3;
	[bflag:$0x0] =	sbarrier.arrive $0xFFFF  }
0x129: {  	s30 =	simm.s32 $0x4;
	[sflag:s29] =	ssyncpa.u1 $0x1  }
0x12a: {  	s31 =	simm.s32 $0x3C;
	[sflag:s30] =	ssyncpa.u1 $0x1  }
0x12b: {  	s15 =	rddreg [dreg:$0x7];
	[sflag:s31] =	ssyncpa.u1 $0x1  }
0x12c: {  	_ =	sfence.stream.spmem;
	s0 =	simm.s32 $0x5  }
0x12d: {  	s2 =	simm.s32 $0x1000;
	s3 =	simm.s32 $0xF218;
	[sflag:s0] =	ssyncpa.u1 $0x0  }
0x12e: {  	[tilespmem:s3], [sflag:$0x5] =	stream.linear.gather [spmem:s2], $0x20, $0x38;
	[tilespmem:$0x1F6F8] =	vst v63  }
0x12f: {  	s26 =	simm.s32 $0x0;
	s28 =	simm.s32 $0xF238  }
0x130: {  	[tilespmem:s28], [sflag:$0x5] =	stream.linear.gather [spmem:s26], $0x1000, $0x38;
	[tilespmem:$0x1F6F8] =	vst v63  }
0x131: {  	_ =	swait.ge [sflag:s0], $0x1020  }
0x132: {  	[sflag:s0] =	ssyncset.done $0x0  }
0x133: {  	s29 =	simm.s32 $0x0;
	[sflag:s0] =	ssyncadd.s32 $0xFFFFEFE0  }
0x134: {  	v0 =	vld.msk [tilespmem:s29+$0xF218], $0x1;
	_ =	sdelay $0x1  }
0x135: {  	s30 =	simm.s32 $0x1  }
0x136: {  	v1 =	vld.msk [tilespmem:s30+$0xF218], $0x1;
	_ =	sdelay $0x1  }
0x137: {  	(v2sf) =	vpush v0, $0x0;
	_ =	sdelay $0x2  }
0x138: {  	(v2sf) =	vpush v1, $0x0;
	_ =	sdelay $0x2  }
0x139: {  	s31 =	simm.s32 $0x2  }
0x13a: {  	v0 =	vld.msk [tilespmem:s31+$0xF218], $0x1;
	_ =	sdelay $0x2  }
0x13b: {  	s4 =	simm.s32 $0xFFFFFFFF;
	s5 =	simm.s32 $0xFFFFFFFF;
	s0 =	simm.s32 $0xC  }
.LBB2_24:
0x13c: {  	s2 =	smov.u32 s5;
	s3 =	smov.u32 s4  }
0x13d: {  	s4 =	sshra.s32 s0, $0x2;
	p1 =	sne.s32 s0, $0x7C;
	s0 =	sadd.s32 $0x4, s0;
	(v2sf) =	vpush v0, $0x0  }
0x13e: {  	v0 =	vld.msk [tilespmem:s4+$0xF218], $0x1  }
.Ltmp18:
0x13f: {  	(pc) =	sbr.rel @p1 .LBB2_24-.Ltmp18, $4  }
0x140: {  	s5 =	spop (v2sf)  }
0x141: {  	p2 =	sne.s32 s3, $0xFFFFFFFF;
	s4 =	smov.u32 s5  }
0x142: {  	p3 =	seq.s32 s5, $0xFFFFFFFF;
	s4 =	smov.u32 @p2 s3  }
0x143: {  	s5 =	smov.u32 @p3 s2;
	s4 =	smov.u32 @p3 s3  }
0x144: {  	(v2sf) =	vpush v0, $0x0;
	_ =	sdelay $0x8  }
0x145: {  	s0 =	spop (v2sf)  }
0x146: {  	p1 =	sne.s32 s4, $0xFFFFFFFF;
	s2 =	smov.u32 s0  }
0x147: {  	s9 =	simm.s32 $0x6;
	p2 =	seq.s32 s0, $0xFFFFFFFF;
	s2 =	smov.u32 @p1 s4  }
0x148: {  	s6 =	simm.s32 $0x0;
	s2 =	smov.u32 @p2 s4;
	s3 =	spop (v2sf)  }
0x149: {  	s0 =	smov.u32 @p2 s5;
	p1 =	sne.s32 s2, $0xFFFFFFFF;
	s4 =	smov.u32 s3  }
.Ltmp19:
0x14a: {  	p2 =	seq.s32 s3, $0xFFFFFFFF;
	s4 =	smov.u32 @p1 s2;
	(pc) =	sbr.rel .LBB2_26-.Ltmp19, $4  }
0x14b: {  	s10 =	simm.s32 $0xF188;
	s4 =	smov.u32 @p2 s2;
	s7 =	spop (v2sf)  }
0x14c: {  	s11 =	simm.s32 $0x0;
	p1 =	sne.s32 s4, $0xFFFFFFFF;
	s8 =	smov.u32 s7  }
0x14d: {  	s3 =	smov.u32 @p2 s0;
	p2 =	seq.s32 s7, $0xFFFFFFFF;
	s8 =	smov.u32 @p1 s4  }
0x14e: {  	[sflag:s9] =	ssyncpa.u1 $0x0;
	s7 =	smov.u32 @p2 s3;
	s8 =	smov.u32 @p2 s4  }
.LBB2_32:
0x14f: {  	p1 =	sgt.u32 s12, $0x1FFF0  }
0x150: {  	p2 =	seq.s32 @!p1 s12, s8  }
0x151: {  	p1 =	por p1, p2  }
0x152: {  	p2 =	sne.s32 @!p1 s12, s7  }
0x153: {  	p1 =	por p1, !p2  }
0x154: {  	s0 =	sshll.u32 @p1 s11, $0x9  }
0x155: {  	s0 =	sand.u32 @!p1 $0x1FFF8, s12  }
0x156: {  	s2 =	sand.u32 @!p1 $0x7, s12;
	s0 =	sadd.s32 @!p1 s1, s0  }
0x157: {  	[tilespmem:s10], [sflag:$0x6] =	stream.linear.gather @!p1 [hbm4b:s0+s2], $0x80, $0x38;
	[tilespmem:$0x1F6F8] =	vst v63  }
0x158: {  	_ =	swait.ge @!p1 [sflag:s9], $0x80  }
0x159: {  	[sflag:s9] =	ssyncset.done @!p1 $0x0  }
0x15a: {  	[sflag:s9] =	ssyncadd.s32 @!p1 $0xFFFFFF80  }
0x15b: {  	v1 =	vld @!p1 [tilespmem:$0xF188];
	_ =	sdelay $0x2  }
0x15c: {  	s0 =	sshll.u32 @!p1 s11, $0x9  }
0x15d: {  	s2 =	sshrl.u32 @!p1 s0, $0x2  }
0x15e: {  	[tilespmem:s2+$0xF238] =	vst.add.f32.msk @!p1 $0xffff, v1  }
0x15f: {  	v1 =	vld @!p1 [tilespmem:$0xF198];
	_ =	sdelay $0x4  }
0x160: {  	[tilespmem:s2+$0xF248] =	vst.add.f32.msk @!p1 $0xffff, v1  }
0x161: {  	v1 =	vld @!p1 [tilespmem:$0xF1A8];
	_ =	sdelay $0x4  }
0x162: {  	[tilespmem:s2+$0xF258] =	vst.add.f32.msk @!p1 $0xffff, v1  }
0x163: {  	v1 =	vld @!p1 [tilespmem:$0xF1B8];
	_ =	sdelay $0x4  }
0x164: {  	[tilespmem:s2+$0xF268] =	vst.add.f32.msk @!p1 $0xffff, v1  }
0x165: {  	v1 =	vld @!p1 [tilespmem:$0xF1C8];
	_ =	sdelay $0x4  }
0x166: {  	[tilespmem:s2+$0xF278] =	vst.add.f32.msk @!p1 $0xffff, v1  }
0x167: {  	v1 =	vld @!p1 [tilespmem:$0xF1D8];
	_ =	sdelay $0x4  }
0x168: {  	[tilespmem:s2+$0xF288] =	vst.add.f32.msk @!p1 $0xffff, v1  }
0x169: {  	v1 =	vld @!p1 [tilespmem:$0xF1E8];
	_ =	sdelay $0x4  }
0x16a: {  	[tilespmem:s2+$0xF298] =	vst.add.f32.msk @!p1 $0xffff, v1  }
0x16b: {  	v1 =	vld @!p1 [tilespmem:$0xF1F8];
	_ =	sdelay $0x4  }
0x16c: {  	[tilespmem:s2+$0xF2A8] =	vst.add.f32.msk @!p1 $0xffff, v1  }
0x16d: {  	s0 =	sshrl.u32 s0, $0x2;
	[tilespmem:s6+$0xF218] =	vst.msk $0x1, v0  }
0x16e: {  	v0 =	vld [tilespmem:s0+$0xF238];
	_ =	sdelay $0x2  }
0x16f: {  	s31 =	sshll.u32 s6, $0x9  }
0x170: {  	s2 =	sshra.s32 s31, $0x2  }
0x171: {  	[tilespmem:s2+$0xF238] =	vst v0  }
0x172: {  	v0 =	vld [tilespmem:s0+$0xF248];
	_ =	sdelay $0x4  }
0x173: {  	[tilespmem:s2+$0xF248] =	vst v0  }
0x174: {  	v0 =	vld [tilespmem:s0+$0xF258];
	_ =	sdelay $0x4  }
0x175: {  	[tilespmem:s2+$0xF258] =	vst v0  }
0x176: {  	v0 =	vld [tilespmem:s0+$0xF268];
	_ =	sdelay $0x4  }
0x177: {  	[tilespmem:s2+$0xF268] =	vst v0  }
0x178: {  	v0 =	vld [tilespmem:s0+$0xF278];
	_ =	sdelay $0x4  }
0x179: {  	[tilespmem:s2+$0xF278] =	vst v0  }
0x17a: {  	v0 =	vld [tilespmem:s0+$0xF288];
	_ =	sdelay $0x4  }
0x17b: {  	[tilespmem:s2+$0xF288] =	vst v0  }
0x17c: {  	v0 =	vld [tilespmem:s0+$0xF298];
	_ =	sdelay $0x4  }
0x17d: {  	[tilespmem:s2+$0xF298] =	vst v0  }
0x17e: {  	v0 =	vld [tilespmem:s0+$0xF2A8];
	_ =	sdelay $0x4  }
0x17f: {  	s6 =	sadd.s32 $0x1, s6;
	[tilespmem:s2+$0xF2A8] =	vst v0  }
.LBB2_33:
0x180: {  	s11 =	sadd.s32 $0x1, s11  }
0x181: {  	p1 =	sne.s32 s11, $0x20  }
.Ltmp20:
0x182: {  	_ = 	snop;
	(pc) =	sbr.rel @!p1 .LBB2_34-.Ltmp20, $1  }
0x183: {  	_ =	sdelay $0x3  }
.LBB2_26:
0x184: {  	v0 =	vld.msk [tilespmem:s11+$0xF218], $0x1;
	_ =	sdelay $0x4  }
0x185: {  	(v2sf) =	vpush v0, $0x0;
	_ =	sdelay $0xe  }
0x186: {  	s12 =	spop (v2sf)  }
0x187: {  	p1 =	seq.s32 s12, $0xFFFFFFFF  }
.Ltmp21:
0x188: {  	_ = 	snop;
	(pc) =	sbr.rel @p1 .LBB2_33-.Ltmp21, $1  }
0x189: {  	_ =	sdelay $0x3  }
0x18a: {  	p1 =	slt.s32 s6, $0x1  }
.Ltmp22:
0x18b: {  	_ = 	snop;
	(pc) =	sbr.rel @p1 .LBB2_32-.Ltmp22, $1  }
0x18c: {  	_ =	sdelay $0x3  }
0x18d: {  	s13 =	simm.s32 $0xF218;
	p1 =	por $0x0, $0x0  }
0x18e: {  	v1 =	vld.msk @!p1 [tilespmem:s13+$0x0], $0x1;
	_ =	sdelay $0x4  }
0x18f: {  	(v2sf) =	vpush @!p1 v1, $0x0;
	_ =	sdelay $0xd  }
0x190: {  	p3 =	sne.s32 s6, $0x1  }
.Ltmp23:
0x191: {  	s0 =	spop @!p1 (v2sf);
	(pc) =	sbr.rel @!p3 .LBB2_30-.Ltmp23, $4  }
0x192: {  	p2 =	seq.s32 @!p1 s12, s0  }
0x193: {  	s14 =	simm.s32 $0x0;
	p2 =	por !p2, p1  }
0x194: {  	s2 =	simm.s32 $0xFFFFFFFF;
	s14 =	simm.s32 @p2 $0xFFFFFFFF  }
0x195: {  	s0 =	simm.s32 $0x1;
	s14 =	smov.u32 @p1 s2  }
.LBB2_29:
0x196: {  	s2 =	smov.u32 s14;
	p1 =	sne.s32 s14, $0xFFFFFFFF  }
0x197: {  	s13 =	sadd.s32 $0x1, s13;
	s14 =	smov.u32 s0;
	s0 =	sadd.s32 $0x1, s0  }
0x198: {  	p2 =	sne.s32 s6, s0;
	v1 =	vld.msk @!p1 [tilespmem:s13+$0x0], $0x1;
	_ =	sdelay $0x4  }
0x199: {  	(v2sf) =	vpush @!p1 v1, $0x0;
	_ =	sdelay $0xe  }
.Ltmp24:
0x19a: {  	s3 =	spop @!p1 (v2sf);
	(pc) =	sbr.rel @p2 .LBB2_29-.Ltmp24, $4  }
0x19b: {  	p3 =	seq.s32 @!p1 s12, s3  }
0x19c: {  	p3 =	por !p3, p1  }
0x19d: {  	s14 =	simm.s32 @p3 $0xFFFFFFFF  }
0x19e: {  	s14 =	smov.u32 @p1 s2  }
.LBB2_30:
0x19f: {  	p1 =	seq.s32 s14, $0xFFFFFFFF  }
.Ltmp25:
0x1a0: {  	_ = 	snop;
	(pc) =	sbr.rel @p1 .LBB2_32-.Ltmp25, $1  }
0x1a1: {  	_ =	sdelay $0x3  }
0x1a2: {  	s0 =	sshll.u32 s11, $0x7  }
0x1a3: {  	s0 =	sand.u32 $0x3FFFFF80, s0  }
0x1a4: {  	v0 =	vld [tilespmem:s0+$0xF238];
	_ =	sdelay $0x2  }
0x1a5: {  	s2 =	sshll.u32 s14, $0x9  }
0x1a6: {  	s2 =	sshra.s32 s2, $0x2  }
0x1a7: {  	[tilespmem:s2+$0xF238] =	vst.add.f32.msk $0xffff, v0  }
0x1a8: {  	v0 =	vld [tilespmem:s0+$0xF248];
	_ =	sdelay $0x4  }
0x1a9: {  	[tilespmem:s2+$0xF248] =	vst.add.f32.msk $0xffff, v0  }
0x1aa: {  	v0 =	vld [tilespmem:s0+$0xF258];
	_ =	sdelay $0x4  }
0x1ab: {  	[tilespmem:s2+$0xF258] =	vst.add.f32.msk $0xffff, v0  }
0x1ac: {  	v0 =	vld [tilespmem:s0+$0xF268];
	_ =	sdelay $0x4  }
0x1ad: {  	[tilespmem:s2+$0xF268] =	vst.add.f32.msk $0xffff, v0  }
0x1ae: {  	v0 =	vld [tilespmem:s0+$0xF278];
	_ =	sdelay $0x4  }
0x1af: {  	[tilespmem:s2+$0xF278] =	vst.add.f32.msk $0xffff, v0  }
0x1b0: {  	v0 =	vld [tilespmem:s0+$0xF288];
	_ =	sdelay $0x4  }
0x1b1: {  	[tilespmem:s2+$0xF288] =	vst.add.f32.msk $0xffff, v0  }
0x1b2: {  	v0 =	vld [tilespmem:s0+$0xF298];
	_ =	sdelay $0x4  }
0x1b3: {  	[tilespmem:s2+$0xF298] =	vst.add.f32.msk $0xffff, v0  }
0x1b4: {  	v0 =	vld [tilespmem:s0+$0xF2A8]  }
.Ltmp26:
0x1b5: {  	_ = 	snop;
	(pc) =	sbr.rel .LBB2_33-.Ltmp26, $2  }
0x1b6: {  	_ =	sdelay $0x2  }
0x1b7: {  	[tilespmem:s2+$0xF2A8] =	vst.add.f32.msk $0xffff, v0  }
.LBB2_34:
0x1b8: {  	s0 =	simm.s32 $0x6;
	p1 =	seq.s32 s6, $0x0  }
0x1b9: {  	[sflag:s0] =	ssyncpa.u1 $0x1;
	v0 =	vimm.s32 @p1 $0xFFFFFFFF  }
0x1ba: {  	s9 =	sadd.s32 $0xFFFFFFFF, s6;
	[tilespmem:$0x10238] =	vst @p1 v0  }
0x1bb: {  	v0 =	vld.msk @!p1 [tilespmem:s9+$0xF218], $0x1;
	_ =	sdelay $0x1  }
0x1bc: {  	v1 =	vld.msk @!p1 [tilespmem:$0xF218], $0x1;
	_ =	sdelay $0x2  }
0x1bd: {  	p2 =	seq.s32 @!p1 s9, $0x0;
	v0 =	vbroadcast @!p1 v0, $0x0  }
0x1be: {  	vm0 =	vmmov @!p1 $0x1;
	p2 =	por !p2, p1  }
0x1bf: {  	v1 =	vnsel @!p1 vm0, $0xFFFFFFFF, v1;
	vm0 =	vcmask @!p1 $0x308;
	v0 =	vpsel !p2, $0xFFFFFFFF, v0  }
0x1c0: {  	p2 =	sne.s32 @!p1 s8, s7;
	v0 =	vsel @!p1 vm0, v1, v0  }
0x1c1: {  	s0 =	simm.s32 @!p1 $0xF238;
	s2 =	simm.s32 @!p1 $0x0;
	p3 =	por !p2, p1;
	[tilespmem:$0x10238] =	vst @!p1 v0  }
0x1c2: {  	[spmem:s2] =	stream.linear.scatter @!p1 [tilespmem:s0], [sflag:$0x1], $0x80, $0x38;
	[tilespmem:$0x1F6F8] =	vst v63  }
0x1c3: {  	s0 =	sshll.u32 @!p3 s9, $0x9  }
0x1c4: {  	s0 =	sshra.s32 @!p3 s0, $0x2  }
0x1c5: {  	s2 =	simm.s32 @!p3 $0x80;
	s0 =	sadd.s32 @!p3 $0xF238, s0  }
0x1c6: {  	[spmem:s2] =	stream.linear.scatter @!p3 [tilespmem:s0], [sflag:$0x1], $0x80, $0x38;
	[tilespmem:$0x1F6F8] =	vst v63  }
0x1c7: {  	s0 =	simm.s32 @!p3 $0x1  }
0x1c8: {  	_ =	swait.ge @!p3 [sflag:s0], $0x100  }
0x1c9: {  	p1 =	por p2, p1;
	[sflag:s0] =	ssyncset.done @!p3 $0x0  }
0x1ca: {  	[sflag:s0] =	ssyncadd.s32 @!p3 $0xFFFFFF00;
	s0 =	simm.s32 @!p1 $0x1  }
0x1cb: {  	_ =	swait.ge @!p1 [sflag:s0], $0x80  }
0x1cc: {  	s29 =	simm.s32 $0x10238;
	[sflag:s0] =	ssyncset.done @!p1 $0x0  }
0x1cd: {  	s30 =	simm.s32 $0x1000;
	s31 =	simm.s32 $0x1;
	[sflag:s0] =	ssyncadd.s32 @!p1 $0xFFFFFF80  }
0x1ce: {  	[spmem:s30] =	stream.linear.scatter [tilespmem:s29], [sflag:$0x1], $0x10, $0x38;
	[tilespmem:$0x1F6F8] =	vst v63  }
0x1cf: {  	_ =	swait.ge [sflag:s31], $0x10  }
0x1d0: {  	[sflag:s31] =	ssyncset.done $0x0  }
0x1d1: {  	p1 =	seq.s32 s15, $0x0;
	s8 =	rddreg [dreg:$0x4];
	[sflag:s31] =	ssyncadd.s32 $0xFFFFFFF0  }
0x1d2: {  	s2 =	sshll.u32 @p1 s8, $0xE;
	s7 =	rddreg [dreg:$0x5]  }
0x1d3: {  	s0 =	sadd.s32 @p1 $0x15C3C, s2;
	s2 =	sshll.u32 @p1 s7, $0x11  }
0x1d4: {  	_ =	sfence.stream.spmem;
	s0 =	sor.u32 @p1 s2, s0  }
0x1d5: {  	[sflag:s0] =	ssyncadd.remote.s32 @p1 $0x1;
	s0 =	simm.s32 @p1 $0x4  }
0x1d6: {  	s3 =	simm.s32 @!p1 $0x3C;
	s2 =	sand.u32 $0xFFFFFFFE, s8;
	_ =	swait.ge @p1 [sflag:s0], $0x22  }
0x1d7: {  	s4 =	simm.s32 @!p1 $0x0;
	s2 =	sadd.s32 @!p1 $0x4, s2;
	[sflag:s0] =	ssyncset.done @p1 $0x0  }
0x1d8: {  	s5 =	simm.s32 @!p1 $0x100;
	[sflag:s0] =	ssyncadd.s32 @p1 $0xFFFFFFDE;
	s0 =	sshll.u32 @!p1 s2, $0x1A  }
0x1d9: {  	s2 =	sshll.u32 @!p1 s2, $0xD;
	s0 =	sor.u32 @!p1 s0, s7;
	_ =	swait.eq @!p1 [sflag:s3], $0x1  }
0x1da: {  	s2 =	sor.u32 @!p1 $0x1C04, s2;
	s3 =	simm.s32 @!p1 $0x1C03;
	s0 =	sor.u32 @!p1 $0x80004000, s0  }
0x1db: {  	[spmem:s5], [sflag:s2] =	dma.general @!p1 [spmem:s4], [sflag:s3], length:$0x20, [dreg:$0x0], stride_count:$0x0, ici_dest:s0, dma_misc:DstOpCode:WRITE  }
0x1dc: {  	p2 =	slt.s32 s9, $0x2;
	s4 =	simm.s32 @!p1 $0x200;
	s5 =	simm.s32 @!p1 $0x202  }
0x1dd: {  	[spmem:s5], [sflag:s2] =	dma.general @!p1 [spmem:s4], [sflag:s3], length:$0x2, [dreg:$0x0], stride_count:$0x0, ici_dest:s0, dma_misc:DstOpCode:WRITE  }
.Ltmp27:
0x1de: {  	s0 =	simm.s32 @!p1 $0x3;
	(pc) =	sbr.rel @p2 .LBB2_38-.Ltmp27, $4  }
0x1df: {  	s2 =	sshll.u32 @!p1 s8, $0xE;
	_ =	swait.ge @!p1 [sflag:s0], $0x22  }
0x1e0: {  	s3 =	sshll.u32 @!p1 s7, $0x11;
	s2 =	sadd.s32 @!p1 $0x11C3C, s2;
	[sflag:s0] =	ssyncset.done @!p1 $0x0  }
0x1e1: {  	[sflag:s0] =	ssyncadd.s32 @!p1 $0xFFFFFFDE;
	s0 =	sor.u32 @!p1 s3, s2  }
0x1e2: {  	[sflag:s0] =	ssyncadd.remote.s32 @!p1 $0xFFFFFFFF;
	s0 =	simm.s32 $0x0  }
0x1e3: {  	s0 =	simm.s32 $0xF219  }
0x1e4: {  	v0 =	vld.msk [tilespmem:s0+$0x0], $0x1;
	_ =	sdelay $0x4  }
0x1e5: {  	(v2sf) =	vpush v0, $0x0;
	_ =	sdelay $0xb  }
0x1e6: {  	s31 =	sadd.s32 $0xFFFFFFFE, s6  }
0x1e7: {  	s0 =	sadd.s32 $0xFFFFFFFF, s31  }
0x1e8: {  	p2 =	sne.s32 s0, $0x0  }
.Ltmp28:
0x1e9: {  	s2 =	spop (v2sf);
	(pc) =	sbr.rel @!p2 .LBB2_37-.Ltmp28, $4  }
0x1ea: {  	s4 =	simm.s32 $0xF2B8;
	s7 =	simm.s32 $0x0;
	p1 =	sgt.u32 s2, $0x1FFF0  }
0x1eb: {  	s5 =	simm.s32 $0x0;
	s6 =	simm.s32 $0xF21A;
	s3 =	sand.u32 @!p1 $0x1FFF8, s2  }
0x1ec: {  	s2 =	sand.u32 @!p1 $0x7, s2;
	s7 =	simm.s32 @!p1 $0x200;
	s3 =	sadd.s32 @!p1 s1, s3  }
0x1ed: {  	[hbm4b:s3+s2] =	stream.linear.scatter @!p1 [tilespmem:s4], [sflag:$0x5], $0x80, $0x38;
	[tilespmem:$0x1F6F8] =	vst v63  }
.LBB2_36:
0x1ee: {  	v0 =	vld.msk [tilespmem:s6+$0x0], $0x1;
	s0 =	sadd.s32 $0xFFFFFFFF, s0;
	s5 =	sadd.s32 s5, s7  }
0x1ef: {  	p1 =	sne.s32 s0, $0x0;
	_ =	sdelay $0x3  }
0x1f0: {  	(v2sf) =	vpush v0, $0x0;
	_ =	sdelay $0xe  }
.Ltmp29:
0x1f1: {  	s2 =	spop (v2sf);
	(pc) =	sbr.rel @p1 .LBB2_36-.Ltmp29, $4  }
0x1f2: {  	s7 =	simm.s32 $0x0;
	p2 =	sgt.u32 s2, $0x1FFF0  }
0x1f3: {  	s4 =	sadd.s32 $0x80, s4;
	s7 =	simm.s32 @!p2 $0x200;
	s3 =	sand.u32 @!p2 $0x1FFF8, s2  }
0x1f4: {  	s6 =	sadd.s32 $0x1, s6;
	s2 =	sand.u32 @!p2 $0x7, s2;
	s3 =	sadd.s32 @!p2 s1, s3  }
0x1f5: {  	[hbm4b:s3+s2] =	stream.linear.scatter @!p2 [tilespmem:s4], [sflag:$0x5], $0x80, $0x38;
	[tilespmem:$0x1F6F8] =	vst v63  }
.LBB2_37:
0x1f6: {  	s0 =	sadd.s32 s5, s7  }
0x1f7: {  	s0 =	sshrl.u32 s0, $0x2  }
.LBB2_38:
0x1f8: {  	s2 =	simm.s32 $0x5  }
0x1f9: {  	_ =	swait.ge [sflag:s2], s0  }
0x1fa: {  	s31 =	ssub.s32 $0x0, s0;
	[sflag:s2] =	ssyncset.done $0x0  }
0x1fb: {  	[sflag:s2] =	ssyncadd.s32 s31  }
0x1fc: {  	[sflag:s2] =	ssyncpa.u1 $0x1  }
.LBB2_39:
0x1fd: {  	s0 =	sor.u32 s15, s16  }
0x1fe: {  	p1 =	sne.s32 s0, $0x0  }
.Ltmp30:
0x1ff: {  	_ = 	snop;
	(pc) =	sbr.rel @p1 .LBB2_54-.Ltmp30, $3  }
0x200: {  	_ =	sdelay $0x1  }
0x201: {  	[bflag:$0x0] =	sbarrier.arrive $0xFFFF  }
0x202: {  	_ =	sfence  }
0x203: {  	s0 =	simm.s32 $0x7  }
0x204: {  	s2 =	simm.s32 $0x1000;
	s3 =	simm.s32 $0xF218;
	[sflag:s0] =	ssyncpa.u1 $0x0  }
0x205: {  	[tilespmem:s3], [sflag:$0x7] =	stream.linear.gather [spmem:s2], $0x20, $0x38;
	[tilespmem:$0x1F6F8] =	vst v63  }
0x206: {  	s30 =	simm.s32 $0xF238;
	s2 =	simm.s32 $0x0  }
0x207: {  	[tilespmem:s30], [sflag:$0x7] =	stream.linear.gather [spmem:s2], $0x1000, $0x38;
	[tilespmem:$0x1F6F8] =	vst v63  }
.Ltmp31:
0x208: {  	_ = 	snop;
	(pc) =	sbr.rel .LBB2_41-.Ltmp31, $4  }
0x209: {  	_ =	swait.ge [sflag:s0], $0x1020  }
0x20a: {  	[sflag:s0] =	ssyncset.done $0x0  }
0x20b: {  	s31 =	simm.s32 $0x8;
	[sflag:s0] =	ssyncadd.s32 $0xFFFFEFE0  }
0x20c: {  	s3 =	simm.s32 $0x0;
	[sflag:s31] =	ssyncpa.u1 $0x0  }
.LBB2_47:
0x20d: {  	p1 =	slt.u32 s4, $0x1FFF1  }
0x20e: {  	s0 =	sand.u32 @p1 $0x1FFF8, s4  }
0x20f: {  	s4 =	sand.u32 @p1 $0x7, s4;
	s5 =	simm.s32 @p1 $0xF188;
	s0 =	sadd.s32 @p1 s1, s0  }
0x210: {  	[tilespmem:s5], [sflag:$0x8] =	stream.linear.gather @p1 [hbm4b:s0+s4], $0x80, $0x38;
	[tilespmem:$0x1F6F8] =	vst v63  }
0x211: {  	s0 =	simm.s32 @p1 $0x8  }
0x212: {  	_ =	swait.ge @p1 [sflag:s0], $0x80  }
0x213: {  	[sflag:s0] =	ssyncset.done @p1 $0x0  }
0x214: {  	[sflag:s0] =	ssyncadd.s32 @p1 $0xFFFFFF80  }
0x215: {  	v1 =	vld @p1 [tilespmem:$0xF188];
	_ =	sdelay $0x2  }
0x216: {  	s0 =	sshll.u32 @p1 s3, $0x9  }
0x217: {  	s4 =	sshrl.u32 @p1 s0, $0x2  }
0x218: {  	[tilespmem:s4+$0xF238] =	vst.add.f32.msk @p1 $0xffff, v1  }
0x219: {  	v1 =	vld @p1 [tilespmem:$0xF198];
	_ =	sdelay $0x4  }
0x21a: {  	[tilespmem:s4+$0xF248] =	vst.add.f32.msk @p1 $0xffff, v1  }
0x21b: {  	v1 =	vld @p1 [tilespmem:$0xF1A8];
	_ =	sdelay $0x4  }
0x21c: {  	[tilespmem:s4+$0xF258] =	vst.add.f32.msk @p1 $0xffff, v1  }
0x21d: {  	v1 =	vld @p1 [tilespmem:$0xF1B8];
	_ =	sdelay $0x4  }
0x21e: {  	[tilespmem:s4+$0xF268] =	vst.add.f32.msk @p1 $0xffff, v1  }
0x21f: {  	v1 =	vld @p1 [tilespmem:$0xF1C8];
	_ =	sdelay $0x4  }
0x220: {  	[tilespmem:s4+$0xF278] =	vst.add.f32.msk @p1 $0xffff, v1  }
0x221: {  	v1 =	vld @p1 [tilespmem:$0xF1D8];
	_ =	sdelay $0x4  }
0x222: {  	[tilespmem:s4+$0xF288] =	vst.add.f32.msk @p1 $0xffff, v1  }
0x223: {  	v1 =	vld @p1 [tilespmem:$0xF1E8];
	_ =	sdelay $0x4  }
0x224: {  	[tilespmem:s4+$0xF298] =	vst.add.f32.msk @p1 $0xffff, v1  }
0x225: {  	v1 =	vld @p1 [tilespmem:$0xF1F8];
	_ =	sdelay $0x3  }
0x226: {  	s5 =	sshll.u32 @!p1 s3, $0x9  }
0x227: {  	s5 =	smov.u32 @p1 s0;
	[tilespmem:s4+$0xF2A8] =	vst.add.f32.msk @p1 $0xffff, v1  }
0x228: {  	s0 =	sshrl.u32 s5, $0x2;
	[tilespmem:s2+$0xF218] =	vst.msk $0x1, v0  }
0x229: {  	v0 =	vld [tilespmem:s0+$0xF238];
	_ =	sdelay $0x2  }
0x22a: {  	s31 =	sshll.u32 s2, $0x9  }
0x22b: {  	s4 =	sshra.s32 s31, $0x2  }
0x22c: {  	[tilespmem:s4+$0xF238] =	vst v0  }
0x22d: {  	v0 =	vld [tilespmem:s0+$0xF248];
	_ =	sdelay $0x4  }
0x22e: {  	[tilespmem:s4+$0xF248] =	vst v0  }
0x22f: {  	v0 =	vld [tilespmem:s0+$0xF258];
	_ =	sdelay $0x4  }
0x230: {  	[tilespmem:s4+$0xF258] =	vst v0  }
0x231: {  	v0 =	vld [tilespmem:s0+$0xF268];
	_ =	sdelay $0x4  }
0x232: {  	[tilespmem:s4+$0xF268] =	vst v0  }
0x233: {  	v0 =	vld [tilespmem:s0+$0xF278];
	_ =	sdelay $0x4  }
0x234: {  	[tilespmem:s4+$0xF278] =	vst v0  }
0x235: {  	v0 =	vld [tilespmem:s0+$0xF288];
	_ =	sdelay $0x4  }
0x236: {  	[tilespmem:s4+$0xF288] =	vst v0  }
0x237: {  	v0 =	vld [tilespmem:s0+$0xF298];
	_ =	sdelay $0x4  }
0x238: {  	[tilespmem:s4+$0xF298] =	vst v0  }
0x239: {  	v0 =	vld [tilespmem:s0+$0xF2A8];
	_ =	sdelay $0x4  }
0x23a: {  	s2 =	sadd.s32 $0x1, s2;
	[tilespmem:s4+$0xF2A8] =	vst v0  }
.LBB2_48:
0x23b: {  	s3 =	sadd.s32 $0x1, s3  }
0x23c: {  	p1 =	sne.s32 s3, $0x20  }
.Ltmp32:
0x23d: {  	_ = 	snop;
	(pc) =	sbr.rel @!p1 .LBB2_49-.Ltmp32, $1  }
0x23e: {  	_ =	sdelay $0x3  }
.LBB2_41:
0x23f: {  	v0 =	vld.msk [tilespmem:s3+$0xF218], $0x1;
	_ =	sdelay $0x4  }
0x240: {  	(v2sf) =	vpush v0, $0x0;
	_ =	sdelay $0xe  }
0x241: {  	s4 =	spop (v2sf)  }
0x242: {  	p1 =	seq.s32 s4, $0xFFFFFFFF  }
.Ltmp33:
0x243: {  	_ = 	snop;
	(pc) =	sbr.rel @p1 .LBB2_48-.Ltmp33, $1  }
0x244: {  	_ =	sdelay $0x3  }
0x245: {  	p1 =	slt.s32 s2, $0x1  }
.Ltmp34:
0x246: {  	_ = 	snop;
	(pc) =	sbr.rel @p1 .LBB2_47-.Ltmp34, $1  }
0x247: {  	_ =	sdelay $0x3  }
0x248: {  	s5 =	simm.s32 $0xF218;
	p1 =	por $0x0, $0x0  }
0x249: {  	v1 =	vld.msk @!p1 [tilespmem:s5+$0x0], $0x1;
	_ =	sdelay $0x4  }
0x24a: {  	(v2sf) =	vpush @!p1 v1, $0x0;
	_ =	sdelay $0xd  }
0x24b: {  	p3 =	sne.s32 s2, $0x1  }
.Ltmp35:
0x24c: {  	s0 =	spop @!p1 (v2sf);
	(pc) =	sbr.rel @!p3 .LBB2_45-.Ltmp35, $4  }
0x24d: {  	p2 =	seq.s32 @!p1 s4, s0  }
0x24e: {  	s6 =	simm.s32 $0x0;
	p2 =	por !p2, p1  }
0x24f: {  	s7 =	simm.s32 $0xFFFFFFFF;
	s6 =	simm.s32 @p2 $0xFFFFFFFF  }
0x250: {  	s0 =	simm.s32 $0x1;
	s6 =	smov.u32 @p1 s7  }
.LBB2_44:
0x251: {  	s7 =	smov.u32 s6;
	p1 =	sne.s32 s6, $0xFFFFFFFF  }
0x252: {  	s5 =	sadd.s32 $0x1, s5;
	s6 =	smov.u32 s0;
	s0 =	sadd.s32 $0x1, s0  }
0x253: {  	p2 =	sne.s32 s2, s0;
	v1 =	vld.msk @!p1 [tilespmem:s5+$0x0], $0x1;
	_ =	sdelay $0x4  }
0x254: {  	(v2sf) =	vpush @!p1 v1, $0x0;
	_ =	sdelay $0xe  }
.Ltmp36:
0x255: {  	s8 =	spop @!p1 (v2sf);
	(pc) =	sbr.rel @p2 .LBB2_44-.Ltmp36, $4  }
0x256: {  	p3 =	seq.s32 @!p1 s4, s8  }
0x257: {  	p3 =	por !p3, p1  }
0x258: {  	s6 =	simm.s32 @p3 $0xFFFFFFFF  }
0x259: {  	s6 =	smov.u32 @p1 s7  }
.LBB2_45:
0x25a: {  	p1 =	seq.s32 s6, $0xFFFFFFFF  }
.Ltmp37:
0x25b: {  	_ = 	snop;
	(pc) =	sbr.rel @p1 .LBB2_47-.Ltmp37, $1  }
0x25c: {  	_ =	sdelay $0x3  }
0x25d: {  	s0 =	sshll.u32 s3, $0x7  }
0x25e: {  	s0 =	sand.u32 $0x3FFFFF80, s0  }
0x25f: {  	v0 =	vld [tilespmem:s0+$0xF238];
	_ =	sdelay $0x2  }
0x260: {  	s4 =	sshll.u32 s6, $0x9  }
0x261: {  	s4 =	sshra.s32 s4, $0x2  }
0x262: {  	[tilespmem:s4+$0xF238] =	vst.add.f32.msk $0xffff, v0  }
0x263: {  	v0 =	vld [tilespmem:s0+$0xF248];
	_ =	sdelay $0x4  }
0x264: {  	[tilespmem:s4+$0xF248] =	vst.add.f32.msk $0xffff, v0  }
0x265: {  	v0 =	vld [tilespmem:s0+$0xF258];
	_ =	sdelay $0x4  }
0x266: {  	[tilespmem:s4+$0xF258] =	vst.add.f32.msk $0xffff, v0  }
0x267: {  	v0 =	vld [tilespmem:s0+$0xF268];
	_ =	sdelay $0x4  }
0x268: {  	[tilespmem:s4+$0xF268] =	vst.add.f32.msk $0xffff, v0  }
0x269: {  	v0 =	vld [tilespmem:s0+$0xF278];
	_ =	sdelay $0x4  }
0x26a: {  	[tilespmem:s4+$0xF278] =	vst.add.f32.msk $0xffff, v0  }
0x26b: {  	v0 =	vld [tilespmem:s0+$0xF288];
	_ =	sdelay $0x4  }
0x26c: {  	[tilespmem:s4+$0xF288] =	vst.add.f32.msk $0xffff, v0  }
0x26d: {  	v0 =	vld [tilespmem:s0+$0xF298];
	_ =	sdelay $0x4  }
0x26e: {  	[tilespmem:s4+$0xF298] =	vst.add.f32.msk $0xffff, v0  }
0x26f: {  	v0 =	vld [tilespmem:s0+$0xF2A8]  }
.Ltmp38:
0x270: {  	_ = 	snop;
	(pc) =	sbr.rel .LBB2_48-.Ltmp38, $2  }
0x271: {  	_ =	sdelay $0x2  }
0x272: {  	[tilespmem:s4+$0xF2A8] =	vst.add.f32.msk $0xffff, v0  }
.LBB2_49:
0x273: {  	p1 =	slt.s32 s2, $0x1  }
.Ltmp39:
0x274: {  	_ = 	snop;
	(pc) =	sbr.rel @p1 .LBB2_53-.Ltmp39, $3  }
0x275: {  	_ =	sdelay $0x1  }
0x276: {  	s0 =	simm.s32 $0x8  }
0x277: {  	s3 =	simm.s32 $0x0;
	[sflag:s0] =	ssyncpa.u1 $0x1  }
0x278: {  	s0 =	simm.s32 $0xF218  }
0x279: {  	v0 =	vld.msk [tilespmem:s0+$0x0], $0x1;
	_ =	sdelay $0x4  }
0x27a: {  	(v2sf) =	vpush v0, $0x0;
	_ =	sdelay $0xe  }
0x27b: {  	s0 =	sadd.s32 $0xFFFFFFFF, s2;
	s5 =	spop (v2sf)  }
0x27c: {  	p2 =	sne.s32 s0, $0x0;
	p1 =	sgt.u32 s5, $0x1FFF0  }
.Ltmp40:
0x27d: {  	s6 =	sand.u32 @!p1 $0x1FFF8, s5;
	(pc) =	sbr.rel @!p2 .LBB2_52-.Ltmp40, $4  }
0x27e: {  	s4 =	simm.s32 $0xF238;
	s5 =	sand.u32 @!p1 $0x7, s5;
	s2 =	sadd.s32 @!p1 s1, s6  }
0x27f: {  	[hbm4b:s2+s5] =	stream.linear.scatter @!p1 [tilespmem:s4], [sflag:$0x7], $0x80, $0x38;
	[tilespmem:$0x1F6F8] =	vst v63  }
0x280: {  	s5 =	simm.s32 $0x0  }
0x281: {  	s2 =	simm.s32 $0xF219;
	s5 =	simm.s32 @!p1 $0x200  }
.LBB2_51:
0x282: {  	v0 =	vld.msk [tilespmem:s2+$0x0], $0x1;
	s0 =	sadd.s32 $0xFFFFFFFF, s0;
	s3 =	sadd.s32 s3, s5  }
0x283: {  	p1 =	sne.s32 s0, $0x0;
	_ =	sdelay $0x3  }
0x284: {  	(v2sf) =	vpush v0, $0x0;
	_ =	sdelay $0xe  }
.Ltmp41:
0x285: {  	s6 =	spop (v2sf);
	(pc) =	sbr.rel @p1 .LBB2_51-.Ltmp41, $4  }
0x286: {  	s5 =	simm.s32 $0x0;
	p2 =	sgt.u32 s6, $0x1FFF0  }
0x287: {  	s4 =	sadd.s32 $0x80, s4;
	s5 =	simm.s32 @!p2 $0x200;
	s7 =	sand.u32 @!p2 $0x1FFF8, s6  }
0x288: {  	s2 =	sadd.s32 $0x1, s2;
	s6 =	sand.u32 @!p2 $0x7, s6;
	s7 =	sadd.s32 @!p2 s1, s7  }
0x289: {  	[hbm4b:s7+s6] =	stream.linear.scatter @!p2 [tilespmem:s4], [sflag:$0x7], $0x80, $0x38;
	[tilespmem:$0x1F6F8] =	vst v63  }
.LBB2_52:
0x28a: {  	s0 =	sadd.s32 s3, s5  }
0x28b: {  	s3 =	sshrl.u32 s0, $0x2  }
.LBB2_53:
0x28c: {  	s0 =	simm.s32 $0x7  }
0x28d: {  	_ =	swait.ge [sflag:s0], s3  }
0x28e: {  	s1 =	ssub.s32 $0x0, s3;
	[sflag:s0] =	ssyncset.done $0x0  }
0x28f: {  	[sflag:s0] =	ssyncadd.s32 s1  }
0x290: {  	[sflag:s0] =	ssyncpa.u1 $0x1  }
.LBB2_54:
0x291: {  	_ =	sfence;
	s0 =	simm.s32 $0x1  }
0x292: {  	[sflag:s0] =	ssyncpa.u1 $0x1  }
0x293: {  	_ =	strace $0x90000059  }
0x294: {  	[bflag:$0x2] =	sbarrier.arrive $0xFFFF  }
0x295: {  	s0 =	rddreg [dreg:$0x6]  }
0x296: {  	s0 =	sadd.s32 @!p0 $0x100000, s0  }
0x297: {  	[sflag:s0] =	ssyncadd.tile.s32 @!p0 $0x1;
	_ =	shalt  }
.Lfunc_end2:
_tile_overlayer_lowered:
.L_overlay_start_2:
0x298: {  	(tag) =	ssettag $0x2  }
0x299: {  	s0 =	rddreg [dreg:$0x0];
	s2 =	stileid.u32  }
0x29a: {  	s1 =	rddreg [dreg:$0x1];
	p0 =	sne.s32 s2, $0x0  }
0x29b: {  	s3 =	rddreg [dreg:$0x2];
	[bflag:$0x3] =	sbarrier.arrive $0xFFFF;
	s2 =	simm.s32 @!p0 $0x1C01  }
0x29c: {  	[timem:s3], [sflag:s2] =	dma.local @!p0 [hbm:s0], s1  }
0x29d: {  	s0 =	simm.s32 @!p0 $0x1  }
0x29e: {  	_ =	swait.ge @!p0 [sflag:s0], s1  }
0x29f: {  	s1 =	ssub.s32 @!p0 $0x0, s1;
	[sflag:s0] =	ssyncset.done @!p0 $0x0  }
0x2a0: {  	[sflag:s0] =	ssyncadd.s32 @!p0 s1  }
0x2a1: {  	[bflag:$0x3] =	sbarrier.arrive $0xFFFF  }
0x2a2: {  	_ =	shalt  }

// kernel: scatter_offload_async_start
scs
__scs_entry_jumppad:
0x0: {  	(pc) =	sbr.rel $0x88, $3  }
0x1: {  	(tag) =	ssettag $0x0;
	lr =	simm.s32 $0x1  }
0x2: {  	[smem:$0x3F96] =	sst lr;
	_ =	strace $0xD0000000  }
0x3: {  	_ = 	snop  }
0x4: {  	_ = 	snop  }
0x5: {  	_ = 	snop  }
0x6: {  	_ = 	snop  }
0x7: {  	_ = 	snop  }
__scs_overlays_trampoline_lowered:
0x8: {  	[smem:$0x3FA5] =	sst s0  }
0x9: {  	[smem:$0x3FA6] =	sst s1  }
0xa: {  	[smem:$0x3FA7] =	sst s2  }
0xb: {  	[smem:$0x3FA8] =	sst s3  }
0xc: {  	[smem:$0x3FA9] =	sst s4  }
0xd: {  	[smem:$0x3FAA] =	sst s5  }
0xe: {  	[smem:$0x3FAB] =	sst s6  }
0xf: {  	[smem:$0x3FAC] =	sst s7  }
0x10: {  	[smem:$0x3FAD] =	sst s8  }
0x11: {  	[smem:$0x3FAE] =	sst s9;
	s0 =	simm.s32 @!p0 $0x0  }
0x12: {  	s1 =	sld [smem:$0x3F94];
	s0 =	simm.s32 @p0 $0x1  }
0x13: {  	[smem:$0x3FAF] =	sst s0;
	s0 =	simm.s32 @!p1 $0x0  }
0x14: {  	s2 =	sld [smem:$0x3F93];
	s0 =	simm.s32 @p1 $0x1  }
0x15: {  	[smem:$0x3FB0] =	sst s0;
	s0 =	simm.s32 @!p2 $0x0  }
0x16: {  	s3 =	sld [smem:$0x3FDB];
	s0 =	simm.s32 @p2 $0x1  }
0x17: {  	s4 =	simm.s32 $0x1BF5;
	[smem:$0x3FB2] =	sst s0  }
0x18: {  	s0 =	sld [smem:$0x3F95];
	_ =	swait.ge [sflag:s4], $0x0  }
0x19: {  	s7 =	sld [smem:$0x3F96]  }
0x1a: {  	s8 =	sadd.s32 $0xFFFFE003, lr  }
0x1b: {  	s9 =	sadd.s32 $0xFFFFFEF7, lr;
	s5 =	simm.s32 $0xFFFFFFFF;
	p2 =	slt.u32 s8, $0xFFFFF086  }
0x1c: {  	p1 =	slt.u32 s9, $0xF7A;
	s5 =	simm.s32 @!p2 $0x0  }
0x1d: {  	s5 =	simm.s32 @p1 $0x1;
	p0 =	seq.s32 s7, s2  }
0x1e: {  	s7 =	smul.u32 @!p0 $0xF7A, s2;
	p2 =	seq.s32 @!p0 s5, $0x0  }
0x1f: {  	s9 =	smul.u32 $0xF7A, s1;
	s8 =	simm.s32 @!p0 $0x1BF5;
	p2 =	por !p2, p0  }
0x20: {  	[sflag:s8] =	ssyncset.s32 @!p0 $0xFFFFF086;
	s6 =	sadd.s32 @!p0 s3, s7;
	s7 =	simm.s32 @!p0 $0x108  }
0x21: {  	s3 =	sadd.s32 s3, s9;
	s6 =	sadd.s32 @!p0 $0x88, s6;
	s7 =	simm.s32 @p2 $0x1082  }
0x22: {  	[simem:s7], [sflag:s8] =	dma.local @!p0 [hbm:s6], $0xF7A  }
0x23: {  	s9 =	sor.u32 $0xD0000000, s2;
	s6 =	simm.s32 $0x108;
	_ =	swait.ge @!p0 [sflag:s8], $0x0  }
0x24: {  	s3 =	sadd.s32 $0x88, s3;
	s6 =	simm.s32 @!p1 $0x1082;
	[sflag:s4] =	ssyncset.s32 $0xFFFFF086  }
0x25: {  	[simem:s6], [sflag:s4] =	dma.local [hbm:s3], $0xF7A  }
0x26: {  	[smem:$0x3F96] =	sst s1;
	(tag) =	ssettag s2;
	_ =	strace s9  }
0x27: {  	s1 =	sld [smem:$0x3FA6]  }
0x28: {  	s2 =	sld [smem:$0x3FA7]  }
0x29: {  	s4 =	sld [smem:$0x3FA9]  }
0x2a: {  	p0 =	seq.s32 s5, $0x0;
	s5 =	sld [smem:$0x3FAA]  }
0x2b: {  	s6 =	sld [smem:$0x3FAB]  }
0x2c: {  	s7 =	sld [smem:$0x3FAC]  }
0x2d: {  	s3 =	simm.s32 $0x108;
	s8 =	sld [smem:$0x3FAD]  }
0x2e: {  	s3 =	simm.s32 @!p0 $0x1082;
	s9 =	sld [smem:$0x3FAE]  }
0x2f: {  	lr =	sadd.s32 s0, s3;
	s0 =	sld [smem:$0x3FA5]  }
0x30: {  	s3 =	sld [smem:$0x3FA8]  }
0x31: {  	[smem:$0x3FB1] =	sst s10  }
0x32: {  	s10 =	sld [smem:$0x3FAF];
	_ =	sdelay $0x3  }
0x33: {  	p0 =	seq.s32 s10, $0x1;
	s10 =	sld [smem:$0x3FB1];
	_ =	sdelay $0x3  }
0x34: {  	[smem:$0x3FB1] =	sst s10  }
0x35: {  	s10 =	sld [smem:$0x3FB0];
	_ =	sdelay $0x3  }
0x36: {  	p1 =	seq.s32 s10, $0x1;
	s10 =	sld [smem:$0x3FB1];
	_ =	sdelay $0x3  }
0x37: {  	[smem:$0x3FB1] =	sst s10  }
0x38: {  	s10 =	sld [smem:$0x3FB2]  }
0x39: {  	_ = 	snop;
	(pc) =	sbr.ind lr, $3  }
0x3a: {  	_ = 	snop  }
0x3b: {  	_ = 	snop  }
0x3c: {  	p2 =	seq.s32 s10, $0x1;
	s10 =	sld [smem:$0x3FB1]  }
0x3d: {  	_ =	shalt  }
0x3e: {  	_ =	shalt  }
0x3f: {  	_ =	shalt  }
0x40: {  	_ =	shalt  }
0x41: {  	_ =	shalt  }
0x42: {  	_ =	shalt  }
0x43: {  	_ =	shalt  }
0x44: {  	_ =	shalt  }
0x45: {  	_ =	shalt  }
0x46: {  	_ =	shalt  }
0x47: {  	_ =	shalt  }
0x48: {  	_ =	shalt  }
0x49: {  	_ =	shalt  }
0x4a: {  	_ =	shalt  }
0x4b: {  	_ =	shalt  }
0x4c: {  	_ =	shalt  }
0x4d: {  	_ =	shalt  }
0x4e: {  	_ =	shalt  }
0x4f: {  	_ =	shalt  }
0x50: {  	_ =	shalt  }
0x51: {  	_ =	shalt  }
0x52: {  	_ =	shalt  }
0x53: {  	_ =	shalt  }
0x54: {  	_ =	shalt  }
0x55: {  	_ =	shalt  }
0x56: {  	_ =	shalt  }
0x57: {  	_ =	shalt  }
0x58: {  	_ =	shalt  }
0x59: {  	_ =	shalt  }
0x5a: {  	_ =	shalt  }
0x5b: {  	_ =	shalt  }
0x5c: {  	_ =	shalt  }
0x5d: {  	_ =	shalt  }
0x5e: {  	_ =	shalt  }
0x5f: {  	_ =	shalt  }
0x60: {  	_ =	shalt  }
0x61: {  	_ =	shalt  }
0x62: {  	_ =	shalt  }
0x63: {  	_ =	shalt  }
0x64: {  	_ =	shalt  }
0x65: {  	_ =	shalt  }
0x66: {  	_ =	shalt  }
0x67: {  	_ =	shalt  }
0x68: {  	_ =	shalt  }
0x69: {  	_ =	shalt  }
0x6a: {  	_ =	shalt  }
0x6b: {  	_ =	shalt  }
0x6c: {  	_ =	shalt  }
0x6d: {  	_ =	shalt  }
0x6e: {  	_ =	shalt  }
0x6f: {  	_ =	shalt  }
0x70: {  	_ =	shalt  }
0x71: {  	_ =	shalt  }
0x72: {  	_ =	shalt  }
0x73: {  	_ =	shalt  }
0x74: {  	_ =	shalt  }
0x75: {  	_ =	shalt  }
0x76: {  	_ =	shalt  }
0x77: {  	_ =	shalt  }
0x78: {  	_ =	shalt  }
0x79: {  	_ =	shalt  }
0x7a: {  	_ =	shalt  }
0x7b: {  	_ =	shalt  }
0x7c: {  	_ =	shalt  }
0x7d: {  	_ =	shalt  }
0x7e: {  	_ =	shalt  }
0x7f: {  	_ =	shalt  }
0x80: {  	_ =	shalt  }
0x81: {  	_ =	shalt  }
0x82: {  	_ =	shalt  }
0x83: {  	_ =	shalt  }
0x84: {  	_ =	shalt  }
0x85: {  	_ =	shalt  }
0x86: {  	_ =	shalt  }
0x87: {  	_ =	shalt  }
.Lfunc_end0:
.L_simem_size_0:
called_computation_lowered:
.L_overlay_start_0:
0x88: {  	s0 =	sld [smem:$0x3FD9]  }
0x89: {  	s1 =	sld [smem:$0x3FFE];
	_ =	sdelay $0x3  }
0x8a: {  	s0 =	sadd.s32 s1, s0  }
0x8b: {  	[smem:$0x3FBD] =	sst s0  }
0x8c: {  	_ = 	snop  }
0x8d: {  	s0 =	sld [smem:$0x3FD0];
	_ =	sdelay $0x2  }
0x8e: {  	s3 =	simm.s32 $0xD;
	s12 =	simm.s32 $0x10  }
0x8f: {  	[smem:s12], [sflag:s3] =	dma.local [hbm:s0], $0x1  }
0x90: {  	_ =	swait.eq [sflag:s3], $0x1  }
0x91: {  	s13 =	sld [smem:$0x13];
	[sflag:s3] =	ssyncset.done $0x0  }
0x92: {  	s2 =	sld [smem:$0x15];
	[sflag:s3] =	ssyncadd.s32 $0xFFFFFFFF  }
0x93: {  	s14 =	sld [smem:$0x16];
	(tm) =	ssettm $0x1  }
0x94: {  	s15 =	sld [smem:$0x3FFB];
	_ =	sdelay $0x3  }
0x95: {  	_ =	strace s15  }
0x96: {  	s0 =	sld [smem:$0x3FFC];
	_ =	sdelay $0x3  }
0x97: {  	_ =	strace s0  }
0x98: {  	s0 =	sld [smem:$0x3FFD];
	_ =	sdelay $0x3  }
0x99: {  	_ =	strace s0  }
0x9a: {  	_ =	strace $0x8FFFFFFF  }
0x9b: {  	s16 =	sld [smem:$0x3FDB];
	_ =	sdelay $0x1  }
0x9c: {  	s4 =	simm.s32 $_scs_section_size  }
0x9d: {  	s5 =	simm.s32 $_size__tile_overlayer_lowered;
	s6 =	simm.s32 $_tile_overlayer_lowered  }
0x9e: {  	s7 =	simm.s32 $0x1BFF;
	s17 =	sshll.u32 s6, $0x1;
	s4 =	sadd.s32 s4, s16  }
0x9f: {  	s18 =	simm.s32 $0x0;
	s5 =	sshll.u32 s5, $0x1;
	s6 =	sadd.s32 s17, s4  }
0xa0: {  	[timem:s18], [sflag:s7] =	dma.local [hbm:s6], s5  }
0xa1: {  	_ =	swait.ge [sflag:s7], s5  }
0xa2: {  	s5 =	ssub.s32 $0x0, s5;
	[sflag:s7] =	ssyncset.done $0x0  }
0xa3: {  	[sflag:s7] =	ssyncadd.s32 s5;
	_ =	sdelay $0x1  }
0xa4: {  	s19 =	simm.s32 $0x1B8B  }
0xa5: {  	_ =	swait.ge [sflag:s19], $0x1  }
0xa6: {  	[sflag:s19] =	ssyncset.done $0x0  }
0xa7: {  	s21 =	simm.s32 $0x1B8E;
	s20 =	sld [smem:$0x3FFE];
	[sflag:s19] =	ssyncadd.s32 $0xFFFFFFFF  }
0xa8: {  	s22 =	simm.s32 $execute0_lowered;
	[smem:$0x3FD2] =	sst s21  }
0xa9: {  	s6 =	sshll.u32 s22, $0x1;
	_ =	strace $0x80000046;
	[dreg:$0x1] =	wrdreg $0xFFFFFFFF  }
0xaa: {  	s23 =	simm.s32 $_size_execute0_lowered;
	s6 =	sadd.s32 s4, s6;
	[dreg:$0x0] =	wrdreg $0x0  }
0xab: {  	s7 =	sshll.u32 s23, $0x1;
	[dreg:$0x2] =	wrdreg s6  }
0xac: {  	[dreg:$0x3] =	wrdreg s7  }
0xad: {  	[dreg:$0x4] =	wrdreg $0xC0  }
0xae: {  	s24 =	simm.s32 $execute1_lowered;
	_ =	task [dreg:s18], $0x5FFFF  }
0xaf: {  	s6 =	sshll.u32 s24, $0x1;
	[dreg:$0x1] =	wrdreg $0xFFFFFFFF  }
0xb0: {  	s4 =	sadd.s32 s4, s6;
	[dreg:$0x0] =	wrdreg $0x60  }
0xb1: {  	[dreg:$0x2] =	wrdreg s4  }
0xb2: {  	[dreg:$0x3] =	wrdreg s20  }
0xb3: {  	[dreg:$0x4] =	wrdreg s14  }
0xb4: {  	[dreg:$0x5] =	wrdreg $0xB  }
0xb5: {  	_ =	task.clear_ibuf [dreg:s18], $0x6FFFF;
	_ =	strace $0x90000046  }
0xb6: {  	s25 =	simm.s32 $0xB;
	_ =	strace $0x80000048  }
0xb7: {  	_ =	swait.ge [sflag:s25], $0x1  }
0xb8: {  	[sflag:s25] =	ssyncadd.s32 $0xFFFFFFFF  }
0xb9: {  	_ =	strace $0x90000048  }
0xba: {  	_ =	strace $0x80000049;
	[dreg:$0x1] =	wrdreg $0xFFFFFFFF  }
0xbb: {  	[dreg:$0x0] =	wrdreg $0x2030  }
0xbc: {  	[dreg:$0x2] =	wrdreg s14  }
0xbd: {  	[dreg:$0x3] =	wrdreg s13  }
0xbe: {  	[dreg:$0x4] =	wrdreg s2  }
0xbf: {  	[dreg:$0x5] =	wrdreg $0xC  }
0xc0: {  	_ =	task.clear_ibuf [dreg:s18], $0x6FFFF;
	_ =	strace $0x90000049  }
0xc1: {  	s26 =	simm.s32 $0xC;
	_ =	strace $0x8000004B  }
0xc2: {  	_ =	swait.ge [sflag:s26], $0x1  }
0xc3: {  	[sflag:s26] =	ssyncadd.s32 $0xFFFFFFFF  }
0xc4: {  	_ =	strace $0x9000004B  }
0xc5: {  	_ =	sfence  }
0xc6: {  	s28 =	sld [smem:$0x0];
	_ =	sdelay $0x1  }
0xc7: {  	s29 =	srdreg.scid  }
0xc8: {  	s30 =	sshll.u32 s29, $0xD;
	s31 =	sshrl.u32 s29, $0x2  }
0xc9: {  	s3 =	sand.u32 $0x4000, s30;
	s2 =	sand.u32 $0x1, s29;
	s1 =	sadd.s32 s31, s28  }
0xca: {  	s2 =	sor.u32 s3, s2;
	s1 =	sshll.u32 s1, $0x11  }
0xcb: {  	s1 =	sor.u32 s1, s2  }
0xcc: {  	s1 =	sadd.s32 $0x8F2B, s1  }
0xcd: {  	[sflag:s1] =	ssyncadd.remote.s32 $0x1  }
0xce: {  	_ =	sfence.sel $0xFFFF  }
0xcf: {  	[dreg:$0x0] =	wrdreg $0xFFFFFFFF;
	(pc) =	sbr.abs _section_cstart, $3  }
0xd0: {  	[dreg:$0x1] =	wrdreg $0xFFFFFFFF  }
0xd1: {  	_ =	task.clear_ibuf [dreg:s18], $0x2FFFF;
	_ =	strace $0x9FFFFFFF  }
0xd2: {  	(tm) =	ssettm $0x7FFFFFFF  }
0xd3: {  	_ =	shalt  }
tec
execute0_lowered:
.L_overlay_start_1:
0x0: {  	(tag) =	ssettag $0x1  }
0x1: {  	s3 =	rddreg [dreg:$0x0]  }
0x2: {  	s5 =	rddreg [dreg:$0x1]  }
0x3: {  	s2 =	rddreg [dreg:$0x2]  }
0x4: {  	s0 =	rddreg [dreg:$0x3];
	s4 =	stileid.u32;
	[bflag:$0x3] =	sbarrier.arrive $0xFFFF  }
0x5: {  	s1 =	simm.s32 $_size_execute1_lowered;
	s9 =	simm.s32 $0x2;
	p0 =	sne.s32 s4, $0x0  }
0x6: {  	s1 =	sshll.u32 s1, $0x1;
	s6 =	simm.s32 @!p0 $0x1C3F;
	s7 =	simm.s32 @!p0 $0x4060  }
0x7: {  	[timem:s7], [sflag:s6] =	dma.local @!p0 [hbm:s3], s1  }
0x8: {  	s11 =	simm.s32 $0x0;
	s10 =	simm.s32 $0x0;
	s3 =	sshll.u32 s4, $0x9  }
0x9: {  	s31 =	sshll.u32 s4, $0x6;
	s4 =	simm.s32 $0x1;
	s30 =	ssub.s32 $0x2000, s3  }
.Ltmp0:
0xa: {  	s7 =	sadd.s32 s31, s5;
	s8 =	sand.u32 $0x1E00, s30;
	(pc) =	sbr.rel .LBB2_1-.Ltmp0, $4  }
0xb: {  	_ =	strace $0x80000047;
	p1 =	sne.s32 s8, $0x0;
	s8 =	simm.s32 $0x1  }
0xc: {  	[sflag:s4] =	ssyncpa.u1 $0x0;
	s6 =	sshrl.u32 s30, $0xD;
	s8 =	simm.s32 @!p1 $0x0  }
0xd: {  	[sflag:s9] =	ssyncpa.u1 $0x0;
	s9 =	simm.s32 $0x0;
	s5 =	sadd.s32 s8, s6  }
0xe: {  	s6 =	sadd.s32 $0x8800, s7;
	s8 =	simm.s32 $0x0;
	s7 =	sadd.s32 $0x1, s5  }
.LBB2_3:
0xf: {  	p2 =	sne.s32 s10, s7  }
.Ltmp1:
0x10: {  	p1 =	slt.u32 s10, $0x2;
	(pc) =	sbr.rel @!p2 .LBB2_4-.Ltmp1, $4  }
0x11: {  	s11 =	simm.s32 @!p1 $0x2  }
0x12: {  	_ =	swait.ge @!p1 [sflag:s11], $0x200  }
0x13: {  	s9 =	sadd.s32 $0x200, s9;
	[sflag:s11] =	ssyncset.done @!p1 $0x0  }
0x14: {  	s10 =	sadd.s32 $0x1, s10;
	[sflag:s11] =	ssyncadd.s32 @!p1 $0xFFFFFE00;
	s11 =	smov.u32 s3  }
.LBB2_1:
0x15: {  	p1 =	sge.u32 s10, s5  }
0x16: {  	s12 =	sxor.u32 @!p1 $0xFFFFFFFF, s9  }
0x17: {  	s31 =	sadd.s32 $0xFFFFFFFF, s10;
	s13 =	simm.s32 @!p1 $0x0;
	s12 =	sand.u32 @!p1 $0x200, s12  }
0x18: {  	[tilespmem:s12], [sflag:$0x1] =	stream.linear.gather @!p1 [hbm4b:s6+s13], $0x200, $0x38;
	[tilespmem:$0x800] =	vst v63  }
0x19: {  	p1 =	sge.u32 s31, s5  }
.Ltmp2:
0x1a: {  	_ = 	snop;
	(pc) =	sbr.rel @p1 .LBB2_3-.Ltmp2, $1  }
0x1b: {  	_ =	sdelay $0x3  }
0x1c: {  	_ =	swait.ge [sflag:s4], $0x200  }
0x1d: {  	[sflag:s4] =	ssyncset.done $0x0  }
0x1e: {  	s12 =	sand.u32 $0x200, s9;
	[sflag:s4] =	ssyncadd.s32 $0xFFFFFE00  }
0x1f: {  	v0 =	vld [tilespmem:s12+$0x0]  }
0x20: {  	v1 =	vld [tilespmem:s12+$0x10]  }
0x21: {  	v2 =	vld [tilespmem:s12+$0x20]  }
0x22: {  	v3 =	vld [tilespmem:s12+$0x30]  }
0x23: {  	v4 =	vld [tilespmem:s12+$0x40]  }
0x24: {  	v37 =	vld [tilespmem:s12+$0x50];
	[tilespmem:s12+$0x400] =	vst v0  }
0x25: {  	v38 =	vld [tilespmem:s12+$0x60];
	[tilespmem:s12+$0x410] =	vst v1  }
0x26: {  	v39 =	vld [tilespmem:s12+$0x70];
	[tilespmem:s12+$0x420] =	vst v2  }
0x27: {  	v40 =	vld [tilespmem:s12+$0x80];
	[tilespmem:s12+$0x430] =	vst v3  }
0x28: {  	v41 =	vld [tilespmem:s12+$0x90];
	[tilespmem:s12+$0x440] =	vst v4  }
0x29: {  	v42 =	vld [tilespmem:s12+$0xA0];
	[tilespmem:s12+$0x450] =	vst v37  }
0x2a: {  	v43 =	vld [tilespmem:s12+$0xB0];
	[tilespmem:s12+$0x460] =	vst v38  }
0x2b: {  	v44 =	vld [tilespmem:s12+$0xC0];
	[tilespmem:s12+$0x470] =	vst v39  }
0x2c: {  	v45 =	vld [tilespmem:s12+$0xD0];
	[tilespmem:s12+$0x480] =	vst v40  }
0x2d: {  	v46 =	vld [tilespmem:s12+$0xE0];
	[tilespmem:s12+$0x490] =	vst v41  }
0x2e: {  	v47 =	vld [tilespmem:s12+$0xF0];
	[tilespmem:s12+$0x4A0] =	vst v42  }
0x2f: {  	v48 =	vld [tilespmem:s12+$0x100];
	[tilespmem:s12+$0x4B0] =	vst v43  }
0x30: {  	v49 =	vld [tilespmem:s12+$0x110];
	[tilespmem:s12+$0x4C0] =	vst v44  }
0x31: {  	v50 =	vld [tilespmem:s12+$0x120];
	[tilespmem:s12+$0x4D0] =	vst v45  }
0x32: {  	v51 =	vld [tilespmem:s12+$0x130];
	[tilespmem:s12+$0x4E0] =	vst v46  }
0x33: {  	v52 =	vld [tilespmem:s12+$0x140];
	[tilespmem:s12+$0x4F0] =	vst v47  }
0x34: {  	v53 =	vld [tilespmem:s12+$0x150];
	[tilespmem:s12+$0x500] =	vst v48  }
0x35: {  	v54 =	vld [tilespmem:s12+$0x160];
	[tilespmem:s12+$0x510] =	vst v49  }
0x36: {  	v55 =	vld [tilespmem:s12+$0x170];
	[tilespmem:s12+$0x520] =	vst v50  }
0x37: {  	v56 =	vld [tilespmem:s12+$0x180];
	[tilespmem:s12+$0x530] =	vst v51  }
0x38: {  	v57 =	vld [tilespmem:s12+$0x190];
	[tilespmem:s12+$0x540] =	vst v52  }
0x39: {  	v58 =	vld [tilespmem:s12+$0x1A0];
	[tilespmem:s12+$0x550] =	vst v53  }
0x3a: {  	v59 =	vld [tilespmem:s12+$0x1B0];
	[tilespmem:s12+$0x560] =	vst v54  }
0x3b: {  	v60 =	vld [tilespmem:s12+$0x1C0];
	[tilespmem:s12+$0x570] =	vst v55  }
0x3c: {  	v61 =	vld [tilespmem:s12+$0x1D0];
	[tilespmem:s12+$0x580] =	vst v56  }
0x3d: {  	v62 =	vld [tilespmem:s12+$0x1E0];
	[tilespmem:s12+$0x590] =	vst v57  }
0x3e: {  	v63 =	vld [tilespmem:s12+$0x1F0];
	[tilespmem:s12+$0x5A0] =	vst v58  }
0x3f: {  	[tilespmem:s12+$0x5B0] =	vst v59  }
.Ltmp3:
0x40: {  	[tilespmem:s12+$0x5C0] =	vst v60;
	(pc) =	sbr.rel .LBB2_3-.Ltmp3, $4  }
0x41: {  	[tilespmem:s12+$0x5D0] =	vst v61  }
0x42: {  	s11 =	sshrl.u32 s11, $0x3;
	[tilespmem:s12+$0x5E0] =	vst v62  }
0x43: {  	s13 =	sor.u32 $0x400, s12;
	s11 =	sadd.s32 s2, s11;
	[tilespmem:s12+$0x5F0] =	vst v63  }
0x44: {  	[hbm4b:s11+s8] =	stream.linear.scatter [tilespmem:s13], [sflag:$0x2], $0x200, $0x38;
	[tilespmem:$0x800] =	vst v63  }
.LBB2_4:
0x45: {  	_ =	sfence.sel $0x180000  }
0x46: {  	s2 =	simm.s32 $0x1;
	[bflag:$0x0] =	sbarrier.arrive $0xFFFF  }
0x47: {  	s31 =	simm.s32 $0x2;
	[sflag:s2] =	ssyncpa.u1 $0x1  }
0x48: {  	[sflag:s31] =	ssyncpa.u1 $0x1  }
0x49: {  	_ =	strace $0x90000047  }
0x4a: {  	s0 =	sadd.s32 @!p0 $0x100000, s0;
	[bflag:$0x2] =	sbarrier.arrive $0xFFFF  }
0x4b: {  	[sflag:s0] =	ssyncadd.tile.s32 @!p0 $0x1;
	s0 =	simm.s32 @!p0 $0x3F  }
0x4c: {  	_ =	swait.ge @!p0 [sflag:s0], s1  }
0x4d: {  	s1 =	ssub.s32 @!p0 $0x0, s1;
	[sflag:s0] =	ssyncset.done @!p0 $0x0  }
0x4e: {  	[sflag:s0] =	ssyncadd.s32 @!p0 s1  }
0x4f: {  	[bflag:$0x3] =	sbarrier.arrive $0xFFFF  }
0x50: {  	_ =	shalt  }
.Lfunc_end2:
execute1_lowered:
.L_overlay_start_2:
0x51: {  	(tag) =	ssettag $0x2  }
0x52: {  	s1 =	rddreg [dreg:$0x0];
	_ =	strace $0x8000004A;
	s5 =	simm.s32 $0x1  }
0x53: {  	v1 =	vimm.s32 $0xFFFFFFFF;
	[sflag:s5] =	ssyncpa.u1 $0x0  }
0x54: {  	[tilespmem:$0x10] =	vst v1  }
0x55: {  	v0 =	vimm.f32 $0.0e+00;
	[tilespmem:$0x20] =	vst v1  }
0x56: {  	[tilespmem:$0x30] =	vst v0  }
0x57: {  	s0 =	simm.s32 $0x2;
	s6 =	simm.s32 $0x7;
	[tilespmem:$0x40] =	vst v0  }
0x58: {  	s2 =	stileid.u32;
	s7 =	simm.s32 $0x8;
	s31 =	simm.s32 $0x9;
	[tilespmem:$0x50] =	vst v0  }
0x59: {  	s14 =	simm.s32 $0x0;
	s15 =	simm.s32 $0x100;
	s16 =	simm.s32 $0xA100;
	[tilespmem:$0x60] =	vst v1  }
0x5a: {  	s17 =	simm.s32 $0x20FF;
	s18 =	simm.s32 $0x10;
	s19 =	simm.s32 $0x12100;
	[tilespmem:$0x70] =	vst v1  }
0x5b: {  	s20 =	simm.s32 $0xF;
	s21 =	simm.s32 $0x50;
	s22 =	simm.s32 $0x80FF;
	[tilespmem:$0x80] =	vst v1  }
0x5c: {  	s23 =	simm.s32 $0x20;
	s24 =	simm.s32 $0x30;
	s25 =	simm.s32 $0x100FF;
	v1 =	vimm.s32 $0x0;
	[tilespmem:$0xB0] =	vst v0  }
.Ltmp4:
0x5d: {  	s26 =	simm.s32 $0x80;
	s30 =	simm.s32 $0x0;
	[tilespmem:$0x90] =	vst v1;
	(pc) =	sbr.rel .LBB3_1-.Ltmp4, $4  }
0x5e: {  	s29 =	simm.s32 $0x0;
	s8 =	sshll.u32 s2, $0xD;
	[tilespmem:$0xA0] =	vst v1;
	[sflag:s0] =	ssyncpa.u1 $0x0  }
0x5f: {  	s10 =	sshll.u32 s2, $0x1;
	s12 =	sshllo.u32 s2, $0x1;
	[sflag:s6] =	ssyncpa.u1 $0x0  }
0x60: {  	vm0 =	vmmov $0xffff;
	v2 =	vlaneseq.u32;
	s9 =	sadd.s32 $0x2000, s8;
	s11 =	sor.u32 $0x81, s10;
	[sflag:s7] =	ssyncpa.u1 $0x0  }
0x61: {  	vm1 =	vmxor vm1, vm1;
	vm2 =	vmmov $0x1;
	vm3 =	vcmask $0x3F3C;
	s13 =	sor.u32 $0x80, s10;
	s28 =	smov.u32 s8;
	[sflag:s31] =	ssyncpa.u1 $0x0  }
.LBB3_3:
0x62: {  	s0 =	sshrl.u32 s28, $0x3;
	s2 =	rddreg [dreg:$0x1]  }
0x63: {  	s31 =	sand.u32 $0x7, s28;
	s0 =	sadd.s32 s2, s0  }
0x64: {  	[tilespmem:s15], [sflag:$0x7] =	stream.linear.gather [hbm4b:s0+s31], $0x2000, $0x38;
	[tilespmem:$0x12120] =	vst v63  }
.LBB3_4:
0x65: {  	s0 =	sadd.s32 $0x2000, s28  }
0x66: {  	s2 =	smov.u32 s8;
	s29 =	sadd.s32 $0x1, s29;
	p0 =	slt.s32 s0, s9  }
0x67: {  	s2 =	smov.u32 @p0 s0;
	p0 =	sne.s32 s29, $0x4  }
.Ltmp5:
0x68: {  	_ = 	snop;
	(pc) =	sbr.rel @!p0 .LBB3_13-.Ltmp5, $2  }
0x69: {  	_ =	sdelay $0x2  }
0x6a: {  	s30 =	smov.u32 s28;
	s28 =	smov.u32 s2  }
.LBB3_1:
0x6b: {  	p0 =	sgt.s32 s29, $0x1  }
.Ltmp6:
0x6c: {  	_ = 	snop;
	(pc) =	sbr.rel @p0 .LBB3_11-.Ltmp6, $1  }
0x6d: {  	_ =	sdelay $0x3  }
0x6e: {  	p0 =	seq.s32 s29, $0x0  }
.Ltmp7:
0x6f: {  	_ = 	snop;
	(pc) =	sbr.rel @p0 .LBB3_3-.Ltmp7, $1  }
0x70: {  	_ =	sdelay $0x3  }
0x71: {  	_ =	swait.ge [sflag:s6], $0x2000  }
0x72: {  	[sflag:s6] =	ssyncset.done $0x0  }
0x73: {  	[sflag:s6] =	ssyncadd.s32 $0xFFFFE000;
	(ifvalue) =	ssetifvalue $0xFFFFFFFF;
	v3 =	vld.msk [tilespmem:s15+$0x0 ss:$0x1], $0xffff;
	_ =	sdelay $0x4  }
0x74: {  	v4 =	vperm.xlane v3, v1  }
0x75: {  	vm4 =	vlt.u32 v3, $0x2000  }
0x76: {  	v3 =	vnsel vm4, $0xFFFFFFFE, v3;
	vm4 =	vlt.u32 v4, $0x2000  }
0x77: {  	[tilespmem:$0x70] =	vst v3;
	v3 =	vnsel vm4, $0xFFFFFFFE, v4  }
0x78: {  	s4 =	simm.s32 $0x20F0;
	[tilespmem:$0x80] =	vst v3  }
0x79: {  	v3 =	vld.msk [tilespmem:s4+$0x0 ss:$0x1], $0xffff;
	_ =	sdelay $0x4  }
0x7a: {  	(xrf1) =	vunique.msk.u32 $0xffff, v3;
	_ =	sdelay $0xd  }
0x7b: {  	v4 =	vimm.s32 $0xFFFFFFFF;
	v5, _, _ =	vpop (xrf1)  }
0x7c: {  	vm5 =	vne.s32 v3, v4;
	vm4 =	veq.s32 v5, v2  }
0x7d: {  	vm6 =	vlt.u32 v3, $0x2000;
	vm4 =	vmand vm5, vm4  }
0x7e: {  	vm4 =	vmand vm6, vm4  }
0x7f: {  	v4 =	vnsel vm4, $0xFFFFFFFF, v3;
	_ =	sdelay $0x3  }
0x80: {  	s0 =	simm.s32 $0x80F0;
	(ifvalue) =	ssetifvalue $0xFFFFFFFF  }
0x81: {  	v3 =	vperm.xlane v3, v1;
	[tilespmem:s0], [sflag:$0x8] =	stream.indirect_vreg.gather [hbm4b:s1+s14], $0x1, v4, vm0, $0x4038;
	v4 =	vnsel vm6, $0xFFFFFFFE, v4;
	[tilespmem:$0x12120] =	vst v63  }
0x82: {  	s2 =	simm.s32 $0x0;
	s3 =	simm.s32 $0x20E0;
	[tilespmem:s4+$0x0] =	vst v4  }
.LBB3_6:
0x83: {  	v4 =	vld.msk [tilespmem:s3+$0x0 ss:$0x1], $0xffff;
	s2 =	sadd.s32 $0x10, s2;
	v5 =	vmov v3;
	s4 =	smov.u32 s3  }
0x84: {  	p0 =	slt.u32 s2, $0x1FF0;
	_ =	sdelay $0x4  }
0x85: {  	v3 =	vperm.xlane v4, v1;
	(xrf1) =	vunique.msk.u32 $0xffff, v4;
	_ =	sdelay $0xd  }
0x86: {  	v6, _, _ =	vpop (xrf1)  }
0x87: {  	vm5 =	vne.s32 v4, v5;
	vm4 =	veq.s32 v6, v2  }
0x88: {  	vm6 =	vlt.u32 v4, $0x2000;
	vm4 =	vmand vm5, vm4  }
0x89: {  	vm4 =	vmand vm6, vm4  }
0x8a: {  	v4 =	vnsel vm4, $0xFFFFFFFF, v4  }
.Ltmp8:
0x8b: {  	v5 =	vnsel vm6, $0xFFFFFFFE, v4;
	(pc) =	sbr.rel @p0 .LBB3_6-.Ltmp8, $3  }
0x8c: {  	_ =	sdelay $0x1  }
0x8d: {  	s3 =	sadd.s32 $0xFFFFFFF0, s3;
	s0 =	sadd.s32 $0xFFFFFFF0, s0;
	(ifvalue) =	ssetifvalue $0xFFFFFFFF  }
0x8e: {  	[tilespmem:s0], [sflag:$0x8] =	stream.indirect_vreg.gather [hbm4b:s1+s14], $0x1, v4, vm0, $0x4038;
	[tilespmem:s4+$0x0] =	vst v5  }
.Ltmp9:
0x8f: {  	(pc) =	sbr.rel .LBB3_4-.Ltmp9, $4  }
0x90: {  	_ = 	snop  }
0x91: {  	s0 =	sshrl.u32 s30, $0x3;
	s2 =	rddreg [dreg:$0x2]  }
0x92: {  	s0 =	sadd.s32 s2, s0  }
0x93: {  	[tilespmem:s16], [sflag:$0x8] =	stream.linear.gather [hbm:s0], $0x2000, $0x38;
	[tilespmem:$0x12120] =	vst v63  }
.LBB3_11:
0x94: {  	p0 =	seq.s32 s29, $0x2  }
.Ltmp10:
0x95: {  	_ = 	snop;
	(pc) =	sbr.rel @!p0 .LBB3_12-.Ltmp10, $1  }
0x96: {  	_ =	sdelay $0x3  }
0x97: {  	_ =	swait.ge [sflag:s7], $0x4000  }
0x98: {  	[sflag:s7] =	ssyncset.done $0x0  }
0x99: {  	[sflag:s7] =	ssyncadd.s32 $0xFFFFC000  }
0x9a: {  	[spmem:s11] =	stream.linear.scatter [tilespmem:s17], [sflag:$0x1], $0x1, $0x38;
	[tilespmem:$0x12120] =	vst v63  }
0x9b: {  	_ =	swait.ge [sflag:s5], $0x1  }
0x9c: {  	[sflag:s5] =	ssyncset.done $0x0  }
0x9d: {  	[sflag:s5] =	ssyncadd.s32 $0xFFFFFFFF  }
0x9e: {  	v4 =	vld [tilespmem:$0x10]  }
0x9f: {  	v5 =	vld [tilespmem:$0x70]  }
0xa0: {  	v3 =	vld [tilespmem:$0x80];
	_ =	sdelay $0x2  }
0xa1: {  	(v2sf) =	vpush v4, $0x0  }
0xa2: {  	(v2sf) =	vpush v5, $0x0  }
0xa3: {  	(v2sf) =	vpush v3, $0x0;
	_ =	sdelay $0xc  }
0xa4: {  	s0 =	spop (v2sf)  }
0xa5: {  	s2 =	spop (v2sf)  }
0xa6: {  	s30 =	spop (v2sf)  }
0xa7: {  	p0 =	seq.s32 s0, s2;
	p1 =	seq.s32 s30, s0  }
0xa8: {  	p1 =	por p0, p1  }
0xa9: {  	v4 =	vpsel p1, $0xFFFFFFFF, v4  }
0xaa: {  	[tilespmem:s18+$0x0] =	vst.msk $0x1, v4  }
0xab: {  	v4 =	vld [tilespmem:$0x30]  }
0xac: {  	v5 =	vld [tilespmem:$0xA100]  }
0xad: {  	v6 =	vld [tilespmem:$0x40];
	_ =	sdelay $0x3  }
0xae: {  	vm4 =	vmmov vm1;
	v5 =	vadd.f32 v5, v4  }
0xaf: {  	vm5 =	vmmov vm2;
	s31 =	simm.s32 $0xA100;
	vm4 =	vmmov @p0 vm2;
	v4 =	vadd.f32 v6, v4  }
0xb0: {  	vm5 =	vmmov @p1 vm1;
	[tilespmem:s31+$0x0] =	vst.msk vm4, v5  }
0xb1: {  	[tilespmem:s19+$0x0] =	vst.msk vm5, v4  }
0xb2: {  	v4 =	vld [tilespmem:$0x80F0];
	_ =	sdelay $0x3  }
0xb3: {  	v5 =	vimm.f32 $0.0e+00  }
0xb4: {  	v4 =	vshift.insert v4, v5, s20;
	_ =	sdelay $0x1  }
0xb5: {  	[tilespmem:s21+$0x0] =	vst.msk $0x1, v4  }
0xb6: {  	[tilespmem:s22+$0x0] =	vst.msk $0x1, v5  }
0xb7: {  	v4 =	vld [tilespmem:$0x20F0];
	_ =	sdelay $0x4  }
0xb8: {  	v4 =	vshift.insert v4, v1, s20;
	_ =	sdelay $0x1  }
0xb9: {  	[tilespmem:s23+$0x0] =	vst.msk $0x1, v4  }
0xba: {  	s4 =	simm.s32 $0x100;
	v6 =	vld [tilespmem:s31+$0x0]  }
0xbb: {  	v7 =	vld [tilespmem:s4+$0x0];
	_ =	sdelay $0x3  }
0xbc: {  	v5 =	vadd.f32 v6, v5  }
0xbd: {  	vm4 =	vne.s32 v7, $0xFFFFFFFF  }
0xbe: {  	(xrf2) =	vadd.seg.scan.f32 vm4, v5;
	_ =	sdelay $0x3  }
0xbf: {  	s0 =	simm.s32 $0x6100;
	v5 =	vperm.xlane v4, v1  }
0xc0: {  	v6 =	vld [tilespmem:s0+$0x0]  }
0xc1: {  	vm5 =	veq.s32 v7, v3;
	vm6 =	veq.s32 v7, v5  }
0xc2: {  	vm7 =	vgt.u32 v7, $0xFFFFFFFD;
	vm6 =	vmor vm6, vm5  }
0xc3: {  	vm6 =	vmor vm6, vm7  }
0xc4: {  	v9 =	vld [tilespmem:$0xA0];
	v7 =	vsel vm6, $0xFFFFFFFF, v7  }
0xc5: {  	v10 =	vld [tilespmem:$0x90];
	v6 =	vsel vm5, $0x0, v6;
	v8, _, _ =	vpop (xrf2)  }
0xc6: {  	v6 =	vadd.f32 v8, v6  }
0xc7: {  	s2 =	simm.s32 $0xE100  }
0xc8: {  	vm4 =	vmand vm4, vm3;
	[tilespmem:s2+$0x0] =	vst v6;
	(ifvalue) =	ssetifvalue $0xFFFFFFFF  }
0xc9: {  	vm6 =	veq.s32 v9, $0x1;
	[hbm4b:s1+s14] =	stream.indirect_vreg.scatter [tilespmem:s2], [sflag:$0x2], $0x1, v7, vm0, $0x4038;
	v7 =	vsel vm4, $0x0, v8;
	[tilespmem:$0x12120] =	vst v63  }
0xca: {  	s3 =	simm.s32 $0x0;
	s4 =	simm.s32 $0x110;
	vm4 =	vmor vm6, vm5;
	v6 =	vsel vm5, v8, v10;
	v7 =	vshift.insert v7, v0, s20  }
.LBB3_9:
0xcb: {  	v8 =	vld [tilespmem:s4+$0x0];
	s31 =	sadd.s32 $0x10, s31  }
0xcc: {  	s0 =	sadd.s32 $0x10, s0;
	v9 =	vld [tilespmem:s31+$0x0]  }
0xcd: {  	s3 =	sadd.s32 $0x10, s3;
	v10 =	vld [tilespmem:s0+$0x0]  }
0xce: {  	p0 =	slt.u32 s3, $0x1FF0;
	_ =	sdelay $0x2  }
0xcf: {  	v7 =	vadd.f32 v9, v7  }
0xd0: {  	vm5 =	vne.s32 v8, $0xFFFFFFFF  }
0xd1: {  	vm6 =	vmand vm5, vm3;
	(xrf2) =	vadd.seg.scan.f32 vm5, v7;
	_ =	sdelay $0x5  }
0xd2: {  	vm7 =	veq.s32 v8, v5;
	vm5 =	veq.s32 v8, v3  }
0xd3: {  	vm8 =	vgt.u32 v8, $0xFFFFFFFD;
	vm4 =	vmor vm4, vm5;
	vm7 =	vmor vm7, vm5  }
0xd4: {  	vm7 =	vmor vm7, vm8  }
0xd5: {  	v8 =	vsel vm7, $0xFFFFFFFF, v8  }
.Ltmp11:
0xd6: {  	v7 =	vsel vm5, $0x0, v10;
	v9, _, _ =	vpop (xrf2);
	(pc) =	sbr.rel @p0 .LBB3_9-.Ltmp11, $4  }
0xd7: {  	v6 =	vsel vm5, v9, v6;
	v10 =	vadd.f32 v9, v7;
	v7 =	vsel vm6, $0x0, v9  }
0xd8: {  	s2 =	sadd.s32 $0x10, s2;
	v7 =	vshift.insert v7, v0, s20  }
0xd9: {  	s4 =	sadd.s32 $0x10, s4;
	[tilespmem:s2+$0x0] =	vst v10;
	(ifvalue) =	ssetifvalue $0xFFFFFFFF  }
0xda: {  	[hbm4b:s1+s14] =	stream.indirect_vreg.scatter [tilespmem:s2], [sflag:$0x2], $0x1, v8, vm0, $0x4038;
	[tilespmem:$0x12120] =	vst v63  }
0xdb: {  	v3 =	vld [tilespmem:$0x100F0];
	_ =	sdelay $0x4  }
0xdc: {  	v3 =	vshift.insert v3, v0, s20;
	_ =	sdelay $0x1  }
0xdd: {  	[tilespmem:s24+$0x0] =	vst.msk $0x1, v3  }
0xde: {  	v3 =	vsel vm4, $0x1, v1;
	[tilespmem:$0x90] =	vst v6  }
0xdf: {  	[tilespmem:$0xA0] =	vst v3  }
0xe0: {  	[spmem:s12] =	stream.linear.scatter [tilespmem:s25], [sflag:$0x1], $0x1, $0x38;
	[tilespmem:$0x12120] =	vst v63  }
0xe1: {  	v3 =	vmctz.xlane vm4;
	_ =	swait.ge [sflag:s5], $0x1  }
0xe2: {  	(v2sf) =	vpush v4, $0x0  }
0xe3: {  	(v2sf) =	vpush v3, $0x0;
	_ =	sdelay $0xd  }
0xe4: {  	s0 =	spop (v2sf)  }
0xe5: {  	s2 =	spop (v2sf)  }
0xe6: {  	[sflag:s5] =	ssyncset.done $0x0;
	p0 =	sne.s32 s30, s0;
	p1 =	slt.s32 s2, $0xF  }
0xe7: {  	[sflag:s5] =	ssyncadd.s32 $0xFFFFFFFF;
	v3 =	vimm.s32 @!p0 $0xFFFFFFFF;
	s2 =	simm.s32 @!p1 $0xF  }
0xe8: {  	[tilespmem:$0x80] =	vst @!p0 v3;
	s31 =	sadd.s32 $0x90, s2  }
0xe9: {  	[spmem:s10] =	stream.linear.scatter [tilespmem:s31], [sflag:$0x1], $0x1, $0x38;
	[tilespmem:$0x12120] =	vst v63  }
0xea: {  	_ =	swait.ge [sflag:s5], $0x1  }
0xeb: {  	[sflag:s5] =	ssyncset.done $0x0  }
0xec: {  	[sflag:s5] =	ssyncadd.s32 $0xFFFFFFFF  }
0xed: {  	[spmem:s13] =	stream.linear.scatter [tilespmem:s26], [sflag:$0x1], $0x1, $0x38;
	[tilespmem:$0x12120] =	vst v63  }
0xee: {  	_ =	swait.ge [sflag:s5], $0x1  }
0xef: {  	[sflag:s5] =	ssyncset.done $0x0  }
0xf0: {  	[sflag:s5] =	ssyncadd.s32 $0xFFFFFFFF;
	(ifvalue) =	ssetifvalue $0xFFFFFFFF;
	v3 =	vld [tilespmem:$0x10];
	_ =	sdelay $0x3  }
.Ltmp12:
0xf1: {  	_ = 	snop;
	(pc) =	sbr.rel .LBB3_4-.Ltmp12, $3  }
0xf2: {  	_ =	sdelay $0x1  }
0xf3: {  	(ifvalue) =	ssetifvalue $0xFFFFFFFF  }
0xf4: {  	[hbm4b:s1+s14] =	stream.indirect_vreg.scatter [tilespmem:s19], [sflag:$0x9], $0x1, v3, vm0, $0x4038;
	[tilespmem:$0x12120] =	vst v63  }
.LBB3_12:
0xf5: {  	s0 =	simm.s32 $0x2  }
0xf6: {  	_ =	swait.ge [sflag:s0], $0x2000  }
0xf7: {  	[sflag:s0] =	ssyncset.done $0x0  }
0xf8: {  	s31 =	simm.s32 $0x9;
	[sflag:s0] =	ssyncadd.s32 $0xFFFFE000  }
0xf9: {  	_ =	swait.ge [sflag:s31], $0x10  }
0xfa: {  	[sflag:s31] =	ssyncset.done $0x0  }
0xfb: {  	[sflag:s31] =	ssyncadd.s32 $0xFFFFFFF0  }
.LBB3_13:
0xfc: {  	_ =	sfence.sel $0x180000  }
0xfd: {  	s0 =	simm.s32 $0x7;
	[bflag:$0x0] =	sbarrier.arrive $0xFFFF  }
0xfe: {  	s26 =	simm.s32 $0x8;
	[sflag:s0] =	ssyncpa.u1 $0x1  }
0xff: {  	s28 =	simm.s32 $0x9;
	[sflag:s26] =	ssyncpa.u1 $0x1  }
0x100: {  	[sflag:s28] =	ssyncpa.u1 $0x1  }
0x101: {  	_ =	sfence.stream.spmem  }
0x102: {  	s29 =	simm.s32 $0x3;
	[bflag:$0x0] =	sbarrier.arrive $0xFFFF  }
0x103: {  	s30 =	simm.s32 $0x4;
	[sflag:s29] =	ssyncpa.u1 $0x1  }
0x104: {  	s31 =	simm.s32 $0x3C;
	s2 =	stileid.u32;
	[sflag:s30] =	ssyncpa.u1 $0x1  }
0x105: {  	p0 =	sne.s32 s2, $0x0;
	[sflag:s31] =	ssyncpa.u1 $0x1  }
0x106: {  	s0 =	simm.s32 @p0 $0x1;
	_ =	sfence @p0  }
0x107: {  	[sflag:s0] =	ssyncpa.u1 @p0 $0x1;
	s0 =	simm.s32 @p0 $0x2  }
0x108: {  	[sflag:s0] =	ssyncpa.u1 @p0 $0x1  }
0x109: {  	_ =	strace @p0 $0x9000004A  }
0x10a: {  	[bflag:$0x2] =	sbarrier.arrive @p0 $0xFFFF  }
0x10b: {  	_ =	shalt @p0  }
.LBB3_14:
0x10c: {  	_ =	sfence.stream.spmem;
	s0 =	simm.s32 $0x5  }
0x10d: {  	s2 =	simm.s32 $0x80;
	s3 =	simm.s32 $0xC0;
	[sflag:s0] =	ssyncpa.u1 $0x0  }
0x10e: {  	[tilespmem:s3], [sflag:$0x5] =	stream.linear.gather [spmem:s2], $0x20, $0x38;
	[tilespmem:$0x12120] =	vst v63  }
0x10f: {  	s2 =	simm.s32 $0x0;
	s3 =	simm.s32 $0xE0  }
0x110: {  	[tilespmem:s3], [sflag:$0x5] =	stream.linear.gather [spmem:s2], $0x20, $0x38;
	[tilespmem:$0x12120] =	vst v63  }
.Ltmp13:
0x111: {  	_ = 	snop;
	(pc) =	sbr.rel .LBB3_15-.Ltmp13, $4  }
0x112: {  	_ =	swait.ge [sflag:s0], $0x40  }
0x113: {  	[sflag:s0] =	ssyncset.done $0x0  }
0x114: {  	s31 =	simm.s32 $0x6;
	[sflag:s0] =	ssyncadd.s32 $0xFFFFFFC0  }
0x115: {  	s4 =	simm.s32 $0x0;
	[sflag:s31] =	ssyncpa.u1 $0x0  }
.LBB3_20:
0x116: {  	p0 =	sgt.u32 s0, $0x1FFF  }
0x117: {  	s5 =	sshrl.u32 @!p0 s0, $0x3  }
0x118: {  	s0 =	sand.u32 @!p0 $0x7, s0;
	s6 =	simm.s32 @!p0 $0xB0;
	s5 =	sadd.s32 @!p0 s1, s5  }
0x119: {  	[tilespmem:s6], [sflag:$0x6] =	stream.linear.gather @!p0 [hbm4b:s5+s0], $0x1, $0x38;
	[tilespmem:$0x12120] =	vst v63  }
0x11a: {  	s0 =	simm.s32 @!p0 $0x6  }
0x11b: {  	_ =	swait.ge @!p0 [sflag:s0], $0x1  }
0x11c: {  	[sflag:s0] =	ssyncset.done @!p0 $0x0  }
0x11d: {  	[sflag:s0] =	ssyncadd.s32 @!p0 $0xFFFFFFFF  }
0x11e: {  	v2 =	vmov @!p0 s4;
	v1 =	vld.msk @!p0 [tilespmem:$0xB0], $0x1;
	_ =	sdelay $0x3  }
0x11f: {  	s0 =	simm.s32 @!p0 $0xE0  }
0x120: {  	[tilespmem:v2+s0+$0x0], v1 =	vst.idx.ret.add.f32.msk @!p0 $0x1, v1  }
0x121: {  	[tilespmem:s2+$0xC0] =	vst.msk $0x1, v0  }
0x122: {  	v0 =	vld.msk [tilespmem:s4+$0xE0], $0x1;
	_ =	sdelay $0x4  }
0x123: {  	[tilespmem:s2+$0xE0] =	vst.msk $0x1, v0;
	s2 =	sadd.s32 $0x1, s2  }
.LBB3_22:
0x124: {  	s4 =	sadd.s32 $0x1, s4  }
0x125: {  	p0 =	sne.s32 s4, $0x20  }
.Ltmp14:
0x126: {  	_ = 	snop;
	(pc) =	sbr.rel @!p0 .LBB3_23-.Ltmp14, $1  }
0x127: {  	_ =	sdelay $0x3  }
.LBB3_15:
0x128: {  	v0 =	vld.msk [tilespmem:s4+$0xC0], $0x1;
	_ =	sdelay $0x4  }
0x129: {  	(v2sf) =	vpush v0, $0x0;
	_ =	sdelay $0xe  }
0x12a: {  	s0 =	spop (v2sf)  }
0x12b: {  	p0 =	seq.s32 s0, $0xFFFFFFFF  }
.Ltmp15:
0x12c: {  	_ = 	snop;
	(pc) =	sbr.rel @p0 .LBB3_22-.Ltmp15, $1  }
0x12d: {  	_ =	sdelay $0x3  }
0x12e: {  	p0 =	slt.s32 s2, $0x1  }
.Ltmp16:
0x12f: {  	_ = 	snop;
	(pc) =	sbr.rel @p0 .LBB3_20-.Ltmp16, $1  }
0x130: {  	_ =	sdelay $0x3  }
0x131: {  	s5 =	simm.s32 $0xC0;
	p0 =	por $0x0, $0x0  }
0x132: {  	v1 =	vld.msk @!p0 [tilespmem:s5+$0x0], $0x1;
	_ =	sdelay $0x4  }
0x133: {  	(v2sf) =	vpush @!p0 v1, $0x0;
	_ =	sdelay $0xd  }
0x134: {  	p2 =	sne.s32 s2, $0x1  }
.Ltmp17:
0x135: {  	s6 =	spop @!p0 (v2sf);
	(pc) =	sbr.rel @!p2 .LBB3_19-.Ltmp17, $4  }
0x136: {  	p1 =	seq.s32 @!p0 s0, s6  }
0x137: {  	s6 =	simm.s32 $0x0;
	p1 =	por !p1, p0  }
0x138: {  	s8 =	simm.s32 $0xFFFFFFFF;
	s6 =	simm.s32 @p1 $0xFFFFFFFF  }
0x139: {  	s7 =	simm.s32 $0x1;
	s6 =	smov.u32 @p0 s8  }
.LBB3_18:
0x13a: {  	s8 =	smov.u32 s6;
	p0 =	sne.s32 s6, $0xFFFFFFFF  }
0x13b: {  	s5 =	sadd.s32 $0x1, s5;
	s6 =	smov.u32 s7;
	s7 =	sadd.s32 $0x1, s7  }
0x13c: {  	p1 =	sne.s32 s2, s7;
	v1 =	vld.msk @!p0 [tilespmem:s5+$0x0], $0x1;
	_ =	sdelay $0x4  }
0x13d: {  	(v2sf) =	vpush @!p0 v1, $0x0;
	_ =	sdelay $0xe  }
.Ltmp18:
0x13e: {  	s9 =	spop @!p0 (v2sf);
	(pc) =	sbr.rel @p1 .LBB3_18-.Ltmp18, $4  }
0x13f: {  	p2 =	seq.s32 @!p0 s0, s9  }
0x140: {  	p2 =	por !p2, p0  }
0x141: {  	s6 =	simm.s32 @p2 $0xFFFFFFFF  }
0x142: {  	s6 =	smov.u32 @p0 s8  }
.LBB3_19:
0x143: {  	p0 =	sne.s32 s6, $0xFFFFFFFF  }
.Ltmp19:
0x144: {  	_ = 	snop;
	(pc) =	sbr.rel @!p0 .LBB3_20-.Ltmp19, $1  }
0x145: {  	_ =	sdelay $0x3  }
0x146: {  	v0 =	vld.msk [tilespmem:s4+$0xE0], $0x1;
	v1 =	vmov s6  }
.Ltmp20:
0x147: {  	_ = 	snop;
	(pc) =	sbr.rel .LBB3_22-.Ltmp20, $2  }
0x148: {  	_ =	sdelay $0x2  }
0x149: {  	[tilespmem:v1+s3+$0x0], v0 =	vst.idx.ret.add.f32.msk $0x1, v0  }
.LBB3_23:
0x14a: {  	p0 =	slt.s32 s2, $0x1  }
.Ltmp21:
0x14b: {  	_ = 	snop;
	(pc) =	sbr.rel @p0 .LBB3_27-.Ltmp21, $3  }
0x14c: {  	_ =	sdelay $0x1  }
0x14d: {  	s0 =	simm.s32 $0x6  }
0x14e: {  	[sflag:s0] =	ssyncpa.u1 $0x1;
	s0 =	simm.s32 $0x0  }
0x14f: {  	s3 =	simm.s32 $0xC0  }
0x150: {  	v0 =	vld.msk [tilespmem:s3+$0x0], $0x1;
	_ =	sdelay $0x4  }
0x151: {  	(v2sf) =	vpush v0, $0x0;
	_ =	sdelay $0xe  }
0x152: {  	s2 =	sadd.s32 $0xFFFFFFFF, s2;
	s4 =	spop (v2sf)  }
0x153: {  	p1 =	sne.s32 s2, $0x0;
	p0 =	sgt.u32 s4, $0x1FFF  }
.Ltmp22:
0x154: {  	s5 =	sshrl.u32 @!p0 s4, $0x3;
	(pc) =	sbr.rel @!p1 .LBB3_26-.Ltmp22, $4  }
0x155: {  	s3 =	simm.s32 $0xE0;
	s4 =	sand.u32 @!p0 $0x7, s4;
	s5 =	sadd.s32 @!p0 s1, s5  }
0x156: {  	[hbm4b:s5+s4] =	stream.linear.scatter @!p0 [tilespmem:s3], [sflag:$0x5], $0x1, $0x38;
	[tilespmem:$0x12120] =	vst v63  }
0x157: {  	s5 =	simm.s32 $0x0  }
0x158: {  	s4 =	simm.s32 $0xC1;
	s5 =	simm.s32 @!p0 $0x4  }
.LBB3_25:
0x159: {  	v0 =	vld.msk [tilespmem:s4+$0x0], $0x1;
	s2 =	sadd.s32 $0xFFFFFFFF, s2;
	s0 =	sadd.s32 s0, s5  }
0x15a: {  	p0 =	sne.s32 s2, $0x0;
	_ =	sdelay $0x3  }
0x15b: {  	(v2sf) =	vpush v0, $0x0;
	_ =	sdelay $0xe  }
.Ltmp23:
0x15c: {  	s6 =	spop (v2sf);
	(pc) =	sbr.rel @p0 .LBB3_25-.Ltmp23, $4  }
0x15d: {  	s5 =	simm.s32 $0x0;
	p1 =	sgt.u32 s6, $0x1FFF  }
0x15e: {  	s3 =	sadd.s32 $0x1, s3;
	s5 =	simm.s32 @!p1 $0x4;
	s7 =	sshrl.u32 @!p1 s6, $0x3  }
0x15f: {  	s4 =	sadd.s32 $0x1, s4;
	s6 =	sand.u32 @!p1 $0x7, s6;
	s7 =	sadd.s32 @!p1 s1, s7  }
0x160: {  	[hbm4b:s7+s6] =	stream.linear.scatter @!p1 [tilespmem:s3], [sflag:$0x5], $0x1, $0x38;
	[tilespmem:$0x12120] =	vst v63  }
.LBB3_26:
0x161: {  	s0 =	sadd.s32 s0, s5  }
0x162: {  	s0 =	sshrl.u32 s0, $0x2  }
.LBB3_27:
0x163: {  	s1 =	simm.s32 $0x5  }
0x164: {  	_ =	swait.ge [sflag:s1], s0  }
0x165: {  	s28 =	ssub.s32 $0x0, s0;
	[sflag:s1] =	ssyncset.done $0x0  }
0x166: {  	[sflag:s1] =	ssyncadd.s32 s28  }
0x167: {  	[sflag:s1] =	ssyncpa.u1 $0x1  }
0x168: {  	s29 =	simm.s32 $0x1;
	_ =	sfence  }
0x169: {  	s30 =	simm.s32 $0x2;
	[sflag:s29] =	ssyncpa.u1 $0x1  }
0x16a: {  	[sflag:s30] =	ssyncpa.u1 $0x1  }
0x16b: {  	_ =	strace $0x9000004A  }
0x16c: {  	[bflag:$0x2] =	sbarrier.arrive $0xFFFF  }
0x16d: {  	s31 =	rddreg [dreg:$0x3]  }
0x16e: {  	s0 =	sadd.s32 $0x100000, s31  }
0x16f: {  	[sflag:s0] =	ssyncadd.tile.s32 $0x1;
	_ =	shalt  }
.Lfunc_end3:
_tile_overlayer_lowered:
.L_overlay_start_3:
0x170: {  	(tag) =	ssettag $0x3  }
0x171: {  	s0 =	rddreg [dreg:$0x0];
	s2 =	stileid.u32  }
0x172: {  	s1 =	rddreg [dreg:$0x1];
	p0 =	sne.s32 s2, $0x0  }
0x173: {  	s3 =	rddreg [dreg:$0x2];
	[bflag:$0x3] =	sbarrier.arrive $0xFFFF;
	s2 =	simm.s32 @!p0 $0x1C01  }
0x174: {  	[timem:s3], [sflag:s2] =	dma.local @!p0 [hbm:s0], s1  }
0x175: {  	s0 =	simm.s32 @!p0 $0x1  }
0x176: {  	_ =	swait.ge @!p0 [sflag:s0], s1  }
0x177: {  	s1 =	ssub.s32 @!p0 $0x0, s1;
	[sflag:s0] =	ssyncset.done @!p0 $0x0  }
0x178: {  	[sflag:s0] =	ssyncadd.s32 @!p0 s1  }
0x179: {  	[bflag:$0x3] =	sbarrier.arrive $0xFFFF  }
0x17a: {  	_ =	shalt  }

</sc_bundles>
